<compile_context>
chip_gen: v7x
topology: tpu7x:2x2x1
jax: 0.10.2.dev20260603
libtpu: 0.0.44.dev20260713+nightly
codegen_flags: <defaults>
</compile_context>

<pallas_src>
import functools

import jax
import jax.numpy as jnp
from jax import lax
from jax.experimental import pallas as pl
from jax.experimental.pallas import tpu as pltpu
from jax.experimental.pallas import tpu_sc as plsc

N_ATOMS = 10000
N_DIR = 320000
N_UND = 160000
ATOM_DIM = 128
HIDDEN = 64

NW = 32
C = 64
NCHUNK = 158
E_W = NCHUNK * C
N_PAD = NW * E_W
N_HALF = N_PAD // 2
E_H = N_HALF // NW
NCH = E_H // C
N_ACC = 10112
ROWS_PER_TILE = N_ACC // 16

_mesh = plsc.VectorSubcoreMesh(core_axis_name="c", subcore_axis_name="s")
_HI = -65536


def _ptables_body(af_ref, wctr_ref, wnbr_ref, pc_ref, pn_ref):
    af = af_ref[...]
    pc_ref[...] = jnp.dot(af, wctr_ref[...], preferred_element_type=jnp.float32)
    pn_ref[...] = jnp.dot(af, wnbr_ref[...], preferred_element_type=jnp.float32)


def _btable_body(bf_ref, bw_ref, wb_ref, bb_ref, out_ref):
    proj = (jnp.dot(bf_ref[...], wb_ref[...],
                    preferred_element_type=jnp.float32) + bb_ref[...])
    lo = lax.bitcast_convert_type(proj.astype(jnp.bfloat16), jnp.uint16
                                  ).astype(jnp.int32)
    hi = lax.bitcast_convert_type(bw_ref[...].astype(jnp.bfloat16), jnp.uint16
                                  ).astype(jnp.int32)
    out_ref[...] = jnp.bitwise_or(lo, jnp.left_shift(hi, 16))


def _make_gather(off):
    def body(pctr, pnbr, btab, centg, nbrsf, undf, hp, bslab,
             cia, nia, uia,
             bc0, bn0, bb0, o0, bc1, bn1, bb1, o1,
             g0, g1, s0, s1):
        wid = lax.axis_index("s") * 2 + lax.axis_index("c")
        base = wid * E_H
        pltpu.sync_copy(centg.at[pl.ds(off + base, E_H)], cia)
        pltpu.sync_copy(nbrsf.at[pl.ds(off + base, E_H)], nia)
        pltpu.sync_copy(undf.at[pl.ds(off + base, E_H)], uia)
        sets = ((bc0, bn0, bb0, o0, g0, s0), (bc1, bn1, bb1, o1, g1, s1))

        def fire(q, st):
            bc, bn, bb, _, g, _ = st
            pltpu.async_copy(pctr.at[cia.at[pl.ds(q * C, C)]], bc, g)
            pltpu.async_copy(pnbr.at[nia.at[pl.ds(q * C, C)]], bn, g)
            pltpu.async_copy(btab.at[uia.at[pl.ds(q * C, C)]], bb, g)

        def wait_gathers(q, st):
            bc, bn, bb, _, g, _ = st
            pltpu.make_async_copy(pctr.at[cia.at[pl.ds(q * C, C)]], bc, g).wait()
            pltpu.make_async_copy(pnbr.at[nia.at[pl.ds(q * C, C)]], bn, g).wait()
            pltpu.make_async_copy(btab.at[uia.at[pl.ds(q * C, C)]], bb, g).wait()

        def fire_stores(q, st):
            bc, bn, bb, o, _, s = st
            sl = pl.ds(base + q * C, C)
            pltpu.async_copy(o, hp.at[sl], s)
            pltpu.async_copy(bb, bslab.at[sl], s)

        def wait_stores(q, st):
            bc, bn, bb, o, _, s = st
            sl = pl.ds(base + q * C, C)
            pltpu.make_async_copy(o, hp.at[sl], s).wait()
            pltpu.make_async_copy(bb, bslab.at[sl], s).wait()

        def compute(st):
            bc, bn, bb, o, _, _ = st

            def row(r, rc):
                for j in range(ATOM_DIM // 16):
                    sl = (r, pl.ds(j * 16, 16))
                    o[sl] = bc[sl] + bn[sl]
                return rc

            lax.fori_loop(0, C, row, 0)

        fire(0, sets[0])

        def loop(k, carry):
            for b in (0, 1):
                q = 2 * k + b
                st = sets[b]

                @pl.when(q >= 1)
                def _():
                    wait_stores(q - 1, sets[1 - b])

                @pl.when(q + 1 < NCH)
                def _():
                    fire(q + 1, sets[1 - b])

                wait_gathers(q, st)
                compute(st)
                fire_stores(q, st)
            return carry

        lax.fori_loop(0, NCH // 2, loop, 0)
        wait_stores(NCH - 2, sets[1])
        wait_gathers(NCH - 1, sets[0])
        compute(sets[0])
        fire_stores(NCH - 1, sets[0])
        wait_stores(NCH - 1, sets[0])

    return functools.partial(
        pl.kernel,
        out_type=[
            jax.ShapeDtypeStruct((N_HALF, ATOM_DIM), jnp.float32),
            jax.ShapeDtypeStruct((N_HALF, ATOM_DIM), jnp.int32),
        ],
        mesh=_mesh,
        scratch_types=[
            pltpu.VMEM((E_H,), jnp.int32),
            pltpu.VMEM((E_H,), jnp.int32),
            pltpu.VMEM((E_H,), jnp.int32),
            pltpu.VMEM((C, ATOM_DIM), jnp.float32),
            pltpu.VMEM((C, ATOM_DIM), jnp.float32),
            pltpu.VMEM((C, ATOM_DIM), jnp.int32),
            pltpu.VMEM((C, ATOM_DIM), jnp.float32),
            pltpu.VMEM((C, ATOM_DIM), jnp.float32),
            pltpu.VMEM((C, ATOM_DIM), jnp.float32),
            pltpu.VMEM((C, ATOM_DIM), jnp.int32),
            pltpu.VMEM((C, ATOM_DIM), jnp.float32),
            pltpu.SemaphoreType.DMA,
            pltpu.SemaphoreType.DMA,
            pltpu.SemaphoreType.DMA,
            pltpu.SemaphoreType.DMA,
        ],
    )(body)


_gather_a = _make_gather(0)
_gather_b = _make_gather(N_HALF)


def _mlp_body(hp_ref, bs_ref, w2_ref, b2_ref, o_ref):
    u = bs_ref[...]
    h = hp_ref[...] + lax.bitcast_convert_type(
        jnp.left_shift(u, 16), jnp.float32)
    bw = lax.bitcast_convert_type(jnp.bitwise_and(u, _HI), jnp.float32)
    s = h * jax.nn.sigmoid(h)
    t = jnp.dot(s, w2_ref[...], preferred_element_type=jnp.float32) + b2_ref[...]
    core = t[:, :ATOM_DIM]
    gate = t[:, ATOM_DIM:]
    o_ref[...] = core * jax.nn.sigmoid(core) * jax.nn.sigmoid(gate) * bw


def _make_scatter(off):
    def body(msg, centf, zeros, out,
             cia, m0, m1, acc,
             g0, g1, sc0, sc1, ci0, ci1):
        cid = lax.axis_index("c")
        sid = lax.axis_index("s")
        wid = sid * 2 + cid
        r0 = sid * ROWS_PER_TILE
        pltpu.sync_copy(zeros.at[pl.ds(r0, ROWS_PER_TILE)],
                        acc.at[pl.ds(r0, ROWS_PER_TILE)])
        plsc.subcore_barrier()
        base = wid * E_H
        pltpu.sync_copy(centf.at[pl.ds(off + base, C)], cia.at[0])
        sets = ((m0, g0, sc0, ci0), (m1, g1, sc1, ci1))

        pltpu.async_copy(msg.at[pl.ds(base, C)], m0, g0)

        def loop(k, carry):
            for b in (0, 1):
                q = 2 * k + b
                m, g, sc, ci = sets[b]
                mo, go, sco, cio = sets[1 - b]

                @pl.when(q >= 1)
                def _():
                    pltpu.make_async_copy(mo, acc.at[cia.at[1 - b]], sco).wait()

                @pl.when(q + 1 < NCH)
                def _():
                    pltpu.async_copy(msg.at[pl.ds(base + (q + 1) * C, C)],
                                     mo, go)
                    pltpu.async_copy(
                        centf.at[pl.ds(off + base + (q + 1) * C, C)],
                        cia.at[1 - b], cio)

                pltpu.make_async_copy(msg.at[pl.ds(base + q * C, C)], m,
                                      g).wait()

                @pl.when(q >= 1)
                def _():
                    pltpu.make_async_copy(
                        centf.at[pl.ds(off + base + q * C, C)],
                        cia.at[b], ci).wait()

                pltpu.async_copy(m, acc.at[cia.at[b]], sc, add=True)
            return carry

        lax.fori_loop(0, NCH // 2, loop, 0)
        q = NCH - 1
        pltpu.make_async_copy(m1, acc.at[cia.at[1]], sc1).wait()
        pltpu.make_async_copy(msg.at[pl.ds(base + q * C, C)], m0, g0).wait()
        pltpu.make_async_copy(centf.at[pl.ds(off + base + q * C, C)],
                              cia.at[0], ci0).wait()
        pltpu.async_copy(m0, acc.at[cia.at[0]], sc0, add=True)
        pltpu.make_async_copy(m0, acc.at[cia.at[0]], sc0).wait()
        plsc.subcore_barrier()
        pltpu.sync_copy(acc.at[pl.ds(r0, ROWS_PER_TILE)],
                        out.at[cid, pl.ds(r0, ROWS_PER_TILE)])

    return functools.partial(
        pl.kernel,
        out_type=jax.ShapeDtypeStruct((2, N_ACC, ATOM_DIM), jnp.float32),
        mesh=_mesh,
        scratch_types=[
            pltpu.VMEM((2, C), jnp.int32),
            pltpu.VMEM((C, ATOM_DIM), jnp.float32),
            pltpu.VMEM((C, ATOM_DIM), jnp.float32),
            pltpu.VMEM_SHARED((N_ACC, ATOM_DIM), jnp.float32),
            pltpu.SemaphoreType.DMA,
            pltpu.SemaphoreType.DMA,
            pltpu.SemaphoreType.DMA,
            pltpu.SemaphoreType.DMA,
            pltpu.SemaphoreType.DMA,
            pltpu.SemaphoreType.DMA,
        ],
    )(body)


_scatter_a = _make_scatter(0)
_scatter_b = _make_scatter(N_HALF)


def _final_body(pa_ref, pb_ref, wout_ref, bout_ref, af_ref, o_ref):
    a = (pa_ref[0] + pa_ref[1]) + (pb_ref[0] + pb_ref[1])
    o_ref[...] = (
        jnp.dot(a, wout_ref[...], preferred_element_type=jnp.float32)
        + bout_ref[...]
        + af_ref[...]
    )


def kernel(atom_feas, bond_feas, bond_weights, atom_graph, directed2undirected,
           W1c, b1c, W2c, b2c, W1g, b1g, W2g, b2g, Wout, bout):
    f32 = jnp.float32
    Wctr = jnp.concatenate([W1c[:ATOM_DIM], W1g[:ATOM_DIM]], axis=1)
    Wnbr = jnp.concatenate([W1c[ATOM_DIM + 16:], W1g[ATOM_DIM + 16:]], axis=1)
    Wbnd = jnp.concatenate([W1c[ATOM_DIM:ATOM_DIM + 16],
                            W1g[ATOM_DIM:ATOM_DIM + 16]], axis=1)
    bcat1 = jnp.concatenate([b1c, b1g])[None, :]
    W2blk = jnp.zeros((ATOM_DIM, 2 * ATOM_DIM), f32)
    W2blk = W2blk.at[:HIDDEN, :ATOM_DIM].set(W2c)
    W2blk = W2blk.at[HIDDEN:, ATOM_DIM:].set(W2g)
    bcat2 = jnp.concatenate([b2c, b2g])[None, :]

    pad = N_PAD - N_DIR
    spread = jnp.arange(pad, dtype=jnp.int32)
    cent = jnp.concatenate(
        [atom_graph[:, 0], jnp.full((pad,), N_ATOMS, jnp.int32)])
    centg = jnp.concatenate([atom_graph[:, 0], spread % N_ATOMS])
    nbrs = jnp.concatenate([atom_graph[:, 1], spread % N_ATOMS])
    und = jnp.concatenate([directed2undirected, spread % N_UND])
    af_pad = jnp.concatenate(
        [atom_feas, jnp.zeros((N_ACC - N_ATOMS, ATOM_DIM), f32)])

    pctr, pnbr = pl.pallas_call(
        _ptables_body,
        out_shape=[
            jax.ShapeDtypeStruct((N_ACC, ATOM_DIM), f32),
            jax.ShapeDtypeStruct((N_ACC, ATOM_DIM), f32),
        ],
    )(af_pad, Wctr, Wnbr)

    btab = pl.pallas_call(
        _btable_body,
        grid=(20,),
        in_specs=[
            pl.BlockSpec((N_UND // 20, 16), lambda i: (i, 0)),
            pl.BlockSpec((N_UND // 20, ATOM_DIM), lambda i: (i, 0)),
            pl.BlockSpec((16, ATOM_DIM), lambda i: (0, 0)),
            pl.BlockSpec((1, ATOM_DIM), lambda i: (0, 0)),
        ],
        out_specs=pl.BlockSpec((N_UND // 20, ATOM_DIM), lambda i: (i, 0)),
        out_shape=jax.ShapeDtypeStruct((N_UND, ATOM_DIM), jnp.int32),
    )(bond_feas, bond_weights, Wbnd, bcat1)

    BLK = 2048
    zeros = jnp.zeros((N_ACC, ATOM_DIM), f32)

    def mlp_half(hp, bslab):
        return pl.pallas_call(
            _mlp_body,
            grid=(N_HALF // BLK,),
            in_specs=[
                pl.BlockSpec((BLK, ATOM_DIM), lambda i: (i, 0)),
                pl.BlockSpec((BLK, ATOM_DIM), lambda i: (i, 0)),
                pl.BlockSpec((ATOM_DIM, 2 * ATOM_DIM), lambda i: (0, 0)),
                pl.BlockSpec((1, 2 * ATOM_DIM), lambda i: (0, 0)),
            ],
            out_specs=pl.BlockSpec((BLK, ATOM_DIM), lambda i: (i, 0)),
            out_shape=jax.ShapeDtypeStruct((N_HALF, ATOM_DIM), f32),
        )(hp, bslab, W2blk, bcat2)

    hp_a, bs_a = _gather_a(pctr, pnbr, btab, centg, nbrs, und)
    hp_b, bs_b = _gather_b(pctr, pnbr, btab, centg, nbrs, und)
    msg_a = mlp_half(hp_a, bs_a)
    msg_b = mlp_half(hp_b, bs_b)
    part_a = _scatter_a(msg_a, cent, zeros)
    part_b = _scatter_b(msg_b, cent, zeros)

    out = pl.pallas_call(
        _final_body,
        out_shape=jax.ShapeDtypeStruct((N_ATOMS, ATOM_DIM), f32),
    )(part_a[:, :N_ATOMS], part_b[:, :N_ATOMS], Wout, bout[None, :],
      atom_feas)
    return out

# --- scband reference (transcript-rebuilt; emitter-appended) ---
"""Pipeline reference for scband-atom-conv-17437567222207 (READ-ONLY COPY).

The authoritative reference and input builder live on the scoring server;
editing this copy changes nothing except your own understanding.
"""

import jax, jax.numpy as jnp
import numpy as np

N_ATOMS = 10000
N_DIR = 320000
N_UND = 160000
ATOM_DIM = 128
BOND_DIM = 16
HIDDEN = 64


def _linear_params(k, fan_in, fan_out):
    bound = 1.0 / np.sqrt(fan_in)
    kw, kb = jax.random.split(k)
    W = jax.random.uniform(kw, (fan_in, fan_out), minval=-bound, maxval=bound, dtype=jnp.float32)
    b = jax.random.uniform(kb, (fan_out,), minval=-bound, maxval=bound, dtype=jnp.float32)
    return W, b


def setup_inputs(seed: int = 0) -> dict:
    key = jax.random.key(seed)
    ks = jax.random.split(key, 12)
    in_dim = 2 * ATOM_DIM + BOND_DIM
    atom_feas = jax.random.normal(ks[0], (N_ATOMS, ATOM_DIM), dtype=jnp.float32)
    bond_feas = jax.random.normal(ks[1], (N_UND, BOND_DIM), dtype=jnp.float32)
    bond_weights = jax.random.uniform(ks[2], (N_UND, ATOM_DIM), dtype=jnp.float32)
    atom_graph = jax.random.randint(ks[3], (N_DIR, 2), 0, N_ATOMS, dtype=jnp.int32)
    directed2undirected = jax.random.randint(ks[4], (N_DIR,), 0, N_UND, dtype=jnp.int32)
    W1c, b1c = _linear_params(ks[5], in_dim, HIDDEN)
    W2c, b2c = _linear_params(ks[6], HIDDEN, ATOM_DIM)
    W1g, b1g = _linear_params(ks[7], in_dim, HIDDEN)
    W2g, b2g = _linear_params(ks[8], HIDDEN, ATOM_DIM)
    Wout, bout = _linear_params(ks[9], ATOM_DIM, ATOM_DIM)
    return {
        "atom_feas": atom_feas,
        "bond_feas": bond_feas,
        "bond_weights": bond_weights,
        "atom_graph": atom_graph,
        "directed2undirected": directed2undirected,
        "W1c": W1c, "b1c": b1c, "W2c": W2c, "b2c": b2c,
        "W1g": W1g, "b1g": b1g, "W2g": W2g, "b2g": b2g,
        "Wout": Wout, "bout": bout,
    }


def reference(atom_feas, bond_feas, bond_weights, atom_graph, directed2undirected,
              W1c, b1c, W2c, b2c, W1g, b1g, W2g, b2g, Wout, bout):
    # gather center / neighbor atom features and undirected bond features per directed edge
    center = jnp.take(atom_feas, atom_graph[:, 0], axis=0)
    nbr = jnp.take(atom_feas, atom_graph[:, 1], axis=0)
    bonds = jnp.take(bond_feas, directed2undirected, axis=0)
    msg = jnp.concatenate([center, bonds, nbr], axis=1)
    # GatedMLP (norm=None): core = silu(MLP_core(msg)), gate = sigmoid(MLP_gate(msg))
    core = jax.nn.silu(msg @ W1c + b1c) @ W2c + b2c
    gate = jax.nn.silu(msg @ W1g + b1g) @ W2g + b2g
    msg = jax.nn.silu(core) * jax.nn.sigmoid(gate)
    # weight messages by bond weights (gathered per directed edge)
    bw = jnp.take(bond_weights, directed2undirected, axis=0)
    msg = msg * bw
    # aggregate(average=False): scatter-sum onto center atoms
    new_atom = jax.ops.segment_sum(msg, atom_graph[:, 0], num_segments=atom_feas.shape[0])
    # mlp_out (hidden_dim=0 -> single linear)
    new_atom = new_atom @ Wout + bout
    # resnet residual; atom_norm is None
    new_atom = new_atom + atom_feas
    return new_atom

if __name__ == "__main__":
    import jax
    _d = setup_inputs()
    print(jax.jit(kernel)(*tuple(_d.values())))

</pallas_src>

<mosaic_0001>
#map = affine_map<(d0, d1) -> (0, 0)>
#map1 = affine_map<(d0, d1) -> (0)>
#map2 = affine_map<(d0, d1) -> (0, 0, 0)>
module attributes {stable_mosaic.version = 14 : i64} {
  func.func @body(%arg0: i32, %arg1: i32, %arg2: memref<161792x128xf32, #tpu.memory_space<hbm>>, %arg3: memref<323584xi32, #tpu.memory_space<hbm>>, %arg4: memref<10112x128xf32, #tpu.memory_space<hbm>>, %arg5: memref<2x10112x128xf32, #tpu.memory_space<hbm>>, %arg6: memref<2x64xi32, #tpu.memory_space<vmem>>, %arg7: memref<64x128xf32, #tpu.memory_space<vmem>>, %arg8: memref<64x128xf32, #tpu.memory_space<vmem>>, %arg9: memref<10112x128xf32, #tpu.memory_space<vmem_shared>>, %arg10: memref<!tpu.dma_semaphore, #tpu.memory_space<semaphore_mem>>, %arg11: memref<!tpu.dma_semaphore, #tpu.memory_space<semaphore_mem>>, %arg12: memref<!tpu.dma_semaphore, #tpu.memory_space<semaphore_mem>>, %arg13: memref<!tpu.dma_semaphore, #tpu.memory_space<semaphore_mem>>, %arg14: memref<!tpu.dma_semaphore, #tpu.memory_space<semaphore_mem>>, %arg15: memref<!tpu.dma_semaphore, #tpu.memory_space<semaphore_mem>>) attributes {dimension_semantics = [#tpu.dimension_semantics<core_parallel>, #tpu.dimension_semantics<subcore_parallel>], iteration_bounds = array<i64: 2, 16>, scalar_prefetch = 0 : i64, scratch_operands = 10 : i64, tpu.core_type = #tpu.core_type<sc_vector_subcore>, window_params = [{transform_indices = #map}, {transform_indices = #map1}, {transform_indices = #map}, {transform_indices = #map2}]} {
    %mul3A = arith.constant 2 : i32
    %mul3A_0 = arith.muli %arg1, %mul3A : i32
    %add3A = arith.addi %mul3A_0, %arg0 : i32
    %mul3A_1 = arith.constant 632 : i32
    %mul3A_2 = arith.muli %arg1, %mul3A_1 : i32
    "tpu.region"() ({
      %run_scoped3A_55 = tpu.sem_alloc : memref<!tpu.dma_semaphore, #tpu.memory_space<semaphore_mem>>
      %dma_start3A_56 = arith.constant 0 : i32
      %dma_start3A_57 = tpu.memref_slice %arg9[%mul3A_2, %dma_start3A_56] : memref<10112x128xf32, #tpu.memory_space<vmem_shared>> -> memref<632x128xf32, #tpu.memory_space<vmem_shared>>
      %dma_start3A_58 = arith.constant 0 : i32
      %dma_start3A_59 = tpu.memref_slice %arg4[%mul3A_2, %dma_start3A_58] : memref<10112x128xf32, #tpu.memory_space<hbm>> -> memref<632x128xf32, #tpu.memory_space<hbm>>
      tpu.enqueue_dma source(%dma_start3A_59 : memref<632x128xf32, #tpu.memory_space<hbm>>) target(%dma_start3A_57 : memref<632x128xf32, #tpu.memory_space<vmem_shared>>) target_semaphore(%run_scoped3A_55 : memref<!tpu.dma_semaphore, #tpu.memory_space<semaphore_mem>>)
      %dma_wait3A_60 = arith.constant 0 : i32
      %dma_wait3A_61 = tpu.memref_slice %arg9[%mul3A_2, %dma_wait3A_60] : memref<10112x128xf32, #tpu.memory_space<vmem_shared>> -> memref<632x128xf32, #tpu.memory_space<vmem_shared>>
      %dma_wait3A_62 = arith.constant 0 : i32
      %dma_wait3A_63 = tpu.memref_slice %arg4[%mul3A_2, %dma_wait3A_62] : memref<10112x128xf32, #tpu.memory_space<hbm>> -> memref<632x128xf32, #tpu.memory_space<hbm>>
      tpu.wait_dma2 semaphore(%run_scoped3A_55 : memref<!tpu.dma_semaphore, #tpu.memory_space<semaphore_mem>>) src(%dma_wait3A_63 : memref<632x128xf32, #tpu.memory_space<hbm>>) dst(%dma_wait3A_61 : memref<632x128xf32, #tpu.memory_space<vmem_shared>>)
      tpu.yield
    }) : () -> ()
    %barrier3A = arith.constant 0 : index
    tpu.barrier barrier_id(%barrier3A)
    %mul3A_3 = arith.constant 5056 : i32
    %mul3A_4 = arith.muli %add3A, %mul3A_3 : i32
    %add3A_5 = arith.constant 161792 : i32
    %add3A_6 = arith.addi %add3A_5, %mul3A_4 : i32
    %run_scoped3A = arith.constant 0 : i32
    "tpu.region"() ({
      %run_scoped3A_55 = tpu.sem_alloc : memref<!tpu.dma_semaphore, #tpu.memory_space<semaphore_mem>>
      %dma_start3A_56 = arith.constant 0 : i32
      %dma_start3A_57 = tpu.memref_slice %arg6[%run_scoped3A, %dma_start3A_56] : memref<2x64xi32, #tpu.memory_space<vmem>> -> memref<1x64xi32, #tpu.memory_space<vmem>>
      %dma_start3A_58 = tpu.memref_squeeze %dma_start3A_57 : memref<1x64xi32, #tpu.memory_space<vmem>> -> memref<64xi32, #tpu.memory_space<vmem>>
      %dma_start3A_59 = tpu.memref_slice %arg3[%add3A_6] : memref<323584xi32, #tpu.memory_space<hbm>> -> memref<64xi32, #tpu.memory_space<hbm>>
      %dma_start3A_60 = arith.constant 0 : i32
      %dma_start3A_61 = tpu.memref_slice %arg6[%run_scoped3A, %dma_start3A_60] : memref<2x64xi32, #tpu.memory_space<vmem>> -> memref<1x64xi32, #tpu.memory_space<vmem>>
      %dma_start3A_62 = tpu.memref_squeeze %dma_start3A_61 : memref<1x64xi32, #tpu.memory_space<vmem>> -> memref<64xi32, #tpu.memory_space<vmem>>
      %dma_start3A_63 = tpu.memref_slice %arg3[%add3A_6] : memref<323584xi32, #tpu.memory_space<hbm>> -> memref<64xi32, #tpu.memory_space<hbm>>
      tpu.enqueue_dma source(%dma_start3A_63 : memref<64xi32, #tpu.memory_space<hbm>>) target(%dma_start3A_62 : memref<64xi32, #tpu.memory_space<vmem>>) target_semaphore(%run_scoped3A_55 : memref<!tpu.dma_semaphore, #tpu.memory_space<semaphore_mem>>)
      %dma_wait3A_64 = arith.constant 0 : i32
      %dma_wait3A_65 = tpu.memref_slice %arg6[%run_scoped3A, %dma_wait3A_64] : memref<2x64xi32, #tpu.memory_space<vmem>> -> memref<1x64xi32, #tpu.memory_space<vmem>>
      %dma_wait3A_66 = tpu.memref_squeeze %dma_wait3A_65 : memref<1x64xi32, #tpu.memory_space<vmem>> -> memref<64xi32, #tpu.memory_space<vmem>>
      %dma_wait3A_67 = tpu.memref_slice %arg3[%add3A_6] : memref<323584xi32, #tpu.memory_space<hbm>> -> memref<64xi32, #tpu.memory_space<hbm>>
      %dma_wait3A_68 = arith.constant 0 : i32
      %dma_wait3A_69 = tpu.memref_slice %arg6[%run_scoped3A, %dma_wait3A_68] : memref<2x64xi32, #tpu.memory_space<vmem>> -> memref<1x64xi32, #tpu.memory_space<vmem>>
      %dma_wait3A_70 = tpu.memref_squeeze %dma_wait3A_69 : memref<1x64xi32, #tpu.memory_space<vmem>> -> memref<64xi32, #tpu.memory_space<vmem>>
      %dma_wait3A_71 = tpu.memref_slice %arg3[%add3A_6] : memref<323584xi32, #tpu.memory_space<hbm>> -> memref<64xi32, #tpu.memory_space<hbm>>
      tpu.wait_dma2 semaphore(%run_scoped3A_55 : memref<!tpu.dma_semaphore, #tpu.memory_space<semaphore_mem>>) src(%dma_wait3A_71 : memref<64xi32, #tpu.memory_space<hbm>>) dst(%dma_wait3A_70 : memref<64xi32, #tpu.memory_space<vmem>>)
      tpu.yield
    }) : () -> ()
    %dma_start3A = arith.constant 0 : i32
    %dma_start3A_7 = tpu.memref_slice %arg2[%mul3A_4, %dma_start3A] : memref<161792x128xf32, #tpu.memory_space<hbm>> -> memref<64x128xf32, #tpu.memory_space<hbm>>
    %dma_start3A_8 = arith.constant 0 : i32
    %dma_start3A_9 = tpu.memref_slice %arg2[%mul3A_4, %dma_start3A_8] : memref<161792x128xf32, #tpu.memory_space<hbm>> -> memref<64x128xf32, #tpu.memory_space<hbm>>
    tpu.enqueue_dma source(%dma_start3A_9 : memref<64x128xf32, #tpu.memory_space<hbm>>) target(%arg7 : memref<64x128xf32, #tpu.memory_space<vmem>>) target_semaphore(%arg10 : memref<!tpu.dma_semaphore, #tpu.memory_space<semaphore_mem>>)
    %scan3A = arith.constant 0 : i32
    %scan3A_10 = arith.constant 0 : i32
    %scan3A_11 = arith.constant 39 : i32
    %scan3A_12 = arith.addi %scan3A_10, %scan3A_11 : i32
    %scan3A_13 = arith.constant 1 : i32
    scf.for %scan3A_55 = %scan3A_10 to %scan3A_12 step %scan3A_13  : i32 {
      %mul3A_56 = arith.constant 2 : i32
      %mul3A_57 = arith.muli %mul3A_56, %scan3A_55 : i32
      %add3A_58 = arith.constant 0 : i32
      %add3A_59 = arith.addi %mul3A_57, %add3A_58 : i32
      %ge3A = arith.constant 1 : i32
      %ge3A_60 = arith.cmpi sge, %add3A_59, %ge3A : i32
      %convert_element_type3A = arith.extui %ge3A_60 : i1 to i32
      %cond3A = arith.constant 0 : i32
      %cond3A_61 = arith.cmpi ne, %convert_element_type3A, %cond3A : i32
      scf.if %cond3A_61 {
        %dma_wait3A_122 = arith.constant 1 : i32
        %dma_wait3A_123 = arith.constant 0 : i32
        %dma_wait3A_124 = tpu.memref_slice %arg6[%dma_wait3A_122, %dma_wait3A_123] : memref<2x64xi32, #tpu.memory_space<vmem>> -> memref<1x64xi32, #tpu.memory_space<vmem>>
        %dma_wait3A_125 = tpu.memref_squeeze %dma_wait3A_124 : memref<1x64xi32, #tpu.memory_space<vmem>> -> memref<64xi32, #tpu.memory_space<vmem>>
        %dma_wait3A_126 = arith.constant 0 : i32
        %dma_wait3A_127 = arith.constant 0 : i32
        %dma_wait3A_128 = tpu.memref_slice %arg9[%dma_wait3A_126, %dma_wait3A_127] : memref<10112x128xf32, #tpu.memory_space<vmem_shared>> -> memref<10112x128xf32, #tpu.memory_space<vmem_shared>>
        tpu.wait_indirect_dma semaphore(%arg13 : memref<!tpu.dma_semaphore, #tpu.memory_space<semaphore_mem>>) src(%arg8 : memref<64x128xf32, #tpu.memory_space<vmem>>) dst(%dma_wait3A_128 : memref<10112x128xf32, #tpu.memory_space<vmem_shared>>)
      } else {
      }
      %add3A_62 = arith.constant 1 : i32
      %add3A_63 = arith.addi %add3A_59, %add3A_62 : i32
      %lt3A = arith.constant 79 : i32
      %lt3A_64 = arith.cmpi slt, %add3A_63, %lt3A : i32
      %convert_element_type3A_65 = arith.extui %lt3A_64 : i1 to i32
      %cond3A_66 = arith.constant 0 : i32
      %cond3A_67 = arith.cmpi ne, %convert_element_type3A_65, %cond3A_66 : i32
      scf.if %cond3A_67 {
        %add3A_122 = arith.constant 1 : i32
        %add3A_123 = arith.addi %add3A_59, %add3A_122 : i32
        %mul3A_124 = arith.constant 64 : i32
        %mul3A_125 = arith.muli %add3A_123, %mul3A_124 : i32
        %add3A_126 = arith.addi %mul3A_4, %mul3A_125 : i32
        %dma_start3A_127 = arith.constant 0 : i32
        %dma_start3A_128 = tpu.memref_slice %arg2[%add3A_126, %dma_start3A_127] : memref<161792x128xf32, #tpu.memory_space<hbm>> -> memref<64x128xf32, #tpu.memory_space<hbm>>
        %dma_start3A_129 = arith.constant 0 : i32
        %dma_start3A_130 = tpu.memref_slice %arg2[%add3A_126, %dma_start3A_129] : memref<161792x128xf32, #tpu.memory_space<hbm>> -> memref<64x128xf32, #tpu.memory_space<hbm>>
        tpu.enqueue_dma source(%dma_start3A_130 : memref<64x128xf32, #tpu.memory_space<hbm>>) target(%arg8 : memref<64x128xf32, #tpu.memory_space<vmem>>) target_semaphore(%arg11 : memref<!tpu.dma_semaphore, #tpu.memory_space<semaphore_mem>>)
        %add3A_131 = arith.constant 161792 : i32
        %add3A_132 = arith.addi %add3A_131, %mul3A_4 : i32
        %add3A_133 = arith.constant 1 : i32
        %add3A_134 = arith.addi %add3A_59, %add3A_133 : i32
        %mul3A_135 = arith.constant 64 : i32
        %mul3A_136 = arith.muli %add3A_134, %mul3A_135 : i32
        %add3A_137 = arith.addi %add3A_132, %mul3A_136 : i32
        %dma_start3A_138 = arith.constant 1 : i32
        %dma_start3A_139 = arith.constant 0 : i32
        %dma_start3A_140 = tpu.memref_slice %arg6[%dma_start3A_138, %dma_start3A_139] : memref<2x64xi32, #tpu.memory_space<vmem>> -> memref<1x64xi32, #tpu.memory_space<vmem>>
        %dma_start3A_141 = tpu.memref_squeeze %dma_start3A_140 : memref<1x64xi32, #tpu.memory_space<vmem>> -> memref<64xi32, #tpu.memory_space<vmem>>
        %dma_start3A_142 = tpu.memref_slice %arg3[%add3A_137] : memref<323584xi32, #tpu.memory_space<hbm>> -> memref<64xi32, #tpu.memory_space<hbm>>
        %dma_start3A_143 = arith.constant 0 : i32
        %dma_start3A_144 = tpu.memref_slice %arg6[%dma_start3A_138, %dma_start3A_143] : memref<2x64xi32, #tpu.memory_space<vmem>> -> memref<1x64xi32, #tpu.memory_space<vmem>>
        %dma_start3A_145 = tpu.memref_squeeze %dma_start3A_144 : memref<1x64xi32, #tpu.memory_space<vmem>> -> memref<64xi32, #tpu.memory_space<vmem>>
        %dma_start3A_146 = tpu.memref_slice %arg3[%add3A_137] : memref<323584xi32, #tpu.memory_space<hbm>> -> memref<64xi32, #tpu.memory_space<hbm>>
        tpu.enqueue_dma source(%dma_start3A_146 : memref<64xi32, #tpu.memory_space<hbm>>) target(%dma_start3A_145 : memref<64xi32, #tpu.memory_space<vmem>>) target_semaphore(%arg15 : memref<!tpu.dma_semaphore, #tpu.memory_space<semaphore_mem>>)
      } else {
      }
      %mul3A_68 = arith.constant 64 : i32
      %mul3A_69 = arith.muli %add3A_59, %mul3A_68 : i32
      %add3A_70 = arith.addi %mul3A_4, %mul3A_69 : i32
      %dma_wait3A_71 = arith.constant 0 : i32
      %dma_wait3A_72 = tpu.memref_slice %arg2[%add3A_70, %dma_wait3A_71] : memref<161792x128xf32, #tpu.memory_space<hbm>> -> memref<64x128xf32, #tpu.memory_space<hbm>>
      %dma_wait3A_73 = arith.constant 0 : i32
      %dma_wait3A_74 = tpu.memref_slice %arg2[%add3A_70, %dma_wait3A_73] : memref<161792x128xf32, #tpu.memory_space<hbm>> -> memref<64x128xf32, #tpu.memory_space<hbm>>
      tpu.wait_dma2 semaphore(%arg10 : memref<!tpu.dma_semaphore, #tpu.memory_space<semaphore_mem>>) src(%dma_wait3A_74 : memref<64x128xf32, #tpu.memory_space<hbm>>) dst(%arg7 : memref<64x128xf32, #tpu.memory_space<vmem>>)
      %ge3A_75 = arith.constant 1 : i32
      %ge3A_76 = arith.cmpi sge, %add3A_59, %ge3A_75 : i32
      %convert_element_type3A_77 = arith.extui %ge3A_76 : i1 to i32
      %cond3A_78 = arith.constant 0 : i32
      %cond3A_79 = arith.cmpi ne, %convert_element_type3A_77, %cond3A_78 : i32
      scf.if %cond3A_79 {
        %add3A_122 = arith.constant 161792 : i32
        %add3A_123 = arith.addi %add3A_122, %mul3A_4 : i32
        %mul3A_124 = arith.constant 64 : i32
        %mul3A_125 = arith.muli %add3A_59, %mul3A_124 : i32
        %add3A_126 = arith.addi %add3A_123, %mul3A_125 : i32
        %dma_wait3A_127 = arith.constant 0 : i32
        %dma_wait3A_128 = arith.constant 0 : i32
        %dma_wait3A_129 = tpu.memref_slice %arg6[%dma_wait3A_127, %dma_wait3A_128] : memref<2x64xi32, #tpu.memory_space<vmem>> -> memref<1x64xi32, #tpu.memory_space<vmem>>
        %dma_wait3A_130 = tpu.memref_squeeze %dma_wait3A_129 : memref<1x64xi32, #tpu.memory_space<vmem>> -> memref<64xi32, #tpu.memory_space<vmem>>
        %dma_wait3A_131 = tpu.memref_slice %arg3[%add3A_126] : memref<323584xi32, #tpu.memory_space<hbm>> -> memref<64xi32, #tpu.memory_space<hbm>>
        %dma_wait3A_132 = arith.constant 0 : i32
        %dma_wait3A_133 = tpu.memref_slice %arg6[%dma_wait3A_127, %dma_wait3A_132] : memref<2x64xi32, #tpu.memory_space<vmem>> -> memref<1x64xi32, #tpu.memory_space<vmem>>
        %dma_wait3A_134 = tpu.memref_squeeze %dma_wait3A_133 : memref<1x64xi32, #tpu.memory_space<vmem>> -> memref<64xi32, #tpu.memory_space<vmem>>
        %dma_wait3A_135 = tpu.memref_slice %arg3[%add3A_126] : memref<323584xi32, #tpu.memory_space<hbm>> -> memref<64xi32, #tpu.memory_space<hbm>>
        tpu.wait_dma2 semaphore(%arg14 : memref<!tpu.dma_semaphore, #tpu.memory_space<semaphore_mem>>) src(%dma_wait3A_135 : memref<64xi32, #tpu.memory_space<hbm>>) dst(%dma_wait3A_134 : memref<64xi32, #tpu.memory_space<vmem>>)
      } else {
      }
      %dma_start3A_80 = arith.constant 0 : i32
      %dma_start3A_81 = arith.constant 0 : i32
      %dma_start3A_82 = tpu.memref_slice %arg6[%dma_start3A_80, %dma_start3A_81] : memref<2x64xi32, #tpu.memory_space<vmem>> -> memref<1x64xi32, #tpu.memory_space<vmem>>
      %dma_start3A_83 = tpu.memref_squeeze %dma_start3A_82 : memref<1x64xi32, #tpu.memory_space<vmem>> -> memref<64xi32, #tpu.memory_space<vmem>>
      %dma_start3A_84 = arith.constant 0 : i32
      %dma_start3A_85 = arith.constant 0 : i32
      %dma_start3A_86 = tpu.memref_slice %arg9[%dma_start3A_84, %dma_start3A_85] : memref<10112x128xf32, #tpu.memory_space<vmem_shared>> -> memref<10112x128xf32, #tpu.memory_space<vmem_shared>>
      tpu.enqueue_indirect_dma source(%arg7 : memref<64x128xf32, #tpu.memory_space<vmem>>) target(%dma_start3A_86 : memref<10112x128xf32, #tpu.memory_space<vmem_shared>>) offsets(%dma_start3A_83 : memref<64xi32, #tpu.memory_space<vmem>>) semaphore(%arg12 : memref<!tpu.dma_semaphore, #tpu.memory_space<semaphore_mem>>) {add = true}
      %mul3A_87 = arith.constant 2 : i32
      %mul3A_88 = arith.muli %mul3A_87, %scan3A_55 : i32
      %add3A_89 = arith.constant 1 : i32
      %add3A_90 = arith.addi %mul3A_88, %add3A_89 : i32
      %ge3A_91 = arith.constant 1 : i32
      %ge3A_92 = arith.cmpi sge, %add3A_90, %ge3A_91 : i32
      %convert_element_type3A_93 = arith.extui %ge3A_92 : i1 to i32
      %cond3A_94 = arith.constant 0 : i32
      %cond3A_95 = arith.cmpi ne, %convert_element_type3A_93, %cond3A_94 : i32
      scf.if %cond3A_95 {
        %dma_wait3A_122 = arith.constant 0 : i32
        %dma_wait3A_123 = arith.constant 0 : i32
        %dma_wait3A_124 = tpu.memref_slice %arg6[%dma_wait3A_122, %dma_wait3A_123] : memref<2x64xi32, #tpu.memory_space<vmem>> -> memref<1x64xi32, #tpu.memory_space<vmem>>
        %dma_wait3A_125 = tpu.memref_squeeze %dma_wait3A_124 : memref<1x64xi32, #tpu.memory_space<vmem>> -> memref<64xi32, #tpu.memory_space<vmem>>
        %dma_wait3A_126 = arith.constant 0 : i32
        %dma_wait3A_127 = arith.constant 0 : i32
        %dma_wait3A_128 = tpu.memref_slice %arg9[%dma_wait3A_126, %dma_wait3A_127] : memref<10112x128xf32, #tpu.memory_space<vmem_shared>> -> memref<10112x128xf32, #tpu.memory_space<vmem_shared>>
        tpu.wait_indirect_dma semaphore(%arg12 : memref<!tpu.dma_semaphore, #tpu.memory_space<semaphore_mem>>) src(%arg7 : memref<64x128xf32, #tpu.memory_space<vmem>>) dst(%dma_wait3A_128 : memref<10112x128xf32, #tpu.memory_space<vmem_shared>>)
      } else {
      }
      %add3A_96 = arith.constant 1 : i32
      %add3A_97 = arith.addi %add3A_90, %add3A_96 : i32
      %lt3A_98 = arith.constant 79 : i32
      %lt3A_99 = arith.cmpi slt, %add3A_97, %lt3A_98 : i32
      %convert_element_type3A_100 = arith.extui %lt3A_99 : i1 to i32
      %cond3A_101 = arith.constant 0 : i32
      %cond3A_102 = arith.cmpi ne, %convert_element_type3A_100, %cond3A_101 : i32
      scf.if %cond3A_102 {
        %add3A_122 = arith.constant 1 : i32
        %add3A_123 = arith.addi %add3A_90, %add3A_122 : i32
        %mul3A_124 = arith.constant 64 : i32
        %mul3A_125 = arith.muli %add3A_123, %mul3A_124 : i32
        %add3A_126 = arith.addi %mul3A_4, %mul3A_125 : i32
        %dma_start3A_127 = arith.constant 0 : i32
        %dma_start3A_128 = tpu.memref_slice %arg2[%add3A_126, %dma_start3A_127] : memref<161792x128xf32, #tpu.memory_space<hbm>> -> memref<64x128xf32, #tpu.memory_space<hbm>>
        %dma_start3A_129 = arith.constant 0 : i32
        %dma_start3A_130 = tpu.memref_slice %arg2[%add3A_126, %dma_start3A_129] : memref<161792x128xf32, #tpu.memory_space<hbm>> -> memref<64x128xf32, #tpu.memory_space<hbm>>
        tpu.enqueue_dma source(%dma_start3A_130 : memref<64x128xf32, #tpu.memory_space<hbm>>) target(%arg7 : memref<64x128xf32, #tpu.memory_space<vmem>>) target_semaphore(%arg10 : memref<!tpu.dma_semaphore, #tpu.memory_space<semaphore_mem>>)
        %add3A_131 = arith.constant 161792 : i32
        %add3A_132 = arith.addi %add3A_131, %mul3A_4 : i32
        %add3A_133 = arith.constant 1 : i32
        %add3A_134 = arith.addi %add3A_90, %add3A_133 : i32
        %mul3A_135 = arith.constant 64 : i32
        %mul3A_136 = arith.muli %add3A_134, %mul3A_135 : i32
        %add3A_137 = arith.addi %add3A_132, %mul3A_136 : i32
        %dma_start3A_138 = arith.constant 0 : i32
        %dma_start3A_139 = arith.constant 0 : i32
        %dma_start3A_140 = tpu.memref_slice %arg6[%dma_start3A_138, %dma_start3A_139] : memref<2x64xi32, #tpu.memory_space<vmem>> -> memref<1x64xi32, #tpu.memory_space<vmem>>
        %dma_start3A_141 = tpu.memref_squeeze %dma_start3A_140 : memref<1x64xi32, #tpu.memory_space<vmem>> -> memref<64xi32, #tpu.memory_space<vmem>>
        %dma_start3A_142 = tpu.memref_slice %arg3[%add3A_137] : memref<323584xi32, #tpu.memory_space<hbm>> -> memref<64xi32, #tpu.memory_space<hbm>>
        %dma_start3A_143 = arith.constant 0 : i32
        %dma_start3A_144 = tpu.memref_slice %arg6[%dma_start3A_138, %dma_start3A_143] : memref<2x64xi32, #tpu.memory_space<vmem>> -> memref<1x64xi32, #tpu.memory_space<vmem>>
        %dma_start3A_145 = tpu.memref_squeeze %dma_start3A_144 : memref<1x64xi32, #tpu.memory_space<vmem>> -> memref<64xi32, #tpu.memory_space<vmem>>
        %dma_start3A_146 = tpu.memref_slice %arg3[%add3A_137] : memref<323584xi32, #tpu.memory_space<hbm>> -> memref<64xi32, #tpu.memory_space<hbm>>
        tpu.enqueue_dma source(%dma_start3A_146 : memref<64xi32, #tpu.memory_space<hbm>>) target(%dma_start3A_145 : memref<64xi32, #tpu.memory_space<vmem>>) target_semaphore(%arg14 : memref<!tpu.dma_semaphore, #tpu.memory_space<semaphore_mem>>)
      } else {
      }
      %mul3A_103 = arith.constant 64 : i32
      %mul3A_104 = arith.muli %add3A_90, %mul3A_103 : i32
      %add3A_105 = arith.addi %mul3A_4, %mul3A_104 : i32
      %dma_wait3A_106 = arith.constant 0 : i32
      %dma_wait3A_107 = tpu.memref_slice %arg2[%add3A_105, %dma_wait3A_106] : memref<161792x128xf32, #tpu.memory_space<hbm>> -> memref<64x128xf32, #tpu.memory_space<hbm>>
      %dma_wait3A_108 = arith.constant 0 : i32
      %dma_wait3A_109 = tpu.memref_slice %arg2[%add3A_105, %dma_wait3A_108] : memref<161792x128xf32, #tpu.memory_space<hbm>> -> memref<64x128xf32, #tpu.memory_space<hbm>>
      tpu.wait_dma2 semaphore(%arg11 : memref<!tpu.dma_semaphore, #tpu.memory_space<semaphore_mem>>) src(%dma_wait3A_109 : memref<64x128xf32, #tpu.memory_space<hbm>>) dst(%arg8 : memref<64x128xf32, #tpu.memory_space<vmem>>)
      %ge3A_110 = arith.constant 1 : i32
      %ge3A_111 = arith.cmpi sge, %add3A_90, %ge3A_110 : i32
      %convert_element_type3A_112 = arith.extui %ge3A_111 : i1 to i32
      %cond3A_113 = arith.constant 0 : i32
      %cond3A_114 = arith.cmpi ne, %convert_element_type3A_112, %cond3A_113 : i32
      scf.if %cond3A_114 {
        %add3A_122 = arith.constant 161792 : i32
        %add3A_123 = arith.addi %add3A_122, %mul3A_4 : i32
        %mul3A_124 = arith.constant 64 : i32
        %mul3A_125 = arith.muli %add3A_90, %mul3A_124 : i32
        %add3A_126 = arith.addi %add3A_123, %mul3A_125 : i32
        %dma_wait3A_127 = arith.constant 1 : i32
        %dma_wait3A_128 = arith.constant 0 : i32
        %dma_wait3A_129 = tpu.memref_slice %arg6[%dma_wait3A_127, %dma_wait3A_128] : memref<2x64xi32, #tpu.memory_space<vmem>> -> memref<1x64xi32, #tpu.memory_space<vmem>>
        %dma_wait3A_130 = tpu.memref_squeeze %dma_wait3A_129 : memref<1x64xi32, #tpu.memory_space<vmem>> -> memref<64xi32, #tpu.memory_space<vmem>>
        %dma_wait3A_131 = tpu.memref_slice %arg3[%add3A_126] : memref<323584xi32, #tpu.memory_space<hbm>> -> memref<64xi32, #tpu.memory_space<hbm>>
        %dma_wait3A_132 = arith.constant 0 : i32
        %dma_wait3A_133 = tpu.memref_slice %arg6[%dma_wait3A_127, %dma_wait3A_132] : memref<2x64xi32, #tpu.memory_space<vmem>> -> memref<1x64xi32, #tpu.memory_space<vmem>>
        %dma_wait3A_134 = tpu.memref_squeeze %dma_wait3A_133 : memref<1x64xi32, #tpu.memory_space<vmem>> -> memref<64xi32, #tpu.memory_space<vmem>>
        %dma_wait3A_135 = tpu.memref_slice %arg3[%add3A_126] : memref<323584xi32, #tpu.memory_space<hbm>> -> memref<64xi32, #tpu.memory_space<hbm>>
        tpu.wait_dma2 semaphore(%arg15 : memref<!tpu.dma_semaphore, #tpu.memory_space<semaphore_mem>>) src(%dma_wait3A_135 : memref<64xi32, #tpu.memory_space<hbm>>) dst(%dma_wait3A_134 : memref<64xi32, #tpu.memory_space<vmem>>)
      } else {
      }
      %dma_start3A_115 = arith.constant 1 : i32
      %dma_start3A_116 = arith.constant 0 : i32
      %dma_start3A_117 = tpu.memref_slice %arg6[%dma_start3A_115, %dma_start3A_116] : memref<2x64xi32, #tpu.memory_space<vmem>> -> memref<1x64xi32, #tpu.memory_space<vmem>>
      %dma_start3A_118 = tpu.memref_squeeze %dma_start3A_117 : memref<1x64xi32, #tpu.memory_space<vmem>> -> memref<64xi32, #tpu.memory_space<vmem>>
      %dma_start3A_119 = arith.constant 0 : i32
      %dma_start3A_120 = arith.constant 0 : i32
      %dma_start3A_121 = tpu.memref_slice %arg9[%dma_start3A_119, %dma_start3A_120] : memref<10112x128xf32, #tpu.memory_space<vmem_shared>> -> memref<10112x128xf32, #tpu.memory_space<vmem_shared>>
      tpu.enqueue_indirect_dma source(%arg8 : memref<64x128xf32, #tpu.memory_space<vmem>>) target(%dma_start3A_121 : memref<10112x128xf32, #tpu.memory_space<vmem_shared>>) offsets(%dma_start3A_118 : memref<64xi32, #tpu.memory_space<vmem>>) semaphore(%arg13 : memref<!tpu.dma_semaphore, #tpu.memory_space<semaphore_mem>>) {add = true}
    }
    %scan3A_14 = arith.constant 39 : i32
    %dma_wait3A = arith.constant 1 : i32
    %dma_wait3A_15 = arith.constant 0 : i32
    %dma_wait3A_16 = tpu.memref_slice %arg6[%dma_wait3A, %dma_wait3A_15] : memref<2x64xi32, #tpu.memory_space<vmem>> -> memref<1x64xi32, #tpu.memory_space<vmem>>
    %dma_wait3A_17 = tpu.memref_squeeze %dma_wait3A_16 : memref<1x64xi32, #tpu.memory_space<vmem>> -> memref<64xi32, #tpu.memory_space<vmem>>
    %dma_wait3A_18 = arith.constant 0 : i32
    %dma_wait3A_19 = arith.constant 0 : i32
    %dma_wait3A_20 = tpu.memref_slice %arg9[%dma_wait3A_18, %dma_wait3A_19] : memref<10112x128xf32, #tpu.memory_space<vmem_shared>> -> memref<10112x128xf32, #tpu.memory_space<vmem_shared>>
    tpu.wait_indirect_dma semaphore(%arg13 : memref<!tpu.dma_semaphore, #tpu.memory_space<semaphore_mem>>) src(%arg8 : memref<64x128xf32, #tpu.memory_space<vmem>>) dst(%dma_wait3A_20 : memref<10112x128xf32, #tpu.memory_space<vmem_shared>>)
    %add3A_21 = arith.constant 4992 : i32
    %add3A_22 = arith.addi %mul3A_4, %add3A_21 : i32
    %dma_wait3A_23 = arith.constant 0 : i32
    %dma_wait3A_24 = tpu.memref_slice %arg2[%add3A_22, %dma_wait3A_23] : memref<161792x128xf32, #tpu.memory_space<hbm>> -> memref<64x128xf32, #tpu.memory_space<hbm>>
    %dma_wait3A_25 = arith.constant 0 : i32
    %dma_wait3A_26 = tpu.memref_slice %arg2[%add3A_22, %dma_wait3A_25] : memref<161792x128xf32, #tpu.memory_space<hbm>> -> memref<64x128xf32, #tpu.memory_space<hbm>>
    tpu.wait_dma2 semaphore(%arg10 : memref<!tpu.dma_semaphore, #tpu.memory_space<semaphore_mem>>) src(%dma_wait3A_26 : memref<64x128xf32, #tpu.memory_space<hbm>>) dst(%arg7 : memref<64x128xf32, #tpu.memory_space<vmem>>)
    %add3A_27 = arith.constant 161792 : i32
    %add3A_28 = arith.addi %add3A_27, %mul3A_4 : i32
    %add3A_29 = arith.constant 4992 : i32
    %add3A_30 = arith.addi %add3A_28, %add3A_29 : i32
    %dma_wait3A_31 = arith.constant 0 : i32
    %dma_wait3A_32 = arith.constant 0 : i32
    %dma_wait3A_33 = tpu.memref_slice %arg6[%dma_wait3A_31, %dma_wait3A_32] : memref<2x64xi32, #tpu.memory_space<vmem>> -> memref<1x64xi32, #tpu.memory_space<vmem>>
    %dma_wait3A_34 = tpu.memref_squeeze %dma_wait3A_33 : memref<1x64xi32, #tpu.memory_space<vmem>> -> memref<64xi32, #tpu.memory_space<vmem>>
    %dma_wait3A_35 = tpu.memref_slice %arg3[%add3A_30] : memref<323584xi32, #tpu.memory_space<hbm>> -> memref<64xi32, #tpu.memory_space<hbm>>
    %dma_wait3A_36 = arith.constant 0 : i32
    %dma_wait3A_37 = tpu.memref_slice %arg6[%dma_wait3A_31, %dma_wait3A_36] : memref<2x64xi32, #tpu.memory_space<vmem>> -> memref<1x64xi32, #tpu.memory_space<vmem>>
    %dma_wait3A_38 = tpu.memref_squeeze %dma_wait3A_37 : memref<1x64xi32, #tpu.memory_space<vmem>> -> memref<64xi32, #tpu.memory_space<vmem>>
    %dma_wait3A_39 = tpu.memref_slice %arg3[%add3A_30] : memref<323584xi32, #tpu.memory_space<hbm>> -> memref<64xi32, #tpu.memory_space<hbm>>
    tpu.wait_dma2 semaphore(%arg14 : memref<!tpu.dma_semaphore, #tpu.memory_space<semaphore_mem>>) src(%dma_wait3A_39 : memref<64xi32, #tpu.memory_space<hbm>>) dst(%dma_wait3A_38 : memref<64xi32, #tpu.memory_space<vmem>>)
    %dma_start3A_40 = arith.constant 0 : i32
    %dma_start3A_41 = arith.constant 0 : i32
    %dma_start3A_42 = tpu.memref_slice %arg6[%dma_start3A_40, %dma_start3A_41] : memref<2x64xi32, #tpu.memory_space<vmem>> -> memref<1x64xi32, #tpu.memory_space<vmem>>
    %dma_start3A_43 = tpu.memref_squeeze %dma_start3A_42 : memref<1x64xi32, #tpu.memory_space<vmem>> -> memref<64xi32, #tpu.memory_space<vmem>>
    %dma_start3A_44 = arith.constant 0 : i32
    %dma_start3A_45 = arith.constant 0 : i32
    %dma_start3A_46 = tpu.memref_slice %arg9[%dma_start3A_44, %dma_start3A_45] : memref<10112x128xf32, #tpu.memory_space<vmem_shared>> -> memref<10112x128xf32, #tpu.memory_space<vmem_shared>>
    tpu.enqueue_indirect_dma source(%arg7 : memref<64x128xf32, #tpu.memory_space<vmem>>) target(%dma_start3A_46 : memref<10112x128xf32, #tpu.memory_space<vmem_shared>>) offsets(%dma_start3A_43 : memref<64xi32, #tpu.memory_space<vmem>>) semaphore(%arg12 : memref<!tpu.dma_semaphore, #tpu.memory_space<semaphore_mem>>) {add = true}
    %dma_wait3A_47 = arith.constant 0 : i32
    %dma_wait3A_48 = arith.constant 0 : i32
    %dma_wait3A_49 = tpu.memref_slice %arg6[%dma_wait3A_47, %dma_wait3A_48] : memref<2x64xi32, #tpu.memory_space<vmem>> -> memref<1x64xi32, #tpu.memory_space<vmem>>
    %dma_wait3A_50 = tpu.memref_squeeze %dma_wait3A_49 : memref<1x64xi32, #tpu.memory_space<vmem>> -> memref<64xi32, #tpu.memory_space<vmem>>
    %dma_wait3A_51 = arith.constant 0 : i32
    %dma_wait3A_52 = arith.constant 0 : i32
    %dma_wait3A_53 = tpu.memref_slice %arg9[%dma_wait3A_51, %dma_wait3A_52] : memref<10112x128xf32, #tpu.memory_space<vmem_shared>> -> memref<10112x128xf32, #tpu.memory_space<vmem_shared>>
    tpu.wait_indirect_dma semaphore(%arg12 : memref<!tpu.dma_semaphore, #tpu.memory_space<semaphore_mem>>) src(%arg7 : memref<64x128xf32, #tpu.memory_space<vmem>>) dst(%dma_wait3A_53 : memref<10112x128xf32, #tpu.memory_space<vmem_shared>>)
    %barrier3A_54 = arith.constant 0 : index
    tpu.barrier barrier_id(%barrier3A_54)
    "tpu.region"() ({
      %run_scoped3A_55 = tpu.sem_alloc : memref<!tpu.dma_semaphore, #tpu.memory_space<semaphore_mem>>
      %dma_start3A_56 = arith.constant 0 : i32
      %dma_start3A_57 = tpu.memref_slice %arg5[%arg0, %mul3A_2, %dma_start3A_56] : memref<2x10112x128xf32, #tpu.memory_space<hbm>> -> memref<1x632x128xf32, #tpu.memory_space<hbm>>
      %dma_start3A_58 = tpu.memref_squeeze %dma_start3A_57 : memref<1x632x128xf32, #tpu.memory_space<hbm>> -> memref<632x128xf32, #tpu.memory_space<hbm>>
      %dma_start3A_59 = arith.constant 0 : i32
      %dma_start3A_60 = tpu.memref_slice %arg9[%mul3A_2, %dma_start3A_59] : memref<10112x128xf32, #tpu.memory_space<vmem_shared>> -> memref<632x128xf32, #tpu.memory_space<vmem_shared>>
      tpu.enqueue_dma source(%dma_start3A_60 : memref<632x128xf32, #tpu.memory_space<vmem_shared>>) target(%dma_start3A_58 : memref<632x128xf32, #tpu.memory_space<hbm>>) target_semaphore(%run_scoped3A_55 : memref<!tpu.dma_semaphore, #tpu.memory_space<semaphore_mem>>)
      %dma_wait3A_61 = arith.constant 0 : i32
      %dma_wait3A_62 = tpu.memref_slice %arg5[%arg0, %mul3A_2, %dma_wait3A_61] : memref<2x10112x128xf32, #tpu.memory_space<hbm>> -> memref<1x632x128xf32, #tpu.memory_space<hbm>>
      %dma_wait3A_63 = tpu.memref_squeeze %dma_wait3A_62 : memref<1x632x128xf32, #tpu.memory_space<hbm>> -> memref<632x128xf32, #tpu.memory_space<hbm>>
      %dma_wait3A_64 = arith.constant 0 : i32
      %dma_wait3A_65 = tpu.memref_slice %arg9[%mul3A_2, %dma_wait3A_64] : memref<10112x128xf32, #tpu.memory_space<vmem_shared>> -> memref<632x128xf32, #tpu.memory_space<vmem_shared>>
      tpu.wait_dma2 semaphore(%run_scoped3A_55 : memref<!tpu.dma_semaphore, #tpu.memory_space<semaphore_mem>>) src(%dma_wait3A_65 : memref<632x128xf32, #tpu.memory_space<vmem_shared>>) dst(%dma_wait3A_63 : memref<632x128xf32, #tpu.memory_space<hbm>>)
      tpu.yield
    }) : () -> ()
    return
  }
}

#map = affine_map<(d0, d1) -> (0, 0)>
#map1 = affine_map<(d0, d1) -> (0)>
#map2 = affine_map<(d0, d1) -> (0, 0, 0)>
module attributes {stable_mosaic.version = 14 : i64} {
  func.func @body(%arg0: i32, %arg1: i32, %arg2: memref<161792x128xf32, #tpu.memory_space<hbm>>, %arg3: memref<323584xi32, #tpu.memory_space<hbm>>, %arg4: memref<10112x128xf32, #tpu.memory_space<hbm>>, %arg5: memref<2x10112x128xf32, #tpu.memory_space<hbm>>, %arg6: memref<2x64xi32, #tpu.memory_space<vmem>>, %arg7: memref<64x128xf32, #tpu.memory_space<vmem>>, %arg8: memref<64x128xf32, #tpu.memory_space<vmem>>, %arg9: memref<10112x128xf32, #tpu.memory_space<vmem_shared>>, %arg10: memref<!tpu.dma_semaphore, #tpu.memory_space<semaphore_mem>>, %arg11: memref<!tpu.dma_semaphore, #tpu.memory_space<semaphore_mem>>, %arg12: memref<!tpu.dma_semaphore, #tpu.memory_space<semaphore_mem>>, %arg13: memref<!tpu.dma_semaphore, #tpu.memory_space<semaphore_mem>>, %arg14: memref<!tpu.dma_semaphore, #tpu.memory_space<semaphore_mem>>, %arg15: memref<!tpu.dma_semaphore, #tpu.memory_space<semaphore_mem>>) attributes {dimension_semantics = [#tpu.dimension_semantics<core_parallel>, #tpu.dimension_semantics<subcore_parallel>], iteration_bounds = array<i64: 2, 16>, scalar_prefetch = 0 : i64, scratch_operands = 10 : i64, tpu.core_type = #tpu.core_type<sc_vector_subcore>, window_params = [{transform_indices = #map}, {transform_indices = #map1}, {transform_indices = #map}, {transform_indices = #map2}]} {
    %mul3A = arith.constant 2 : i32
    %mul3A_0 = arith.muli %arg1, %mul3A : i32
    %add3A = arith.addi %mul3A_0, %arg0 : i32
    %mul3A_1 = arith.constant 632 : i32
    %mul3A_2 = arith.muli %arg1, %mul3A_1 : i32
    "tpu.region"() ({
      %run_scoped3A_55 = tpu.sem_alloc : memref<!tpu.dma_semaphore, #tpu.memory_space<semaphore_mem>>
      %dma_start3A_56 = arith.constant 0 : i32
      %dma_start3A_57 = tpu.memref_slice %arg9[%mul3A_2, %dma_start3A_56] : memref<10112x128xf32, #tpu.memory_space<vmem_shared>> -> memref<632x128xf32, #tpu.memory_space<vmem_shared>>
      %dma_start3A_58 = arith.constant 0 : i32
      %dma_start3A_59 = tpu.memref_slice %arg4[%mul3A_2, %dma_start3A_58] : memref<10112x128xf32, #tpu.memory_space<hbm>> -> memref<632x128xf32, #tpu.memory_space<hbm>>
      tpu.enqueue_dma source(%dma_start3A_59 : memref<632x128xf32, #tpu.memory_space<hbm>>) target(%dma_start3A_57 : memref<632x128xf32, #tpu.memory_space<vmem_shared>>) target_semaphore(%run_scoped3A_55 : memref<!tpu.dma_semaphore, #tpu.memory_space<semaphore_mem>>)
      %dma_wait3A_60 = arith.constant 0 : i32
      %dma_wait3A_61 = tpu.memref_slice %arg9[%mul3A_2, %dma_wait3A_60] : memref<10112x128xf32, #tpu.memory_space<vmem_shared>> -> memref<632x128xf32, #tpu.memory_space<vmem_shared>>
      %dma_wait3A_62 = arith.constant 0 : i32
      %dma_wait3A_63 = tpu.memref_slice %arg4[%mul3A_2, %dma_wait3A_62] : memref<10112x128xf32, #tpu.memory_space<hbm>> -> memref<632x128xf32, #tpu.memory_space<hbm>>
      tpu.wait_dma2 semaphore(%run_scoped3A_55 : memref<!tpu.dma_semaphore, #tpu.memory_space<semaphore_mem>>) src(%dma_wait3A_63 : memref<632x128xf32, #tpu.memory_space<hbm>>) dst(%dma_wait3A_61 : memref<632x128xf32, #tpu.memory_space<vmem_shared>>)
      tpu.yield
    }) : () -> ()
    %barrier3A = arith.constant 0 : index
    tpu.barrier barrier_id(%barrier3A)
    %mul3A_3 = arith.constant 5056 : i32
    %mul3A_4 = arith.muli %add3A, %mul3A_3 : i32
    %add3A_5 = arith.constant 0 : i32
    %add3A_6 = arith.addi %add3A_5, %mul3A_4 : i32
    %run_scoped3A = arith.constant 0 : i32
    "tpu.region"() ({
      %run_scoped3A_55 = tpu.sem_alloc : memref<!tpu.dma_semaphore, #tpu.memory_space<semaphore_mem>>
      %dma_start3A_56 = arith.constant 0 : i32
      %dma_start3A_57 = tpu.memref_slice %arg6[%run_scoped3A, %dma_start3A_56] : memref<2x64xi32, #tpu.memory_space<vmem>> -> memref<1x64xi32, #tpu.memory_space<vmem>>
      %dma_start3A_58 = tpu.memref_squeeze %dma_start3A_57 : memref<1x64xi32, #tpu.memory_space<vmem>> -> memref<64xi32, #tpu.memory_space<vmem>>
      %dma_start3A_59 = tpu.memref_slice %arg3[%add3A_6] : memref<323584xi32, #tpu.memory_space<hbm>> -> memref<64xi32, #tpu.memory_space<hbm>>
      %dma_start3A_60 = arith.constant 0 : i32
      %dma_start3A_61 = tpu.memref_slice %arg6[%run_scoped3A, %dma_start3A_60] : memref<2x64xi32, #tpu.memory_space<vmem>> -> memref<1x64xi32, #tpu.memory_space<vmem>>
      %dma_start3A_62 = tpu.memref_squeeze %dma_start3A_61 : memref<1x64xi32, #tpu.memory_space<vmem>> -> memref<64xi32, #tpu.memory_space<vmem>>
      %dma_start3A_63 = tpu.memref_slice %arg3[%add3A_6] : memref<323584xi32, #tpu.memory_space<hbm>> -> memref<64xi32, #tpu.memory_space<hbm>>
      tpu.enqueue_dma source(%dma_start3A_63 : memref<64xi32, #tpu.memory_space<hbm>>) target(%dma_start3A_62 : memref<64xi32, #tpu.memory_space<vmem>>) target_semaphore(%run_scoped3A_55 : memref<!tpu.dma_semaphore, #tpu.memory_space<semaphore_mem>>)
      %dma_wait3A_64 = arith.constant 0 : i32
      %dma_wait3A_65 = tpu.memref_slice %arg6[%run_scoped3A, %dma_wait3A_64] : memref<2x64xi32, #tpu.memory_space<vmem>> -> memref<1x64xi32, #tpu.memory_space<vmem>>
      %dma_wait3A_66 = tpu.memref_squeeze %dma_wait3A_65 : memref<1x64xi32, #tpu.memory_space<vmem>> -> memref<64xi32, #tpu.memory_space<vmem>>
      %dma_wait3A_67 = tpu.memref_slice %arg3[%add3A_6] : memref<323584xi32, #tpu.memory_space<hbm>> -> memref<64xi32, #tpu.memory_space<hbm>>
      %dma_wait3A_68 = arith.constant 0 : i32
      %dma_wait3A_69 = tpu.memref_slice %arg6[%run_scoped3A, %dma_wait3A_68] : memref<2x64xi32, #tpu.memory_space<vmem>> -> memref<1x64xi32, #tpu.memory_space<vmem>>
      %dma_wait3A_70 = tpu.memref_squeeze %dma_wait3A_69 : memref<1x64xi32, #tpu.memory_space<vmem>> -> memref<64xi32, #tpu.memory_space<vmem>>
      %dma_wait3A_71 = tpu.memref_slice %arg3[%add3A_6] : memref<323584xi32, #tpu.memory_space<hbm>> -> memref<64xi32, #tpu.memory_space<hbm>>
      tpu.wait_dma2 semaphore(%run_scoped3A_55 : memref<!tpu.dma_semaphore, #tpu.memory_space<semaphore_mem>>) src(%dma_wait3A_71 : memref<64xi32, #tpu.memory_space<hbm>>) dst(%dma_wait3A_70 : memref<64xi32, #tpu.memory_space<vmem>>)
      tpu.yield
    }) : () -> ()
    %dma_start3A = arith.constant 0 : i32
    %dma_start3A_7 = tpu.memref_slice %arg2[%mul3A_4, %dma_start3A] : memref<161792x128xf32, #tpu.memory_space<hbm>> -> memref<64x128xf32, #tpu.memory_space<hbm>>
    %dma_start3A_8 = arith.constant 0 : i32
    %dma_start3A_9 = tpu.memref_slice %arg2[%mul3A_4, %dma_start3A_8] : memref<161792x128xf32, #tpu.memory_space<hbm>> -> memref<64x128xf32, #tpu.memory_space<hbm>>
    tpu.enqueue_dma source(%dma_start3A_9 : memref<64x128xf32, #tpu.memory_space<hbm>>) target(%arg7 : memref<64x128xf32, #tpu.memory_space<vmem>>) target_semaphore(%arg10 : memref<!tpu.dma_semaphore, #tpu.memory_space<semaphore_mem>>)
    %scan3A = arith.constant 0 : i32
    %scan3A_10 = arith.constant 0 : i32
    %scan3A_11 = arith.constant 39 : i32
    %scan3A_12 = arith.addi %scan3A_10, %scan3A_11 : i32
    %scan3A_13 = arith.constant 1 : i32
    scf.for %scan3A_55 = %scan3A_10 to %scan3A_12 step %scan3A_13  : i32 {
      %mul3A_56 = arith.constant 2 : i32
      %mul3A_57 = arith.muli %mul3A_56, %scan3A_55 : i32
      %add3A_58 = arith.constant 0 : i32
      %add3A_59 = arith.addi %mul3A_57, %add3A_58 : i32
      %ge3A = arith.constant 1 : i32
      %ge3A_60 = arith.cmpi sge, %add3A_59, %ge3A : i32
      %convert_element_type3A = arith.extui %ge3A_60 : i1 to i32
      %cond3A = arith.constant 0 : i32
      %cond3A_61 = arith.cmpi ne, %convert_element_type3A, %cond3A : i32
      scf.if %cond3A_61 {
        %dma_wait3A_122 = arith.constant 1 : i32
        %dma_wait3A_123 = arith.constant 0 : i32
        %dma_wait3A_124 = tpu.memref_slice %arg6[%dma_wait3A_122, %dma_wait3A_123] : memref<2x64xi32, #tpu.memory_space<vmem>> -> memref<1x64xi32, #tpu.memory_space<vmem>>
        %dma_wait3A_125 = tpu.memref_squeeze %dma_wait3A_124 : memref<1x64xi32, #tpu.memory_space<vmem>> -> memref<64xi32, #tpu.memory_space<vmem>>
        %dma_wait3A_126 = arith.constant 0 : i32
        %dma_wait3A_127 = arith.constant 0 : i32
        %dma_wait3A_128 = tpu.memref_slice %arg9[%dma_wait3A_126, %dma_wait3A_127] : memref<10112x128xf32, #tpu.memory_space<vmem_shared>> -> memref<10112x128xf32, #tpu.memory_space<vmem_shared>>
        tpu.wait_indirect_dma semaphore(%arg13 : memref<!tpu.dma_semaphore, #tpu.memory_space<semaphore_mem>>) src(%arg8 : memref<64x128xf32, #tpu.memory_space<vmem>>) dst(%dma_wait3A_128 : memref<10112x128xf32, #tpu.memory_space<vmem_shared>>)
      } else {
      }
      %add3A_62 = arith.constant 1 : i32
      %add3A_63 = arith.addi %add3A_59, %add3A_62 : i32
      %lt3A = arith.constant 79 : i32
      %lt3A_64 = arith.cmpi slt, %add3A_63, %lt3A : i32
      %convert_element_type3A_65 = arith.extui %lt3A_64 : i1 to i32
      %cond3A_66 = arith.constant 0 : i32
      %cond3A_67 = arith.cmpi ne, %convert_element_type3A_65, %cond3A_66 : i32
      scf.if %cond3A_67 {
        %add3A_122 = arith.constant 1 : i32
        %add3A_123 = arith.addi %add3A_59, %add3A_122 : i32
        %mul3A_124 = arith.constant 64 : i32
        %mul3A_125 = arith.muli %add3A_123, %mul3A_124 : i32
        %add3A_126 = arith.addi %mul3A_4, %mul3A_125 : i32
        %dma_start3A_127 = arith.constant 0 : i32
        %dma_start3A_128 = tpu.memref_slice %arg2[%add3A_126, %dma_start3A_127] : memref<161792x128xf32, #tpu.memory_space<hbm>> -> memref<64x128xf32, #tpu.memory_space<hbm>>
        %dma_start3A_129 = arith.constant 0 : i32
        %dma_start3A_130 = tpu.memref_slice %arg2[%add3A_126, %dma_start3A_129] : memref<161792x128xf32, #tpu.memory_space<hbm>> -> memref<64x128xf32, #tpu.memory_space<hbm>>
        tpu.enqueue_dma source(%dma_start3A_130 : memref<64x128xf32, #tpu.memory_space<hbm>>) target(%arg8 : memref<64x128xf32, #tpu.memory_space<vmem>>) target_semaphore(%arg11 : memref<!tpu.dma_semaphore, #tpu.memory_space<semaphore_mem>>)
        %add3A_131 = arith.constant 0 : i32
        %add3A_132 = arith.addi %add3A_131, %mul3A_4 : i32
        %add3A_133 = arith.constant 1 : i32
        %add3A_134 = arith.addi %add3A_59, %add3A_133 : i32
        %mul3A_135 = arith.constant 64 : i32
        %mul3A_136 = arith.muli %add3A_134, %mul3A_135 : i32
        %add3A_137 = arith.addi %add3A_132, %mul3A_136 : i32
        %dma_start3A_138 = arith.constant 1 : i32
        %dma_start3A_139 = arith.constant 0 : i32
        %dma_start3A_140 = tpu.memref_slice %arg6[%dma_start3A_138, %dma_start3A_139] : memref<2x64xi32, #tpu.memory_space<vmem>> -> memref<1x64xi32, #tpu.memory_space<vmem>>
        %dma_start3A_141 = tpu.memref_squeeze %dma_start3A_140 : memref<1x64xi32, #tpu.memory_space<vmem>> -> memref<64xi32, #tpu.memory_space<vmem>>
        %dma_start3A_142 = tpu.memref_slice %arg3[%add3A_137] : memref<323584xi32, #tpu.memory_space<hbm>> -> memref<64xi32, #tpu.memory_space<hbm>>
        %dma_start3A_143 = arith.constant 0 : i32
        %dma_start3A_144 = tpu.memref_slice %arg6[%dma_start3A_138, %dma_start3A_143] : memref<2x64xi32, #tpu.memory_space<vmem>> -> memref<1x64xi32, #tpu.memory_space<vmem>>
        %dma_start3A_145 = tpu.memref_squeeze %dma_start3A_144 : memref<1x64xi32, #tpu.memory_space<vmem>> -> memref<64xi32, #tpu.memory_space<vmem>>
        %dma_start3A_146 = tpu.memref_slice %arg3[%add3A_137] : memref<323584xi32, #tpu.memory_space<hbm>> -> memref<64xi32, #tpu.memory_space<hbm>>
        tpu.enqueue_dma source(%dma_start3A_146 : memref<64xi32, #tpu.memory_space<hbm>>) target(%dma_start3A_145 : memref<64xi32, #tpu.memory_space<vmem>>) target_semaphore(%arg15 : memref<!tpu.dma_semaphore, #tpu.memory_space<semaphore_mem>>)
      } else {
      }
      %mul3A_68 = arith.constant 64 : i32
      %mul3A_69 = arith.muli %add3A_59, %mul3A_68 : i32
      %add3A_70 = arith.addi %mul3A_4, %mul3A_69 : i32
      %dma_wait3A_71 = arith.constant 0 : i32
      %dma_wait3A_72 = tpu.memref_slice %arg2[%add3A_70, %dma_wait3A_71] : memref<161792x128xf32, #tpu.memory_space<hbm>> -> memref<64x128xf32, #tpu.memory_space<hbm>>
      %dma_wait3A_73 = arith.constant 0 : i32
      %dma_wait3A_74 = tpu.memref_slice %arg2[%add3A_70, %dma_wait3A_73] : memref<161792x128xf32, #tpu.memory_space<hbm>> -> memref<64x128xf32, #tpu.memory_space<hbm>>
      tpu.wait_dma2 semaphore(%arg10 : memref<!tpu.dma_semaphore, #tpu.memory_space<semaphore_mem>>) src(%dma_wait3A_74 : memref<64x128xf32, #tpu.memory_space<hbm>>) dst(%arg7 : memref<64x128xf32, #tpu.memory_space<vmem>>)
      %ge3A_75 = arith.constant 1 : i32
      %ge3A_76 = arith.cmpi sge, %add3A_59, %ge3A_75 : i32
      %convert_element_type3A_77 = arith.extui %ge3A_76 : i1 to i32
      %cond3A_78 = arith.constant 0 : i32
      %cond3A_79 = arith.cmpi ne, %convert_element_type3A_77, %cond3A_78 : i32
      scf.if %cond3A_79 {
        %add3A_122 = arith.constant 0 : i32
        %add3A_123 = arith.addi %add3A_122, %mul3A_4 : i32
        %mul3A_124 = arith.constant 64 : i32
        %mul3A_125 = arith.muli %add3A_59, %mul3A_124 : i32
        %add3A_126 = arith.addi %add3A_123, %mul3A_125 : i32
        %dma_wait3A_127 = arith.constant 0 : i32
        %dma_wait3A_128 = arith.constant 0 : i32
        %dma_wait3A_129 = tpu.memref_slice %arg6[%dma_wait3A_127, %dma_wait3A_128] : memref<2x64xi32, #tpu.memory_space<vmem>> -> memref<1x64xi32, #tpu.memory_space<vmem>>
        %dma_wait3A_130 = tpu.memref_squeeze %dma_wait3A_129 : memref<1x64xi32, #tpu.memory_space<vmem>> -> memref<64xi32, #tpu.memory_space<vmem>>
        %dma_wait3A_131 = tpu.memref_slice %arg3[%add3A_126] : memref<323584xi32, #tpu.memory_space<hbm>> -> memref<64xi32, #tpu.memory_space<hbm>>
        %dma_wait3A_132 = arith.constant 0 : i32
        %dma_wait3A_133 = tpu.memref_slice %arg6[%dma_wait3A_127, %dma_wait3A_132] : memref<2x64xi32, #tpu.memory_space<vmem>> -> memref<1x64xi32, #tpu.memory_space<vmem>>
        %dma_wait3A_134 = tpu.memref_squeeze %dma_wait3A_133 : memref<1x64xi32, #tpu.memory_space<vmem>> -> memref<64xi32, #tpu.memory_space<vmem>>
        %dma_wait3A_135 = tpu.memref_slice %arg3[%add3A_126] : memref<323584xi32, #tpu.memory_space<hbm>> -> memref<64xi32, #tpu.memory_space<hbm>>
        tpu.wait_dma2 semaphore(%arg14 : memref<!tpu.dma_semaphore, #tpu.memory_space<semaphore_mem>>) src(%dma_wait3A_135 : memref<64xi32, #tpu.memory_space<hbm>>) dst(%dma_wait3A_134 : memref<64xi32, #tpu.memory_space<vmem>>)
      } else {
      }
      %dma_start3A_80 = arith.constant 0 : i32
      %dma_start3A_81 = arith.constant 0 : i32
      %dma_start3A_82 = tpu.memref_slice %arg6[%dma_start3A_80, %dma_start3A_81] : memref<2x64xi32, #tpu.memory_space<vmem>> -> memref<1x64xi32, #tpu.memory_space<vmem>>
      %dma_start3A_83 = tpu.memref_squeeze %dma_start3A_82 : memref<1x64xi32, #tpu.memory_space<vmem>> -> memref<64xi32, #tpu.memory_space<vmem>>
      %dma_start3A_84 = arith.constant 0 : i32
      %dma_start3A_85 = arith.constant 0 : i32
      %dma_start3A_86 = tpu.memref_slice %arg9[%dma_start3A_84, %dma_start3A_85] : memref<10112x128xf32, #tpu.memory_space<vmem_shared>> -> memref<10112x128xf32, #tpu.memory_space<vmem_shared>>
      tpu.enqueue_indirect_dma source(%arg7 : memref<64x128xf32, #tpu.memory_space<vmem>>) target(%dma_start3A_86 : memref<10112x128xf32, #tpu.memory_space<vmem_shared>>) offsets(%dma_start3A_83 : memref<64xi32, #tpu.memory_space<vmem>>) semaphore(%arg12 : memref<!tpu.dma_semaphore, #tpu.memory_space<semaphore_mem>>) {add = true}
      %mul3A_87 = arith.constant 2 : i32
      %mul3A_88 = arith.muli %mul3A_87, %scan3A_55 : i32
      %add3A_89 = arith.constant 1 : i32
      %add3A_90 = arith.addi %mul3A_88, %add3A_89 : i32
      %ge3A_91 = arith.constant 1 : i32
      %ge3A_92 = arith.cmpi sge, %add3A_90, %ge3A_91 : i32
      %convert_element_type3A_93 = arith.extui %ge3A_92 : i1 to i32
      %cond3A_94 = arith.constant 0 : i32
      %cond3A_95 = arith.cmpi ne, %convert_element_type3A_93, %cond3A_94 : i32
      scf.if %cond3A_95 {
        %dma_wait3A_122 = arith.constant 0 : i32
        %dma_wait3A_123 = arith.constant 0 : i32
        %dma_wait3A_124 = tpu.memref_slice %arg6[%dma_wait3A_122, %dma_wait3A_123] : memref<2x64xi32, #tpu.memory_space<vmem>> -> memref<1x64xi32, #tpu.memory_space<vmem>>
        %dma_wait3A_125 = tpu.memref_squeeze %dma_wait3A_124 : memref<1x64xi32, #tpu.memory_space<vmem>> -> memref<64xi32, #tpu.memory_space<vmem>>
        %dma_wait3A_126 = arith.constant 0 : i32
        %dma_wait3A_127 = arith.constant 0 : i32
        %dma_wait3A_128 = tpu.memref_slice %arg9[%dma_wait3A_126, %dma_wait3A_127] : memref<10112x128xf32, #tpu.memory_space<vmem_shared>> -> memref<10112x128xf32, #tpu.memory_space<vmem_shared>>
        tpu.wait_indirect_dma semaphore(%arg12 : memref<!tpu.dma_semaphore, #tpu.memory_space<semaphore_mem>>) src(%arg7 : memref<64x128xf32, #tpu.memory_space<vmem>>) dst(%dma_wait3A_128 : memref<10112x128xf32, #tpu.memory_space<vmem_shared>>)
      } else {
      }
      %add3A_96 = arith.constant 1 : i32
      %add3A_97 = arith.addi %add3A_90, %add3A_96 : i32
      %lt3A_98 = arith.constant 79 : i32
      %lt3A_99 = arith.cmpi slt, %add3A_97, %lt3A_98 : i32
      %convert_element_type3A_100 = arith.extui %lt3A_99 : i1 to i32
      %cond3A_101 = arith.constant 0 : i32
      %cond3A_102 = arith.cmpi ne, %convert_element_type3A_100, %cond3A_101 : i32
      scf.if %cond3A_102 {
        %add3A_122 = arith.constant 1 : i32
        %add3A_123 = arith.addi %add3A_90, %add3A_122 : i32
        %mul3A_124 = arith.constant 64 : i32
        %mul3A_125 = arith.muli %add3A_123, %mul3A_124 : i32
        %add3A_126 = arith.addi %mul3A_4, %mul3A_125 : i32
        %dma_start3A_127 = arith.constant 0 : i32
        %dma_start3A_128 = tpu.memref_slice %arg2[%add3A_126, %dma_start3A_127] : memref<161792x128xf32, #tpu.memory_space<hbm>> -> memref<64x128xf32, #tpu.memory_space<hbm>>
        %dma_start3A_129 = arith.constant 0 : i32
        %dma_start3A_130 = tpu.memref_slice %arg2[%add3A_126, %dma_start3A_129] : memref<161792x128xf32, #tpu.memory_space<hbm>> -> memref<64x128xf32, #tpu.memory_space<hbm>>
        tpu.enqueue_dma source(%dma_start3A_130 : memref<64x128xf32, #tpu.memory_space<hbm>>) target(%arg7 : memref<64x128xf32, #tpu.memory_space<vmem>>) target_semaphore(%arg10 : memref<!tpu.dma_semaphore, #tpu.memory_space<semaphore_mem>>)
        %add3A_131 = arith.constant 0 : i32
        %add3A_132 = arith.addi %add3A_131, %mul3A_4 : i32
        %add3A_133 = arith.constant 1 : i32
        %add3A_134 = arith.addi %add3A_90, %add3A_133 : i32
        %mul3A_135 = arith.constant 64 : i32
        %mul3A_136 = arith.muli %add3A_134, %mul3A_135 : i32
        %add3A_137 = arith.addi %add3A_132, %mul3A_136 : i32
        %dma_start3A_138 = arith.constant 0 : i32
        %dma_start3A_139 = arith.constant 0 : i32
        %dma_start3A_140 = tpu.memref_slice %arg6[%dma_start3A_138, %dma_start3A_139] : memref<2x64xi32, #tpu.memory_space<vmem>> -> memref<1x64xi32, #tpu.memory_space<vmem>>
        %dma_start3A_141 = tpu.memref_squeeze %dma_start3A_140 : memref<1x64xi32, #tpu.memory_space<vmem>> -> memref<64xi32, #tpu.memory_space<vmem>>
        %dma_start3A_142 = tpu.memref_slice %arg3[%add3A_137] : memref<323584xi32, #tpu.memory_space<hbm>> -> memref<64xi32, #tpu.memory_space<hbm>>
        %dma_start3A_143 = arith.constant 0 : i32
        %dma_start3A_144 = tpu.memref_slice %arg6[%dma_start3A_138, %dma_start3A_143] : memref<2x64xi32, #tpu.memory_space<vmem>> -> memref<1x64xi32, #tpu.memory_space<vmem>>
        %dma_start3A_145 = tpu.memref_squeeze %dma_start3A_144 : memref<1x64xi32, #tpu.memory_space<vmem>> -> memref<64xi32, #tpu.memory_space<vmem>>
        %dma_start3A_146 = tpu.memref_slice %arg3[%add3A_137] : memref<323584xi32, #tpu.memory_space<hbm>> -> memref<64xi32, #tpu.memory_space<hbm>>
        tpu.enqueue_dma source(%dma_start3A_146 : memref<64xi32, #tpu.memory_space<hbm>>) target(%dma_start3A_145 : memref<64xi32, #tpu.memory_space<vmem>>) target_semaphore(%arg14 : memref<!tpu.dma_semaphore, #tpu.memory_space<semaphore_mem>>)
      } else {
      }
      %mul3A_103 = arith.constant 64 : i32
      %mul3A_104 = arith.muli %add3A_90, %mul3A_103 : i32
      %add3A_105 = arith.addi %mul3A_4, %mul3A_104 : i32
      %dma_wait3A_106 = arith.constant 0 : i32
      %dma_wait3A_107 = tpu.memref_slice %arg2[%add3A_105, %dma_wait3A_106] : memref<161792x128xf32, #tpu.memory_space<hbm>> -> memref<64x128xf32, #tpu.memory_space<hbm>>
      %dma_wait3A_108 = arith.constant 0 : i32
      %dma_wait3A_109 = tpu.memref_slice %arg2[%add3A_105, %dma_wait3A_108] : memref<161792x128xf32, #tpu.memory_space<hbm>> -> memref<64x128xf32, #tpu.memory_space<hbm>>
      tpu.wait_dma2 semaphore(%arg11 : memref<!tpu.dma_semaphore, #tpu.memory_space<semaphore_mem>>) src(%dma_wait3A_109 : memref<64x128xf32, #tpu.memory_space<hbm>>) dst(%arg8 : memref<64x128xf32, #tpu.memory_space<vmem>>)
      %ge3A_110 = arith.constant 1 : i32
      %ge3A_111 = arith.cmpi sge, %add3A_90, %ge3A_110 : i32
      %convert_element_type3A_112 = arith.extui %ge3A_111 : i1 to i32
      %cond3A_113 = arith.constant 0 : i32
      %cond3A_114 = arith.cmpi ne, %convert_element_type3A_112, %cond3A_113 : i32
      scf.if %cond3A_114 {
        %add3A_122 = arith.constant 0 : i32
        %add3A_123 = arith.addi %add3A_122, %mul3A_4 : i32
        %mul3A_124 = arith.constant 64 : i32
        %mul3A_125 = arith.muli %add3A_90, %mul3A_124 : i32
        %add3A_126 = arith.addi %add3A_123, %mul3A_125 : i32
        %dma_wait3A_127 = arith.constant 1 : i32
        %dma_wait3A_128 = arith.constant 0 : i32
        %dma_wait3A_129 = tpu.memref_slice %arg6[%dma_wait3A_127, %dma_wait3A_128] : memref<2x64xi32, #tpu.memory_space<vmem>> -> memref<1x64xi32, #tpu.memory_space<vmem>>
        %dma_wait3A_130 = tpu.memref_squeeze %dma_wait3A_129 : memref<1x64xi32, #tpu.memory_space<vmem>> -> memref<64xi32, #tpu.memory_space<vmem>>
        %dma_wait3A_131 = tpu.memref_slice %arg3[%add3A_126] : memref<323584xi32, #tpu.memory_space<hbm>> -> memref<64xi32, #tpu.memory_space<hbm>>
        %dma_wait3A_132 = arith.constant 0 : i32
        %dma_wait3A_133 = tpu.memref_slice %arg6[%dma_wait3A_127, %dma_wait3A_132] : memref<2x64xi32, #tpu.memory_space<vmem>> -> memref<1x64xi32, #tpu.memory_space<vmem>>
        %dma_wait3A_134 = tpu.memref_squeeze %dma_wait3A_133 : memref<1x64xi32, #tpu.memory_space<vmem>> -> memref<64xi32, #tpu.memory_space<vmem>>
        %dma_wait3A_135 = tpu.memref_slice %arg3[%add3A_126] : memref<323584xi32, #tpu.memory_space<hbm>> -> memref<64xi32, #tpu.memory_space<hbm>>
        tpu.wait_dma2 semaphore(%arg15 : memref<!tpu.dma_semaphore, #tpu.memory_space<semaphore_mem>>) src(%dma_wait3A_135 : memref<64xi32, #tpu.memory_space<hbm>>) dst(%dma_wait3A_134 : memref<64xi32, #tpu.memory_space<vmem>>)
      } else {
      }
      %dma_start3A_115 = arith.constant 1 : i32
      %dma_start3A_116 = arith.constant 0 : i32
      %dma_start3A_117 = tpu.memref_slice %arg6[%dma_start3A_115, %dma_start3A_116] : memref<2x64xi32, #tpu.memory_space<vmem>> -> memref<1x64xi32, #tpu.memory_space<vmem>>
      %dma_start3A_118 = tpu.memref_squeeze %dma_start3A_117 : memref<1x64xi32, #tpu.memory_space<vmem>> -> memref<64xi32, #tpu.memory_space<vmem>>
      %dma_start3A_119 = arith.constant 0 : i32
      %dma_start3A_120 = arith.constant 0 : i32
      %dma_start3A_121 = tpu.memref_slice %arg9[%dma_start3A_119, %dma_start3A_120] : memref<10112x128xf32, #tpu.memory_space<vmem_shared>> -> memref<10112x128xf32, #tpu.memory_space<vmem_shared>>
      tpu.enqueue_indirect_dma source(%arg8 : memref<64x128xf32, #tpu.memory_space<vmem>>) target(%dma_start3A_121 : memref<10112x128xf32, #tpu.memory_space<vmem_shared>>) offsets(%dma_start3A_118 : memref<64xi32, #tpu.memory_space<vmem>>) semaphore(%arg13 : memref<!tpu.dma_semaphore, #tpu.memory_space<semaphore_mem>>) {add = true}
    }
    %scan3A_14 = arith.constant 39 : i32
    %dma_wait3A = arith.constant 1 : i32
    %dma_wait3A_15 = arith.constant 0 : i32
    %dma_wait3A_16 = tpu.memref_slice %arg6[%dma_wait3A, %dma_wait3A_15] : memref<2x64xi32, #tpu.memory_space<vmem>> -> memref<1x64xi32, #tpu.memory_space<vmem>>
    %dma_wait3A_17 = tpu.memref_squeeze %dma_wait3A_16 : memref<1x64xi32, #tpu.memory_space<vmem>> -> memref<64xi32, #tpu.memory_space<vmem>>
    %dma_wait3A_18 = arith.constant 0 : i32
    %dma_wait3A_19 = arith.constant 0 : i32
    %dma_wait3A_20 = tpu.memref_slice %arg9[%dma_wait3A_18, %dma_wait3A_19] : memref<10112x128xf32, #tpu.memory_space<vmem_shared>> -> memref<10112x128xf32, #tpu.memory_space<vmem_shared>>
    tpu.wait_indirect_dma semaphore(%arg13 : memref<!tpu.dma_semaphore, #tpu.memory_space<semaphore_mem>>) src(%arg8 : memref<64x128xf32, #tpu.memory_space<vmem>>) dst(%dma_wait3A_20 : memref<10112x128xf32, #tpu.memory_space<vmem_shared>>)
    %add3A_21 = arith.constant 4992 : i32
    %add3A_22 = arith.addi %mul3A_4, %add3A_21 : i32
    %dma_wait3A_23 = arith.constant 0 : i32
    %dma_wait3A_24 = tpu.memref_slice %arg2[%add3A_22, %dma_wait3A_23] : memref<161792x128xf32, #tpu.memory_space<hbm>> -> memref<64x128xf32, #tpu.memory_space<hbm>>
    %dma_wait3A_25 = arith.constant 0 : i32
    %dma_wait3A_26 = tpu.memref_slice %arg2[%add3A_22, %dma_wait3A_25] : memref<161792x128xf32, #tpu.memory_space<hbm>> -> memref<64x128xf32, #tpu.memory_space<hbm>>
    tpu.wait_dma2 semaphore(%arg10 : memref<!tpu.dma_semaphore, #tpu.memory_space<semaphore_mem>>) src(%dma_wait3A_26 : memref<64x128xf32, #tpu.memory_space<hbm>>) dst(%arg7 : memref<64x128xf32, #tpu.memory_space<vmem>>)
    %add3A_27 = arith.constant 0 : i32
    %add3A_28 = arith.addi %add3A_27, %mul3A_4 : i32
    %add3A_29 = arith.constant 4992 : i32
    %add3A_30 = arith.addi %add3A_28, %add3A_29 : i32
    %dma_wait3A_31 = arith.constant 0 : i32
    %dma_wait3A_32 = arith.constant 0 : i32
    %dma_wait3A_33 = tpu.memref_slice %arg6[%dma_wait3A_31, %dma_wait3A_32] : memref<2x64xi32, #tpu.memory_space<vmem>> -> memref<1x64xi32, #tpu.memory_space<vmem>>
    %dma_wait3A_34 = tpu.memref_squeeze %dma_wait3A_33 : memref<1x64xi32, #tpu.memory_space<vmem>> -> memref<64xi32, #tpu.memory_space<vmem>>
    %dma_wait3A_35 = tpu.memref_slice %arg3[%add3A_30] : memref<323584xi32, #tpu.memory_space<hbm>> -> memref<64xi32, #tpu.memory_space<hbm>>
    %dma_wait3A_36 = arith.constant 0 : i32
    %dma_wait3A_37 = tpu.memref_slice %arg6[%dma_wait3A_31, %dma_wait3A_36] : memref<2x64xi32, #tpu.memory_space<vmem>> -> memref<1x64xi32, #tpu.memory_space<vmem>>
    %dma_wait3A_38 = tpu.memref_squeeze %dma_wait3A_37 : memref<1x64xi32, #tpu.memory_space<vmem>> -> memref<64xi32, #tpu.memory_space<vmem>>
    %dma_wait3A_39 = tpu.memref_slice %arg3[%add3A_30] : memref<323584xi32, #tpu.memory_space<hbm>> -> memref<64xi32, #tpu.memory_space<hbm>>
    tpu.wait_dma2 semaphore(%arg14 : memref<!tpu.dma_semaphore, #tpu.memory_space<semaphore_mem>>) src(%dma_wait3A_39 : memref<64xi32, #tpu.memory_space<hbm>>) dst(%dma_wait3A_38 : memref<64xi32, #tpu.memory_space<vmem>>)
    %dma_start3A_40 = arith.constant 0 : i32
    %dma_start3A_41 = arith.constant 0 : i32
    %dma_start3A_42 = tpu.memref_slice %arg6[%dma_start3A_40, %dma_start3A_41] : memref<2x64xi32, #tpu.memory_space<vmem>> -> memref<1x64xi32, #tpu.memory_space<vmem>>
    %dma_start3A_43 = tpu.memref_squeeze %dma_start3A_42 : memref<1x64xi32, #tpu.memory_space<vmem>> -> memref<64xi32, #tpu.memory_space<vmem>>
    %dma_start3A_44 = arith.constant 0 : i32
    %dma_start3A_45 = arith.constant 0 : i32
    %dma_start3A_46 = tpu.memref_slice %arg9[%dma_start3A_44, %dma_start3A_45] : memref<10112x128xf32, #tpu.memory_space<vmem_shared>> -> memref<10112x128xf32, #tpu.memory_space<vmem_shared>>
    tpu.enqueue_indirect_dma source(%arg7 : memref<64x128xf32, #tpu.memory_space<vmem>>) target(%dma_start3A_46 : memref<10112x128xf32, #tpu.memory_space<vmem_shared>>) offsets(%dma_start3A_43 : memref<64xi32, #tpu.memory_space<vmem>>) semaphore(%arg12 : memref<!tpu.dma_semaphore, #tpu.memory_space<semaphore_mem>>) {add = true}
    %dma_wait3A_47 = arith.constant 0 : i32
    %dma_wait3A_48 = arith.constant 0 : i32
    %dma_wait3A_49 = tpu.memref_slice %arg6[%dma_wait3A_47, %dma_wait3A_48] : memref<2x64xi32, #tpu.memory_space<vmem>> -> memref<1x64xi32, #tpu.memory_space<vmem>>
    %dma_wait3A_50 = tpu.memref_squeeze %dma_wait3A_49 : memref<1x64xi32, #tpu.memory_space<vmem>> -> memref<64xi32, #tpu.memory_space<vmem>>
    %dma_wait3A_51 = arith.constant 0 : i32
    %dma_wait3A_52 = arith.constant 0 : i32
    %dma_wait3A_53 = tpu.memref_slice %arg9[%dma_wait3A_51, %dma_wait3A_52] : memref<10112x128xf32, #tpu.memory_space<vmem_shared>> -> memref<10112x128xf32, #tpu.memory_space<vmem_shared>>
    tpu.wait_indirect_dma semaphore(%arg12 : memref<!tpu.dma_semaphore, #tpu.memory_space<semaphore_mem>>) src(%arg7 : memref<64x128xf32, #tpu.memory_space<vmem>>) dst(%dma_wait3A_53 : memref<10112x128xf32, #tpu.memory_space<vmem_shared>>)
    %barrier3A_54 = arith.constant 0 : index
    tpu.barrier barrier_id(%barrier3A_54)
    "tpu.region"() ({
      %run_scoped3A_55 = tpu.sem_alloc : memref<!tpu.dma_semaphore, #tpu.memory_space<semaphore_mem>>
      %dma_start3A_56 = arith.constant 0 : i32
      %dma_start3A_57 = tpu.memref_slice %arg5[%arg0, %mul3A_2, %dma_start3A_56] : memref<2x10112x128xf32, #tpu.memory_space<hbm>> -> memref<1x632x128xf32, #tpu.memory_space<hbm>>
      %dma_start3A_58 = tpu.memref_squeeze %dma_start3A_57 : memref<1x632x128xf32, #tpu.memory_space<hbm>> -> memref<632x128xf32, #tpu.memory_space<hbm>>
      %dma_start3A_59 = arith.constant 0 : i32
      %dma_start3A_60 = tpu.memref_slice %arg9[%mul3A_2, %dma_start3A_59] : memref<10112x128xf32, #tpu.memory_space<vmem_shared>> -> memref<632x128xf32, #tpu.memory_space<vmem_shared>>
      tpu.enqueue_dma source(%dma_start3A_60 : memref<632x128xf32, #tpu.memory_space<vmem_shared>>) target(%dma_start3A_58 : memref<632x128xf32, #tpu.memory_space<hbm>>) target_semaphore(%run_scoped3A_55 : memref<!tpu.dma_semaphore, #tpu.memory_space<semaphore_mem>>)
      %dma_wait3A_61 = arith.constant 0 : i32
      %dma_wait3A_62 = tpu.memref_slice %arg5[%arg0, %mul3A_2, %dma_wait3A_61] : memref<2x10112x128xf32, #tpu.memory_space<hbm>> -> memref<1x632x128xf32, #tpu.memory_space<hbm>>
      %dma_wait3A_63 = tpu.memref_squeeze %dma_wait3A_62 : memref<1x632x128xf32, #tpu.memory_space<hbm>> -> memref<632x128xf32, #tpu.memory_space<hbm>>
      %dma_wait3A_64 = arith.constant 0 : i32
      %dma_wait3A_65 = tpu.memref_slice %arg9[%mul3A_2, %dma_wait3A_64] : memref<10112x128xf32, #tpu.memory_space<vmem_shared>> -> memref<632x128xf32, #tpu.memory_space<vmem_shared>>
      tpu.wait_dma2 semaphore(%run_scoped3A_55 : memref<!tpu.dma_semaphore, #tpu.memory_space<semaphore_mem>>) src(%dma_wait3A_65 : memref<632x128xf32, #tpu.memory_space<vmem_shared>>) dst(%dma_wait3A_63 : memref<632x128xf32, #tpu.memory_space<hbm>>)
      tpu.yield
    }) : () -> ()
    return
  }
}

#map = affine_map<(d0, d1) -> (0, 0)>
#map1 = affine_map<(d0, d1) -> (0)>
module attributes {stable_mosaic.version = 14 : i64} {
  func.func @body(%arg0: i32, %arg1: i32, %arg2: memref<10112x128xf32, #tpu.memory_space<hbm>>, %arg3: memref<10112x128xf32, #tpu.memory_space<hbm>>, %arg4: memref<160000x128xi32, #tpu.memory_space<hbm>>, %arg5: memref<323584xi32, #tpu.memory_space<hbm>>, %arg6: memref<323584xi32, #tpu.memory_space<hbm>>, %arg7: memref<323584xi32, #tpu.memory_space<hbm>>, %arg8: memref<161792x128xf32, #tpu.memory_space<hbm>>, %arg9: memref<161792x128xi32, #tpu.memory_space<hbm>>, %arg10: memref<5056xi32, #tpu.memory_space<vmem>>, %arg11: memref<5056xi32, #tpu.memory_space<vmem>>, %arg12: memref<5056xi32, #tpu.memory_space<vmem>>, %arg13: memref<64x128xf32, #tpu.memory_space<vmem>>, %arg14: memref<64x128xf32, #tpu.memory_space<vmem>>, %arg15: memref<64x128xi32, #tpu.memory_space<vmem>>, %arg16: memref<64x128xf32, #tpu.memory_space<vmem>>, %arg17: memref<64x128xf32, #tpu.memory_space<vmem>>, %arg18: memref<64x128xf32, #tpu.memory_space<vmem>>, %arg19: memref<64x128xi32, #tpu.memory_space<vmem>>, %arg20: memref<64x128xf32, #tpu.memory_space<vmem>>, %arg21: memref<!tpu.dma_semaphore, #tpu.memory_space<semaphore_mem>>, %arg22: memref<!tpu.dma_semaphore, #tpu.memory_space<semaphore_mem>>, %arg23: memref<!tpu.dma_semaphore, #tpu.memory_space<semaphore_mem>>, %arg24: memref<!tpu.dma_semaphore, #tpu.memory_space<semaphore_mem>>) attributes {dimension_semantics = [#tpu.dimension_semantics<core_parallel>, #tpu.dimension_semantics<subcore_parallel>], iteration_bounds = array<i64: 2, 16>, scalar_prefetch = 0 : i64, scratch_operands = 15 : i64, tpu.core_type = #tpu.core_type<sc_vector_subcore>, window_params = [{transform_indices = #map}, {transform_indices = #map}, {transform_indices = #map}, {transform_indices = #map1}, {transform_indices = #map1}, {transform_indices = #map1}, {transform_indices = #map}, {transform_indices = #map}]} {
    %mul3A = arith.constant 2 : i32
    %mul3A_0 = arith.muli %arg1, %mul3A : i32
    %add3A = arith.addi %mul3A_0, %arg0 : i32
    %mul3A_1 = arith.constant 5056 : i32
    %mul3A_2 = arith.muli %add3A, %mul3A_1 : i32
    %add3A_3 = arith.constant 0 : i32
    %add3A_4 = arith.addi %add3A_3, %mul3A_2 : i32
    "tpu.region"() ({
      %run_scoped3A = tpu.sem_alloc : memref<!tpu.dma_semaphore, #tpu.memory_space<semaphore_mem>>
      %dma_start3A_78 = tpu.memref_slice %arg5[%add3A_4] : memref<323584xi32, #tpu.memory_space<hbm>> -> memref<5056xi32, #tpu.memory_space<hbm>>
      %dma_start3A_79 = tpu.memref_slice %arg5[%add3A_4] : memref<323584xi32, #tpu.memory_space<hbm>> -> memref<5056xi32, #tpu.memory_space<hbm>>
      tpu.enqueue_dma source(%dma_start3A_79 : memref<5056xi32, #tpu.memory_space<hbm>>) target(%arg10 : memref<5056xi32, #tpu.memory_space<vmem>>) target_semaphore(%run_scoped3A : memref<!tpu.dma_semaphore, #tpu.memory_space<semaphore_mem>>)
      %dma_wait3A_80 = tpu.memref_slice %arg5[%add3A_4] : memref<323584xi32, #tpu.memory_space<hbm>> -> memref<5056xi32, #tpu.memory_space<hbm>>
      %dma_wait3A_81 = tpu.memref_slice %arg5[%add3A_4] : memref<323584xi32, #tpu.memory_space<hbm>> -> memref<5056xi32, #tpu.memory_space<hbm>>
      tpu.wait_dma2 semaphore(%run_scoped3A : memref<!tpu.dma_semaphore, #tpu.memory_space<semaphore_mem>>) src(%dma_wait3A_81 : memref<5056xi32, #tpu.memory_space<hbm>>) dst(%arg10 : memref<5056xi32, #tpu.memory_space<vmem>>)
      tpu.yield
    }) : () -> ()
    %add3A_5 = arith.constant 0 : i32
    %add3A_6 = arith.addi %add3A_5, %mul3A_2 : i32
    "tpu.region"() ({
      %run_scoped3A = tpu.sem_alloc : memref<!tpu.dma_semaphore, #tpu.memory_space<semaphore_mem>>
      %dma_start3A_78 = tpu.memref_slice %arg6[%add3A_6] : memref<323584xi32, #tpu.memory_space<hbm>> -> memref<5056xi32, #tpu.memory_space<hbm>>
      %dma_start3A_79 = tpu.memref_slice %arg6[%add3A_6] : memref<323584xi32, #tpu.memory_space<hbm>> -> memref<5056xi32, #tpu.memory_space<hbm>>
      tpu.enqueue_dma source(%dma_start3A_79 : memref<5056xi32, #tpu.memory_space<hbm>>) target(%arg11 : memref<5056xi32, #tpu.memory_space<vmem>>) target_semaphore(%run_scoped3A : memref<!tpu.dma_semaphore, #tpu.memory_space<semaphore_mem>>)
      %dma_wait3A_80 = tpu.memref_slice %arg6[%add3A_6] : memref<323584xi32, #tpu.memory_space<hbm>> -> memref<5056xi32, #tpu.memory_space<hbm>>
      %dma_wait3A_81 = tpu.memref_slice %arg6[%add3A_6] : memref<323584xi32, #tpu.memory_space<hbm>> -> memref<5056xi32, #tpu.memory_space<hbm>>
      tpu.wait_dma2 semaphore(%run_scoped3A : memref<!tpu.dma_semaphore, #tpu.memory_space<semaphore_mem>>) src(%dma_wait3A_81 : memref<5056xi32, #tpu.memory_space<hbm>>) dst(%arg11 : memref<5056xi32, #tpu.memory_space<vmem>>)
      tpu.yield
    }) : () -> ()
    %add3A_7 = arith.constant 0 : i32
    %add3A_8 = arith.addi %add3A_7, %mul3A_2 : i32
    "tpu.region"() ({
      %run_scoped3A = tpu.sem_alloc : memref<!tpu.dma_semaphore, #tpu.memory_space<semaphore_mem>>
      %dma_start3A_78 = tpu.memref_slice %arg7[%add3A_8] : memref<323584xi32, #tpu.memory_space<hbm>> -> memref<5056xi32, #tpu.memory_space<hbm>>
      %dma_start3A_79 = tpu.memref_slice %arg7[%add3A_8] : memref<323584xi32, #tpu.memory_space<hbm>> -> memref<5056xi32, #tpu.memory_space<hbm>>
      tpu.enqueue_dma source(%dma_start3A_79 : memref<5056xi32, #tpu.memory_space<hbm>>) target(%arg12 : memref<5056xi32, #tpu.memory_space<vmem>>) target_semaphore(%run_scoped3A : memref<!tpu.dma_semaphore, #tpu.memory_space<semaphore_mem>>)
      %dma_wait3A_80 = tpu.memref_slice %arg7[%add3A_8] : memref<323584xi32, #tpu.memory_space<hbm>> -> memref<5056xi32, #tpu.memory_space<hbm>>
      %dma_wait3A_81 = tpu.memref_slice %arg7[%add3A_8] : memref<323584xi32, #tpu.memory_space<hbm>> -> memref<5056xi32, #tpu.memory_space<hbm>>
      tpu.wait_dma2 semaphore(%run_scoped3A : memref<!tpu.dma_semaphore, #tpu.memory_space<semaphore_mem>>) src(%dma_wait3A_81 : memref<5056xi32, #tpu.memory_space<hbm>>) dst(%arg12 : memref<5056xi32, #tpu.memory_space<vmem>>)
      tpu.yield
    }) : () -> ()
    %dma_start3A = arith.constant 0 : i32
    %dma_start3A_9 = tpu.memref_slice %arg10[%dma_start3A] : memref<5056xi32, #tpu.memory_space<vmem>> -> memref<64xi32, #tpu.memory_space<vmem>>
    %dma_start3A_10 = arith.constant 0 : i32
    %dma_start3A_11 = arith.constant 0 : i32
    %dma_start3A_12 = tpu.memref_slice %arg2[%dma_start3A_10, %dma_start3A_11] : memref<10112x128xf32, #tpu.memory_space<hbm>> -> memref<10112x128xf32, #tpu.memory_space<hbm>>
    tpu.enqueue_indirect_dma source(%dma_start3A_12 : memref<10112x128xf32, #tpu.memory_space<hbm>>) target(%arg13 : memref<64x128xf32, #tpu.memory_space<vmem>>) offsets(%dma_start3A_9 : memref<64xi32, #tpu.memory_space<vmem>>) semaphore(%arg21 : memref<!tpu.dma_semaphore, #tpu.memory_space<semaphore_mem>>)
    %dma_start3A_13 = arith.constant 0 : i32
    %dma_start3A_14 = tpu.memref_slice %arg11[%dma_start3A_13] : memref<5056xi32, #tpu.memory_space<vmem>> -> memref<64xi32, #tpu.memory_space<vmem>>
    %dma_start3A_15 = arith.constant 0 : i32
    %dma_start3A_16 = arith.constant 0 : i32
    %dma_start3A_17 = tpu.memref_slice %arg3[%dma_start3A_15, %dma_start3A_16] : memref<10112x128xf32, #tpu.memory_space<hbm>> -> memref<10112x128xf32, #tpu.memory_space<hbm>>
    tpu.enqueue_indirect_dma source(%dma_start3A_17 : memref<10112x128xf32, #tpu.memory_space<hbm>>) target(%arg14 : memref<64x128xf32, #tpu.memory_space<vmem>>) offsets(%dma_start3A_14 : memref<64xi32, #tpu.memory_space<vmem>>) semaphore(%arg21 : memref<!tpu.dma_semaphore, #tpu.memory_space<semaphore_mem>>)
    %dma_start3A_18 = arith.constant 0 : i32
    %dma_start3A_19 = tpu.memref_slice %arg12[%dma_start3A_18] : memref<5056xi32, #tpu.memory_space<vmem>> -> memref<64xi32, #tpu.memory_space<vmem>>
    %dma_start3A_20 = arith.constant 0 : i32
    %dma_start3A_21 = arith.constant 0 : i32
    %dma_start3A_22 = tpu.memref_slice %arg4[%dma_start3A_20, %dma_start3A_21] : memref<160000x128xi32, #tpu.memory_space<hbm>> -> memref<160000x128xi32, #tpu.memory_space<hbm>>
    tpu.enqueue_indirect_dma source(%dma_start3A_22 : memref<160000x128xi32, #tpu.memory_space<hbm>>) target(%arg15 : memref<64x128xi32, #tpu.memory_space<vmem>>) offsets(%dma_start3A_19 : memref<64xi32, #tpu.memory_space<vmem>>) semaphore(%arg21 : memref<!tpu.dma_semaphore, #tpu.memory_space<semaphore_mem>>)
    %scan3A = arith.constant 0 : i32
    %scan3A_23 = arith.constant 0 : i32
    %scan3A_24 = arith.constant 39 : i32
    %scan3A_25 = arith.addi %scan3A_23, %scan3A_24 : i32
    %scan3A_26 = arith.constant 1 : i32
    scf.for %scan3A_78 = %scan3A_23 to %scan3A_25 step %scan3A_26  : i32 {
      %mul3A_79 = arith.constant 2 : i32
      %mul3A_80 = arith.muli %mul3A_79, %scan3A_78 : i32
      %add3A_81 = arith.constant 0 : i32
      %add3A_82 = arith.addi %mul3A_80, %add3A_81 : i32
      %ge3A = arith.constant 1 : i32
      %ge3A_83 = arith.cmpi sge, %add3A_82, %ge3A : i32
      %convert_element_type3A = arith.extui %ge3A_83 : i1 to i32
      %cond3A = arith.constant 0 : i32
      %cond3A_84 = arith.cmpi ne, %convert_element_type3A, %cond3A : i32
      scf.if %cond3A_84 {
        %sub3A = arith.constant 1 : i32
        %sub3A_177 = arith.subi %add3A_82, %sub3A : i32
        %mul3A_178 = arith.constant 64 : i32
        %mul3A_179 = arith.muli %sub3A_177, %mul3A_178 : i32
        %add3A_180 = arith.addi %mul3A_2, %mul3A_179 : i32
        %dma_wait3A_181 = arith.constant 0 : i32
        %dma_wait3A_182 = tpu.memref_slice %arg8[%add3A_180, %dma_wait3A_181] : memref<161792x128xf32, #tpu.memory_space<hbm>> -> memref<64x128xf32, #tpu.memory_space<hbm>>
        %dma_wait3A_183 = arith.constant 0 : i32
        %dma_wait3A_184 = tpu.memref_slice %arg8[%add3A_180, %dma_wait3A_183] : memref<161792x128xf32, #tpu.memory_space<hbm>> -> memref<64x128xf32, #tpu.memory_space<hbm>>
        tpu.wait_dma2 semaphore(%arg24 : memref<!tpu.dma_semaphore, #tpu.memory_space<semaphore_mem>>) src(%arg20 : memref<64x128xf32, #tpu.memory_space<vmem>>) dst(%dma_wait3A_184 : memref<64x128xf32, #tpu.memory_space<hbm>>)
        %dma_wait3A_185 = arith.constant 0 : i32
        %dma_wait3A_186 = tpu.memref_slice %arg9[%add3A_180, %dma_wait3A_185] : memref<161792x128xi32, #tpu.memory_space<hbm>> -> memref<64x128xi32, #tpu.memory_space<hbm>>
        %dma_wait3A_187 = arith.constant 0 : i32
        %dma_wait3A_188 = tpu.memref_slice %arg9[%add3A_180, %dma_wait3A_187] : memref<161792x128xi32, #tpu.memory_space<hbm>> -> memref<64x128xi32, #tpu.memory_space<hbm>>
        tpu.wait_dma2 semaphore(%arg24 : memref<!tpu.dma_semaphore, #tpu.memory_space<semaphore_mem>>) src(%arg19 : memref<64x128xi32, #tpu.memory_space<vmem>>) dst(%dma_wait3A_188 : memref<64x128xi32, #tpu.memory_space<hbm>>)
      } else {
      }
      %add3A_85 = arith.constant 1 : i32
      %add3A_86 = arith.addi %add3A_82, %add3A_85 : i32
      %lt3A = arith.constant 79 : i32
      %lt3A_87 = arith.cmpi slt, %add3A_86, %lt3A : i32
      %convert_element_type3A_88 = arith.extui %lt3A_87 : i1 to i32
      %cond3A_89 = arith.constant 0 : i32
      %cond3A_90 = arith.cmpi ne, %convert_element_type3A_88, %cond3A_89 : i32
      scf.if %cond3A_90 {
        %add3A_177 = arith.constant 1 : i32
        %add3A_178 = arith.addi %add3A_82, %add3A_177 : i32
        %mul3A_179 = arith.constant 64 : i32
        %mul3A_180 = arith.muli %add3A_178, %mul3A_179 : i32
        %dma_start3A_181 = tpu.memref_slice %arg10[%mul3A_180] : memref<5056xi32, #tpu.memory_space<vmem>> -> memref<64xi32, #tpu.memory_space<vmem>>
        %dma_start3A_182 = arith.constant 0 : i32
        %dma_start3A_183 = arith.constant 0 : i32
        %dma_start3A_184 = tpu.memref_slice %arg2[%dma_start3A_182, %dma_start3A_183] : memref<10112x128xf32, #tpu.memory_space<hbm>> -> memref<10112x128xf32, #tpu.memory_space<hbm>>
        tpu.enqueue_indirect_dma source(%dma_start3A_184 : memref<10112x128xf32, #tpu.memory_space<hbm>>) target(%arg17 : memref<64x128xf32, #tpu.memory_space<vmem>>) offsets(%dma_start3A_181 : memref<64xi32, #tpu.memory_space<vmem>>) semaphore(%arg22 : memref<!tpu.dma_semaphore, #tpu.memory_space<semaphore_mem>>)
        %mul3A_185 = arith.constant 64 : i32
        %mul3A_186 = arith.muli %add3A_178, %mul3A_185 : i32
        %dma_start3A_187 = tpu.memref_slice %arg11[%mul3A_186] : memref<5056xi32, #tpu.memory_space<vmem>> -> memref<64xi32, #tpu.memory_space<vmem>>
        %dma_start3A_188 = arith.constant 0 : i32
        %dma_start3A_189 = arith.constant 0 : i32
        %dma_start3A_190 = tpu.memref_slice %arg3[%dma_start3A_188, %dma_start3A_189] : memref<10112x128xf32, #tpu.memory_space<hbm>> -> memref<10112x128xf32, #tpu.memory_space<hbm>>
        tpu.enqueue_indirect_dma source(%dma_start3A_190 : memref<10112x128xf32, #tpu.memory_space<hbm>>) target(%arg18 : memref<64x128xf32, #tpu.memory_space<vmem>>) offsets(%dma_start3A_187 : memref<64xi32, #tpu.memory_space<vmem>>) semaphore(%arg22 : memref<!tpu.dma_semaphore, #tpu.memory_space<semaphore_mem>>)
        %mul3A_191 = arith.constant 64 : i32
        %mul3A_192 = arith.muli %add3A_178, %mul3A_191 : i32
        %dma_start3A_193 = tpu.memref_slice %arg12[%mul3A_192] : memref<5056xi32, #tpu.memory_space<vmem>> -> memref<64xi32, #tpu.memory_space<vmem>>
        %dma_start3A_194 = arith.constant 0 : i32
        %dma_start3A_195 = arith.constant 0 : i32
        %dma_start3A_196 = tpu.memref_slice %arg4[%dma_start3A_194, %dma_start3A_195] : memref<160000x128xi32, #tpu.memory_space<hbm>> -> memref<160000x128xi32, #tpu.memory_space<hbm>>
        tpu.enqueue_indirect_dma source(%dma_start3A_196 : memref<160000x128xi32, #tpu.memory_space<hbm>>) target(%arg19 : memref<64x128xi32, #tpu.memory_space<vmem>>) offsets(%dma_start3A_193 : memref<64xi32, #tpu.memory_space<vmem>>) semaphore(%arg22 : memref<!tpu.dma_semaphore, #tpu.memory_space<semaphore_mem>>)
      } else {
      }
      %mul3A_91 = arith.constant 64 : i32
      %mul3A_92 = arith.muli %add3A_82, %mul3A_91 : i32
      %dma_wait3A_93 = tpu.memref_slice %arg10[%mul3A_92] : memref<5056xi32, #tpu.memory_space<vmem>> -> memref<64xi32, #tpu.memory_space<vmem>>
      %dma_wait3A_94 = arith.constant 0 : i32
      %dma_wait3A_95 = arith.constant 0 : i32
      %dma_wait3A_96 = tpu.memref_slice %arg2[%dma_wait3A_94, %dma_wait3A_95] : memref<10112x128xf32, #tpu.memory_space<hbm>> -> memref<10112x128xf32, #tpu.memory_space<hbm>>
      tpu.wait_indirect_dma semaphore(%arg21 : memref<!tpu.dma_semaphore, #tpu.memory_space<semaphore_mem>>) src(%dma_wait3A_96 : memref<10112x128xf32, #tpu.memory_space<hbm>>) dst(%arg13 : memref<64x128xf32, #tpu.memory_space<vmem>>)
      %mul3A_97 = arith.constant 64 : i32
      %mul3A_98 = arith.muli %add3A_82, %mul3A_97 : i32
      %dma_wait3A_99 = tpu.memref_slice %arg11[%mul3A_98] : memref<5056xi32, #tpu.memory_space<vmem>> -> memref<64xi32, #tpu.memory_space<vmem>>
      %dma_wait3A_100 = arith.constant 0 : i32
      %dma_wait3A_101 = arith.constant 0 : i32
      %dma_wait3A_102 = tpu.memref_slice %arg3[%dma_wait3A_100, %dma_wait3A_101] : memref<10112x128xf32, #tpu.memory_space<hbm>> -> memref<10112x128xf32, #tpu.memory_space<hbm>>
      tpu.wait_indirect_dma semaphore(%arg21 : memref<!tpu.dma_semaphore, #tpu.memory_space<semaphore_mem>>) src(%dma_wait3A_102 : memref<10112x128xf32, #tpu.memory_space<hbm>>) dst(%arg14 : memref<64x128xf32, #tpu.memory_space<vmem>>)
      %mul3A_103 = arith.constant 64 : i32
      %mul3A_104 = arith.muli %add3A_82, %mul3A_103 : i32
      %dma_wait3A_105 = tpu.memref_slice %arg12[%mul3A_104] : memref<5056xi32, #tpu.memory_space<vmem>> -> memref<64xi32, #tpu.memory_space<vmem>>
      %dma_wait3A_106 = arith.constant 0 : i32
      %dma_wait3A_107 = arith.constant 0 : i32
      %dma_wait3A_108 = tpu.memref_slice %arg4[%dma_wait3A_106, %dma_wait3A_107] : memref<160000x128xi32, #tpu.memory_space<hbm>> -> memref<160000x128xi32, #tpu.memory_space<hbm>>
      tpu.wait_indirect_dma semaphore(%arg21 : memref<!tpu.dma_semaphore, #tpu.memory_space<semaphore_mem>>) src(%dma_wait3A_108 : memref<160000x128xi32, #tpu.memory_space<hbm>>) dst(%arg15 : memref<64x128xi32, #tpu.memory_space<vmem>>)
      %scan3A_109 = arith.constant 0 : i32
      %scan3A_110 = arith.constant 0 : i32
      %scan3A_111 = arith.constant 64 : i32
      %scan3A_112 = arith.addi %scan3A_110, %scan3A_111 : i32
      %scan3A_113 = arith.constant 1 : i32
      scf.for %scan3A_177 = %scan3A_110 to %scan3A_112 step %scan3A_113  : i32 {
        %get3A = arith.index_cast %scan3A_177 : i32 to index
        %get3A_178 = arith.constant 0 : index
        %get3A_179 = tpu.vector_load %arg13[%get3A, %get3A_178] {strides = array<i32>} : memref<64x128xf32, #tpu.memory_space<vmem>>, vector<1x16xf32>,
        %get3A_180 = vector.shape_cast %get3A_179 : vector<1x16xf32> to vector<16xf32>
        %get3A_181 = arith.index_cast %scan3A_177 : i32 to index
        %get3A_182 = arith.constant 0 : index
        %get3A_183 = tpu.vector_load %arg14[%get3A_181, %get3A_182] {strides = array<i32>} : memref<64x128xf32, #tpu.memory_space<vmem>>, vector<1x16xf32>,
        %get3A_184 = vector.shape_cast %get3A_183 : vector<1x16xf32> to vector<16xf32>
        %add3A_185 = arith.addf %get3A_180, %get3A_184 : vector<16xf32>
        %swap3A = arith.index_cast %scan3A_177 : i32 to index
        %swap3A_186 = arith.constant 0 : index
        %swap3A_187 = tpu.vector_load %arg16[%swap3A, %swap3A_186] {strides = array<i32>} : memref<64x128xf32, #tpu.memory_space<vmem>>, vector<1x16xf32>,
        %swap3A_188 = vector.shape_cast %swap3A_187 : vector<1x16xf32> to vector<16xf32>
        %swap3A_189 = vector.shape_cast %add3A_185 : vector<16xf32> to vector<1x16xf32>
        tpu.vector_store %arg16[%swap3A, %swap3A_186], %swap3A_189 {strides = array<i32>} : memref<64x128xf32, #tpu.memory_space<vmem>>, vector<1x16xf32>,
        %get3A_190 = arith.index_cast %scan3A_177 : i32 to index
        %get3A_191 = arith.constant 16 : index
        %get3A_192 = tpu.vector_load %arg13[%get3A_190, %get3A_191] {strides = array<i32>} : memref<64x128xf32, #tpu.memory_space<vmem>>, vector<1x16xf32>,
        %get3A_193 = vector.shape_cast %get3A_192 : vector<1x16xf32> to vector<16xf32>
        %get3A_194 = arith.index_cast %scan3A_177 : i32 to index
        %get3A_195 = arith.constant 16 : index
        %get3A_196 = tpu.vector_load %arg14[%get3A_194, %get3A_195] {strides = array<i32>} : memref<64x128xf32, #tpu.memory_space<vmem>>, vector<1x16xf32>,
        %get3A_197 = vector.shape_cast %get3A_196 : vector<1x16xf32> to vector<16xf32>
        %add3A_198 = arith.addf %get3A_193, %get3A_197 : vector<16xf32>
        %swap3A_199 = arith.index_cast %scan3A_177 : i32 to index
        %swap3A_200 = arith.constant 16 : index
        %swap3A_201 = tpu.vector_load %arg16[%swap3A_199, %swap3A_200] {strides = array<i32>} : memref<64x128xf32, #tpu.memory_space<vmem>>, vector<1x16xf32>,
        %swap3A_202 = vector.shape_cast %swap3A_201 : vector<1x16xf32> to vector<16xf32>
        %swap3A_203 = vector.shape_cast %add3A_198 : vector<16xf32> to vector<1x16xf32>
        tpu.vector_store %arg16[%swap3A_199, %swap3A_200], %swap3A_203 {strides = array<i32>} : memref<64x128xf32, #tpu.memory_space<vmem>>, vector<1x16xf32>,
        %get3A_204 = arith.index_cast %scan3A_177 : i32 to index
        %get3A_205 = arith.constant 32 : index
        %get3A_206 = tpu.vector_load %arg13[%get3A_204, %get3A_205] {strides = array<i32>} : memref<64x128xf32, #tpu.memory_space<vmem>>, vector<1x16xf32>,
        %get3A_207 = vector.shape_cast %get3A_206 : vector<1x16xf32> to vector<16xf32>
        %get3A_208 = arith.index_cast %scan3A_177 : i32 to index
        %get3A_209 = arith.constant 32 : index
        %get3A_210 = tpu.vector_load %arg14[%get3A_208, %get3A_209] {strides = array<i32>} : memref<64x128xf32, #tpu.memory_space<vmem>>, vector<1x16xf32>,
        %get3A_211 = vector.shape_cast %get3A_210 : vector<1x16xf32> to vector<16xf32>
        %add3A_212 = arith.addf %get3A_207, %get3A_211 : vector<16xf32>
        %swap3A_213 = arith.index_cast %scan3A_177 : i32 to index
        %swap3A_214 = arith.constant 32 : index
        %swap3A_215 = tpu.vector_load %arg16[%swap3A_213, %swap3A_214] {strides = array<i32>} : memref<64x128xf32, #tpu.memory_space<vmem>>, vector<1x16xf32>,
        %swap3A_216 = vector.shape_cast %swap3A_215 : vector<1x16xf32> to vector<16xf32>
        %swap3A_217 = vector.shape_cast %add3A_212 : vector<16xf32> to vector<1x16xf32>
        tpu.vector_store %arg16[%swap3A_213, %swap3A_214], %swap3A_217 {strides = array<i32>} : memref<64x128xf32, #tpu.memory_space<vmem>>, vector<1x16xf32>,
        %get3A_218 = arith.index_cast %scan3A_177 : i32 to index
        %get3A_219 = arith.constant 48 : index
        %get3A_220 = tpu.vector_load %arg13[%get3A_218, %get3A_219] {strides = array<i32>} : memref<64x128xf32, #tpu.memory_space<vmem>>, vector<1x16xf32>,
        %get3A_221 = vector.shape_cast %get3A_220 : vector<1x16xf32> to vector<16xf32>
        %get3A_222 = arith.index_cast %scan3A_177 : i32 to index
        %get3A_223 = arith.constant 48 : index
        %get3A_224 = tpu.vector_load %arg14[%get3A_222, %get3A_223] {strides = array<i32>} : memref<64x128xf32, #tpu.memory_space<vmem>>, vector<1x16xf32>,
        %get3A_225 = vector.shape_cast %get3A_224 : vector<1x16xf32> to vector<16xf32>
        %add3A_226 = arith.addf %get3A_221, %get3A_225 : vector<16xf32>
        %swap3A_227 = arith.index_cast %scan3A_177 : i32 to index
        %swap3A_228 = arith.constant 48 : index
        %swap3A_229 = tpu.vector_load %arg16[%swap3A_227, %swap3A_228] {strides = array<i32>} : memref<64x128xf32, #tpu.memory_space<vmem>>, vector<1x16xf32>,
        %swap3A_230 = vector.shape_cast %swap3A_229 : vector<1x16xf32> to vector<16xf32>
        %swap3A_231 = vector.shape_cast %add3A_226 : vector<16xf32> to vector<1x16xf32>
        tpu.vector_store %arg16[%swap3A_227, %swap3A_228], %swap3A_231 {strides = array<i32>} : memref<64x128xf32, #tpu.memory_space<vmem>>, vector<1x16xf32>,
        %get3A_232 = arith.index_cast %scan3A_177 : i32 to index
        %get3A_233 = arith.constant 64 : index
        %get3A_234 = tpu.vector_load %arg13[%get3A_232, %get3A_233] {strides = array<i32>} : memref<64x128xf32, #tpu.memory_space<vmem>>, vector<1x16xf32>,
        %get3A_235 = vector.shape_cast %get3A_234 : vector<1x16xf32> to vector<16xf32>
        %get3A_236 = arith.index_cast %scan3A_177 : i32 to index
        %get3A_237 = arith.constant 64 : index
        %get3A_238 = tpu.vector_load %arg14[%get3A_236, %get3A_237] {strides = array<i32>} : memref<64x128xf32, #tpu.memory_space<vmem>>, vector<1x16xf32>,
        %get3A_239 = vector.shape_cast %get3A_238 : vector<1x16xf32> to vector<16xf32>
        %add3A_240 = arith.addf %get3A_235, %get3A_239 : vector<16xf32>
        %swap3A_241 = arith.index_cast %scan3A_177 : i32 to index
        %swap3A_242 = arith.constant 64 : index
        %swap3A_243 = tpu.vector_load %arg16[%swap3A_241, %swap3A_242] {strides = array<i32>} : memref<64x128xf32, #tpu.memory_space<vmem>>, vector<1x16xf32>,
        %swap3A_244 = vector.shape_cast %swap3A_243 : vector<1x16xf32> to vector<16xf32>
        %swap3A_245 = vector.shape_cast %add3A_240 : vector<16xf32> to vector<1x16xf32>
        tpu.vector_store %arg16[%swap3A_241, %swap3A_242], %swap3A_245 {strides = array<i32>} : memref<64x128xf32, #tpu.memory_space<vmem>>, vector<1x16xf32>,
        %get3A_246 = arith.index_cast %scan3A_177 : i32 to index
        %get3A_247 = arith.constant 80 : index
        %get3A_248 = tpu.vector_load %arg13[%get3A_246, %get3A_247] {strides = array<i32>} : memref<64x128xf32, #tpu.memory_space<vmem>>, vector<1x16xf32>,
        %get3A_249 = vector.shape_cast %get3A_248 : vector<1x16xf32> to vector<16xf32>
        %get3A_250 = arith.index_cast %scan3A_177 : i32 to index
        %get3A_251 = arith.constant 80 : index
        %get3A_252 = tpu.vector_load %arg14[%get3A_250, %get3A_251] {strides = array<i32>} : memref<64x128xf32, #tpu.memory_space<vmem>>, vector<1x16xf32>,
        %get3A_253 = vector.shape_cast %get3A_252 : vector<1x16xf32> to vector<16xf32>
        %add3A_254 = arith.addf %get3A_249, %get3A_253 : vector<16xf32>
        %swap3A_255 = arith.index_cast %scan3A_177 : i32 to index
        %swap3A_256 = arith.constant 80 : index
        %swap3A_257 = tpu.vector_load %arg16[%swap3A_255, %swap3A_256] {strides = array<i32>} : memref<64x128xf32, #tpu.memory_space<vmem>>, vector<1x16xf32>,
        %swap3A_258 = vector.shape_cast %swap3A_257 : vector<1x16xf32> to vector<16xf32>
        %swap3A_259 = vector.shape_cast %add3A_254 : vector<16xf32> to vector<1x16xf32>
        tpu.vector_store %arg16[%swap3A_255, %swap3A_256], %swap3A_259 {strides = array<i32>} : memref<64x128xf32, #tpu.memory_space<vmem>>, vector<1x16xf32>,
        %get3A_260 = arith.index_cast %scan3A_177 : i32 to index
        %get3A_261 = arith.constant 96 : index
        %get3A_262 = tpu.vector_load %arg13[%get3A_260, %get3A_261] {strides = array<i32>} : memref<64x128xf32, #tpu.memory_space<vmem>>, vector<1x16xf32>,
        %get3A_263 = vector.shape_cast %get3A_262 : vector<1x16xf32> to vector<16xf32>
        %get3A_264 = arith.index_cast %scan3A_177 : i32 to index
        %get3A_265 = arith.constant 96 : index
        %get3A_266 = tpu.vector_load %arg14[%get3A_264, %get3A_265] {strides = array<i32>} : memref<64x128xf32, #tpu.memory_space<vmem>>, vector<1x16xf32>,
        %get3A_267 = vector.shape_cast %get3A_266 : vector<1x16xf32> to vector<16xf32>
        %add3A_268 = arith.addf %get3A_263, %get3A_267 : vector<16xf32>
        %swap3A_269 = arith.index_cast %scan3A_177 : i32 to index
        %swap3A_270 = arith.constant 96 : index
        %swap3A_271 = tpu.vector_load %arg16[%swap3A_269, %swap3A_270] {strides = array<i32>} : memref<64x128xf32, #tpu.memory_space<vmem>>, vector<1x16xf32>,
        %swap3A_272 = vector.shape_cast %swap3A_271 : vector<1x16xf32> to vector<16xf32>
        %swap3A_273 = vector.shape_cast %add3A_268 : vector<16xf32> to vector<1x16xf32>
        tpu.vector_store %arg16[%swap3A_269, %swap3A_270], %swap3A_273 {strides = array<i32>} : memref<64x128xf32, #tpu.memory_space<vmem>>, vector<1x16xf32>,
        %get3A_274 = arith.index_cast %scan3A_177 : i32 to index
        %get3A_275 = arith.constant 112 : index
        %get3A_276 = tpu.vector_load %arg13[%get3A_274, %get3A_275] {strides = array<i32>} : memref<64x128xf32, #tpu.memory_space<vmem>>, vector<1x16xf32>,
        %get3A_277 = vector.shape_cast %get3A_276 : vector<1x16xf32> to vector<16xf32>
        %get3A_278 = arith.index_cast %scan3A_177 : i32 to index
        %get3A_279 = arith.constant 112 : index
        %get3A_280 = tpu.vector_load %arg14[%get3A_278, %get3A_279] {strides = array<i32>} : memref<64x128xf32, #tpu.memory_space<vmem>>, vector<1x16xf32>,
        %get3A_281 = vector.shape_cast %get3A_280 : vector<1x16xf32> to vector<16xf32>
        %add3A_282 = arith.addf %get3A_277, %get3A_281 : vector<16xf32>
        %swap3A_283 = arith.index_cast %scan3A_177 : i32 to index
        %swap3A_284 = arith.constant 112 : index
        %swap3A_285 = tpu.vector_load %arg16[%swap3A_283, %swap3A_284] {strides = array<i32>} : memref<64x128xf32, #tpu.memory_space<vmem>>, vector<1x16xf32>,
        %swap3A_286 = vector.shape_cast %swap3A_285 : vector<1x16xf32> to vector<16xf32>
        %swap3A_287 = vector.shape_cast %add3A_282 : vector<16xf32> to vector<1x16xf32>
        tpu.vector_store %arg16[%swap3A_283, %swap3A_284], %swap3A_287 {strides = array<i32>} : memref<64x128xf32, #tpu.memory_space<vmem>>, vector<1x16xf32>,
      }
      %scan3A_114 = arith.constant 64 : i32
      %mul3A_115 = arith.constant 64 : i32
      %mul3A_116 = arith.muli %add3A_82, %mul3A_115 : i32
      %add3A_117 = arith.addi %mul3A_2, %mul3A_116 : i32
      %dma_start3A_118 = arith.constant 0 : i32
      %dma_start3A_119 = tpu.memref_slice %arg8[%add3A_117, %dma_start3A_118] : memref<161792x128xf32, #tpu.memory_space<hbm>> -> memref<64x128xf32, #tpu.memory_space<hbm>>
      %dma_start3A_120 = arith.constant 0 : i32
      %dma_start3A_121 = tpu.memref_slice %arg8[%add3A_117, %dma_start3A_120] : memref<161792x128xf32, #tpu.memory_space<hbm>> -> memref<64x128xf32, #tpu.memory_space<hbm>>
      tpu.enqueue_dma source(%arg16 : memref<64x128xf32, #tpu.memory_space<vmem>>) target(%dma_start3A_121 : memref<64x128xf32, #tpu.memory_space<hbm>>) target_semaphore(%arg23 : memref<!tpu.dma_semaphore, #tpu.memory_space<semaphore_mem>>)
      %dma_start3A_122 = arith.constant 0 : i32
      %dma_start3A_123 = tpu.memref_slice %arg9[%add3A_117, %dma_start3A_122] : memref<161792x128xi32, #tpu.memory_space<hbm>> -> memref<64x128xi32, #tpu.memory_space<hbm>>
      %dma_start3A_124 = arith.constant 0 : i32
      %dma_start3A_125 = tpu.memref_slice %arg9[%add3A_117, %dma_start3A_124] : memref<161792x128xi32, #tpu.memory_space<hbm>> -> memref<64x128xi32, #tpu.memory_space<hbm>>
      tpu.enqueue_dma source(%arg15 : memref<64x128xi32, #tpu.memory_space<vmem>>) target(%dma_start3A_125 : memref<64x128xi32, #tpu.memory_space<hbm>>) target_semaphore(%arg23 : memref<!tpu.dma_semaphore, #tpu.memory_space<semaphore_mem>>)
      %mul3A_126 = arith.constant 2 : i32
      %mul3A_127 = arith.muli %mul3A_126, %scan3A_78 : i32
      %add3A_128 = arith.constant 1 : i32
      %add3A_129 = arith.addi %mul3A_127, %add3A_128 : i32
      %ge3A_130 = arith.constant 1 : i32
      %ge3A_131 = arith.cmpi sge, %add3A_129, %ge3A_130 : i32
      %convert_element_type3A_132 = arith.extui %ge3A_131 : i1 to i32
      %cond3A_133 = arith.constant 0 : i32
      %cond3A_134 = arith.cmpi ne, %convert_element_type3A_132, %cond3A_133 : i32
      scf.if %cond3A_134 {
        %sub3A = arith.constant 1 : i32
        %sub3A_177 = arith.subi %add3A_129, %sub3A : i32
        %mul3A_178 = arith.constant 64 : i32
        %mul3A_179 = arith.muli %sub3A_177, %mul3A_178 : i32
        %add3A_180 = arith.addi %mul3A_2, %mul3A_179 : i32
        %dma_wait3A_181 = arith.constant 0 : i32
        %dma_wait3A_182 = tpu.memref_slice %arg8[%add3A_180, %dma_wait3A_181] : memref<161792x128xf32, #tpu.memory_space<hbm>> -> memref<64x128xf32, #tpu.memory_space<hbm>>
        %dma_wait3A_183 = arith.constant 0 : i32
        %dma_wait3A_184 = tpu.memref_slice %arg8[%add3A_180, %dma_wait3A_183] : memref<161792x128xf32, #tpu.memory_space<hbm>> -> memref<64x128xf32, #tpu.memory_space<hbm>>
        tpu.wait_dma2 semaphore(%arg23 : memref<!tpu.dma_semaphore, #tpu.memory_space<semaphore_mem>>) src(%arg16 : memref<64x128xf32, #tpu.memory_space<vmem>>) dst(%dma_wait3A_184 : memref<64x128xf32, #tpu.memory_space<hbm>>)
        %dma_wait3A_185 = arith.constant 0 : i32
        %dma_wait3A_186 = tpu.memref_slice %arg9[%add3A_180, %dma_wait3A_185] : memref<161792x128xi32, #tpu.memory_space<hbm>> -> memref<64x128xi32, #tpu.memory_space<hbm>>
        %dma_wait3A_187 = arith.constant 0 : i32
        %dma_wait3A_188 = tpu.memref_slice %arg9[%add3A_180, %dma_wait3A_187] : memref<161792x128xi32, #tpu.memory_space<hbm>> -> memref<64x128xi32, #tpu.memory_space<hbm>>
        tpu.wait_dma2 semaphore(%arg23 : memref<!tpu.dma_semaphore, #tpu.memory_space<semaphore_mem>>) src(%arg15 : memref<64x128xi32, #tpu.memory_space<vmem>>) dst(%dma_wait3A_188 : memref<64x128xi32, #tpu.memory_space<hbm>>)
      } else {
      }
      %add3A_135 = arith.constant 1 : i32
      %add3A_136 = arith.addi %add3A_129, %add3A_135 : i32
      %lt3A_137 = arith.constant 79 : i32
      %lt3A_138 = arith.cmpi slt, %add3A_136, %lt3A_137 : i32
      %convert_element_type3A_139 = arith.extui %lt3A_138 : i1 to i32
      %cond3A_140 = arith.constant 0 : i32
      %cond3A_141 = arith.cmpi ne, %convert_element_type3A_139, %cond3A_140 : i32
      scf.if %cond3A_141 {
        %add3A_177 = arith.constant 1 : i32
        %add3A_178 = arith.addi %add3A_129, %add3A_177 : i32
        %mul3A_179 = arith.constant 64 : i32
        %mul3A_180 = arith.muli %add3A_178, %mul3A_179 : i32
        %dma_start3A_181 = tpu.memref_slice %arg10[%mul3A_180] : memref<5056xi32, #tpu.memory_space<vmem>> -> memref<64xi32, #tpu.memory_space<vmem>>
        %dma_start3A_182 = arith.constant 0 : i32
        %dma_start3A_183 = arith.constant 0 : i32
        %dma_start3A_184 = tpu.memref_slice %arg2[%dma_start3A_182, %dma_start3A_183] : memref<10112x128xf32, #tpu.memory_space<hbm>> -> memref<10112x128xf32, #tpu.memory_space<hbm>>
        tpu.enqueue_indirect_dma source(%dma_start3A_184 : memref<10112x128xf32, #tpu.memory_space<hbm>>) target(%arg13 : memref<64x128xf32, #tpu.memory_space<vmem>>) offsets(%dma_start3A_181 : memref<64xi32, #tpu.memory_space<vmem>>) semaphore(%arg21 : memref<!tpu.dma_semaphore, #tpu.memory_space<semaphore_mem>>)
        %mul3A_185 = arith.constant 64 : i32
        %mul3A_186 = arith.muli %add3A_178, %mul3A_185 : i32
        %dma_start3A_187 = tpu.memref_slice %arg11[%mul3A_186] : memref<5056xi32, #tpu.memory_space<vmem>> -> memref<64xi32, #tpu.memory_space<vmem>>
        %dma_start3A_188 = arith.constant 0 : i32
        %dma_start3A_189 = arith.constant 0 : i32
        %dma_start3A_190 = tpu.memref_slice %arg3[%dma_start3A_188, %dma_start3A_189] : memref<10112x128xf32, #tpu.memory_space<hbm>> -> memref<10112x128xf32, #tpu.memory_space<hbm>>
        tpu.enqueue_indirect_dma source(%dma_start3A_190 : memref<10112x128xf32, #tpu.memory_space<hbm>>) target(%arg14 : memref<64x128xf32, #tpu.memory_space<vmem>>) offsets(%dma_start3A_187 : memref<64xi32, #tpu.memory_space<vmem>>) semaphore(%arg21 : memref<!tpu.dma_semaphore, #tpu.memory_space<semaphore_mem>>)
        %mul3A_191 = arith.constant 64 : i32
        %mul3A_192 = arith.muli %add3A_178, %mul3A_191 : i32
        %dma_start3A_193 = tpu.memref_slice %arg12[%mul3A_192] : memref<5056xi32, #tpu.memory_space<vmem>> -> memref<64xi32, #tpu.memory_space<vmem>>
        %dma_start3A_194 = arith.constant 0 : i32
        %dma_start3A_195 = arith.constant 0 : i32
        %dma_start3A_196 = tpu.memref_slice %arg4[%dma_start3A_194, %dma_start3A_195] : memref<160000x128xi32, #tpu.memory_space<hbm>> -> memref<160000x128xi32, #tpu.memory_space<hbm>>
        tpu.enqueue_indirect_dma source(%dma_start3A_196 : memref<160000x128xi32, #tpu.memory_space<hbm>>) target(%arg15 : memref<64x128xi32, #tpu.memory_space<vmem>>) offsets(%dma_start3A_193 : memref<64xi32, #tpu.memory_space<vmem>>) semaphore(%arg21 : memref<!tpu.dma_semaphore, #tpu.memory_space<semaphore_mem>>)
      } else {
      }
      %mul3A_142 = arith.constant 64 : i32
      %mul3A_143 = arith.muli %add3A_129, %mul3A_142 : i32
      %dma_wait3A_144 = tpu.memref_slice %arg10[%mul3A_143] : memref<5056xi32, #tpu.memory_space<vmem>> -> memref<64xi32, #tpu.memory_space<vmem>>
      %dma_wait3A_145 = arith.constant 0 : i32
      %dma_wait3A_146 = arith.constant 0 : i32
      %dma_wait3A_147 = tpu.memref_slice %arg2[%dma_wait3A_145, %dma_wait3A_146] : memref<10112x128xf32, #tpu.memory_space<hbm>> -> memref<10112x128xf32, #tpu.memory_space<hbm>>
      tpu.wait_indirect_dma semaphore(%arg22 : memref<!tpu.dma_semaphore, #tpu.memory_space<semaphore_mem>>) src(%dma_wait3A_147 : memref<10112x128xf32, #tpu.memory_space<hbm>>) dst(%arg17 : memref<64x128xf32, #tpu.memory_space<vmem>>)
      %mul3A_148 = arith.constant 64 : i32
      %mul3A_149 = arith.muli %add3A_129, %mul3A_148 : i32
      %dma_wait3A_150 = tpu.memref_slice %arg11[%mul3A_149] : memref<5056xi32, #tpu.memory_space<vmem>> -> memref<64xi32, #tpu.memory_space<vmem>>
      %dma_wait3A_151 = arith.constant 0 : i32
      %dma_wait3A_152 = arith.constant 0 : i32
      %dma_wait3A_153 = tpu.memref_slice %arg3[%dma_wait3A_151, %dma_wait3A_152] : memref<10112x128xf32, #tpu.memory_space<hbm>> -> memref<10112x128xf32, #tpu.memory_space<hbm>>
      tpu.wait_indirect_dma semaphore(%arg22 : memref<!tpu.dma_semaphore, #tpu.memory_space<semaphore_mem>>) src(%dma_wait3A_153 : memref<10112x128xf32, #tpu.memory_space<hbm>>) dst(%arg18 : memref<64x128xf32, #tpu.memory_space<vmem>>)
      %mul3A_154 = arith.constant 64 : i32
      %mul3A_155 = arith.muli %add3A_129, %mul3A_154 : i32
      %dma_wait3A_156 = tpu.memref_slice %arg12[%mul3A_155] : memref<5056xi32, #tpu.memory_space<vmem>> -> memref<64xi32, #tpu.memory_space<vmem>>
      %dma_wait3A_157 = arith.constant 0 : i32
      %dma_wait3A_158 = arith.constant 0 : i32
      %dma_wait3A_159 = tpu.memref_slice %arg4[%dma_wait3A_157, %dma_wait3A_158] : memref<160000x128xi32, #tpu.memory_space<hbm>> -> memref<160000x128xi32, #tpu.memory_space<hbm>>
      tpu.wait_indirect_dma semaphore(%arg22 : memref<!tpu.dma_semaphore, #tpu.memory_space<semaphore_mem>>) src(%dma_wait3A_159 : memref<160000x128xi32, #tpu.memory_space<hbm>>) dst(%arg19 : memref<64x128xi32, #tpu.memory_space<vmem>>)
      %scan3A_160 = arith.constant 0 : i32
      %scan3A_161 = arith.constant 0 : i32
      %scan3A_162 = arith.constant 64 : i32
      %scan3A_163 = arith.addi %scan3A_161, %scan3A_162 : i32
      %scan3A_164 = arith.constant 1 : i32
      scf.for %scan3A_177 = %scan3A_161 to %scan3A_163 step %scan3A_164  : i32 {
        %get3A = arith.index_cast %scan3A_177 : i32 to index
        %get3A_178 = arith.constant 0 : index
        %get3A_179 = tpu.vector_load %arg17[%get3A, %get3A_178] {strides = array<i32>} : memref<64x128xf32, #tpu.memory_space<vmem>>, vector<1x16xf32>,
        %get3A_180 = vector.shape_cast %get3A_179 : vector<1x16xf32> to vector<16xf32>
        %get3A_181 = arith.index_cast %scan3A_177 : i32 to index
        %get3A_182 = arith.constant 0 : index
        %get3A_183 = tpu.vector_load %arg18[%get3A_181, %get3A_182] {strides = array<i32>} : memref<64x128xf32, #tpu.memory_space<vmem>>, vector<1x16xf32>,
        %get3A_184 = vector.shape_cast %get3A_183 : vector<1x16xf32> to vector<16xf32>
        %add3A_185 = arith.addf %get3A_180, %get3A_184 : vector<16xf32>
        %swap3A = arith.index_cast %scan3A_177 : i32 to index
        %swap3A_186 = arith.constant 0 : index
        %swap3A_187 = tpu.vector_load %arg20[%swap3A, %swap3A_186] {strides = array<i32>} : memref<64x128xf32, #tpu.memory_space<vmem>>, vector<1x16xf32>,
        %swap3A_188 = vector.shape_cast %swap3A_187 : vector<1x16xf32> to vector<16xf32>
        %swap3A_189 = vector.shape_cast %add3A_185 : vector<16xf32> to vector<1x16xf32>
        tpu.vector_store %arg20[%swap3A, %swap3A_186], %swap3A_189 {strides = array<i32>} : memref<64x128xf32, #tpu.memory_space<vmem>>, vector<1x16xf32>,
        %get3A_190 = arith.index_cast %scan3A_177 : i32 to index
        %get3A_191 = arith.constant 16 : index
        %get3A_192 = tpu.vector_load %arg17[%get3A_190, %get3A_191] {strides = array<i32>} : memref<64x128xf32, #tpu.memory_space<vmem>>, vector<1x16xf32>,
        %get3A_193 = vector.shape_cast %get3A_192 : vector<1x16xf32> to vector<16xf32>
        %get3A_194 = arith.index_cast %scan3A_177 : i32 to index
        %get3A_195 = arith.constant 16 : index
        %get3A_196 = tpu.vector_load %arg18[%get3A_194, %get3A_195] {strides = array<i32>} : memref<64x128xf32, #tpu.memory_space<vmem>>, vector<1x16xf32>,
        %get3A_197 = vector.shape_cast %get3A_196 : vector<1x16xf32> to vector<16xf32>
        %add3A_198 = arith.addf %get3A_193, %get3A_197 : vector<16xf32>
        %swap3A_199 = arith.index_cast %scan3A_177 : i32 to index
        %swap3A_200 = arith.constant 16 : index
        %swap3A_201 = tpu.vector_load %arg20[%swap3A_199, %swap3A_200] {strides = array<i32>} : memref<64x128xf32, #tpu.memory_space<vmem>>, vector<1x16xf32>,
        %swap3A_202 = vector.shape_cast %swap3A_201 : vector<1x16xf32> to vector<16xf32>
        %swap3A_203 = vector.shape_cast %add3A_198 : vector<16xf32> to vector<1x16xf32>
        tpu.vector_store %arg20[%swap3A_199, %swap3A_200], %swap3A_203 {strides = array<i32>} : memref<64x128xf32, #tpu.memory_space<vmem>>, vector<1x16xf32>,
        %get3A_204 = arith.index_cast %scan3A_177 : i32 to index
        %get3A_205 = arith.constant 32 : index
        %get3A_206 = tpu.vector_load %arg17[%get3A_204, %get3A_205] {strides = array<i32>} : memref<64x128xf32, #tpu.memory_space<vmem>>, vector<1x16xf32>,
        %get3A_207 = vector.shape_cast %get3A_206 : vector<1x16xf32> to vector<16xf32>
        %get3A_208 = arith.index_cast %scan3A_177 : i32 to index
        %get3A_209 = arith.constant 32 : index
        %get3A_210 = tpu.vector_load %arg18[%get3A_208, %get3A_209] {strides = array<i32>} : memref<64x128xf32, #tpu.memory_space<vmem>>, vector<1x16xf32>,
        %get3A_211 = vector.shape_cast %get3A_210 : vector<1x16xf32> to vector<16xf32>
        %add3A_212 = arith.addf %get3A_207, %get3A_211 : vector<16xf32>
        %swap3A_213 = arith.index_cast %scan3A_177 : i32 to index
        %swap3A_214 = arith.constant 32 : index
        %swap3A_215 = tpu.vector_load %arg20[%swap3A_213, %swap3A_214] {strides = array<i32>} : memref<64x128xf32, #tpu.memory_space<vmem>>, vector<1x16xf32>,
        %swap3A_216 = vector.shape_cast %swap3A_215 : vector<1x16xf32> to vector<16xf32>
        %swap3A_217 = vector.shape_cast %add3A_212 : vector<16xf32> to vector<1x16xf32>
        tpu.vector_store %arg20[%swap3A_213, %swap3A_214], %swap3A_217 {strides = array<i32>} : memref<64x128xf32, #tpu.memory_space<vmem>>, vector<1x16xf32>,
        %get3A_218 = arith.index_cast %scan3A_177 : i32 to index
        %get3A_219 = arith.constant 48 : index
        %get3A_220 = tpu.vector_load %arg17[%get3A_218, %get3A_219] {strides = array<i32>} : memref<64x128xf32, #tpu.memory_space<vmem>>, vector<1x16xf32>,
        %get3A_221 = vector.shape_cast %get3A_220 : vector<1x16xf32> to vector<16xf32>
        %get3A_222 = arith.index_cast %scan3A_177 : i32 to index
        %get3A_223 = arith.constant 48 : index
        %get3A_224 = tpu.vector_load %arg18[%get3A_222, %get3A_223] {strides = array<i32>} : memref<64x128xf32, #tpu.memory_space<vmem>>, vector<1x16xf32>,
        %get3A_225 = vector.shape_cast %get3A_224 : vector<1x16xf32> to vector<16xf32>
        %add3A_226 = arith.addf %get3A_221, %get3A_225 : vector<16xf32>
        %swap3A_227 = arith.index_cast %scan3A_177 : i32 to index
        %swap3A_228 = arith.constant 48 : index
        %swap3A_229 = tpu.vector_load %arg20[%swap3A_227, %swap3A_228] {strides = array<i32>} : memref<64x128xf32, #tpu.memory_space<vmem>>, vector<1x16xf32>,
        %swap3A_230 = vector.shape_cast %swap3A_229 : vector<1x16xf32> to vector<16xf32>
        %swap3A_231 = vector.shape_cast %add3A_226 : vector<16xf32> to vector<1x16xf32>
        tpu.vector_store %arg20[%swap3A_227, %swap3A_228], %swap3A_231 {strides = array<i32>} : memref<64x128xf32, #tpu.memory_space<vmem>>, vector<1x16xf32>,
        %get3A_232 = arith.index_cast %scan3A_177 : i32 to index
        %get3A_233 = arith.constant 64 : index
        %get3A_234 = tpu.vector_load %arg17[%get3A_232, %get3A_233] {strides = array<i32>} : memref<64x128xf32, #tpu.memory_space<vmem>>, vector<1x16xf32>,
        %get3A_235 = vector.shape_cast %get3A_234 : vector<1x16xf32> to vector<16xf32>
        %get3A_236 = arith.index_cast %scan3A_177 : i32 to index
        %get3A_237 = arith.constant 64 : index
        %get3A_238 = tpu.vector_load %arg18[%get3A_236, %get3A_237] {strides = array<i32>} : memref<64x128xf32, #tpu.memory_space<vmem>>, vector<1x16xf32>,
        %get3A_239 = vector.shape_cast %get3A_238 : vector<1x16xf32> to vector<16xf32>
        %add3A_240 = arith.addf %get3A_235, %get3A_239 : vector<16xf32>
        %swap3A_241 = arith.index_cast %scan3A_177 : i32 to index
        %swap3A_242 = arith.constant 64 : index
        %swap3A_243 = tpu.vector_load %arg20[%swap3A_241, %swap3A_242] {strides = array<i32>} : memref<64x128xf32, #tpu.memory_space<vmem>>, vector<1x16xf32>,
        %swap3A_244 = vector.shape_cast %swap3A_243 : vector<1x16xf32> to vector<16xf32>
        %swap3A_245 = vector.shape_cast %add3A_240 : vector<16xf32> to vector<1x16xf32>
        tpu.vector_store %arg20[%swap3A_241, %swap3A_242], %swap3A_245 {strides = array<i32>} : memref<64x128xf32, #tpu.memory_space<vmem>>, vector<1x16xf32>,
        %get3A_246 = arith.index_cast %scan3A_177 : i32 to index
        %get3A_247 = arith.constant 80 : index
        %get3A_248 = tpu.vector_load %arg17[%get3A_246, %get3A_247] {strides = array<i32>} : memref<64x128xf32, #tpu.memory_space<vmem>>, vector<1x16xf32>,
        %get3A_249 = vector.shape_cast %get3A_248 : vector<1x16xf32> to vector<16xf32>
        %get3A_250 = arith.index_cast %scan3A_177 : i32 to index
        %get3A_251 = arith.constant 80 : index
        %get3A_252 = tpu.vector_load %arg18[%get3A_250, %get3A_251] {strides = array<i32>} : memref<64x128xf32, #tpu.memory_space<vmem>>, vector<1x16xf32>,
        %get3A_253 = vector.shape_cast %get3A_252 : vector<1x16xf32> to vector<16xf32>
        %add3A_254 = arith.addf %get3A_249, %get3A_253 : vector<16xf32>
        %swap3A_255 = arith.index_cast %scan3A_177 : i32 to index
        %swap3A_256 = arith.constant 80 : index
        %swap3A_257 = tpu.vector_load %arg20[%swap3A_255, %swap3A_256] {strides = array<i32>} : memref<64x128xf32, #tpu.memory_space<vmem>>, vector<1x16xf32>,
        %swap3A_258 = vector.shape_cast %swap3A_257 : vector<1x16xf32> to vector<16xf32>
        %swap3A_259 = vector.shape_cast %add3A_254 : vector<16xf32> to vector<1x16xf32>
        tpu.vector_store %arg20[%swap3A_255, %swap3A_256], %swap3A_259 {strides = array<i32>} : memref<64x128xf32, #tpu.memory_space<vmem>>, vector<1x16xf32>,
        %get3A_260 = arith.index_cast %scan3A_177 : i32 to index
        %get3A_261 = arith.constant 96 : index
        %get3A_262 = tpu.vector_load %arg17[%get3A_260, %get3A_261] {strides = array<i32>} : memref<64x128xf32, #tpu.memory_space<vmem>>, vector<1x16xf32>,
        %get3A_263 = vector.shape_cast %get3A_262 : vector<1x16xf32> to vector<16xf32>
        %get3A_264 = arith.index_cast %scan3A_177 : i32 to index
        %get3A_265 = arith.constant 96 : index
        %get3A_266 = tpu.vector_load %arg18[%get3A_264, %get3A_265] {strides = array<i32>} : memref<64x128xf32, #tpu.memory_space<vmem>>, vector<1x16xf32>,
        %get3A_267 = vector.shape_cast %get3A_266 : vector<1x16xf32> to vector<16xf32>
        %add3A_268 = arith.addf %get3A_263, %get3A_267 : vector<16xf32>
        %swap3A_269 = arith.index_cast %scan3A_177 : i32 to index
        %swap3A_270 = arith.constant 96 : index
        %swap3A_271 = tpu.vector_load %arg20[%swap3A_269, %swap3A_270] {strides = array<i32>} : memref<64x128xf32, #tpu.memory_space<vmem>>, vector<1x16xf32>,
        %swap3A_272 = vector.shape_cast %swap3A_271 : vector<1x16xf32> to vector<16xf32>
        %swap3A_273 = vector.shape_cast %add3A_268 : vector<16xf32> to vector<1x16xf32>
        tpu.vector_store %arg20[%swap3A_269, %swap3A_270], %swap3A_273 {strides = array<i32>} : memref<64x128xf32, #tpu.memory_space<vmem>>, vector<1x16xf32>,
        %get3A_274 = arith.index_cast %scan3A_177 : i32 to index
        %get3A_275 = arith.constant 112 : index
        %get3A_276 = tpu.vector_load %arg17[%get3A_274, %get3A_275] {strides = array<i32>} : memref<64x128xf32, #tpu.memory_space<vmem>>, vector<1x16xf32>,
        %get3A_277 = vector.shape_cast %get3A_276 : vector<1x16xf32> to vector<16xf32>
        %get3A_278 = arith.index_cast %scan3A_177 : i32 to index
        %get3A_279 = arith.constant 112 : index
        %get3A_280 = tpu.vector_load %arg18[%get3A_278, %get3A_279] {strides = array<i32>} : memref<64x128xf32, #tpu.memory_space<vmem>>, vector<1x16xf32>,
        %get3A_281 = vector.shape_cast %get3A_280 : vector<1x16xf32> to vector<16xf32>
        %add3A_282 = arith.addf %get3A_277, %get3A_281 : vector<16xf32>
        %swap3A_283 = arith.index_cast %scan3A_177 : i32 to index
        %swap3A_284 = arith.constant 112 : index
        %swap3A_285 = tpu.vector_load %arg20[%swap3A_283, %swap3A_284] {strides = array<i32>} : memref<64x128xf32, #tpu.memory_space<vmem>>, vector<1x16xf32>,
        %swap3A_286 = vector.shape_cast %swap3A_285 : vector<1x16xf32> to vector<16xf32>
        %swap3A_287 = vector.shape_cast %add3A_282 : vector<16xf32> to vector<1x16xf32>
        tpu.vector_store %arg20[%swap3A_283, %swap3A_284], %swap3A_287 {strides = array<i32>} : memref<64x128xf32, #tpu.memory_space<vmem>>, vector<1x16xf32>,
      }
      %scan3A_165 = arith.constant 64 : i32
      %mul3A_166 = arith.constant 64 : i32
      %mul3A_167 = arith.muli %add3A_129, %mul3A_166 : i32
      %add3A_168 = arith.addi %mul3A_2, %mul3A_167 : i32
      %dma_start3A_169 = arith.constant 0 : i32
      %dma_start3A_170 = tpu.memref_slice %arg8[%add3A_168, %dma_start3A_169] : memref<161792x128xf32, #tpu.memory_space<hbm>> -> memref<64x128xf32, #tpu.memory_space<hbm>>
      %dma_start3A_171 = arith.constant 0 : i32
      %dma_start3A_172 = tpu.memref_slice %arg8[%add3A_168, %dma_start3A_171] : memref<161792x128xf32, #tpu.memory_space<hbm>> -> memref<64x128xf32, #tpu.memory_space<hbm>>
      tpu.enqueue_dma source(%arg20 : memref<64x128xf32, #tpu.memory_space<vmem>>) target(%dma_start3A_172 : memref<64x128xf32, #tpu.memory_space<hbm>>) target_semaphore(%arg24 : memref<!tpu.dma_semaphore, #tpu.memory_space<semaphore_mem>>)
      %dma_start3A_173 = arith.constant 0 : i32
      %dma_start3A_174 = tpu.memref_slice %arg9[%add3A_168, %dma_start3A_173] : memref<161792x128xi32, #tpu.memory_space<hbm>> -> memref<64x128xi32, #tpu.memory_space<hbm>>
      %dma_start3A_175 = arith.constant 0 : i32
      %dma_start3A_176 = tpu.memref_slice %arg9[%add3A_168, %dma_start3A_175] : memref<161792x128xi32, #tpu.memory_space<hbm>> -> memref<64x128xi32, #tpu.memory_space<hbm>>
      tpu.enqueue_dma source(%arg19 : memref<64x128xi32, #tpu.memory_space<vmem>>) target(%dma_start3A_176 : memref<64x128xi32, #tpu.memory_space<hbm>>) target_semaphore(%arg24 : memref<!tpu.dma_semaphore, #tpu.memory_space<semaphore_mem>>)
    }
    %scan3A_27 = arith.constant 39 : i32
    %add3A_28 = arith.constant 4928 : i32
    %add3A_29 = arith.addi %mul3A_2, %add3A_28 : i32
    %dma_wait3A = arith.constant 0 : i32
    %dma_wait3A_30 = tpu.memref_slice %arg8[%add3A_29, %dma_wait3A] : memref<161792x128xf32, #tpu.memory_space<hbm>> -> memref<64x128xf32, #tpu.memory_space<hbm>>
    %dma_wait3A_31 = arith.constant 0 : i32
    %dma_wait3A_32 = tpu.memref_slice %arg8[%add3A_29, %dma_wait3A_31] : memref<161792x128xf32, #tpu.memory_space<hbm>> -> memref<64x128xf32, #tpu.memory_space<hbm>>
    tpu.wait_dma2 semaphore(%arg24 : memref<!tpu.dma_semaphore, #tpu.memory_space<semaphore_mem>>) src(%arg20 : memref<64x128xf32, #tpu.memory_space<vmem>>) dst(%dma_wait3A_32 : memref<64x128xf32, #tpu.memory_space<hbm>>)
    %dma_wait3A_33 = arith.constant 0 : i32
    %dma_wait3A_34 = tpu.memref_slice %arg9[%add3A_29, %dma_wait3A_33] : memref<161792x128xi32, #tpu.memory_space<hbm>> -> memref<64x128xi32, #tpu.memory_space<hbm>>
    %dma_wait3A_35 = arith.constant 0 : i32
    %dma_wait3A_36 = tpu.memref_slice %arg9[%add3A_29, %dma_wait3A_35] : memref<161792x128xi32, #tpu.memory_space<hbm>> -> memref<64x128xi32, #tpu.memory_space<hbm>>
    tpu.wait_dma2 semaphore(%arg24 : memref<!tpu.dma_semaphore, #tpu.memory_space<semaphore_mem>>) src(%arg19 : memref<64x128xi32, #tpu.memory_space<vmem>>) dst(%dma_wait3A_36 : memref<64x128xi32, #tpu.memory_space<hbm>>)
    %dma_wait3A_37 = arith.constant 4992 : i32
    %dma_wait3A_38 = tpu.memref_slice %arg10[%dma_wait3A_37] : memref<5056xi32, #tpu.memory_space<vmem>> -> memref<64xi32, #tpu.memory_space<vmem>>
    %dma_wait3A_39 = arith.constant 0 : i32
    %dma_wait3A_40 = arith.constant 0 : i32
    %dma_wait3A_41 = tpu.memref_slice %arg2[%dma_wait3A_39, %dma_wait3A_40] : memref<10112x128xf32, #tpu.memory_space<hbm>> -> memref<10112x128xf32, #tpu.memory_space<hbm>>
    tpu.wait_indirect_dma semaphore(%arg21 : memref<!tpu.dma_semaphore, #tpu.memory_space<semaphore_mem>>) src(%dma_wait3A_41 : memref<10112x128xf32, #tpu.memory_space<hbm>>) dst(%arg13 : memref<64x128xf32, #tpu.memory_space<vmem>>)
    %dma_wait3A_42 = arith.constant 4992 : i32
    %dma_wait3A_43 = tpu.memref_slice %arg11[%dma_wait3A_42] : memref<5056xi32, #tpu.memory_space<vmem>> -> memref<64xi32, #tpu.memory_space<vmem>>
    %dma_wait3A_44 = arith.constant 0 : i32
    %dma_wait3A_45 = arith.constant 0 : i32
    %dma_wait3A_46 = tpu.memref_slice %arg3[%dma_wait3A_44, %dma_wait3A_45] : memref<10112x128xf32, #tpu.memory_space<hbm>> -> memref<10112x128xf32, #tpu.memory_space<hbm>>
    tpu.wait_indirect_dma semaphore(%arg21 : memref<!tpu.dma_semaphore, #tpu.memory_space<semaphore_mem>>) src(%dma_wait3A_46 : memref<10112x128xf32, #tpu.memory_space<hbm>>) dst(%arg14 : memref<64x128xf32, #tpu.memory_space<vmem>>)
    %dma_wait3A_47 = arith.constant 4992 : i32
    %dma_wait3A_48 = tpu.memref_slice %arg12[%dma_wait3A_47] : memref<5056xi32, #tpu.memory_space<vmem>> -> memref<64xi32, #tpu.memory_space<vmem>>
    %dma_wait3A_49 = arith.constant 0 : i32
    %dma_wait3A_50 = arith.constant 0 : i32
    %dma_wait3A_51 = tpu.memref_slice %arg4[%dma_wait3A_49, %dma_wait3A_50] : memref<160000x128xi32, #tpu.memory_space<hbm>> -> memref<160000x128xi32, #tpu.memory_space<hbm>>
    tpu.wait_indirect_dma semaphore(%arg21 : memref<!tpu.dma_semaphore, #tpu.memory_space<semaphore_mem>>) src(%dma_wait3A_51 : memref<160000x128xi32, #tpu.memory_space<hbm>>) dst(%arg15 : memref<64x128xi32, #tpu.memory_space<vmem>>)
    %scan3A_52 = arith.constant 0 : i32
    %scan3A_53 = arith.constant 0 : i32
    %scan3A_54 = arith.constant 64 : i32
    %scan3A_55 = arith.addi %scan3A_53, %scan3A_54 : i32
    %scan3A_56 = arith.constant 1 : i32
    scf.for %scan3A_78 = %scan3A_53 to %scan3A_55 step %scan3A_56  : i32 {
      %get3A = arith.index_cast %scan3A_78 : i32 to index
      %get3A_79 = arith.constant 0 : index
      %get3A_80 = tpu.vector_load %arg13[%get3A, %get3A_79] {strides = array<i32>} : memref<64x128xf32, #tpu.memory_space<vmem>>, vector<1x16xf32>,
      %get3A_81 = vector.shape_cast %get3A_80 : vector<1x16xf32> to vector<16xf32>
      %get3A_82 = arith.index_cast %scan3A_78 : i32 to index
      %get3A_83 = arith.constant 0 : index
      %get3A_84 = tpu.vector_load %arg14[%get3A_82, %get3A_83] {strides = array<i32>} : memref<64x128xf32, #tpu.memory_space<vmem>>, vector<1x16xf32>,
      %get3A_85 = vector.shape_cast %get3A_84 : vector<1x16xf32> to vector<16xf32>
      %add3A_86 = arith.addf %get3A_81, %get3A_85 : vector<16xf32>
      %swap3A = arith.index_cast %scan3A_78 : i32 to index
      %swap3A_87 = arith.constant 0 : index
      %swap3A_88 = tpu.vector_load %arg16[%swap3A, %swap3A_87] {strides = array<i32>} : memref<64x128xf32, #tpu.memory_space<vmem>>, vector<1x16xf32>,
      %swap3A_89 = vector.shape_cast %swap3A_88 : vector<1x16xf32> to vector<16xf32>
      %swap3A_90 = vector.shape_cast %add3A_86 : vector<16xf32> to vector<1x16xf32>
      tpu.vector_store %arg16[%swap3A, %swap3A_87], %swap3A_90 {strides = array<i32>} : memref<64x128xf32, #tpu.memory_space<vmem>>, vector<1x16xf32>,
      %get3A_91 = arith.index_cast %scan3A_78 : i32 to index
      %get3A_92 = arith.constant 16 : index
      %get3A_93 = tpu.vector_load %arg13[%get3A_91, %get3A_92] {strides = array<i32>} : memref<64x128xf32, #tpu.memory_space<vmem>>, vector<1x16xf32>,
      %get3A_94 = vector.shape_cast %get3A_93 : vector<1x16xf32> to vector<16xf32>
      %get3A_95 = arith.index_cast %scan3A_78 : i32 to index
      %get3A_96 = arith.constant 16 : index
      %get3A_97 = tpu.vector_load %arg14[%get3A_95, %get3A_96] {strides = array<i32>} : memref<64x128xf32, #tpu.memory_space<vmem>>, vector<1x16xf32>,
      %get3A_98 = vector.shape_cast %get3A_97 : vector<1x16xf32> to vector<16xf32>
      %add3A_99 = arith.addf %get3A_94, %get3A_98 : vector<16xf32>
      %swap3A_100 = arith.index_cast %scan3A_78 : i32 to index
      %swap3A_101 = arith.constant 16 : index
      %swap3A_102 = tpu.vector_load %arg16[%swap3A_100, %swap3A_101] {strides = array<i32>} : memref<64x128xf32, #tpu.memory_space<vmem>>, vector<1x16xf32>,
      %swap3A_103 = vector.shape_cast %swap3A_102 : vector<1x16xf32> to vector<16xf32>
      %swap3A_104 = vector.shape_cast %add3A_99 : vector<16xf32> to vector<1x16xf32>
      tpu.vector_store %arg16[%swap3A_100, %swap3A_101], %swap3A_104 {strides = array<i32>} : memref<64x128xf32, #tpu.memory_space<vmem>>, vector<1x16xf32>,
      %get3A_105 = arith.index_cast %scan3A_78 : i32 to index
      %get3A_106 = arith.constant 32 : index
      %get3A_107 = tpu.vector_load %arg13[%get3A_105, %get3A_106] {strides = array<i32>} : memref<64x128xf32, #tpu.memory_space<vmem>>, vector<1x16xf32>,
      %get3A_108 = vector.shape_cast %get3A_107 : vector<1x16xf32> to vector<16xf32>
      %get3A_109 = arith.index_cast %scan3A_78 : i32 to index
      %get3A_110 = arith.constant 32 : index
      %get3A_111 = tpu.vector_load %arg14[%get3A_109, %get3A_110] {strides = array<i32>} : memref<64x128xf32, #tpu.memory_space<vmem>>, vector<1x16xf32>,
      %get3A_112 = vector.shape_cast %get3A_111 : vector<1x16xf32> to vector<16xf32>
      %add3A_113 = arith.addf %get3A_108, %get3A_112 : vector<16xf32>
      %swap3A_114 = arith.index_cast %scan3A_78 : i32 to index
      %swap3A_115 = arith.constant 32 : index
      %swap3A_116 = tpu.vector_load %arg16[%swap3A_114, %swap3A_115] {strides = array<i32>} : memref<64x128xf32, #tpu.memory_space<vmem>>, vector<1x16xf32>,
      %swap3A_117 = vector.shape_cast %swap3A_116 : vector<1x16xf32> to vector<16xf32>
      %swap3A_118 = vector.shape_cast %add3A_113 : vector<16xf32> to vector<1x16xf32>
      tpu.vector_store %arg16[%swap3A_114, %swap3A_115], %swap3A_118 {strides = array<i32>} : memref<64x128xf32, #tpu.memory_space<vmem>>, vector<1x16xf32>,
      %get3A_119 = arith.index_cast %scan3A_78 : i32 to index
      %get3A_120 = arith.constant 48 : index
      %get3A_121 = tpu.vector_load %arg13[%get3A_119, %get3A_120] {strides = array<i32>} : memref<64x128xf32, #tpu.memory_space<vmem>>, vector<1x16xf32>,
      %get3A_122 = vector.shape_cast %get3A_121 : vector<1x16xf32> to vector<16xf32>
      %get3A_123 = arith.index_cast %scan3A_78 : i32 to index
      %get3A_124 = arith.constant 48 : index
      %get3A_125 = tpu.vector_load %arg14[%get3A_123, %get3A_124] {strides = array<i32>} : memref<64x128xf32, #tpu.memory_space<vmem>>, vector<1x16xf32>,
      %get3A_126 = vector.shape_cast %get3A_125 : vector<1x16xf32> to vector<16xf32>
      %add3A_127 = arith.addf %get3A_122, %get3A_126 : vector<16xf32>
      %swap3A_128 = arith.index_cast %scan3A_78 : i32 to index
      %swap3A_129 = arith.constant 48 : index
      %swap3A_130 = tpu.vector_load %arg16[%swap3A_128, %swap3A_129] {strides = array<i32>} : memref<64x128xf32, #tpu.memory_space<vmem>>, vector<1x16xf32>,
      %swap3A_131 = vector.shape_cast %swap3A_130 : vector<1x16xf32> to vector<16xf32>
      %swap3A_132 = vector.shape_cast %add3A_127 : vector<16xf32> to vector<1x16xf32>
      tpu.vector_store %arg16[%swap3A_128, %swap3A_129], %swap3A_132 {strides = array<i32>} : memref<64x128xf32, #tpu.memory_space<vmem>>, vector<1x16xf32>,
      %get3A_133 = arith.index_cast %scan3A_78 : i32 to index
      %get3A_134 = arith.constant 64 : index
      %get3A_135 = tpu.vector_load %arg13[%get3A_133, %get3A_134] {strides = array<i32>} : memref<64x128xf32, #tpu.memory_space<vmem>>, vector<1x16xf32>,
      %get3A_136 = vector.shape_cast %get3A_135 : vector<1x16xf32> to vector<16xf32>
      %get3A_137 = arith.index_cast %scan3A_78 : i32 to index
      %get3A_138 = arith.constant 64 : index
      %get3A_139 = tpu.vector_load %arg14[%get3A_137, %get3A_138] {strides = array<i32>} : memref<64x128xf32, #tpu.memory_space<vmem>>, vector<1x16xf32>,
      %get3A_140 = vector.shape_cast %get3A_139 : vector<1x16xf32> to vector<16xf32>
      %add3A_141 = arith.addf %get3A_136, %get3A_140 : vector<16xf32>
      %swap3A_142 = arith.index_cast %scan3A_78 : i32 to index
      %swap3A_143 = arith.constant 64 : index
      %swap3A_144 = tpu.vector_load %arg16[%swap3A_142, %swap3A_143] {strides = array<i32>} : memref<64x128xf32, #tpu.memory_space<vmem>>, vector<1x16xf32>,
      %swap3A_145 = vector.shape_cast %swap3A_144 : vector<1x16xf32> to vector<16xf32>
      %swap3A_146 = vector.shape_cast %add3A_141 : vector<16xf32> to vector<1x16xf32>
      tpu.vector_store %arg16[%swap3A_142, %swap3A_143], %swap3A_146 {strides = array<i32>} : memref<64x128xf32, #tpu.memory_space<vmem>>, vector<1x16xf32>,
      %get3A_147 = arith.index_cast %scan3A_78 : i32 to index
      %get3A_148 = arith.constant 80 : index
      %get3A_149 = tpu.vector_load %arg13[%get3A_147, %get3A_148] {strides = array<i32>} : memref<64x128xf32, #tpu.memory_space<vmem>>, vector<1x16xf32>,
      %get3A_150 = vector.shape_cast %get3A_149 : vector<1x16xf32> to vector<16xf32>
      %get3A_151 = arith.index_cast %scan3A_78 : i32 to index
      %get3A_152 = arith.constant 80 : index
      %get3A_153 = tpu.vector_load %arg14[%get3A_151, %get3A_152] {strides = array<i32>} : memref<64x128xf32, #tpu.memory_space<vmem>>, vector<1x16xf32>,
      %get3A_154 = vector.shape_cast %get3A_153 : vector<1x16xf32> to vector<16xf32>
      %add3A_155 = arith.addf %get3A_150, %get3A_154 : vector<16xf32>
      %swap3A_156 = arith.index_cast %scan3A_78 : i32 to index
      %swap3A_157 = arith.constant 80 : index
      %swap3A_158 = tpu.vector_load %arg16[%swap3A_156, %swap3A_157] {strides = array<i32>} : memref<64x128xf32, #tpu.memory_space<vmem>>, vector<1x16xf32>,
      %swap3A_159 = vector.shape_cast %swap3A_158 : vector<1x16xf32> to vector<16xf32>
      %swap3A_160 = vector.shape_cast %add3A_155 : vector<16xf32> to vector<1x16xf32>
      tpu.vector_store %arg16[%swap3A_156, %swap3A_157], %swap3A_160 {strides = array<i32>} : memref<64x128xf32, #tpu.memory_space<vmem>>, vector<1x16xf32>,
      %get3A_161 = arith.index_cast %scan3A_78 : i32 to index
      %get3A_162 = arith.constant 96 : index
      %get3A_163 = tpu.vector_load %arg13[%get3A_161, %get3A_162] {strides = array<i32>} : memref<64x128xf32, #tpu.memory_space<vmem>>, vector<1x16xf32>,
      %get3A_164 = vector.shape_cast %get3A_163 : vector<1x16xf32> to vector<16xf32>
      %get3A_165 = arith.index_cast %scan3A_78 : i32 to index
      %get3A_166 = arith.constant 96 : index
      %get3A_167 = tpu.vector_load %arg14[%get3A_165, %get3A_166] {strides = array<i32>} : memref<64x128xf32, #tpu.memory_space<vmem>>, vector<1x16xf32>,
      %get3A_168 = vector.shape_cast %get3A_167 : vector<1x16xf32> to vector<16xf32>
      %add3A_169 = arith.addf %get3A_164, %get3A_168 : vector<16xf32>
      %swap3A_170 = arith.index_cast %scan3A_78 : i32 to index
      %swap3A_171 = arith.constant 96 : index
      %swap3A_172 = tpu.vector_load %arg16[%swap3A_170, %swap3A_171] {strides = array<i32>} : memref<64x128xf32, #tpu.memory_space<vmem>>, vector<1x16xf32>,
      %swap3A_173 = vector.shape_cast %swap3A_172 : vector<1x16xf32> to vector<16xf32>
      %swap3A_174 = vector.shape_cast %add3A_169 : vector<16xf32> to vector<1x16xf32>
      tpu.vector_store %arg16[%swap3A_170, %swap3A_171], %swap3A_174 {strides = array<i32>} : memref<64x128xf32, #tpu.memory_space<vmem>>, vector<1x16xf32>,
      %get3A_175 = arith.index_cast %scan3A_78 : i32 to index
      %get3A_176 = arith.constant 112 : index
      %get3A_177 = tpu.vector_load %arg13[%get3A_175, %get3A_176] {strides = array<i32>} : memref<64x128xf32, #tpu.memory_space<vmem>>, vector<1x16xf32>,
      %get3A_178 = vector.shape_cast %get3A_177 : vector<1x16xf32> to vector<16xf32>
      %get3A_179 = arith.index_cast %scan3A_78 : i32 to index
      %get3A_180 = arith.constant 112 : index
      %get3A_181 = tpu.vector_load %arg14[%get3A_179, %get3A_180] {strides = array<i32>} : memref<64x128xf32, #tpu.memory_space<vmem>>, vector<1x16xf32>,
      %get3A_182 = vector.shape_cast %get3A_181 : vector<1x16xf32> to vector<16xf32>
      %add3A_183 = arith.addf %get3A_178, %get3A_182 : vector<16xf32>
      %swap3A_184 = arith.index_cast %scan3A_78 : i32 to index
      %swap3A_185 = arith.constant 112 : index
      %swap3A_186 = tpu.vector_load %arg16[%swap3A_184, %swap3A_185] {strides = array<i32>} : memref<64x128xf32, #tpu.memory_space<vmem>>, vector<1x16xf32>,
      %swap3A_187 = vector.shape_cast %swap3A_186 : vector<1x16xf32> to vector<16xf32>
      %swap3A_188 = vector.shape_cast %add3A_183 : vector<16xf32> to vector<1x16xf32>
      tpu.vector_store %arg16[%swap3A_184, %swap3A_185], %swap3A_188 {strides = array<i32>} : memref<64x128xf32, #tpu.memory_space<vmem>>, vector<1x16xf32>,
    }
    %scan3A_57 = arith.constant 64 : i32
    %add3A_58 = arith.constant 4992 : i32
    %add3A_59 = arith.addi %mul3A_2, %add3A_58 : i32
    %dma_start3A_60 = arith.constant 0 : i32
    %dma_start3A_61 = tpu.memref_slice %arg8[%add3A_59, %dma_start3A_60] : memref<161792x128xf32, #tpu.memory_space<hbm>> -> memref<64x128xf32, #tpu.memory_space<hbm>>
    %dma_start3A_62 = arith.constant 0 : i32
    %dma_start3A_63 = tpu.memref_slice %arg8[%add3A_59, %dma_start3A_62] : memref<161792x128xf32, #tpu.memory_space<hbm>> -> memref<64x128xf32, #tpu.memory_space<hbm>>
    tpu.enqueue_dma source(%arg16 : memref<64x128xf32, #tpu.memory_space<vmem>>) target(%dma_start3A_63 : memref<64x128xf32, #tpu.memory_space<hbm>>) target_semaphore(%arg23 : memref<!tpu.dma_semaphore, #tpu.memory_space<semaphore_mem>>)
    %dma_start3A_64 = arith.constant 0 : i32
    %dma_start3A_65 = tpu.memref_slice %arg9[%add3A_59, %dma_start3A_64] : memref<161792x128xi32, #tpu.memory_space<hbm>> -> memref<64x128xi32, #tpu.memory_space<hbm>>
    %dma_start3A_66 = arith.constant 0 : i32
    %dma_start3A_67 = tpu.memref_slice %arg9[%add3A_59, %dma_start3A_66] : memref<161792x128xi32, #tpu.memory_space<hbm>> -> memref<64x128xi32, #tpu.memory_space<hbm>>
    tpu.enqueue_dma source(%arg15 : memref<64x128xi32, #tpu.memory_space<vmem>>) target(%dma_start3A_67 : memref<64x128xi32, #tpu.memory_space<hbm>>) target_semaphore(%arg23 : memref<!tpu.dma_semaphore, #tpu.memory_space<semaphore_mem>>)
    %add3A_68 = arith.constant 4992 : i32
    %add3A_69 = arith.addi %mul3A_2, %add3A_68 : i32
    %dma_wait3A_70 = arith.constant 0 : i32
    %dma_wait3A_71 = tpu.memref_slice %arg8[%add3A_69, %dma_wait3A_70] : memref<161792x128xf32, #tpu.memory_space<hbm>> -> memref<64x128xf32, #tpu.memory_space<hbm>>
    %dma_wait3A_72 = arith.constant 0 : i32
    %dma_wait3A_73 = tpu.memref_slice %arg8[%add3A_69, %dma_wait3A_72] : memref<161792x128xf32, #tpu.memory_space<hbm>> -> memref<64x128xf32, #tpu.memory_space<hbm>>
    tpu.wait_dma2 semaphore(%arg23 : memref<!tpu.dma_semaphore, #tpu.memory_space<semaphore_mem>>) src(%arg16 : memref<64x128xf32, #tpu.memory_space<vmem>>) dst(%dma_wait3A_73 : memref<64x128xf32, #tpu.memory_space<hbm>>)
    %dma_wait3A_74 = arith.constant 0 : i32
    %dma_wait3A_75 = tpu.memref_slice %arg9[%add3A_69, %dma_wait3A_74] : memref<161792x128xi32, #tpu.memory_space<hbm>> -> memref<64x128xi32, #tpu.memory_space<hbm>>
    %dma_wait3A_76 = arith.constant 0 : i32
    %dma_wait3A_77 = tpu.memref_slice %arg9[%add3A_69, %dma_wait3A_76] : memref<161792x128xi32, #tpu.memory_space<hbm>> -> memref<64x128xi32, #tpu.memory_space<hbm>>
    tpu.wait_dma2 semaphore(%arg23 : memref<!tpu.dma_semaphore, #tpu.memory_space<semaphore_mem>>) src(%arg15 : memref<64x128xi32, #tpu.memory_space<vmem>>) dst(%dma_wait3A_77 : memref<64x128xi32, #tpu.memory_space<hbm>>)
    return
  }
}

#map = affine_map<(d0, d1) -> (0, 0)>
#map1 = affine_map<(d0, d1) -> (0)>
module attributes {stable_mosaic.version = 14 : i64} {
  func.func @body(%arg0: i32, %arg1: i32, %arg2: memref<10112x128xf32, #tpu.memory_space<hbm>>, %arg3: memref<10112x128xf32, #tpu.memory_space<hbm>>, %arg4: memref<160000x128xi32, #tpu.memory_space<hbm>>, %arg5: memref<323584xi32, #tpu.memory_space<hbm>>, %arg6: memref<323584xi32, #tpu.memory_space<hbm>>, %arg7: memref<323584xi32, #tpu.memory_space<hbm>>, %arg8: memref<161792x128xf32, #tpu.memory_space<hbm>>, %arg9: memref<161792x128xi32, #tpu.memory_space<hbm>>, %arg10: memref<5056xi32, #tpu.memory_space<vmem>>, %arg11: memref<5056xi32, #tpu.memory_space<vmem>>, %arg12: memref<5056xi32, #tpu.memory_space<vmem>>, %arg13: memref<64x128xf32, #tpu.memory_space<vmem>>, %arg14: memref<64x128xf32, #tpu.memory_space<vmem>>, %arg15: memref<64x128xi32, #tpu.memory_space<vmem>>, %arg16: memref<64x128xf32, #tpu.memory_space<vmem>>, %arg17: memref<64x128xf32, #tpu.memory_space<vmem>>, %arg18: memref<64x128xf32, #tpu.memory_space<vmem>>, %arg19: memref<64x128xi32, #tpu.memory_space<vmem>>, %arg20: memref<64x128xf32, #tpu.memory_space<vmem>>, %arg21: memref<!tpu.dma_semaphore, #tpu.memory_space<semaphore_mem>>, %arg22: memref<!tpu.dma_semaphore, #tpu.memory_space<semaphore_mem>>, %arg23: memref<!tpu.dma_semaphore, #tpu.memory_space<semaphore_mem>>, %arg24: memref<!tpu.dma_semaphore, #tpu.memory_space<semaphore_mem>>) attributes {dimension_semantics = [#tpu.dimension_semantics<core_parallel>, #tpu.dimension_semantics<subcore_parallel>], iteration_bounds = array<i64: 2, 16>, scalar_prefetch = 0 : i64, scratch_operands = 15 : i64, tpu.core_type = #tpu.core_type<sc_vector_subcore>, window_params = [{transform_indices = #map}, {transform_indices = #map}, {transform_indices = #map}, {transform_indices = #map1}, {transform_indices = #map1}, {transform_indices = #map1}, {transform_indices = #map}, {transform_indices = #map}]} {
    %mul3A = arith.constant 2 : i32
    %mul3A_0 = arith.muli %arg1, %mul3A : i32
    %add3A = arith.addi %mul3A_0, %arg0 : i32
    %mul3A_1 = arith.constant 5056 : i32
    %mul3A_2 = arith.muli %add3A, %mul3A_1 : i32
    %add3A_3 = arith.constant 161792 : i32
    %add3A_4 = arith.addi %add3A_3, %mul3A_2 : i32
    "tpu.region"() ({
      %run_scoped3A = tpu.sem_alloc : memref<!tpu.dma_semaphore, #tpu.memory_space<semaphore_mem>>
      %dma_start3A_78 = tpu.memref_slice %arg5[%add3A_4] : memref<323584xi32, #tpu.memory_space<hbm>> -> memref<5056xi32, #tpu.memory_space<hbm>>
      %dma_start3A_79 = tpu.memref_slice %arg5[%add3A_4] : memref<323584xi32, #tpu.memory_space<hbm>> -> memref<5056xi32, #tpu.memory_space<hbm>>
      tpu.enqueue_dma source(%dma_start3A_79 : memref<5056xi32, #tpu.memory_space<hbm>>) target(%arg10 : memref<5056xi32, #tpu.memory_space<vmem>>) target_semaphore(%run_scoped3A : memref<!tpu.dma_semaphore, #tpu.memory_space<semaphore_mem>>)
      %dma_wait3A_80 = tpu.memref_slice %arg5[%add3A_4] : memref<323584xi32, #tpu.memory_space<hbm>> -> memref<5056xi32, #tpu.memory_space<hbm>>
      %dma_wait3A_81 = tpu.memref_slice %arg5[%add3A_4] : memref<323584xi32, #tpu.memory_space<hbm>> -> memref<5056xi32, #tpu.memory_space<hbm>>
      tpu.wait_dma2 semaphore(%run_scoped3A : memref<!tpu.dma_semaphore, #tpu.memory_space<semaphore_mem>>) src(%dma_wait3A_81 : memref<5056xi32, #tpu.memory_space<hbm>>) dst(%arg10 : memref<5056xi32, #tpu.memory_space<vmem>>)
      tpu.yield
    }) : () -> ()
    %add3A_5 = arith.constant 161792 : i32
    %add3A_6 = arith.addi %add3A_5, %mul3A_2 : i32
    "tpu.region"() ({
      %run_scoped3A = tpu.sem_alloc : memref<!tpu.dma_semaphore, #tpu.memory_space<semaphore_mem>>
      %dma_start3A_78 = tpu.memref_slice %arg6[%add3A_6] : memref<323584xi32, #tpu.memory_space<hbm>> -> memref<5056xi32, #tpu.memory_space<hbm>>
      %dma_start3A_79 = tpu.memref_slice %arg6[%add3A_6] : memref<323584xi32, #tpu.memory_space<hbm>> -> memref<5056xi32, #tpu.memory_space<hbm>>
      tpu.enqueue_dma source(%dma_start3A_79 : memref<5056xi32, #tpu.memory_space<hbm>>) target(%arg11 : memref<5056xi32, #tpu.memory_space<vmem>>) target_semaphore(%run_scoped3A : memref<!tpu.dma_semaphore, #tpu.memory_space<semaphore_mem>>)
      %dma_wait3A_80 = tpu.memref_slice %arg6[%add3A_6] : memref<323584xi32, #tpu.memory_space<hbm>> -> memref<5056xi32, #tpu.memory_space<hbm>>
      %dma_wait3A_81 = tpu.memref_slice %arg6[%add3A_6] : memref<323584xi32, #tpu.memory_space<hbm>> -> memref<5056xi32, #tpu.memory_space<hbm>>
      tpu.wait_dma2 semaphore(%run_scoped3A : memref<!tpu.dma_semaphore, #tpu.memory_space<semaphore_mem>>) src(%dma_wait3A_81 : memref<5056xi32, #tpu.memory_space<hbm>>) dst(%arg11 : memref<5056xi32, #tpu.memory_space<vmem>>)
      tpu.yield
    }) : () -> ()
    %add3A_7 = arith.constant 161792 : i32
    %add3A_8 = arith.addi %add3A_7, %mul3A_2 : i32
    "tpu.region"() ({
      %run_scoped3A = tpu.sem_alloc : memref<!tpu.dma_semaphore, #tpu.memory_space<semaphore_mem>>
      %dma_start3A_78 = tpu.memref_slice %arg7[%add3A_8] : memref<323584xi32, #tpu.memory_space<hbm>> -> memref<5056xi32, #tpu.memory_space<hbm>>
      %dma_start3A_79 = tpu.memref_slice %arg7[%add3A_8] : memref<323584xi32, #tpu.memory_space<hbm>> -> memref<5056xi32, #tpu.memory_space<hbm>>
      tpu.enqueue_dma source(%dma_start3A_79 : memref<5056xi32, #tpu.memory_space<hbm>>) target(%arg12 : memref<5056xi32, #tpu.memory_space<vmem>>) target_semaphore(%run_scoped3A : memref<!tpu.dma_semaphore, #tpu.memory_space<semaphore_mem>>)
      %dma_wait3A_80 = tpu.memref_slice %arg7[%add3A_8] : memref<323584xi32, #tpu.memory_space<hbm>> -> memref<5056xi32, #tpu.memory_space<hbm>>
      %dma_wait3A_81 = tpu.memref_slice %arg7[%add3A_8] : memref<323584xi32, #tpu.memory_space<hbm>> -> memref<5056xi32, #tpu.memory_space<hbm>>
      tpu.wait_dma2 semaphore(%run_scoped3A : memref<!tpu.dma_semaphore, #tpu.memory_space<semaphore_mem>>) src(%dma_wait3A_81 : memref<5056xi32, #tpu.memory_space<hbm>>) dst(%arg12 : memref<5056xi32, #tpu.memory_space<vmem>>)
      tpu.yield
    }) : () -> ()
    %dma_start3A = arith.constant 0 : i32
    %dma_start3A_9 = tpu.memref_slice %arg10[%dma_start3A] : memref<5056xi32, #tpu.memory_space<vmem>> -> memref<64xi32, #tpu.memory_space<vmem>>
    %dma_start3A_10 = arith.constant 0 : i32
    %dma_start3A_11 = arith.constant 0 : i32
    %dma_start3A_12 = tpu.memref_slice %arg2[%dma_start3A_10, %dma_start3A_11] : memref<10112x128xf32, #tpu.memory_space<hbm>> -> memref<10112x128xf32, #tpu.memory_space<hbm>>
    tpu.enqueue_indirect_dma source(%dma_start3A_12 : memref<10112x128xf32, #tpu.memory_space<hbm>>) target(%arg13 : memref<64x128xf32, #tpu.memory_space<vmem>>) offsets(%dma_start3A_9 : memref<64xi32, #tpu.memory_space<vmem>>) semaphore(%arg21 : memref<!tpu.dma_semaphore, #tpu.memory_space<semaphore_mem>>)
    %dma_start3A_13 = arith.constant 0 : i32
    %dma_start3A_14 = tpu.memref_slice %arg11[%dma_start3A_13] : memref<5056xi32, #tpu.memory_space<vmem>> -> memref<64xi32, #tpu.memory_space<vmem>>
    %dma_start3A_15 = arith.constant 0 : i32
    %dma_start3A_16 = arith.constant 0 : i32
    %dma_start3A_17 = tpu.memref_slice %arg3[%dma_start3A_15, %dma_start3A_16] : memref<10112x128xf32, #tpu.memory_space<hbm>> -> memref<10112x128xf32, #tpu.memory_space<hbm>>
    tpu.enqueue_indirect_dma source(%dma_start3A_17 : memref<10112x128xf32, #tpu.memory_space<hbm>>) target(%arg14 : memref<64x128xf32, #tpu.memory_space<vmem>>) offsets(%dma_start3A_14 : memref<64xi32, #tpu.memory_space<vmem>>) semaphore(%arg21 : memref<!tpu.dma_semaphore, #tpu.memory_space<semaphore_mem>>)
    %dma_start3A_18 = arith.constant 0 : i32
    %dma_start3A_19 = tpu.memref_slice %arg12[%dma_start3A_18] : memref<5056xi32, #tpu.memory_space<vmem>> -> memref<64xi32, #tpu.memory_space<vmem>>
    %dma_start3A_20 = arith.constant 0 : i32
    %dma_start3A_21 = arith.constant 0 : i32
    %dma_start3A_22 = tpu.memref_slice %arg4[%dma_start3A_20, %dma_start3A_21] : memref<160000x128xi32, #tpu.memory_space<hbm>> -> memref<160000x128xi32, #tpu.memory_space<hbm>>
    tpu.enqueue_indirect_dma source(%dma_start3A_22 : memref<160000x128xi32, #tpu.memory_space<hbm>>) target(%arg15 : memref<64x128xi32, #tpu.memory_space<vmem>>) offsets(%dma_start3A_19 : memref<64xi32, #tpu.memory_space<vmem>>) semaphore(%arg21 : memref<!tpu.dma_semaphore, #tpu.memory_space<semaphore_mem>>)
    %scan3A = arith.constant 0 : i32
    %scan3A_23 = arith.constant 0 : i32
    %scan3A_24 = arith.constant 39 : i32
    %scan3A_25 = arith.addi %scan3A_23, %scan3A_24 : i32
    %scan3A_26 = arith.constant 1 : i32
    scf.for %scan3A_78 = %scan3A_23 to %scan3A_25 step %scan3A_26  : i32 {
      %mul3A_79 = arith.constant 2 : i32
      %mul3A_80 = arith.muli %mul3A_79, %scan3A_78 : i32
      %add3A_81 = arith.constant 0 : i32
      %add3A_82 = arith.addi %mul3A_80, %add3A_81 : i32
      %ge3A = arith.constant 1 : i32
      %ge3A_83 = arith.cmpi sge, %add3A_82, %ge3A : i32
      %convert_element_type3A = arith.extui %ge3A_83 : i1 to i32
      %cond3A = arith.constant 0 : i32
      %cond3A_84 = arith.cmpi ne, %convert_element_type3A, %cond3A : i32
      scf.if %cond3A_84 {
        %sub3A = arith.constant 1 : i32
        %sub3A_177 = arith.subi %add3A_82, %sub3A : i32
        %mul3A_178 = arith.constant 64 : i32
        %mul3A_179 = arith.muli %sub3A_177, %mul3A_178 : i32
        %add3A_180 = arith.addi %mul3A_2, %mul3A_179 : i32
        %dma_wait3A_181 = arith.constant 0 : i32
        %dma_wait3A_182 = tpu.memref_slice %arg8[%add3A_180, %dma_wait3A_181] : memref<161792x128xf32, #tpu.memory_space<hbm>> -> memref<64x128xf32, #tpu.memory_space<hbm>>
        %dma_wait3A_183 = arith.constant 0 : i32
        %dma_wait3A_184 = tpu.memref_slice %arg8[%add3A_180, %dma_wait3A_183] : memref<161792x128xf32, #tpu.memory_space<hbm>> -> memref<64x128xf32, #tpu.memory_space<hbm>>
        tpu.wait_dma2 semaphore(%arg24 : memref<!tpu.dma_semaphore, #tpu.memory_space<semaphore_mem>>) src(%arg20 : memref<64x128xf32, #tpu.memory_space<vmem>>) dst(%dma_wait3A_184 : memref<64x128xf32, #tpu.memory_space<hbm>>)
        %dma_wait3A_185 = arith.constant 0 : i32
        %dma_wait3A_186 = tpu.memref_slice %arg9[%add3A_180, %dma_wait3A_185] : memref<161792x128xi32, #tpu.memory_space<hbm>> -> memref<64x128xi32, #tpu.memory_space<hbm>>
        %dma_wait3A_187 = arith.constant 0 : i32
        %dma_wait3A_188 = tpu.memref_slice %arg9[%add3A_180, %dma_wait3A_187] : memref<161792x128xi32, #tpu.memory_space<hbm>> -> memref<64x128xi32, #tpu.memory_space<hbm>>
        tpu.wait_dma2 semaphore(%arg24 : memref<!tpu.dma_semaphore, #tpu.memory_space<semaphore_mem>>) src(%arg19 : memref<64x128xi32, #tpu.memory_space<vmem>>) dst(%dma_wait3A_188 : memref<64x128xi32, #tpu.memory_space<hbm>>)
      } else {
      }
      %add3A_85 = arith.constant 1 : i32
      %add3A_86 = arith.addi %add3A_82, %add3A_85 : i32
      %lt3A = arith.constant 79 : i32
      %lt3A_87 = arith.cmpi slt, %add3A_86, %lt3A : i32
      %convert_element_type3A_88 = arith.extui %lt3A_87 : i1 to i32
      %cond3A_89 = arith.constant 0 : i32
      %cond3A_90 = arith.cmpi ne, %convert_element_type3A_88, %cond3A_89 : i32
      scf.if %cond3A_90 {
        %add3A_177 = arith.constant 1 : i32
        %add3A_178 = arith.addi %add3A_82, %add3A_177 : i32
        %mul3A_179 = arith.constant 64 : i32
        %mul3A_180 = arith.muli %add3A_178, %mul3A_179 : i32
        %dma_start3A_181 = tpu.memref_slice %arg10[%mul3A_180] : memref<5056xi32, #tpu.memory_space<vmem>> -> memref<64xi32, #tpu.memory_space<vmem>>
        %dma_start3A_182 = arith.constant 0 : i32
        %dma_start3A_183 = arith.constant 0 : i32
        %dma_start3A_184 = tpu.memref_slice %arg2[%dma_start3A_182, %dma_start3A_183] : memref<10112x128xf32, #tpu.memory_space<hbm>> -> memref<10112x128xf32, #tpu.memory_space<hbm>>
        tpu.enqueue_indirect_dma source(%dma_start3A_184 : memref<10112x128xf32, #tpu.memory_space<hbm>>) target(%arg17 : memref<64x128xf32, #tpu.memory_space<vmem>>) offsets(%dma_start3A_181 : memref<64xi32, #tpu.memory_space<vmem>>) semaphore(%arg22 : memref<!tpu.dma_semaphore, #tpu.memory_space<semaphore_mem>>)
        %mul3A_185 = arith.constant 64 : i32
        %mul3A_186 = arith.muli %add3A_178, %mul3A_185 : i32
        %dma_start3A_187 = tpu.memref_slice %arg11[%mul3A_186] : memref<5056xi32, #tpu.memory_space<vmem>> -> memref<64xi32, #tpu.memory_space<vmem>>
        %dma_start3A_188 = arith.constant 0 : i32
        %dma_start3A_189 = arith.constant 0 : i32
        %dma_start3A_190 = tpu.memref_slice %arg3[%dma_start3A_188, %dma_start3A_189] : memref<10112x128xf32, #tpu.memory_space<hbm>> -> memref<10112x128xf32, #tpu.memory_space<hbm>>
        tpu.enqueue_indirect_dma source(%dma_start3A_190 : memref<10112x128xf32, #tpu.memory_space<hbm>>) target(%arg18 : memref<64x128xf32, #tpu.memory_space<vmem>>) offsets(%dma_start3A_187 : memref<64xi32, #tpu.memory_space<vmem>>) semaphore(%arg22 : memref<!tpu.dma_semaphore, #tpu.memory_space<semaphore_mem>>)
        %mul3A_191 = arith.constant 64 : i32
        %mul3A_192 = arith.muli %add3A_178, %mul3A_191 : i32
        %dma_start3A_193 = tpu.memref_slice %arg12[%mul3A_192] : memref<5056xi32, #tpu.memory_space<vmem>> -> memref<64xi32, #tpu.memory_space<vmem>>
        %dma_start3A_194 = arith.constant 0 : i32
        %dma_start3A_195 = arith.constant 0 : i32
        %dma_start3A_196 = tpu.memref_slice %arg4[%dma_start3A_194, %dma_start3A_195] : memref<160000x128xi32, #tpu.memory_space<hbm>> -> memref<160000x128xi32, #tpu.memory_space<hbm>>
        tpu.enqueue_indirect_dma source(%dma_start3A_196 : memref<160000x128xi32, #tpu.memory_space<hbm>>) target(%arg19 : memref<64x128xi32, #tpu.memory_space<vmem>>) offsets(%dma_start3A_193 : memref<64xi32, #tpu.memory_space<vmem>>) semaphore(%arg22 : memref<!tpu.dma_semaphore, #tpu.memory_space<semaphore_mem>>)
      } else {
      }
      %mul3A_91 = arith.constant 64 : i32
      %mul3A_92 = arith.muli %add3A_82, %mul3A_91 : i32
      %dma_wait3A_93 = tpu.memref_slice %arg10[%mul3A_92] : memref<5056xi32, #tpu.memory_space<vmem>> -> memref<64xi32, #tpu.memory_space<vmem>>
      %dma_wait3A_94 = arith.constant 0 : i32
      %dma_wait3A_95 = arith.constant 0 : i32
      %dma_wait3A_96 = tpu.memref_slice %arg2[%dma_wait3A_94, %dma_wait3A_95] : memref<10112x128xf32, #tpu.memory_space<hbm>> -> memref<10112x128xf32, #tpu.memory_space<hbm>>
      tpu.wait_indirect_dma semaphore(%arg21 : memref<!tpu.dma_semaphore, #tpu.memory_space<semaphore_mem>>) src(%dma_wait3A_96 : memref<10112x128xf32, #tpu.memory_space<hbm>>) dst(%arg13 : memref<64x128xf32, #tpu.memory_space<vmem>>)
      %mul3A_97 = arith.constant 64 : i32
      %mul3A_98 = arith.muli %add3A_82, %mul3A_97 : i32
      %dma_wait3A_99 = tpu.memref_slice %arg11[%mul3A_98] : memref<5056xi32, #tpu.memory_space<vmem>> -> memref<64xi32, #tpu.memory_space<vmem>>
      %dma_wait3A_100 = arith.constant 0 : i32
      %dma_wait3A_101 = arith.constant 0 : i32
      %dma_wait3A_102 = tpu.memref_slice %arg3[%dma_wait3A_100, %dma_wait3A_101] : memref<10112x128xf32, #tpu.memory_space<hbm>> -> memref<10112x128xf32, #tpu.memory_space<hbm>>
      tpu.wait_indirect_dma semaphore(%arg21 : memref<!tpu.dma_semaphore, #tpu.memory_space<semaphore_mem>>) src(%dma_wait3A_102 : memref<10112x128xf32, #tpu.memory_space<hbm>>) dst(%arg14 : memref<64x128xf32, #tpu.memory_space<vmem>>)
      %mul3A_103 = arith.constant 64 : i32
      %mul3A_104 = arith.muli %add3A_82, %mul3A_103 : i32
      %dma_wait3A_105 = tpu.memref_slice %arg12[%mul3A_104] : memref<5056xi32, #tpu.memory_space<vmem>> -> memref<64xi32, #tpu.memory_space<vmem>>
      %dma_wait3A_106 = arith.constant 0 : i32
      %dma_wait3A_107 = arith.constant 0 : i32
      %dma_wait3A_108 = tpu.memref_slice %arg4[%dma_wait3A_106, %dma_wait3A_107] : memref<160000x128xi32, #tpu.memory_space<hbm>> -> memref<160000x128xi32, #tpu.memory_space<hbm>>
      tpu.wait_indirect_dma semaphore(%arg21 : memref<!tpu.dma_semaphore, #tpu.memory_space<semaphore_mem>>) src(%dma_wait3A_108 : memref<160000x128xi32, #tpu.memory_space<hbm>>) dst(%arg15 : memref<64x128xi32, #tpu.memory_space<vmem>>)
      %scan3A_109 = arith.constant 0 : i32
      %scan3A_110 = arith.constant 0 : i32
      %scan3A_111 = arith.constant 64 : i32
      %scan3A_112 = arith.addi %scan3A_110, %scan3A_111 : i32
      %scan3A_113 = arith.constant 1 : i32
      scf.for %scan3A_177 = %scan3A_110 to %scan3A_112 step %scan3A_113  : i32 {
        %get3A = arith.index_cast %scan3A_177 : i32 to index
        %get3A_178 = arith.constant 0 : index
        %get3A_179 = tpu.vector_load %arg13[%get3A, %get3A_178] {strides = array<i32>} : memref<64x128xf32, #tpu.memory_space<vmem>>, vector<1x16xf32>,
        %get3A_180 = vector.shape_cast %get3A_179 : vector<1x16xf32> to vector<16xf32>
        %get3A_181 = arith.index_cast %scan3A_177 : i32 to index
        %get3A_182 = arith.constant 0 : index
        %get3A_183 = tpu.vector_load %arg14[%get3A_181, %get3A_182] {strides = array<i32>} : memref<64x128xf32, #tpu.memory_space<vmem>>, vector<1x16xf32>,
        %get3A_184 = vector.shape_cast %get3A_183 : vector<1x16xf32> to vector<16xf32>
        %add3A_185 = arith.addf %get3A_180, %get3A_184 : vector<16xf32>
        %swap3A = arith.index_cast %scan3A_177 : i32 to index
        %swap3A_186 = arith.constant 0 : index
        %swap3A_187 = tpu.vector_load %arg16[%swap3A, %swap3A_186] {strides = array<i32>} : memref<64x128xf32, #tpu.memory_space<vmem>>, vector<1x16xf32>,
        %swap3A_188 = vector.shape_cast %swap3A_187 : vector<1x16xf32> to vector<16xf32>
        %swap3A_189 = vector.shape_cast %add3A_185 : vector<16xf32> to vector<1x16xf32>
        tpu.vector_store %arg16[%swap3A, %swap3A_186], %swap3A_189 {strides = array<i32>} : memref<64x128xf32, #tpu.memory_space<vmem>>, vector<1x16xf32>,
        %get3A_190 = arith.index_cast %scan3A_177 : i32 to index
        %get3A_191 = arith.constant 16 : index
        %get3A_192 = tpu.vector_load %arg13[%get3A_190, %get3A_191] {strides = array<i32>} : memref<64x128xf32, #tpu.memory_space<vmem>>, vector<1x16xf32>,
        %get3A_193 = vector.shape_cast %get3A_192 : vector<1x16xf32> to vector<16xf32>
        %get3A_194 = arith.index_cast %scan3A_177 : i32 to index
        %get3A_195 = arith.constant 16 : index
        %get3A_196 = tpu.vector_load %arg14[%get3A_194, %get3A_195] {strides = array<i32>} : memref<64x128xf32, #tpu.memory_space<vmem>>, vector<1x16xf32>,
        %get3A_197 = vector.shape_cast %get3A_196 : vector<1x16xf32> to vector<16xf32>
        %add3A_198 = arith.addf %get3A_193, %get3A_197 : vector<16xf32>
        %swap3A_199 = arith.index_cast %scan3A_177 : i32 to index
        %swap3A_200 = arith.constant 16 : index
        %swap3A_201 = tpu.vector_load %arg16[%swap3A_199, %swap3A_200] {strides = array<i32>} : memref<64x128xf32, #tpu.memory_space<vmem>>, vector<1x16xf32>,
        %swap3A_202 = vector.shape_cast %swap3A_201 : vector<1x16xf32> to vector<16xf32>
        %swap3A_203 = vector.shape_cast %add3A_198 : vector<16xf32> to vector<1x16xf32>
        tpu.vector_store %arg16[%swap3A_199, %swap3A_200], %swap3A_203 {strides = array<i32>} : memref<64x128xf32, #tpu.memory_space<vmem>>, vector<1x16xf32>,
        %get3A_204 = arith.index_cast %scan3A_177 : i32 to index
        %get3A_205 = arith.constant 32 : index
        %get3A_206 = tpu.vector_load %arg13[%get3A_204, %get3A_205] {strides = array<i32>} : memref<64x128xf32, #tpu.memory_space<vmem>>, vector<1x16xf32>,
        %get3A_207 = vector.shape_cast %get3A_206 : vector<1x16xf32> to vector<16xf32>
        %get3A_208 = arith.index_cast %scan3A_177 : i32 to index
        %get3A_209 = arith.constant 32 : index
        %get3A_210 = tpu.vector_load %arg14[%get3A_208, %get3A_209] {strides = array<i32>} : memref<64x128xf32, #tpu.memory_space<vmem>>, vector<1x16xf32>,
        %get3A_211 = vector.shape_cast %get3A_210 : vector<1x16xf32> to vector<16xf32>
        %add3A_212 = arith.addf %get3A_207, %get3A_211 : vector<16xf32>
        %swap3A_213 = arith.index_cast %scan3A_177 : i32 to index
        %swap3A_214 = arith.constant 32 : index
        %swap3A_215 = tpu.vector_load %arg16[%swap3A_213, %swap3A_214] {strides = array<i32>} : memref<64x128xf32, #tpu.memory_space<vmem>>, vector<1x16xf32>,
        %swap3A_216 = vector.shape_cast %swap3A_215 : vector<1x16xf32> to vector<16xf32>
        %swap3A_217 = vector.shape_cast %add3A_212 : vector<16xf32> to vector<1x16xf32>
        tpu.vector_store %arg16[%swap3A_213, %swap3A_214], %swap3A_217 {strides = array<i32>} : memref<64x128xf32, #tpu.memory_space<vmem>>, vector<1x16xf32>,
        %get3A_218 = arith.index_cast %scan3A_177 : i32 to index
        %get3A_219 = arith.constant 48 : index
        %get3A_220 = tpu.vector_load %arg13[%get3A_218, %get3A_219] {strides = array<i32>} : memref<64x128xf32, #tpu.memory_space<vmem>>, vector<1x16xf32>,
        %get3A_221 = vector.shape_cast %get3A_220 : vector<1x16xf32> to vector<16xf32>
        %get3A_222 = arith.index_cast %scan3A_177 : i32 to index
        %get3A_223 = arith.constant 48 : index
        %get3A_224 = tpu.vector_load %arg14[%get3A_222, %get3A_223] {strides = array<i32>} : memref<64x128xf32, #tpu.memory_space<vmem>>, vector<1x16xf32>,
        %get3A_225 = vector.shape_cast %get3A_224 : vector<1x16xf32> to vector<16xf32>
        %add3A_226 = arith.addf %get3A_221, %get3A_225 : vector<16xf32>
        %swap3A_227 = arith.index_cast %scan3A_177 : i32 to index
        %swap3A_228 = arith.constant 48 : index
        %swap3A_229 = tpu.vector_load %arg16[%swap3A_227, %swap3A_228] {strides = array<i32>} : memref<64x128xf32, #tpu.memory_space<vmem>>, vector<1x16xf32>,
        %swap3A_230 = vector.shape_cast %swap3A_229 : vector<1x16xf32> to vector<16xf32>
        %swap3A_231 = vector.shape_cast %add3A_226 : vector<16xf32> to vector<1x16xf32>
        tpu.vector_store %arg16[%swap3A_227, %swap3A_228], %swap3A_231 {strides = array<i32>} : memref<64x128xf32, #tpu.memory_space<vmem>>, vector<1x16xf32>,
        %get3A_232 = arith.index_cast %scan3A_177 : i32 to index
        %get3A_233 = arith.constant 64 : index
        %get3A_234 = tpu.vector_load %arg13[%get3A_232, %get3A_233] {strides = array<i32>} : memref<64x128xf32, #tpu.memory_space<vmem>>, vector<1x16xf32>,
        %get3A_235 = vector.shape_cast %get3A_234 : vector<1x16xf32> to vector<16xf32>
        %get3A_236 = arith.index_cast %scan3A_177 : i32 to index
        %get3A_237 = arith.constant 64 : index
        %get3A_238 = tpu.vector_load %arg14[%get3A_236, %get3A_237] {strides = array<i32>} : memref<64x128xf32, #tpu.memory_space<vmem>>, vector<1x16xf32>,
        %get3A_239 = vector.shape_cast %get3A_238 : vector<1x16xf32> to vector<16xf32>
        %add3A_240 = arith.addf %get3A_235, %get3A_239 : vector<16xf32>
        %swap3A_241 = arith.index_cast %scan3A_177 : i32 to index
        %swap3A_242 = arith.constant 64 : index
        %swap3A_243 = tpu.vector_load %arg16[%swap3A_241, %swap3A_242] {strides = array<i32>} : memref<64x128xf32, #tpu.memory_space<vmem>>, vector<1x16xf32>,
        %swap3A_244 = vector.shape_cast %swap3A_243 : vector<1x16xf32> to vector<16xf32>
        %swap3A_245 = vector.shape_cast %add3A_240 : vector<16xf32> to vector<1x16xf32>
        tpu.vector_store %arg16[%swap3A_241, %swap3A_242], %swap3A_245 {strides = array<i32>} : memref<64x128xf32, #tpu.memory_space<vmem>>, vector<1x16xf32>,
        %get3A_246 = arith.index_cast %scan3A_177 : i32 to index
        %get3A_247 = arith.constant 80 : index
        %get3A_248 = tpu.vector_load %arg13[%get3A_246, %get3A_247] {strides = array<i32>} : memref<64x128xf32, #tpu.memory_space<vmem>>, vector<1x16xf32>,
        %get3A_249 = vector.shape_cast %get3A_248 : vector<1x16xf32> to vector<16xf32>
        %get3A_250 = arith.index_cast %scan3A_177 : i32 to index
        %get3A_251 = arith.constant 80 : index
        %get3A_252 = tpu.vector_load %arg14[%get3A_250, %get3A_251] {strides = array<i32>} : memref<64x128xf32, #tpu.memory_space<vmem>>, vector<1x16xf32>,
        %get3A_253 = vector.shape_cast %get3A_252 : vector<1x16xf32> to vector<16xf32>
        %add3A_254 = arith.addf %get3A_249, %get3A_253 : vector<16xf32>
        %swap3A_255 = arith.index_cast %scan3A_177 : i32 to index
        %swap3A_256 = arith.constant 80 : index
        %swap3A_257 = tpu.vector_load %arg16[%swap3A_255, %swap3A_256] {strides = array<i32>} : memref<64x128xf32, #tpu.memory_space<vmem>>, vector<1x16xf32>,
        %swap3A_258 = vector.shape_cast %swap3A_257 : vector<1x16xf32> to vector<16xf32>
        %swap3A_259 = vector.shape_cast %add3A_254 : vector<16xf32> to vector<1x16xf32>
        tpu.vector_store %arg16[%swap3A_255, %swap3A_256], %swap3A_259 {strides = array<i32>} : memref<64x128xf32, #tpu.memory_space<vmem>>, vector<1x16xf32>,
        %get3A_260 = arith.index_cast %scan3A_177 : i32 to index
        %get3A_261 = arith.constant 96 : index
        %get3A_262 = tpu.vector_load %arg13[%get3A_260, %get3A_261] {strides = array<i32>} : memref<64x128xf32, #tpu.memory_space<vmem>>, vector<1x16xf32>,
        %get3A_263 = vector.shape_cast %get3A_262 : vector<1x16xf32> to vector<16xf32>
        %get3A_264 = arith.index_cast %scan3A_177 : i32 to index
        %get3A_265 = arith.constant 96 : index
        %get3A_266 = tpu.vector_load %arg14[%get3A_264, %get3A_265] {strides = array<i32>} : memref<64x128xf32, #tpu.memory_space<vmem>>, vector<1x16xf32>,
        %get3A_267 = vector.shape_cast %get3A_266 : vector<1x16xf32> to vector<16xf32>
        %add3A_268 = arith.addf %get3A_263, %get3A_267 : vector<16xf32>
        %swap3A_269 = arith.index_cast %scan3A_177 : i32 to index
        %swap3A_270 = arith.constant 96 : index
        %swap3A_271 = tpu.vector_load %arg16[%swap3A_269, %swap3A_270] {strides = array<i32>} : memref<64x128xf32, #tpu.memory_space<vmem>>, vector<1x16xf32>,
        %swap3A_272 = vector.shape_cast %swap3A_271 : vector<1x16xf32> to vector<16xf32>
        %swap3A_273 = vector.shape_cast %add3A_268 : vector<16xf32> to vector<1x16xf32>
        tpu.vector_store %arg16[%swap3A_269, %swap3A_270], %swap3A_273 {strides = array<i32>} : memref<64x128xf32, #tpu.memory_space<vmem>>, vector<1x16xf32>,
        %get3A_274 = arith.index_cast %scan3A_177 : i32 to index
        %get3A_275 = arith.constant 112 : index
        %get3A_276 = tpu.vector_load %arg13[%get3A_274, %get3A_275] {strides = array<i32>} : memref<64x128xf32, #tpu.memory_space<vmem>>, vector<1x16xf32>,
        %get3A_277 = vector.shape_cast %get3A_276 : vector<1x16xf32> to vector<16xf32>
        %get3A_278 = arith.index_cast %scan3A_177 : i32 to index
        %get3A_279 = arith.constant 112 : index
        %get3A_280 = tpu.vector_load %arg14[%get3A_278, %get3A_279] {strides = array<i32>} : memref<64x128xf32, #tpu.memory_space<vmem>>, vector<1x16xf32>,
        %get3A_281 = vector.shape_cast %get3A_280 : vector<1x16xf32> to vector<16xf32>
        %add3A_282 = arith.addf %get3A_277, %get3A_281 : vector<16xf32>
        %swap3A_283 = arith.index_cast %scan3A_177 : i32 to index
        %swap3A_284 = arith.constant 112 : index
        %swap3A_285 = tpu.vector_load %arg16[%swap3A_283, %swap3A_284] {strides = array<i32>} : memref<64x128xf32, #tpu.memory_space<vmem>>, vector<1x16xf32>,
        %swap3A_286 = vector.shape_cast %swap3A_285 : vector<1x16xf32> to vector<16xf32>
        %swap3A_287 = vector.shape_cast %add3A_282 : vector<16xf32> to vector<1x16xf32>
        tpu.vector_store %arg16[%swap3A_283, %swap3A_284], %swap3A_287 {strides = array<i32>} : memref<64x128xf32, #tpu.memory_space<vmem>>, vector<1x16xf32>,
      }
      %scan3A_114 = arith.constant 64 : i32
      %mul3A_115 = arith.constant 64 : i32
      %mul3A_116 = arith.muli %add3A_82, %mul3A_115 : i32
      %add3A_117 = arith.addi %mul3A_2, %mul3A_116 : i32
      %dma_start3A_118 = arith.constant 0 : i32
      %dma_start3A_119 = tpu.memref_slice %arg8[%add3A_117, %dma_start3A_118] : memref<161792x128xf32, #tpu.memory_space<hbm>> -> memref<64x128xf32, #tpu.memory_space<hbm>>
      %dma_start3A_120 = arith.constant 0 : i32
      %dma_start3A_121 = tpu.memref_slice %arg8[%add3A_117, %dma_start3A_120] : memref<161792x128xf32, #tpu.memory_space<hbm>> -> memref<64x128xf32, #tpu.memory_space<hbm>>
      tpu.enqueue_dma source(%arg16 : memref<64x128xf32, #tpu.memory_space<vmem>>) target(%dma_start3A_121 : memref<64x128xf32, #tpu.memory_space<hbm>>) target_semaphore(%arg23 : memref<!tpu.dma_semaphore, #tpu.memory_space<semaphore_mem>>)
      %dma_start3A_122 = arith.constant 0 : i32
      %dma_start3A_123 = tpu.memref_slice %arg9[%add3A_117, %dma_start3A_122] : memref<161792x128xi32, #tpu.memory_space<hbm>> -> memref<64x128xi32, #tpu.memory_space<hbm>>
      %dma_start3A_124 = arith.constant 0 : i32
      %dma_start3A_125 = tpu.memref_slice %arg9[%add3A_117, %dma_start3A_124] : memref<161792x128xi32, #tpu.memory_space<hbm>> -> memref<64x128xi32, #tpu.memory_space<hbm>>
      tpu.enqueue_dma source(%arg15 : memref<64x128xi32, #tpu.memory_space<vmem>>) target(%dma_start3A_125 : memref<64x128xi32, #tpu.memory_space<hbm>>) target_semaphore(%arg23 : memref<!tpu.dma_semaphore, #tpu.memory_space<semaphore_mem>>)
      %mul3A_126 = arith.constant 2 : i32
      %mul3A_127 = arith.muli %mul3A_126, %scan3A_78 : i32
      %add3A_128 = arith.constant 1 : i32
      %add3A_129 = arith.addi %mul3A_127, %add3A_128 : i32
      %ge3A_130 = arith.constant 1 : i32
      %ge3A_131 = arith.cmpi sge, %add3A_129, %ge3A_130 : i32
      %convert_element_type3A_132 = arith.extui %ge3A_131 : i1 to i32
      %cond3A_133 = arith.constant 0 : i32
      %cond3A_134 = arith.cmpi ne, %convert_element_type3A_132, %cond3A_133 : i32
      scf.if %cond3A_134 {
        %sub3A = arith.constant 1 : i32
        %sub3A_177 = arith.subi %add3A_129, %sub3A : i32
        %mul3A_178 = arith.constant 64 : i32
        %mul3A_179 = arith.muli %sub3A_177, %mul3A_178 : i32
        %add3A_180 = arith.addi %mul3A_2, %mul3A_179 : i32
        %dma_wait3A_181 = arith.constant 0 : i32
        %dma_wait3A_182 = tpu.memref_slice %arg8[%add3A_180, %dma_wait3A_181] : memref<161792x128xf32, #tpu.memory_space<hbm>> -> memref<64x128xf32, #tpu.memory_space<hbm>>
        %dma_wait3A_183 = arith.constant 0 : i32
        %dma_wait3A_184 = tpu.memref_slice %arg8[%add3A_180, %dma_wait3A_183] : memref<161792x128xf32, #tpu.memory_space<hbm>> -> memref<64x128xf32, #tpu.memory_space<hbm>>
        tpu.wait_dma2 semaphore(%arg23 : memref<!tpu.dma_semaphore, #tpu.memory_space<semaphore_mem>>) src(%arg16 : memref<64x128xf32, #tpu.memory_space<vmem>>) dst(%dma_wait3A_184 : memref<64x128xf32, #tpu.memory_space<hbm>>)
        %dma_wait3A_185 = arith.constant 0 : i32
        %dma_wait3A_186 = tpu.memref_slice %arg9[%add3A_180, %dma_wait3A_185] : memref<161792x128xi32, #tpu.memory_space<hbm>> -> memref<64x128xi32, #tpu.memory_space<hbm>>
        %dma_wait3A_187 = arith.constant 0 : i32
        %dma_wait3A_188 = tpu.memref_slice %arg9[%add3A_180, %dma_wait3A_187] : memref<161792x128xi32, #tpu.memory_space<hbm>> -> memref<64x128xi32, #tpu.memory_space<hbm>>
        tpu.wait_dma2 semaphore(%arg23 : memref<!tpu.dma_semaphore, #tpu.memory_space<semaphore_mem>>) src(%arg15 : memref<64x128xi32, #tpu.memory_space<vmem>>) dst(%dma_wait3A_188 : memref<64x128xi32, #tpu.memory_space<hbm>>)
      } else {
      }
      %add3A_135 = arith.constant 1 : i32
      %add3A_136 = arith.addi %add3A_129, %add3A_135 : i32
      %lt3A_137 = arith.constant 79 : i32
      %lt3A_138 = arith.cmpi slt, %add3A_136, %lt3A_137 : i32
      %convert_element_type3A_139 = arith.extui %lt3A_138 : i1 to i32
      %cond3A_140 = arith.constant 0 : i32
      %cond3A_141 = arith.cmpi ne, %convert_element_type3A_139, %cond3A_140 : i32
      scf.if %cond3A_141 {
        %add3A_177 = arith.constant 1 : i32
        %add3A_178 = arith.addi %add3A_129, %add3A_177 : i32
        %mul3A_179 = arith.constant 64 : i32
        %mul3A_180 = arith.muli %add3A_178, %mul3A_179 : i32
        %dma_start3A_181 = tpu.memref_slice %arg10[%mul3A_180] : memref<5056xi32, #tpu.memory_space<vmem>> -> memref<64xi32, #tpu.memory_space<vmem>>
        %dma_start3A_182 = arith.constant 0 : i32
        %dma_start3A_183 = arith.constant 0 : i32
        %dma_start3A_184 = tpu.memref_slice %arg2[%dma_start3A_182, %dma_start3A_183] : memref<10112x128xf32, #tpu.memory_space<hbm>> -> memref<10112x128xf32, #tpu.memory_space<hbm>>
        tpu.enqueue_indirect_dma source(%dma_start3A_184 : memref<10112x128xf32, #tpu.memory_space<hbm>>) target(%arg13 : memref<64x128xf32, #tpu.memory_space<vmem>>) offsets(%dma_start3A_181 : memref<64xi32, #tpu.memory_space<vmem>>) semaphore(%arg21 : memref<!tpu.dma_semaphore, #tpu.memory_space<semaphore_mem>>)
        %mul3A_185 = arith.constant 64 : i32
        %mul3A_186 = arith.muli %add3A_178, %mul3A_185 : i32
        %dma_start3A_187 = tpu.memref_slice %arg11[%mul3A_186] : memref<5056xi32, #tpu.memory_space<vmem>> -> memref<64xi32, #tpu.memory_space<vmem>>
        %dma_start3A_188 = arith.constant 0 : i32
        %dma_start3A_189 = arith.constant 0 : i32
        %dma_start3A_190 = tpu.memref_slice %arg3[%dma_start3A_188, %dma_start3A_189] : memref<10112x128xf32, #tpu.memory_space<hbm>> -> memref<10112x128xf32, #tpu.memory_space<hbm>>
        tpu.enqueue_indirect_dma source(%dma_start3A_190 : memref<10112x128xf32, #tpu.memory_space<hbm>>) target(%arg14 : memref<64x128xf32, #tpu.memory_space<vmem>>) offsets(%dma_start3A_187 : memref<64xi32, #tpu.memory_space<vmem>>) semaphore(%arg21 : memref<!tpu.dma_semaphore, #tpu.memory_space<semaphore_mem>>)
        %mul3A_191 = arith.constant 64 : i32
        %mul3A_192 = arith.muli %add3A_178, %mul3A_191 : i32
        %dma_start3A_193 = tpu.memref_slice %arg12[%mul3A_192] : memref<5056xi32, #tpu.memory_space<vmem>> -> memref<64xi32, #tpu.memory_space<vmem>>
        %dma_start3A_194 = arith.constant 0 : i32
        %dma_start3A_195 = arith.constant 0 : i32
        %dma_start3A_196 = tpu.memref_slice %arg4[%dma_start3A_194, %dma_start3A_195] : memref<160000x128xi32, #tpu.memory_space<hbm>> -> memref<160000x128xi32, #tpu.memory_space<hbm>>
        tpu.enqueue_indirect_dma source(%dma_start3A_196 : memref<160000x128xi32, #tpu.memory_space<hbm>>) target(%arg15 : memref<64x128xi32, #tpu.memory_space<vmem>>) offsets(%dma_start3A_193 : memref<64xi32, #tpu.memory_space<vmem>>) semaphore(%arg21 : memref<!tpu.dma_semaphore, #tpu.memory_space<semaphore_mem>>)
      } else {
      }
      %mul3A_142 = arith.constant 64 : i32
      %mul3A_143 = arith.muli %add3A_129, %mul3A_142 : i32
      %dma_wait3A_144 = tpu.memref_slice %arg10[%mul3A_143] : memref<5056xi32, #tpu.memory_space<vmem>> -> memref<64xi32, #tpu.memory_space<vmem>>
      %dma_wait3A_145 = arith.constant 0 : i32
      %dma_wait3A_146 = arith.constant 0 : i32
      %dma_wait3A_147 = tpu.memref_slice %arg2[%dma_wait3A_145, %dma_wait3A_146] : memref<10112x128xf32, #tpu.memory_space<hbm>> -> memref<10112x128xf32, #tpu.memory_space<hbm>>
      tpu.wait_indirect_dma semaphore(%arg22 : memref<!tpu.dma_semaphore, #tpu.memory_space<semaphore_mem>>) src(%dma_wait3A_147 : memref<10112x128xf32, #tpu.memory_space<hbm>>) dst(%arg17 : memref<64x128xf32, #tpu.memory_space<vmem>>)
      %mul3A_148 = arith.constant 64 : i32
      %mul3A_149 = arith.muli %add3A_129, %mul3A_148 : i32
      %dma_wait3A_150 = tpu.memref_slice %arg11[%mul3A_149] : memref<5056xi32, #tpu.memory_space<vmem>> -> memref<64xi32, #tpu.memory_space<vmem>>
      %dma_wait3A_151 = arith.constant 0 : i32
      %dma_wait3A_152 = arith.constant 0 : i32
      %dma_wait3A_153 = tpu.memref_slice %arg3[%dma_wait3A_151, %dma_wait3A_152] : memref<10112x128xf32, #tpu.memory_space<hbm>> -> memref<10112x128xf32, #tpu.memory_space<hbm>>
      tpu.wait_indirect_dma semaphore(%arg22 : memref<!tpu.dma_semaphore, #tpu.memory_space<semaphore_mem>>) src(%dma_wait3A_153 : memref<10112x128xf32, #tpu.memory_space<hbm>>) dst(%arg18 : memref<64x128xf32, #tpu.memory_space<vmem>>)
      %mul3A_154 = arith.constant 64 : i32
      %mul3A_155 = arith.muli %add3A_129, %mul3A_154 : i32
      %dma_wait3A_156 = tpu.memref_slice %arg12[%mul3A_155] : memref<5056xi32, #tpu.memory_space<vmem>> -> memref<64xi32, #tpu.memory_space<vmem>>
      %dma_wait3A_157 = arith.constant 0 : i32
      %dma_wait3A_158 = arith.constant 0 : i32
      %dma_wait3A_159 = tpu.memref_slice %arg4[%dma_wait3A_157, %dma_wait3A_158] : memref<160000x128xi32, #tpu.memory_space<hbm>> -> memref<160000x128xi32, #tpu.memory_space<hbm>>
      tpu.wait_indirect_dma semaphore(%arg22 : memref<!tpu.dma_semaphore, #tpu.memory_space<semaphore_mem>>) src(%dma_wait3A_159 : memref<160000x128xi32, #tpu.memory_space<hbm>>) dst(%arg19 : memref<64x128xi32, #tpu.memory_space<vmem>>)
      %scan3A_160 = arith.constant 0 : i32
      %scan3A_161 = arith.constant 0 : i32
      %scan3A_162 = arith.constant 64 : i32
      %scan3A_163 = arith.addi %scan3A_161, %scan3A_162 : i32
      %scan3A_164 = arith.constant 1 : i32
      scf.for %scan3A_177 = %scan3A_161 to %scan3A_163 step %scan3A_164  : i32 {
        %get3A = arith.index_cast %scan3A_177 : i32 to index
        %get3A_178 = arith.constant 0 : index
        %get3A_179 = tpu.vector_load %arg17[%get3A, %get3A_178] {strides = array<i32>} : memref<64x128xf32, #tpu.memory_space<vmem>>, vector<1x16xf32>,
        %get3A_180 = vector.shape_cast %get3A_179 : vector<1x16xf32> to vector<16xf32>
        %get3A_181 = arith.index_cast %scan3A_177 : i32 to index
        %get3A_182 = arith.constant 0 : index
        %get3A_183 = tpu.vector_load %arg18[%get3A_181, %get3A_182] {strides = array<i32>} : memref<64x128xf32, #tpu.memory_space<vmem>>, vector<1x16xf32>,
        %get3A_184 = vector.shape_cast %get3A_183 : vector<1x16xf32> to vector<16xf32>
        %add3A_185 = arith.addf %get3A_180, %get3A_184 : vector<16xf32>
        %swap3A = arith.index_cast %scan3A_177 : i32 to index
        %swap3A_186 = arith.constant 0 : index
        %swap3A_187 = tpu.vector_load %arg20[%swap3A, %swap3A_186] {strides = array<i32>} : memref<64x128xf32, #tpu.memory_space<vmem>>, vector<1x16xf32>,
        %swap3A_188 = vector.shape_cast %swap3A_187 : vector<1x16xf32> to vector<16xf32>
        %swap3A_189 = vector.shape_cast %add3A_185 : vector<16xf32> to vector<1x16xf32>
        tpu.vector_store %arg20[%swap3A, %swap3A_186], %swap3A_189 {strides = array<i32>} : memref<64x128xf32, #tpu.memory_space<vmem>>, vector<1x16xf32>,
        %get3A_190 = arith.index_cast %scan3A_177 : i32 to index
        %get3A_191 = arith.constant 16 : index
        %get3A_192 = tpu.vector_load %arg17[%get3A_190, %get3A_191] {strides = array<i32>} : memref<64x128xf32, #tpu.memory_space<vmem>>, vector<1x16xf32>,
        %get3A_193 = vector.shape_cast %get3A_192 : vector<1x16xf32> to vector<16xf32>
        %get3A_194 = arith.index_cast %scan3A_177 : i32 to index
        %get3A_195 = arith.constant 16 : index
        %get3A_196 = tpu.vector_load %arg18[%get3A_194, %get3A_195] {strides = array<i32>} : memref<64x128xf32, #tpu.memory_space<vmem>>, vector<1x16xf32>,
        %get3A_197 = vector.shape_cast %get3A_196 : vector<1x16xf32> to vector<16xf32>
        %add3A_198 = arith.addf %get3A_193, %get3A_197 : vector<16xf32>
        %swap3A_199 = arith.index_cast %scan3A_177 : i32 to index
        %swap3A_200 = arith.constant 16 : index
        %swap3A_201 = tpu.vector_load %arg20[%swap3A_199, %swap3A_200] {strides = array<i32>} : memref<64x128xf32, #tpu.memory_space<vmem>>, vector<1x16xf32>,
        %swap3A_202 = vector.shape_cast %swap3A_201 : vector<1x16xf32> to vector<16xf32>
        %swap3A_203 = vector.shape_cast %add3A_198 : vector<16xf32> to vector<1x16xf32>
        tpu.vector_store %arg20[%swap3A_199, %swap3A_200], %swap3A_203 {strides = array<i32>} : memref<64x128xf32, #tpu.memory_space<vmem>>, vector<1x16xf32>,
        %get3A_204 = arith.index_cast %scan3A_177 : i32 to index
        %get3A_205 = arith.constant 32 : index
        %get3A_206 = tpu.vector_load %arg17[%get3A_204, %get3A_205] {strides = array<i32>} : memref<64x128xf32, #tpu.memory_space<vmem>>, vector<1x16xf32>,
        %get3A_207 = vector.shape_cast %get3A_206 : vector<1x16xf32> to vector<16xf32>
        %get3A_208 = arith.index_cast %scan3A_177 : i32 to index
        %get3A_209 = arith.constant 32 : index
        %get3A_210 = tpu.vector_load %arg18[%get3A_208, %get3A_209] {strides = array<i32>} : memref<64x128xf32, #tpu.memory_space<vmem>>, vector<1x16xf32>,
        %get3A_211 = vector.shape_cast %get3A_210 : vector<1x16xf32> to vector<16xf32>
        %add3A_212 = arith.addf %get3A_207, %get3A_211 : vector<16xf32>
        %swap3A_213 = arith.index_cast %scan3A_177 : i32 to index
        %swap3A_214 = arith.constant 32 : index
        %swap3A_215 = tpu.vector_load %arg20[%swap3A_213, %swap3A_214] {strides = array<i32>} : memref<64x128xf32, #tpu.memory_space<vmem>>, vector<1x16xf32>,
        %swap3A_216 = vector.shape_cast %swap3A_215 : vector<1x16xf32> to vector<16xf32>
        %swap3A_217 = vector.shape_cast %add3A_212 : vector<16xf32> to vector<1x16xf32>
        tpu.vector_store %arg20[%swap3A_213, %swap3A_214], %swap3A_217 {strides = array<i32>} : memref<64x128xf32, #tpu.memory_space<vmem>>, vector<1x16xf32>,
        %get3A_218 = arith.index_cast %scan3A_177 : i32 to index
        %get3A_219 = arith.constant 48 : index
        %get3A_220 = tpu.vector_load %arg17[%get3A_218, %get3A_219] {strides = array<i32>} : memref<64x128xf32, #tpu.memory_space<vmem>>, vector<1x16xf32>,
        %get3A_221 = vector.shape_cast %get3A_220 : vector<1x16xf32> to vector<16xf32>
        %get3A_222 = arith.index_cast %scan3A_177 : i32 to index
        %get3A_223 = arith.constant 48 : index
        %get3A_224 = tpu.vector_load %arg18[%get3A_222, %get3A_223] {strides = array<i32>} : memref<64x128xf32, #tpu.memory_space<vmem>>, vector<1x16xf32>,
        %get3A_225 = vector.shape_cast %get3A_224 : vector<1x16xf32> to vector<16xf32>
        %add3A_226 = arith.addf %get3A_221, %get3A_225 : vector<16xf32>
        %swap3A_227 = arith.index_cast %scan3A_177 : i32 to index
        %swap3A_228 = arith.constant 48 : index
        %swap3A_229 = tpu.vector_load %arg20[%swap3A_227, %swap3A_228] {strides = array<i32>} : memref<64x128xf32, #tpu.memory_space<vmem>>, vector<1x16xf32>,
        %swap3A_230 = vector.shape_cast %swap3A_229 : vector<1x16xf32> to vector<16xf32>
        %swap3A_231 = vector.shape_cast %add3A_226 : vector<16xf32> to vector<1x16xf32>
        tpu.vector_store %arg20[%swap3A_227, %swap3A_228], %swap3A_231 {strides = array<i32>} : memref<64x128xf32, #tpu.memory_space<vmem>>, vector<1x16xf32>,
        %get3A_232 = arith.index_cast %scan3A_177 : i32 to index
        %get3A_233 = arith.constant 64 : index
        %get3A_234 = tpu.vector_load %arg17[%get3A_232, %get3A_233] {strides = array<i32>} : memref<64x128xf32, #tpu.memory_space<vmem>>, vector<1x16xf32>,
        %get3A_235 = vector.shape_cast %get3A_234 : vector<1x16xf32> to vector<16xf32>
        %get3A_236 = arith.index_cast %scan3A_177 : i32 to index
        %get3A_237 = arith.constant 64 : index
        %get3A_238 = tpu.vector_load %arg18[%get3A_236, %get3A_237] {strides = array<i32>} : memref<64x128xf32, #tpu.memory_space<vmem>>, vector<1x16xf32>,
        %get3A_239 = vector.shape_cast %get3A_238 : vector<1x16xf32> to vector<16xf32>
        %add3A_240 = arith.addf %get3A_235, %get3A_239 : vector<16xf32>
        %swap3A_241 = arith.index_cast %scan3A_177 : i32 to index
        %swap3A_242 = arith.constant 64 : index
        %swap3A_243 = tpu.vector_load %arg20[%swap3A_241, %swap3A_242] {strides = array<i32>} : memref<64x128xf32, #tpu.memory_space<vmem>>, vector<1x16xf32>,
        %swap3A_244 = vector.shape_cast %swap3A_243 : vector<1x16xf32> to vector<16xf32>
        %swap3A_245 = vector.shape_cast %add3A_240 : vector<16xf32> to vector<1x16xf32>
        tpu.vector_store %arg20[%swap3A_241, %swap3A_242], %swap3A_245 {strides = array<i32>} : memref<64x128xf32, #tpu.memory_space<vmem>>, vector<1x16xf32>,
        %get3A_246 = arith.index_cast %scan3A_177 : i32 to index
        %get3A_247 = arith.constant 80 : index
        %get3A_248 = tpu.vector_load %arg17[%get3A_246, %get3A_247] {strides = array<i32>} : memref<64x128xf32, #tpu.memory_space<vmem>>, vector<1x16xf32>,
        %get3A_249 = vector.shape_cast %get3A_248 : vector<1x16xf32> to vector<16xf32>
        %get3A_250 = arith.index_cast %scan3A_177 : i32 to index
        %get3A_251 = arith.constant 80 : index
        %get3A_252 = tpu.vector_load %arg18[%get3A_250, %get3A_251] {strides = array<i32>} : memref<64x128xf32, #tpu.memory_space<vmem>>, vector<1x16xf32>,
        %get3A_253 = vector.shape_cast %get3A_252 : vector<1x16xf32> to vector<16xf32>
        %add3A_254 = arith.addf %get3A_249, %get3A_253 : vector<16xf32>
        %swap3A_255 = arith.index_cast %scan3A_177 : i32 to index
        %swap3A_256 = arith.constant 80 : index
        %swap3A_257 = tpu.vector_load %arg20[%swap3A_255, %swap3A_256] {strides = array<i32>} : memref<64x128xf32, #tpu.memory_space<vmem>>, vector<1x16xf32>,
        %swap3A_258 = vector.shape_cast %swap3A_257 : vector<1x16xf32> to vector<16xf32>
        %swap3A_259 = vector.shape_cast %add3A_254 : vector<16xf32> to vector<1x16xf32>
        tpu.vector_store %arg20[%swap3A_255, %swap3A_256], %swap3A_259 {strides = array<i32>} : memref<64x128xf32, #tpu.memory_space<vmem>>, vector<1x16xf32>,
        %get3A_260 = arith.index_cast %scan3A_177 : i32 to index
        %get3A_261 = arith.constant 96 : index
        %get3A_262 = tpu.vector_load %arg17[%get3A_260, %get3A_261] {strides = array<i32>} : memref<64x128xf32, #tpu.memory_space<vmem>>, vector<1x16xf32>,
        %get3A_263 = vector.shape_cast %get3A_262 : vector<1x16xf32> to vector<16xf32>
        %get3A_264 = arith.index_cast %scan3A_177 : i32 to index
        %get3A_265 = arith.constant 96 : index
        %get3A_266 = tpu.vector_load %arg18[%get3A_264, %get3A_265] {strides = array<i32>} : memref<64x128xf32, #tpu.memory_space<vmem>>, vector<1x16xf32>,
        %get3A_267 = vector.shape_cast %get3A_266 : vector<1x16xf32> to vector<16xf32>
        %add3A_268 = arith.addf %get3A_263, %get3A_267 : vector<16xf32>
        %swap3A_269 = arith.index_cast %scan3A_177 : i32 to index
        %swap3A_270 = arith.constant 96 : index
        %swap3A_271 = tpu.vector_load %arg20[%swap3A_269, %swap3A_270] {strides = array<i32>} : memref<64x128xf32, #tpu.memory_space<vmem>>, vector<1x16xf32>,
        %swap3A_272 = vector.shape_cast %swap3A_271 : vector<1x16xf32> to vector<16xf32>
        %swap3A_273 = vector.shape_cast %add3A_268 : vector<16xf32> to vector<1x16xf32>
        tpu.vector_store %arg20[%swap3A_269, %swap3A_270], %swap3A_273 {strides = array<i32>} : memref<64x128xf32, #tpu.memory_space<vmem>>, vector<1x16xf32>,
        %get3A_274 = arith.index_cast %scan3A_177 : i32 to index
        %get3A_275 = arith.constant 112 : index
        %get3A_276 = tpu.vector_load %arg17[%get3A_274, %get3A_275] {strides = array<i32>} : memref<64x128xf32, #tpu.memory_space<vmem>>, vector<1x16xf32>,
        %get3A_277 = vector.shape_cast %get3A_276 : vector<1x16xf32> to vector<16xf32>
        %get3A_278 = arith.index_cast %scan3A_177 : i32 to index
        %get3A_279 = arith.constant 112 : index
        %get3A_280 = tpu.vector_load %arg18[%get3A_278, %get3A_279] {strides = array<i32>} : memref<64x128xf32, #tpu.memory_space<vmem>>, vector<1x16xf32>,
        %get3A_281 = vector.shape_cast %get3A_280 : vector<1x16xf32> to vector<16xf32>
        %add3A_282 = arith.addf %get3A_277, %get3A_281 : vector<16xf32>
        %swap3A_283 = arith.index_cast %scan3A_177 : i32 to index
        %swap3A_284 = arith.constant 112 : index
        %swap3A_285 = tpu.vector_load %arg20[%swap3A_283, %swap3A_284] {strides = array<i32>} : memref<64x128xf32, #tpu.memory_space<vmem>>, vector<1x16xf32>,
        %swap3A_286 = vector.shape_cast %swap3A_285 : vector<1x16xf32> to vector<16xf32>
        %swap3A_287 = vector.shape_cast %add3A_282 : vector<16xf32> to vector<1x16xf32>
        tpu.vector_store %arg20[%swap3A_283, %swap3A_284], %swap3A_287 {strides = array<i32>} : memref<64x128xf32, #tpu.memory_space<vmem>>, vector<1x16xf32>,
      }
      %scan3A_165 = arith.constant 64 : i32
      %mul3A_166 = arith.constant 64 : i32
      %mul3A_167 = arith.muli %add3A_129, %mul3A_166 : i32
      %add3A_168 = arith.addi %mul3A_2, %mul3A_167 : i32
      %dma_start3A_169 = arith.constant 0 : i32
      %dma_start3A_170 = tpu.memref_slice %arg8[%add3A_168, %dma_start3A_169] : memref<161792x128xf32, #tpu.memory_space<hbm>> -> memref<64x128xf32, #tpu.memory_space<hbm>>
      %dma_start3A_171 = arith.constant 0 : i32
      %dma_start3A_172 = tpu.memref_slice %arg8[%add3A_168, %dma_start3A_171] : memref<161792x128xf32, #tpu.memory_space<hbm>> -> memref<64x128xf32, #tpu.memory_space<hbm>>
      tpu.enqueue_dma source(%arg20 : memref<64x128xf32, #tpu.memory_space<vmem>>) target(%dma_start3A_172 : memref<64x128xf32, #tpu.memory_space<hbm>>) target_semaphore(%arg24 : memref<!tpu.dma_semaphore, #tpu.memory_space<semaphore_mem>>)
      %dma_start3A_173 = arith.constant 0 : i32
      %dma_start3A_174 = tpu.memref_slice %arg9[%add3A_168, %dma_start3A_173] : memref<161792x128xi32, #tpu.memory_space<hbm>> -> memref<64x128xi32, #tpu.memory_space<hbm>>
      %dma_start3A_175 = arith.constant 0 : i32
      %dma_start3A_176 = tpu.memref_slice %arg9[%add3A_168, %dma_start3A_175] : memref<161792x128xi32, #tpu.memory_space<hbm>> -> memref<64x128xi32, #tpu.memory_space<hbm>>
      tpu.enqueue_dma source(%arg19 : memref<64x128xi32, #tpu.memory_space<vmem>>) target(%dma_start3A_176 : memref<64x128xi32, #tpu.memory_space<hbm>>) target_semaphore(%arg24 : memref<!tpu.dma_semaphore, #tpu.memory_space<semaphore_mem>>)
    }
    %scan3A_27 = arith.constant 39 : i32
    %add3A_28 = arith.constant 4928 : i32
    %add3A_29 = arith.addi %mul3A_2, %add3A_28 : i32
    %dma_wait3A = arith.constant 0 : i32
    %dma_wait3A_30 = tpu.memref_slice %arg8[%add3A_29, %dma_wait3A] : memref<161792x128xf32, #tpu.memory_space<hbm>> -> memref<64x128xf32, #tpu.memory_space<hbm>>
    %dma_wait3A_31 = arith.constant 0 : i32
    %dma_wait3A_32 = tpu.memref_slice %arg8[%add3A_29, %dma_wait3A_31] : memref<161792x128xf32, #tpu.memory_space<hbm>> -> memref<64x128xf32, #tpu.memory_space<hbm>>
    tpu.wait_dma2 semaphore(%arg24 : memref<!tpu.dma_semaphore, #tpu.memory_space<semaphore_mem>>) src(%arg20 : memref<64x128xf32, #tpu.memory_space<vmem>>) dst(%dma_wait3A_32 : memref<64x128xf32, #tpu.memory_space<hbm>>)
    %dma_wait3A_33 = arith.constant 0 : i32
    %dma_wait3A_34 = tpu.memref_slice %arg9[%add3A_29, %dma_wait3A_33] : memref<161792x128xi32, #tpu.memory_space<hbm>> -> memref<64x128xi32, #tpu.memory_space<hbm>>
    %dma_wait3A_35 = arith.constant 0 : i32
    %dma_wait3A_36 = tpu.memref_slice %arg9[%add3A_29, %dma_wait3A_35] : memref<161792x128xi32, #tpu.memory_space<hbm>> -> memref<64x128xi32, #tpu.memory_space<hbm>>
    tpu.wait_dma2 semaphore(%arg24 : memref<!tpu.dma_semaphore, #tpu.memory_space<semaphore_mem>>) src(%arg19 : memref<64x128xi32, #tpu.memory_space<vmem>>) dst(%dma_wait3A_36 : memref<64x128xi32, #tpu.memory_space<hbm>>)
    %dma_wait3A_37 = arith.constant 4992 : i32
    %dma_wait3A_38 = tpu.memref_slice %arg10[%dma_wait3A_37] : memref<5056xi32, #tpu.memory_space<vmem>> -> memref<64xi32, #tpu.memory_space<vmem>>
    %dma_wait3A_39 = arith.constant 0 : i32
    %dma_wait3A_40 = arith.constant 0 : i32
    %dma_wait3A_41 = tpu.memref_slice %arg2[%dma_wait3A_39, %dma_wait3A_40] : memref<10112x128xf32, #tpu.memory_space<hbm>> -> memref<10112x128xf32, #tpu.memory_space<hbm>>
    tpu.wait_indirect_dma semaphore(%arg21 : memref<!tpu.dma_semaphore, #tpu.memory_space<semaphore_mem>>) src(%dma_wait3A_41 : memref<10112x128xf32, #tpu.memory_space<hbm>>) dst(%arg13 : memref<64x128xf32, #tpu.memory_space<vmem>>)
    %dma_wait3A_42 = arith.constant 4992 : i32
    %dma_wait3A_43 = tpu.memref_slice %arg11[%dma_wait3A_42] : memref<5056xi32, #tpu.memory_space<vmem>> -> memref<64xi32, #tpu.memory_space<vmem>>
    %dma_wait3A_44 = arith.constant 0 : i32
    %dma_wait3A_45 = arith.constant 0 : i32
    %dma_wait3A_46 = tpu.memref_slice %arg3[%dma_wait3A_44, %dma_wait3A_45] : memref<10112x128xf32, #tpu.memory_space<hbm>> -> memref<10112x128xf32, #tpu.memory_space<hbm>>
    tpu.wait_indirect_dma semaphore(%arg21 : memref<!tpu.dma_semaphore, #tpu.memory_space<semaphore_mem>>) src(%dma_wait3A_46 : memref<10112x128xf32, #tpu.memory_space<hbm>>) dst(%arg14 : memref<64x128xf32, #tpu.memory_space<vmem>>)
    %dma_wait3A_47 = arith.constant 4992 : i32
    %dma_wait3A_48 = tpu.memref_slice %arg12[%dma_wait3A_47] : memref<5056xi32, #tpu.memory_space<vmem>> -> memref<64xi32, #tpu.memory_space<vmem>>
    %dma_wait3A_49 = arith.constant 0 : i32
    %dma_wait3A_50 = arith.constant 0 : i32
    %dma_wait3A_51 = tpu.memref_slice %arg4[%dma_wait3A_49, %dma_wait3A_50] : memref<160000x128xi32, #tpu.memory_space<hbm>> -> memref<160000x128xi32, #tpu.memory_space<hbm>>
    tpu.wait_indirect_dma semaphore(%arg21 : memref<!tpu.dma_semaphore, #tpu.memory_space<semaphore_mem>>) src(%dma_wait3A_51 : memref<160000x128xi32, #tpu.memory_space<hbm>>) dst(%arg15 : memref<64x128xi32, #tpu.memory_space<vmem>>)
    %scan3A_52 = arith.constant 0 : i32
    %scan3A_53 = arith.constant 0 : i32
    %scan3A_54 = arith.constant 64 : i32
    %scan3A_55 = arith.addi %scan3A_53, %scan3A_54 : i32
    %scan3A_56 = arith.constant 1 : i32
    scf.for %scan3A_78 = %scan3A_53 to %scan3A_55 step %scan3A_56  : i32 {
      %get3A = arith.index_cast %scan3A_78 : i32 to index
      %get3A_79 = arith.constant 0 : index
      %get3A_80 = tpu.vector_load %arg13[%get3A, %get3A_79] {strides = array<i32>} : memref<64x128xf32, #tpu.memory_space<vmem>>, vector<1x16xf32>,
      %get3A_81 = vector.shape_cast %get3A_80 : vector<1x16xf32> to vector<16xf32>
      %get3A_82 = arith.index_cast %scan3A_78 : i32 to index
      %get3A_83 = arith.constant 0 : index
      %get3A_84 = tpu.vector_load %arg14[%get3A_82, %get3A_83] {strides = array<i32>} : memref<64x128xf32, #tpu.memory_space<vmem>>, vector<1x16xf32>,
      %get3A_85 = vector.shape_cast %get3A_84 : vector<1x16xf32> to vector<16xf32>
      %add3A_86 = arith.addf %get3A_81, %get3A_85 : vector<16xf32>
      %swap3A = arith.index_cast %scan3A_78 : i32 to index
      %swap3A_87 = arith.constant 0 : index
      %swap3A_88 = tpu.vector_load %arg16[%swap3A, %swap3A_87] {strides = array<i32>} : memref<64x128xf32, #tpu.memory_space<vmem>>, vector<1x16xf32>,
      %swap3A_89 = vector.shape_cast %swap3A_88 : vector<1x16xf32> to vector<16xf32>
      %swap3A_90 = vector.shape_cast %add3A_86 : vector<16xf32> to vector<1x16xf32>
      tpu.vector_store %arg16[%swap3A, %swap3A_87], %swap3A_90 {strides = array<i32>} : memref<64x128xf32, #tpu.memory_space<vmem>>, vector<1x16xf32>,
      %get3A_91 = arith.index_cast %scan3A_78 : i32 to index
      %get3A_92 = arith.constant 16 : index
      %get3A_93 = tpu.vector_load %arg13[%get3A_91, %get3A_92] {strides = array<i32>} : memref<64x128xf32, #tpu.memory_space<vmem>>, vector<1x16xf32>,
      %get3A_94 = vector.shape_cast %get3A_93 : vector<1x16xf32> to vector<16xf32>
      %get3A_95 = arith.index_cast %scan3A_78 : i32 to index
      %get3A_96 = arith.constant 16 : index
      %get3A_97 = tpu.vector_load %arg14[%get3A_95, %get3A_96] {strides = array<i32>} : memref<64x128xf32, #tpu.memory_space<vmem>>, vector<1x16xf32>,
      %get3A_98 = vector.shape_cast %get3A_97 : vector<1x16xf32> to vector<16xf32>
      %add3A_99 = arith.addf %get3A_94, %get3A_98 : vector<16xf32>
      %swap3A_100 = arith.index_cast %scan3A_78 : i32 to index
      %swap3A_101 = arith.constant 16 : index
      %swap3A_102 = tpu.vector_load %arg16[%swap3A_100, %swap3A_101] {strides = array<i32>} : memref<64x128xf32, #tpu.memory_space<vmem>>, vector<1x16xf32>,
      %swap3A_103 = vector.shape_cast %swap3A_102 : vector<1x16xf32> to vector<16xf32>
      %swap3A_104 = vector.shape_cast %add3A_99 : vector<16xf32> to vector<1x16xf32>
      tpu.vector_store %arg16[%swap3A_100, %swap3A_101], %swap3A_104 {strides = array<i32>} : memref<64x128xf32, #tpu.memory_space<vmem>>, vector<1x16xf32>,
      %get3A_105 = arith.index_cast %scan3A_78 : i32 to index
      %get3A_106 = arith.constant 32 : index
      %get3A_107 = tpu.vector_load %arg13[%get3A_105, %get3A_106] {strides = array<i32>} : memref<64x128xf32, #tpu.memory_space<vmem>>, vector<1x16xf32>,
      %get3A_108 = vector.shape_cast %get3A_107 : vector<1x16xf32> to vector<16xf32>
      %get3A_109 = arith.index_cast %scan3A_78 : i32 to index
      %get3A_110 = arith.constant 32 : index
      %get3A_111 = tpu.vector_load %arg14[%get3A_109, %get3A_110] {strides = array<i32>} : memref<64x128xf32, #tpu.memory_space<vmem>>, vector<1x16xf32>,
      %get3A_112 = vector.shape_cast %get3A_111 : vector<1x16xf32> to vector<16xf32>
      %add3A_113 = arith.addf %get3A_108, %get3A_112 : vector<16xf32>
      %swap3A_114 = arith.index_cast %scan3A_78 : i32 to index
      %swap3A_115 = arith.constant 32 : index
      %swap3A_116 = tpu.vector_load %arg16[%swap3A_114, %swap3A_115] {strides = array<i32>} : memref<64x128xf32, #tpu.memory_space<vmem>>, vector<1x16xf32>,
      %swap3A_117 = vector.shape_cast %swap3A_116 : vector<1x16xf32> to vector<16xf32>
      %swap3A_118 = vector.shape_cast %add3A_113 : vector<16xf32> to vector<1x16xf32>
      tpu.vector_store %arg16[%swap3A_114, %swap3A_115], %swap3A_118 {strides = array<i32>} : memref<64x128xf32, #tpu.memory_space<vmem>>, vector<1x16xf32>,
      %get3A_119 = arith.index_cast %scan3A_78 : i32 to index
      %get3A_120 = arith.constant 48 : index
      %get3A_121 = tpu.vector_load %arg13[%get3A_119, %get3A_120] {strides = array<i32>} : memref<64x128xf32, #tpu.memory_space<vmem>>, vector<1x16xf32>,
      %get3A_122 = vector.shape_cast %get3A_121 : vector<1x16xf32> to vector<16xf32>
      %get3A_123 = arith.index_cast %scan3A_78 : i32 to index
      %get3A_124 = arith.constant 48 : index
      %get3A_125 = tpu.vector_load %arg14[%get3A_123, %get3A_124] {strides = array<i32>} : memref<64x128xf32, #tpu.memory_space<vmem>>, vector<1x16xf32>,
      %get3A_126 = vector.shape_cast %get3A_125 : vector<1x16xf32> to vector<16xf32>
      %add3A_127 = arith.addf %get3A_122, %get3A_126 : vector<16xf32>
      %swap3A_128 = arith.index_cast %scan3A_78 : i32 to index
      %swap3A_129 = arith.constant 48 : index
      %swap3A_130 = tpu.vector_load %arg16[%swap3A_128, %swap3A_129] {strides = array<i32>} : memref<64x128xf32, #tpu.memory_space<vmem>>, vector<1x16xf32>,
      %swap3A_131 = vector.shape_cast %swap3A_130 : vector<1x16xf32> to vector<16xf32>
      %swap3A_132 = vector.shape_cast %add3A_127 : vector<16xf32> to vector<1x16xf32>
      tpu.vector_store %arg16[%swap3A_128, %swap3A_129], %swap3A_132 {strides = array<i32>} : memref<64x128xf32, #tpu.memory_space<vmem>>, vector<1x16xf32>,
      %get3A_133 = arith.index_cast %scan3A_78 : i32 to index
      %get3A_134 = arith.constant 64 : index
      %get3A_135 = tpu.vector_load %arg13[%get3A_133, %get3A_134] {strides = array<i32>} : memref<64x128xf32, #tpu.memory_space<vmem>>, vector<1x16xf32>,
      %get3A_136 = vector.shape_cast %get3A_135 : vector<1x16xf32> to vector<16xf32>
      %get3A_137 = arith.index_cast %scan3A_78 : i32 to index
      %get3A_138 = arith.constant 64 : index
      %get3A_139 = tpu.vector_load %arg14[%get3A_137, %get3A_138] {strides = array<i32>} : memref<64x128xf32, #tpu.memory_space<vmem>>, vector<1x16xf32>,
      %get3A_140 = vector.shape_cast %get3A_139 : vector<1x16xf32> to vector<16xf32>
      %add3A_141 = arith.addf %get3A_136, %get3A_140 : vector<16xf32>
      %swap3A_142 = arith.index_cast %scan3A_78 : i32 to index
      %swap3A_143 = arith.constant 64 : index
      %swap3A_144 = tpu.vector_load %arg16[%swap3A_142, %swap3A_143] {strides = array<i32>} : memref<64x128xf32, #tpu.memory_space<vmem>>, vector<1x16xf32>,
      %swap3A_145 = vector.shape_cast %swap3A_144 : vector<1x16xf32> to vector<16xf32>
      %swap3A_146 = vector.shape_cast %add3A_141 : vector<16xf32> to vector<1x16xf32>
      tpu.vector_store %arg16[%swap3A_142, %swap3A_143], %swap3A_146 {strides = array<i32>} : memref<64x128xf32, #tpu.memory_space<vmem>>, vector<1x16xf32>,
      %get3A_147 = arith.index_cast %scan3A_78 : i32 to index
      %get3A_148 = arith.constant 80 : index
      %get3A_149 = tpu.vector_load %arg13[%get3A_147, %get3A_148] {strides = array<i32>} : memref<64x128xf32, #tpu.memory_space<vmem>>, vector<1x16xf32>,
      %get3A_150 = vector.shape_cast %get3A_149 : vector<1x16xf32> to vector<16xf32>
      %get3A_151 = arith.index_cast %scan3A_78 : i32 to index
      %get3A_152 = arith.constant 80 : index
      %get3A_153 = tpu.vector_load %arg14[%get3A_151, %get3A_152] {strides = array<i32>} : memref<64x128xf32, #tpu.memory_space<vmem>>, vector<1x16xf32>,
      %get3A_154 = vector.shape_cast %get3A_153 : vector<1x16xf32> to vector<16xf32>
      %add3A_155 = arith.addf %get3A_150, %get3A_154 : vector<16xf32>
      %swap3A_156 = arith.index_cast %scan3A_78 : i32 to index
      %swap3A_157 = arith.constant 80 : index
      %swap3A_158 = tpu.vector_load %arg16[%swap3A_156, %swap3A_157] {strides = array<i32>} : memref<64x128xf32, #tpu.memory_space<vmem>>, vector<1x16xf32>,
      %swap3A_159 = vector.shape_cast %swap3A_158 : vector<1x16xf32> to vector<16xf32>
      %swap3A_160 = vector.shape_cast %add3A_155 : vector<16xf32> to vector<1x16xf32>
      tpu.vector_store %arg16[%swap3A_156, %swap3A_157], %swap3A_160 {strides = array<i32>} : memref<64x128xf32, #tpu.memory_space<vmem>>, vector<1x16xf32>,
      %get3A_161 = arith.index_cast %scan3A_78 : i32 to index
      %get3A_162 = arith.constant 96 : index
      %get3A_163 = tpu.vector_load %arg13[%get3A_161, %get3A_162] {strides = array<i32>} : memref<64x128xf32, #tpu.memory_space<vmem>>, vector<1x16xf32>,
      %get3A_164 = vector.shape_cast %get3A_163 : vector<1x16xf32> to vector<16xf32>
      %get3A_165 = arith.index_cast %scan3A_78 : i32 to index
      %get3A_166 = arith.constant 96 : index
      %get3A_167 = tpu.vector_load %arg14[%get3A_165, %get3A_166] {strides = array<i32>} : memref<64x128xf32, #tpu.memory_space<vmem>>, vector<1x16xf32>,
      %get3A_168 = vector.shape_cast %get3A_167 : vector<1x16xf32> to vector<16xf32>
      %add3A_169 = arith.addf %get3A_164, %get3A_168 : vector<16xf32>
      %swap3A_170 = arith.index_cast %scan3A_78 : i32 to index
      %swap3A_171 = arith.constant 96 : index
      %swap3A_172 = tpu.vector_load %arg16[%swap3A_170, %swap3A_171] {strides = array<i32>} : memref<64x128xf32, #tpu.memory_space<vmem>>, vector<1x16xf32>,
      %swap3A_173 = vector.shape_cast %swap3A_172 : vector<1x16xf32> to vector<16xf32>
      %swap3A_174 = vector.shape_cast %add3A_169 : vector<16xf32> to vector<1x16xf32>
      tpu.vector_store %arg16[%swap3A_170, %swap3A_171], %swap3A_174 {strides = array<i32>} : memref<64x128xf32, #tpu.memory_space<vmem>>, vector<1x16xf32>,
      %get3A_175 = arith.index_cast %scan3A_78 : i32 to index
      %get3A_176 = arith.constant 112 : index
      %get3A_177 = tpu.vector_load %arg13[%get3A_175, %get3A_176] {strides = array<i32>} : memref<64x128xf32, #tpu.memory_space<vmem>>, vector<1x16xf32>,
      %get3A_178 = vector.shape_cast %get3A_177 : vector<1x16xf32> to vector<16xf32>
      %get3A_179 = arith.index_cast %scan3A_78 : i32 to index
      %get3A_180 = arith.constant 112 : index
      %get3A_181 = tpu.vector_load %arg14[%get3A_179, %get3A_180] {strides = array<i32>} : memref<64x128xf32, #tpu.memory_space<vmem>>, vector<1x16xf32>,
      %get3A_182 = vector.shape_cast %get3A_181 : vector<1x16xf32> to vector<16xf32>
      %add3A_183 = arith.addf %get3A_178, %get3A_182 : vector<16xf32>
      %swap3A_184 = arith.index_cast %scan3A_78 : i32 to index
      %swap3A_185 = arith.constant 112 : index
      %swap3A_186 = tpu.vector_load %arg16[%swap3A_184, %swap3A_185] {strides = array<i32>} : memref<64x128xf32, #tpu.memory_space<vmem>>, vector<1x16xf32>,
      %swap3A_187 = vector.shape_cast %swap3A_186 : vector<1x16xf32> to vector<16xf32>
      %swap3A_188 = vector.shape_cast %add3A_183 : vector<16xf32> to vector<1x16xf32>
      tpu.vector_store %arg16[%swap3A_184, %swap3A_185], %swap3A_188 {strides = array<i32>} : memref<64x128xf32, #tpu.memory_space<vmem>>, vector<1x16xf32>,
    }
    %scan3A_57 = arith.constant 64 : i32
    %add3A_58 = arith.constant 4992 : i32
    %add3A_59 = arith.addi %mul3A_2, %add3A_58 : i32
    %dma_start3A_60 = arith.constant 0 : i32
    %dma_start3A_61 = tpu.memref_slice %arg8[%add3A_59, %dma_start3A_60] : memref<161792x128xf32, #tpu.memory_space<hbm>> -> memref<64x128xf32, #tpu.memory_space<hbm>>
    %dma_start3A_62 = arith.constant 0 : i32
    %dma_start3A_63 = tpu.memref_slice %arg8[%add3A_59, %dma_start3A_62] : memref<161792x128xf32, #tpu.memory_space<hbm>> -> memref<64x128xf32, #tpu.memory_space<hbm>>
    tpu.enqueue_dma source(%arg16 : memref<64x128xf32, #tpu.memory_space<vmem>>) target(%dma_start3A_63 : memref<64x128xf32, #tpu.memory_space<hbm>>) target_semaphore(%arg23 : memref<!tpu.dma_semaphore, #tpu.memory_space<semaphore_mem>>)
    %dma_start3A_64 = arith.constant 0 : i32
    %dma_start3A_65 = tpu.memref_slice %arg9[%add3A_59, %dma_start3A_64] : memref<161792x128xi32, #tpu.memory_space<hbm>> -> memref<64x128xi32, #tpu.memory_space<hbm>>
    %dma_start3A_66 = arith.constant 0 : i32
    %dma_start3A_67 = tpu.memref_slice %arg9[%add3A_59, %dma_start3A_66] : memref<161792x128xi32, #tpu.memory_space<hbm>> -> memref<64x128xi32, #tpu.memory_space<hbm>>
    tpu.enqueue_dma source(%arg15 : memref<64x128xi32, #tpu.memory_space<vmem>>) target(%dma_start3A_67 : memref<64x128xi32, #tpu.memory_space<hbm>>) target_semaphore(%arg23 : memref<!tpu.dma_semaphore, #tpu.memory_space<semaphore_mem>>)
    %add3A_68 = arith.constant 4992 : i32
    %add3A_69 = arith.addi %mul3A_2, %add3A_68 : i32
    %dma_wait3A_70 = arith.constant 0 : i32
    %dma_wait3A_71 = tpu.memref_slice %arg8[%add3A_69, %dma_wait3A_70] : memref<161792x128xf32, #tpu.memory_space<hbm>> -> memref<64x128xf32, #tpu.memory_space<hbm>>
    %dma_wait3A_72 = arith.constant 0 : i32
    %dma_wait3A_73 = tpu.memref_slice %arg8[%add3A_69, %dma_wait3A_72] : memref<161792x128xf32, #tpu.memory_space<hbm>> -> memref<64x128xf32, #tpu.memory_space<hbm>>
    tpu.wait_dma2 semaphore(%arg23 : memref<!tpu.dma_semaphore, #tpu.memory_space<semaphore_mem>>) src(%arg16 : memref<64x128xf32, #tpu.memory_space<vmem>>) dst(%dma_wait3A_73 : memref<64x128xf32, #tpu.memory_space<hbm>>)
    %dma_wait3A_74 = arith.constant 0 : i32
    %dma_wait3A_75 = tpu.memref_slice %arg9[%add3A_69, %dma_wait3A_74] : memref<161792x128xi32, #tpu.memory_space<hbm>> -> memref<64x128xi32, #tpu.memory_space<hbm>>
    %dma_wait3A_76 = arith.constant 0 : i32
    %dma_wait3A_77 = tpu.memref_slice %arg9[%add3A_69, %dma_wait3A_76] : memref<161792x128xi32, #tpu.memory_space<hbm>> -> memref<64x128xi32, #tpu.memory_space<hbm>>
    tpu.wait_dma2 semaphore(%arg23 : memref<!tpu.dma_semaphore, #tpu.memory_space<semaphore_mem>>) src(%arg15 : memref<64x128xi32, #tpu.memory_space<vmem>>) dst(%dma_wait3A_77 : memref<64x128xi32, #tpu.memory_space<hbm>>)
    return
  }
}

module attributes {stable_mosaic.version = 14 : i64} {
  func.func @_ptables_body(%arg0: memref<10112x128xf32, #tpu.memory_space<vmem>>, %arg1: memref<128x128xf32, #tpu.memory_space<vmem>>, %arg2: memref<128x128xf32, #tpu.memory_space<vmem>>, %arg3: memref<10112x128xf32, #tpu.memory_space<vmem>>, %arg4: memref<10112x128xf32, #tpu.memory_space<vmem>>) attributes {dimension_semantics = [], scalar_prefetch = 0 : i64, scratch_operands = 0 : i64, tpu.core_type = #tpu.core_type<tc>} {
    %get3A = arith.constant 0 : index
    %get3A_0 = arith.constant 0 : index
    %get3A_1 = vector.load %arg0[%get3A, %get3A_0] : memref<10112x128xf32, #tpu.memory_space<vmem>>, vector<10112x128xf32>
    %get3A_2 = arith.constant 0 : index
    %get3A_3 = arith.constant 0 : index
    %get3A_4 = vector.load %arg1[%get3A_2, %get3A_3] : memref<128x128xf32, #tpu.memory_space<vmem>>, vector<128x128xf32>
    %dot_general3A = arith.constant dense<0.000000e+00> : vector<10112x128xf32>
    %dot_general3A_5 = tpu.matmul %get3A_1, %get3A_4, %dot_general3A {dimension_numbers = #tpu.dot_dimension_numbers<[1], [0], [0], [1], [0, 0, 1, 1], [], []>, transpose_lhs_hint = false} : vector<10112x128xf32>, vector<128x128xf32>, vector<10112x128xf32> -> vector<10112x128xf32>
    %swap3A = arith.constant 0 : index
    %swap3A_6 = arith.constant 0 : index
    %swap3A_7 = vector.load %arg3[%swap3A, %swap3A_6] : memref<10112x128xf32, #tpu.memory_space<vmem>>, vector<10112x128xf32>
    tpu.vector_store %arg3[%swap3A, %swap3A_6], %dot_general3A_5 {strides = array<i32>} : memref<10112x128xf32, #tpu.memory_space<vmem>>, vector<10112x128xf32>,
    %get3A_8 = arith.constant 0 : index
    %get3A_9 = arith.constant 0 : index
    %get3A_10 = vector.load %arg2[%get3A_8, %get3A_9] : memref<128x128xf32, #tpu.memory_space<vmem>>, vector<128x128xf32>
    %dot_general3A_11 = arith.constant dense<0.000000e+00> : vector<10112x128xf32>
    %dot_general3A_12 = tpu.matmul %get3A_1, %get3A_10, %dot_general3A_11 {dimension_numbers = #tpu.dot_dimension_numbers<[1], [0], [0], [1], [0, 0, 1, 1], [], []>, transpose_lhs_hint = false} : vector<10112x128xf32>, vector<128x128xf32>, vector<10112x128xf32> -> vector<10112x128xf32>
    %swap3A_13 = arith.constant 0 : index
    %swap3A_14 = arith.constant 0 : index
    %swap3A_15 = vector.load %arg4[%swap3A_13, %swap3A_14] : memref<10112x128xf32, #tpu.memory_space<vmem>>, vector<10112x128xf32>
    tpu.vector_store %arg4[%swap3A_13, %swap3A_14], %dot_general3A_12 {strides = array<i32>} : memref<10112x128xf32, #tpu.memory_space<vmem>>, vector<10112x128xf32>,
    return
  }
}

module attributes {stable_mosaic.version = 14 : i64} {
  func.func @_btable_body(%arg0: i32, %arg1: memref<8000x16xf32, #tpu.memory_space<vmem>>, %arg2: memref<8000x128xf32, #tpu.memory_space<vmem>>, %arg3: memref<16x128xf32, #tpu.memory_space<vmem>>, %arg4: memref<1x128xf32, #tpu.memory_space<vmem>>, %arg5: memref<8000x128xi32, #tpu.memory_space<vmem>>) attributes {dimension_semantics = [#tpu.dimension_semantics<arbitrary>], iteration_bounds = array<i64: 20>, scalar_prefetch = 0 : i64, scratch_operands = 0 : i64, tpu.core_type = #tpu.core_type<tc>, window_params = [{transform_indices = @transform_0, window_bounds = array<i64: 8000, 16>}, {transform_indices = @transform_1, window_bounds = array<i64: 8000, 128>}, {pipeline_mode = #tpu.pipeline_mode<synchronous>, transform_indices = @transform_2, window_bounds = array<i64: 16, 128>}, {pipeline_mode = #tpu.pipeline_mode<synchronous>, transform_indices = @transform_3, window_bounds = array<i64: 1, 128>}, {transform_indices = @transform_4, window_bounds = array<i64: 8000, 128>}]} {
    %get3A = arith.constant 0 : index
    %get3A_0 = arith.constant 0 : index
    %get3A_1 = vector.load %arg1[%get3A, %get3A_0] : memref<8000x16xf32, #tpu.memory_space<vmem>>, vector<8000x16xf32>
    %get3A_2 = arith.constant 0 : index
    %get3A_3 = arith.constant 0 : index
    %get3A_4 = vector.load %arg3[%get3A_2, %get3A_3] : memref<16x128xf32, #tpu.memory_space<vmem>>, vector<16x128xf32>
    %dot_general3A = arith.constant dense<0.000000e+00> : vector<8000x128xf32>
    %dot_general3A_5 = tpu.matmul %get3A_1, %get3A_4, %dot_general3A {dimension_numbers = #tpu.dot_dimension_numbers<[1], [0], [0], [1], [0, 0, 1, 1], [], []>, transpose_lhs_hint = false} : vector<8000x16xf32>, vector<16x128xf32>, vector<8000x128xf32> -> vector<8000x128xf32>
    %get3A_6 = arith.constant 0 : index
    %get3A_7 = arith.constant 0 : index
    %get3A_8 = vector.load %arg4[%get3A_6, %get3A_7] : memref<1x128xf32, #tpu.memory_space<vmem>>, vector<1x128xf32>
    %add3A = vector.broadcast %get3A_8 : vector<1x128xf32> to vector<8000x128xf32>
    %add3A_9 = arith.addf %dot_general3A_5, %add3A : vector<8000x128xf32>
    %convert_element_type3A = arith.truncf %add3A_9 : vector<8000x128xf32> to vector<8000x128xbf16>
    %bitcast_convert_type3A = tpu.bitcast %convert_element_type3A : vector<8000x128xbf16> -> vector<8000x128xi16>
    %convert_element_type3A_10 = arith.extui %bitcast_convert_type3A : vector<8000x128xi16> to vector<8000x128xi32>
    %get3A_11 = arith.constant 0 : index
    %get3A_12 = arith.constant 0 : index
    %get3A_13 = vector.load %arg2[%get3A_11, %get3A_12] : memref<8000x128xf32, #tpu.memory_space<vmem>>, vector<8000x128xf32>
    %convert_element_type3A_14 = arith.truncf %get3A_13 : vector<8000x128xf32> to vector<8000x128xbf16>
    %bitcast_convert_type3A_15 = tpu.bitcast %convert_element_type3A_14 : vector<8000x128xbf16> -> vector<8000x128xi16>
    %convert_element_type3A_16 = arith.extui %bitcast_convert_type3A_15 : vector<8000x128xi16> to vector<8000x128xi32>
    %shift_left3A = arith.constant 16 : i32
    %shift_left3A_17 = vector.broadcast %shift_left3A : i32 to vector<8000x128xi32>
    %shift_left3A_18 = arith.shli %convert_element_type3A_16, %shift_left3A_17 : vector<8000x128xi32>
    %or3A = arith.ori %convert_element_type3A_10, %shift_left3A_18 : vector<8000x128xi32>
    %swap3A = arith.constant 0 : index
    %swap3A_19 = arith.constant 0 : index
    %swap3A_20 = vector.load %arg5[%swap3A, %swap3A_19] : memref<8000x128xi32, #tpu.memory_space<vmem>>, vector<8000x128xi32>
    tpu.vector_store %arg5[%swap3A, %swap3A_19], %or3A {strides = array<i32>} : memref<8000x128xi32, #tpu.memory_space<vmem>>, vector<8000x128xi32>,
    return
  }
  func.func @transform_0(%arg0: i32) -> (i32, i32) {
    %c0_i32 = arith.constant 0 : i32
    %c0_i32_0 = arith.constant 0 : i32
    return %arg0, %c0_i32 : i32, i32
  }
  func.func @transform_1(%arg0: i32) -> (i32, i32) {
    %c0_i32 = arith.constant 0 : i32
    %c0_i32_0 = arith.constant 0 : i32
    return %arg0, %c0_i32 : i32, i32
  }
  func.func @transform_2(%arg0: i32) -> (i32, i32) {
    %c0_i32 = arith.constant 0 : i32
    %c0_i32_0 = arith.constant 0 : i32
    %c0_i32_1 = arith.constant 0 : i32
    return %c0_i32, %c0_i32_0 : i32, i32
  }
  func.func @transform_3(%arg0: i32) -> (i32, i32) {
    %c0_i32 = arith.constant 0 : i32
    %c0_i32_0 = arith.constant 0 : i32
    %c0_i32_1 = arith.constant 0 : i32
    return %c0_i32, %c0_i32_0 : i32, i32
  }
  func.func @transform_4(%arg0: i32) -> (i32, i32) {
    %c0_i32 = arith.constant 0 : i32
    %c0_i32_0 = arith.constant 0 : i32
    return %arg0, %c0_i32 : i32, i32
  }
}

module attributes {stable_mosaic.version = 14 : i64} {
  func.func @_mlp_body(%arg0: i32, %arg1: memref<2048x128xf32, #tpu.memory_space<vmem>>, %arg2: memref<2048x128xi32, #tpu.memory_space<vmem>>, %arg3: memref<128x256xf32, #tpu.memory_space<vmem>>, %arg4: memref<1x256xf32, #tpu.memory_space<vmem>>, %arg5: memref<2048x128xf32, #tpu.memory_space<vmem>>) attributes {dimension_semantics = [#tpu.dimension_semantics<arbitrary>], iteration_bounds = array<i64: 79>, scalar_prefetch = 0 : i64, scratch_operands = 0 : i64, tpu.core_type = #tpu.core_type<tc>, window_params = [{transform_indices = @transform_0, window_bounds = array<i64: 2048, 128>}, {transform_indices = @transform_1, window_bounds = array<i64: 2048, 128>}, {pipeline_mode = #tpu.pipeline_mode<synchronous>, transform_indices = @transform_2, window_bounds = array<i64: 128, 256>}, {pipeline_mode = #tpu.pipeline_mode<synchronous>, transform_indices = @transform_3, window_bounds = array<i64: 1, 256>}, {transform_indices = @transform_4, window_bounds = array<i64: 2048, 128>}]} {
    %get3A = arith.constant 0 : index
    %get3A_0 = arith.constant 0 : index
    %get3A_1 = vector.load %arg2[%get3A, %get3A_0] : memref<2048x128xi32, #tpu.memory_space<vmem>>, vector<2048x128xi32>
    %get3A_2 = arith.constant 0 : index
    %get3A_3 = arith.constant 0 : index
    %get3A_4 = vector.load %arg1[%get3A_2, %get3A_3] : memref<2048x128xf32, #tpu.memory_space<vmem>>, vector<2048x128xf32>
    %shift_left3A = arith.constant 16 : i32
    %shift_left3A_5 = vector.broadcast %shift_left3A : i32 to vector<2048x128xi32>
    %shift_left3A_6 = arith.shli %get3A_1, %shift_left3A_5 : vector<2048x128xi32>
    %bitcast_convert_type3A = tpu.bitcast %shift_left3A_6 : vector<2048x128xi32> -> vector<2048x128xf32>
    %add3A = arith.addf %get3A_4, %bitcast_convert_type3A : vector<2048x128xf32>
    %and3A = arith.constant -65536 : i32
    %and3A_7 = vector.broadcast %and3A : i32 to vector<2048x128xi32>
    %and3A_8 = arith.andi %get3A_1, %and3A_7 : vector<2048x128xi32>
    %bitcast_convert_type3A_9 = tpu.bitcast %and3A_8 : vector<2048x128xi32> -> vector<2048x128xf32>
    %logistic3A = arith.negf %add3A : vector<2048x128xf32>
    %logistic3A_10 = math.exp %logistic3A : vector<2048x128xf32>
    %logistic3A_11 = arith.constant 1.000000e+00 : f32
    %logistic3A_12 = vector.broadcast %logistic3A_11 : f32 to vector<2048x128xf32>
    %logistic3A_13 = arith.addf %logistic3A_12, %logistic3A_10 : vector<2048x128xf32>
    %logistic3A_14 = arith.divf %logistic3A_12, %logistic3A_13 : vector<2048x128xf32>
    %mul3A = arith.mulf %add3A, %logistic3A_14 : vector<2048x128xf32>
    %get3A_15 = arith.constant 0 : index
    %get3A_16 = arith.constant 0 : index
    %get3A_17 = vector.load %arg3[%get3A_15, %get3A_16] : memref<128x256xf32, #tpu.memory_space<vmem>>, vector<128x256xf32>
    %dot_general3A = arith.constant dense<0.000000e+00> : vector<2048x256xf32>
    %dot_general3A_18 = tpu.matmul %mul3A, %get3A_17, %dot_general3A {dimension_numbers = #tpu.dot_dimension_numbers<[1], [0], [0], [1], [0, 0, 1, 1], [], []>, transpose_lhs_hint = false} : vector<2048x128xf32>, vector<128x256xf32>, vector<2048x256xf32> -> vector<2048x256xf32>
    %get3A_19 = arith.constant 0 : index
    %get3A_20 = arith.constant 0 : index
    %get3A_21 = vector.load %arg4[%get3A_19, %get3A_20] : memref<1x256xf32, #tpu.memory_space<vmem>>, vector<1x256xf32>
    %add3A_22 = vector.broadcast %get3A_21 : vector<1x256xf32> to vector<2048x256xf32>
    %add3A_23 = arith.addf %dot_general3A_18, %add3A_22 : vector<2048x256xf32>
    %slice3A = vector.extract_strided_slice %add3A_23 {offsets = [0, 0], sizes = [2048, 128], strides = [1, 1]} : vector<2048x256xf32> to vector<2048x128xf32>
    %slice3A_24 = vector.extract_strided_slice %add3A_23 {offsets = [0, 128], sizes = [2048, 128], strides = [1, 1]} : vector<2048x256xf32> to vector<2048x128xf32>
    %logistic3A_25 = arith.negf %slice3A : vector<2048x128xf32>
    %logistic3A_26 = math.exp %logistic3A_25 : vector<2048x128xf32>
    %logistic3A_27 = arith.constant 1.000000e+00 : f32
    %logistic3A_28 = vector.broadcast %logistic3A_27 : f32 to vector<2048x128xf32>
    %logistic3A_29 = arith.addf %logistic3A_28, %logistic3A_26 : vector<2048x128xf32>
    %logistic3A_30 = arith.divf %logistic3A_28, %logistic3A_29 : vector<2048x128xf32>
    %mul3A_31 = arith.mulf %slice3A, %logistic3A_30 : vector<2048x128xf32>
    %logistic3A_32 = arith.negf %slice3A_24 : vector<2048x128xf32>
    %logistic3A_33 = math.exp %logistic3A_32 : vector<2048x128xf32>
    %logistic3A_34 = arith.constant 1.000000e+00 : f32
    %logistic3A_35 = vector.broadcast %logistic3A_34 : f32 to vector<2048x128xf32>
    %logistic3A_36 = arith.addf %logistic3A_35, %logistic3A_33 : vector<2048x128xf32>
    %logistic3A_37 = arith.divf %logistic3A_35, %logistic3A_36 : vector<2048x128xf32>
    %mul3A_38 = arith.mulf %mul3A_31, %logistic3A_37 : vector<2048x128xf32>
    %mul3A_39 = arith.mulf %mul3A_38, %bitcast_convert_type3A_9 : vector<2048x128xf32>
    %swap3A = arith.constant 0 : index
    %swap3A_40 = arith.constant 0 : index
    %swap3A_41 = vector.load %arg5[%swap3A, %swap3A_40] : memref<2048x128xf32, #tpu.memory_space<vmem>>, vector<2048x128xf32>
    tpu.vector_store %arg5[%swap3A, %swap3A_40], %mul3A_39 {strides = array<i32>} : memref<2048x128xf32, #tpu.memory_space<vmem>>, vector<2048x128xf32>,
    return
  }
  func.func @transform_0(%arg0: i32) -> (i32, i32) {
    %c0_i32 = arith.constant 0 : i32
    %c0_i32_0 = arith.constant 0 : i32
    return %arg0, %c0_i32 : i32, i32
  }
  func.func @transform_1(%arg0: i32) -> (i32, i32) {
    %c0_i32 = arith.constant 0 : i32
    %c0_i32_0 = arith.constant 0 : i32
    return %arg0, %c0_i32 : i32, i32
  }
  func.func @transform_2(%arg0: i32) -> (i32, i32) {
    %c0_i32 = arith.constant 0 : i32
    %c0_i32_0 = arith.constant 0 : i32
    %c0_i32_1 = arith.constant 0 : i32
    return %c0_i32, %c0_i32_0 : i32, i32
  }
  func.func @transform_3(%arg0: i32) -> (i32, i32) {
    %c0_i32 = arith.constant 0 : i32
    %c0_i32_0 = arith.constant 0 : i32
    %c0_i32_1 = arith.constant 0 : i32
    return %c0_i32, %c0_i32_0 : i32, i32
  }
  func.func @transform_4(%arg0: i32) -> (i32, i32) {
    %c0_i32 = arith.constant 0 : i32
    %c0_i32_0 = arith.constant 0 : i32
    return %arg0, %c0_i32 : i32, i32
  }
}

module attributes {stable_mosaic.version = 14 : i64} {
  func.func @_final_body(%arg0: memref<2x10000x128xf32, #tpu.memory_space<vmem>>, %arg1: memref<2x10000x128xf32, #tpu.memory_space<vmem>>, %arg2: memref<128x128xf32, #tpu.memory_space<vmem>>, %arg3: memref<1x128xf32, #tpu.memory_space<vmem>>, %arg4: memref<10000x128xf32, #tpu.memory_space<vmem>>, %arg5: memref<10000x128xf32, #tpu.memory_space<vmem>>) attributes {dimension_semantics = [], scalar_prefetch = 0 : i64, scratch_operands = 0 : i64, tpu.core_type = #tpu.core_type<tc>} {
    %get3A = arith.constant 0 : index
    %get3A_0 = arith.constant 0 : index
    %get3A_1 = arith.constant 0 : index
    %get3A_2 = vector.load %arg0[%get3A, %get3A_0, %get3A_1] : memref<2x10000x128xf32, #tpu.memory_space<vmem>>, vector<1x10000x128xf32>
    %get3A_3 = vector.shape_cast %get3A_2 : vector<1x10000x128xf32> to vector<10000x128xf32>
    %get3A_4 = arith.constant 1 : index
    %get3A_5 = arith.constant 0 : index
    %get3A_6 = arith.constant 0 : index
    %get3A_7 = vector.load %arg0[%get3A_4, %get3A_5, %get3A_6] : memref<2x10000x128xf32, #tpu.memory_space<vmem>>, vector<1x10000x128xf32>
    %get3A_8 = vector.shape_cast %get3A_7 : vector<1x10000x128xf32> to vector<10000x128xf32>
    %add3A = arith.addf %get3A_3, %get3A_8 : vector<10000x128xf32>
    %get3A_9 = arith.constant 0 : index
    %get3A_10 = arith.constant 0 : index
    %get3A_11 = arith.constant 0 : index
    %get3A_12 = vector.load %arg1[%get3A_9, %get3A_10, %get3A_11] : memref<2x10000x128xf32, #tpu.memory_space<vmem>>, vector<1x10000x128xf32>
    %get3A_13 = vector.shape_cast %get3A_12 : vector<1x10000x128xf32> to vector<10000x128xf32>
    %get3A_14 = arith.constant 1 : index
    %get3A_15 = arith.constant 0 : index
    %get3A_16 = arith.constant 0 : index
    %get3A_17 = vector.load %arg1[%get3A_14, %get3A_15, %get3A_16] : memref<2x10000x128xf32, #tpu.memory_space<vmem>>, vector<1x10000x128xf32>
    %get3A_18 = vector.shape_cast %get3A_17 : vector<1x10000x128xf32> to vector<10000x128xf32>
    %add3A_19 = arith.addf %get3A_13, %get3A_18 : vector<10000x128xf32>
    %add3A_20 = arith.addf %add3A, %add3A_19 : vector<10000x128xf32>
    %get3A_21 = arith.constant 0 : index
    %get3A_22 = arith.constant 0 : index
    %get3A_23 = vector.load %arg2[%get3A_21, %get3A_22] : memref<128x128xf32, #tpu.memory_space<vmem>>, vector<128x128xf32>
    %dot_general3A = arith.constant dense<0.000000e+00> : vector<10000x128xf32>
    %dot_general3A_24 = tpu.matmul %add3A_20, %get3A_23, %dot_general3A {dimension_numbers = #tpu.dot_dimension_numbers<[1], [0], [0], [1], [0, 0, 1, 1], [], []>, transpose_lhs_hint = false} : vector<10000x128xf32>, vector<128x128xf32>, vector<10000x128xf32> -> vector<10000x128xf32>
    %get3A_25 = arith.constant 0 : index
    %get3A_26 = arith.constant 0 : index
    %get3A_27 = vector.load %arg3[%get3A_25, %get3A_26] : memref<1x128xf32, #tpu.memory_space<vmem>>, vector<1x128xf32>
    %add3A_28 = vector.broadcast %get3A_27 : vector<1x128xf32> to vector<10000x128xf32>
    %add3A_29 = arith.addf %dot_general3A_24, %add3A_28 : vector<10000x128xf32>
    %get3A_30 = arith.constant 0 : index
    %get3A_31 = arith.constant 0 : index
    %get3A_32 = vector.load %arg4[%get3A_30, %get3A_31] : memref<10000x128xf32, #tpu.memory_space<vmem>>, vector<10000x128xf32>
    %add3A_33 = arith.addf %add3A_29, %get3A_32 : vector<10000x128xf32>
    %swap3A = arith.constant 0 : index
    %swap3A_34 = arith.constant 0 : index
    %swap3A_35 = vector.load %arg5[%swap3A, %swap3A_34] : memref<10000x128xf32, #tpu.memory_space<vmem>>, vector<10000x128xf32>
    tpu.vector_store %arg5[%swap3A, %swap3A_34], %add3A_33 {strides = array<i32>} : memref<10000x128xf32, #tpu.memory_space<vmem>>, vector<10000x128xf32>,
    return
  }
}

</mosaic_0001>

<sc_bundles>
// kernel: kernel.11.cloned.1.call-start
scs
__scs_entry_jumppad:
0x0: {  	(pc) =	sbr.rel $0x88, $3  }
0x1: {  	(tag) =	ssettag $0x0;
	lr =	simm.s32 $0x1  }
0x2: {  	[smem:$0x3F92] =	sst lr;
	_ =	strace $0xD0000000  }
0x3: {  	_ = 	snop  }
0x4: {  	_ = 	snop  }
0x5: {  	_ = 	snop  }
0x6: {  	_ = 	snop  }
0x7: {  	_ = 	snop  }
__scs_overlays_trampoline_lowered:
0x8: {  	[smem:$0x3FA1] =	sst s0  }
0x9: {  	[smem:$0x3FA2] =	sst s1  }
0xa: {  	[smem:$0x3FA3] =	sst s2  }
0xb: {  	[smem:$0x3FA4] =	sst s3  }
0xc: {  	[smem:$0x3FA5] =	sst s4  }
0xd: {  	[smem:$0x3FA6] =	sst s5  }
0xe: {  	[smem:$0x3FA7] =	sst s6  }
0xf: {  	[smem:$0x3FA8] =	sst s7  }
0x10: {  	[smem:$0x3FA9] =	sst s8  }
0x11: {  	[smem:$0x3FAA] =	sst s9;
	s0 =	simm.s32 @!p0 $0x0  }
0x12: {  	s1 =	sld [smem:$0x3F90];
	s0 =	simm.s32 @p0 $0x1  }
0x13: {  	[smem:$0x3FAB] =	sst s0;
	s0 =	simm.s32 @!p1 $0x0  }
0x14: {  	s2 =	sld [smem:$0x3F8F];
	s0 =	simm.s32 @p1 $0x1  }
0x15: {  	[smem:$0x3FAC] =	sst s0;
	s0 =	simm.s32 @!p2 $0x0  }
0x16: {  	s3 =	sld [smem:$0x3FDB];
	s0 =	simm.s32 @p2 $0x1  }
0x17: {  	s4 =	simm.s32 $0x1BF5;
	[smem:$0x3FAE] =	sst s0  }
0x18: {  	s0 =	sld [smem:$0x3F91];
	_ =	swait.ge [sflag:s4], $0x0  }
0x19: {  	s7 =	sld [smem:$0x3F92]  }
0x1a: {  	s8 =	sadd.s32 $0xFFFFE003, lr  }
0x1b: {  	s9 =	sadd.s32 $0xFFFFFEF7, lr;
	s5 =	simm.s32 $0xFFFFFFFF;
	p2 =	slt.u32 s8, $0xFFFFF086  }
0x1c: {  	p1 =	slt.u32 s9, $0xF7A;
	s5 =	simm.s32 @!p2 $0x0  }
0x1d: {  	s5 =	simm.s32 @p1 $0x1;
	p0 =	seq.s32 s7, s2  }
0x1e: {  	s7 =	smul.u32 @!p0 $0xF7A, s2;
	p2 =	seq.s32 @!p0 s5, $0x0  }
0x1f: {  	s9 =	smul.u32 $0xF7A, s1;
	s8 =	simm.s32 @!p0 $0x1BF5;
	p2 =	por !p2, p0  }
0x20: {  	[sflag:s8] =	ssyncset.s32 @!p0 $0xFFFFF086;
	s6 =	sadd.s32 @!p0 s3, s7;
	s7 =	simm.s32 @!p0 $0x108  }
0x21: {  	s3 =	sadd.s32 s3, s9;
	s6 =	sadd.s32 @!p0 $0x88, s6;
	s7 =	simm.s32 @p2 $0x1082  }
0x22: {  	[simem:s7], [sflag:s8] =	dma.local @!p0 [hbm:s6], $0xF7A  }
0x23: {  	s9 =	sor.u32 $0xD0000000, s2;
	s6 =	simm.s32 $0x108;
	_ =	swait.ge @!p0 [sflag:s8], $0x0  }
0x24: {  	s3 =	sadd.s32 $0x88, s3;
	s6 =	simm.s32 @!p1 $0x1082;
	[sflag:s4] =	ssyncset.s32 $0xFFFFF086  }
0x25: {  	[simem:s6], [sflag:s4] =	dma.local [hbm:s3], $0xF7A  }
0x26: {  	[smem:$0x3F92] =	sst s1;
	(tag) =	ssettag s2;
	_ =	strace s9  }
0x27: {  	s1 =	sld [smem:$0x3FA2]  }
0x28: {  	s2 =	sld [smem:$0x3FA3]  }
0x29: {  	s4 =	sld [smem:$0x3FA5]  }
0x2a: {  	p0 =	seq.s32 s5, $0x0;
	s5 =	sld [smem:$0x3FA6]  }
0x2b: {  	s6 =	sld [smem:$0x3FA7]  }
0x2c: {  	s7 =	sld [smem:$0x3FA8]  }
0x2d: {  	s3 =	simm.s32 $0x108;
	s8 =	sld [smem:$0x3FA9]  }
0x2e: {  	s3 =	simm.s32 @!p0 $0x1082;
	s9 =	sld [smem:$0x3FAA]  }
0x2f: {  	lr =	sadd.s32 s0, s3;
	s0 =	sld [smem:$0x3FA1]  }
0x30: {  	s3 =	sld [smem:$0x3FA4]  }
0x31: {  	[smem:$0x3FAD] =	sst s10  }
0x32: {  	s10 =	sld [smem:$0x3FAB];
	_ =	sdelay $0x3  }
0x33: {  	p0 =	seq.s32 s10, $0x1;
	s10 =	sld [smem:$0x3FAD];
	_ =	sdelay $0x3  }
0x34: {  	[smem:$0x3FAD] =	sst s10  }
0x35: {  	s10 =	sld [smem:$0x3FAC];
	_ =	sdelay $0x3  }
0x36: {  	p1 =	seq.s32 s10, $0x1;
	s10 =	sld [smem:$0x3FAD];
	_ =	sdelay $0x3  }
0x37: {  	[smem:$0x3FAD] =	sst s10  }
0x38: {  	s10 =	sld [smem:$0x3FAE]  }
0x39: {  	_ = 	snop;
	(pc) =	sbr.ind lr, $3  }
0x3a: {  	_ = 	snop  }
0x3b: {  	_ = 	snop  }
0x3c: {  	p2 =	seq.s32 s10, $0x1;
	s10 =	sld [smem:$0x3FAD]  }
0x3d: {  	_ =	shalt  }
0x3e: {  	_ =	shalt  }
0x3f: {  	_ =	shalt  }
0x40: {  	_ =	shalt  }
0x41: {  	_ =	shalt  }
0x42: {  	_ =	shalt  }
0x43: {  	_ =	shalt  }
0x44: {  	_ =	shalt  }
0x45: {  	_ =	shalt  }
0x46: {  	_ =	shalt  }
0x47: {  	_ =	shalt  }
0x48: {  	_ =	shalt  }
0x49: {  	_ =	shalt  }
0x4a: {  	_ =	shalt  }
0x4b: {  	_ =	shalt  }
0x4c: {  	_ =	shalt  }
0x4d: {  	_ =	shalt  }
0x4e: {  	_ =	shalt  }
0x4f: {  	_ =	shalt  }
0x50: {  	_ =	shalt  }
0x51: {  	_ =	shalt  }
0x52: {  	_ =	shalt  }
0x53: {  	_ =	shalt  }
0x54: {  	_ =	shalt  }
0x55: {  	_ =	shalt  }
0x56: {  	_ =	shalt  }
0x57: {  	_ =	shalt  }
0x58: {  	_ =	shalt  }
0x59: {  	_ =	shalt  }
0x5a: {  	_ =	shalt  }
0x5b: {  	_ =	shalt  }
0x5c: {  	_ =	shalt  }
0x5d: {  	_ =	shalt  }
0x5e: {  	_ =	shalt  }
0x5f: {  	_ =	shalt  }
0x60: {  	_ =	shalt  }
0x61: {  	_ =	shalt  }
0x62: {  	_ =	shalt  }
0x63: {  	_ =	shalt  }
0x64: {  	_ =	shalt  }
0x65: {  	_ =	shalt  }
0x66: {  	_ =	shalt  }
0x67: {  	_ =	shalt  }
0x68: {  	_ =	shalt  }
0x69: {  	_ =	shalt  }
0x6a: {  	_ =	shalt  }
0x6b: {  	_ =	shalt  }
0x6c: {  	_ =	shalt  }
0x6d: {  	_ =	shalt  }
0x6e: {  	_ =	shalt  }
0x6f: {  	_ =	shalt  }
0x70: {  	_ =	shalt  }
0x71: {  	_ =	shalt  }
0x72: {  	_ =	shalt  }
0x73: {  	_ =	shalt  }
0x74: {  	_ =	shalt  }
0x75: {  	_ =	shalt  }
0x76: {  	_ =	shalt  }
0x77: {  	_ =	shalt  }
0x78: {  	_ =	shalt  }
0x79: {  	_ =	shalt  }
0x7a: {  	_ =	shalt  }
0x7b: {  	_ =	shalt  }
0x7c: {  	_ =	shalt  }
0x7d: {  	_ =	shalt  }
0x7e: {  	_ =	shalt  }
0x7f: {  	_ =	shalt  }
0x80: {  	_ =	shalt  }
0x81: {  	_ =	shalt  }
0x82: {  	_ =	shalt  }
0x83: {  	_ =	shalt  }
0x84: {  	_ =	shalt  }
0x85: {  	_ =	shalt  }
0x86: {  	_ =	shalt  }
0x87: {  	_ =	shalt  }
.Lfunc_end0:
.L_simem_size_0:
called_computation_lowered:
.L_overlay_start_0:
0x88: {  	s2 =	sld [smem:$0x3FD9]  }
0x89: {  	s3 =	sld [smem:$0x3FFE];
	_ =	sdelay $0x1  }
0x8a: {  	s1 =	srdreg.scid  }
0x8b: {  	s0 =	sand.u32 $0x1, s1  }
0x8c: {  	s17 =	sshll.u32 s0, $0xA;
	s2 =	sadd.s32 s3, s2  }
0x8d: {  	s2 =	sadd.s32 s2, s17  }
0x8e: {  	[smem:$0x3FB9] =	sst s2  }
0x8f: {  	_ = 	snop  }
0x90: {  	(tm) =	ssettm $0x1  }
0x91: {  	s18 =	sld [smem:$0x3FFB];
	_ =	sdelay $0x3  }
0x92: {  	_ =	strace s18  }
0x93: {  	s2 =	sld [smem:$0x3FFC];
	_ =	sdelay $0x3  }
0x94: {  	_ =	strace s2  }
0x95: {  	s2 =	sld [smem:$0x3FFD];
	_ =	sdelay $0x3  }
0x96: {  	_ =	strace s2  }
0x97: {  	_ =	strace $0x8FFFFFFF  }
0x98: {  	s19 =	sld [smem:$0x3FDB];
	_ =	sdelay $0x1  }
0x99: {  	s20 =	simm.s32 $_scs_section_size  }
0x9a: {  	s4 =	simm.s32 $_size__tile_overlayer_lowered;
	s5 =	simm.s32 $_tile_overlayer_lowered  }
0x9b: {  	s6 =	simm.s32 $0x1BFF;
	s21 =	sshll.u32 s5, $0x1;
	s3 =	sadd.s32 s20, s19  }
0x9c: {  	s22 =	simm.s32 $0x0;
	s4 =	sshll.u32 s4, $0x1;
	s5 =	sadd.s32 s21, s3  }
0x9d: {  	[timem:s22], [sflag:s6] =	dma.local [hbm:s5], s4  }
0x9e: {  	_ =	swait.ge [sflag:s6], s4  }
0x9f: {  	s4 =	ssub.s32 $0x0, s4;
	[sflag:s6] =	ssyncset.done $0x0  }
0xa0: {  	[sflag:s6] =	ssyncadd.s32 s4;
	_ =	sdelay $0x1  }
0xa1: {  	s23 =	simm.s32 $0x1B8B  }
0xa2: {  	_ =	swait.ge [sflag:s23], $0x1  }
0xa3: {  	[sflag:s23] =	ssyncset.done $0x0  }
0xa4: {  	[sflag:s23] =	ssyncadd.s32 $0xFFFFFFFF  }
0xa5: {  	s4 =	sld [smem:$0x0]  }
0xa6: {  	s5 =	sand.u32 $0xFFFFFFFE, s1  }
0xa7: {  	p0 =	sne.s32 s1, s5  }
0xa8: {  	s5 =	sshll.u32 @p0 s5, $0xE  }
0xa9: {  	s5 =	sadd.s32 @p0 $0x11B8D, s5;
	s6 =	sshll.u32 @p0 s4, $0x11  }
0xaa: {  	s5 =	sor.u32 @p0 s6, s5  }
0xab: {  	[sflag:s5] =	ssyncadd.remote.s32 @p0 $0x1;
	_ =	sdelay $0x1  }
0xac: {  	s5 =	simm.s32 @p0 $0x1B8D  }
0xad: {  	_ =	swait.eq @p0 [sflag:s5], $0x1  }
0xae: {  	[sflag:s5] =	ssyncadd.s32 @p0 $0xFFFFFFFF  }
0xaf: {  	s6 =	sshll.u32 @!p0 s1, $0xE  }
0xb0: {  	s6 =	sor.u32 @!p0 $0x4000, s6;
	s5 =	simm.s32 @!p0 $0x1B8D  }
0xb1: {  	s4 =	sshll.u32 @!p0 s4, $0x11;
	s6 =	sadd.s32 @!p0 $0x11B8D, s6;
	_ =	swait.eq @!p0 [sflag:s5], $0x1  }
0xb2: {  	s4 =	sor.u32 @!p0 s4, s6;
	[sflag:s5] =	ssyncadd.s32 @!p0 $0xFFFFFFFF  }
0xb3: {  	s25 =	simm.s32 $0x1B8E;
	s24 =	sld [smem:$0x3FFE];
	[sflag:s4] =	ssyncadd.remote.s32 @!p0 $0x1  }
0xb4: {  	s26 =	simm.s32 $execute0_lowered;
	[smem:$0x3FD2] =	sst s25  }
0xb5: {  	s5 =	sshll.u32 s26, $0x1;
	_ =	strace $0x80000049;
	[dreg:$0x1] =	wrdreg $0xFFFFFFFF  }
0xb6: {  	s28 =	simm.s32 $_size_execute0_lowered;
	s3 =	sadd.s32 s3, s5;
	[dreg:$0x0] =	wrdreg $0x0  }
0xb7: {  	s5 =	sshll.u32 s28, $0x1;
	[dreg:$0x2] =	wrdreg s3  }
0xb8: {  	[dreg:$0x3] =	wrdreg s5  }
0xb9: {  	[dreg:$0x4] =	wrdreg $0xC0  }
0xba: {  	_ =	task [dreg:s22], $0x5FFFF  }
0xbb: {  	[dreg:$0x1] =	wrdreg $0xFFFFFFFF  }
0xbc: {  	[dreg:$0x0] =	wrdreg $0x60  }
0xbd: {  	[dreg:$0x2] =	wrdreg s24  }
0xbe: {  	[dreg:$0x3] =	wrdreg $0x9  }
0xbf: {  	_ =	task.clear_ibuf [dreg:s22], $0x4FFFF;
	_ =	strace $0x90000049  }
0xc0: {  	s29 =	simm.s32 $0x9;
	_ =	strace $0x8000004B  }
0xc1: {  	_ =	swait.ge [sflag:s29], $0x1  }
0xc2: {  	[sflag:s29] =	ssyncadd.s32 $0xFFFFFFFF  }
0xc3: {  	_ =	strace $0x9000004B  }
0xc4: {  	_ =	sfence  }
0xc5: {  	s30 =	sld [smem:$0x0];
	_ =	sdelay $0x2  }
0xc6: {  	s31 =	sshll.u32 s1, $0xD;
	s1 =	sshrl.u32 s1, $0x2  }
0xc7: {  	s4 =	sand.u32 $0x4000, s31;
	s1 =	sadd.s32 s1, s30  }
0xc8: {  	s0 =	sor.u32 s4, s0;
	s1 =	sshll.u32 s1, $0x11  }
0xc9: {  	s0 =	sor.u32 s1, s0  }
0xca: {  	s0 =	sadd.s32 $0x8F2B, s0  }
0xcb: {  	[sflag:s0] =	ssyncadd.remote.s32 $0x1  }
0xcc: {  	_ =	sfence.sel $0xFFFF  }
0xcd: {  	[dreg:$0x0] =	wrdreg $0xFFFFFFFF;
	(pc) =	sbr.abs _section_cstart, $3  }
0xce: {  	[dreg:$0x1] =	wrdreg $0xFFFFFFFF  }
0xcf: {  	_ =	task.clear_ibuf [dreg:s22], $0x2FFFF;
	_ =	strace $0x9FFFFFFF  }
0xd0: {  	(tm) =	ssettm $0x7FFFFFFF  }
0xd1: {  	_ =	shalt  }
tec
execute0_lowered:
.L_overlay_start_1:
0x0: {  	(tag) =	ssettag $0x1  }
0x1: {  	s0 =	rddreg [dreg:$0x0]  }
0x2: {  	s1 =	srdreg.scid;
	s3 =	stileid.u32  }
0x3: {  	s2 =	simm.s32 $0x0;
	s15 =	simm.s32 $0x5;
	s18 =	simm.s32 $0x40  }
0x4: {  	s19 =	simm.s32 $0x3C00;
	s20 =	simm.s32 $0x5C00;
	s21 =	simm.s32 $0x7C00  }
0x5: {  	s22 =	simm.s32 $0x1;
	s28 =	simm.s32 $0x3;
	s29 =	simm.s32 $0x2  }
0x6: {  	s30 =	simm.s32 $0x11C00;
	s1 =	sand.u32 $0x1, s1;
	s3 =	sshll.u32 s3, $0x1  }
0x7: {  	s31 =	simm.s32 $0x4;
	[smem:$0x7FF] =	sst s2;
	s6 =	sor.u32 s1, s3  }
0x8: {  	s4 =	sadd.s32 $0x29D000, s0;
	s5 =	sadd.s32 $0x2E2200, s0;
	s7 =	smul.u32 $0x278, s6  }
0x9: {  	s8 =	sadd.s32 $0xCBB200, s0;
	s23 =	ssub.s32 $0x2, s1;
	s6 =	smul.u32 $0x9E000, s6  }
0xa: {  	_ =	strace $0x8000004A;
	s3 =	sadd.s32 $0x275800, s0;
	s1 =	sshrl.u32 s23, $0x1  }
0xb: {  	s9 =	sadd.s32 s7, s0;
	s7 =	sadd.s32 $0xA43200, s0;
	s24 =	sshrl.u32 s6, $0x3  }
0xc: {  	s0 =	ssub.s32 s23, s1;
	s10 =	sadd.s32 $0x2C4800, s9;
	s25 =	sadd.s32 $0x2D8400, s9  }
0xd: {  	s23 =	simm.s32 $0xBC00;
	s26 =	sadd.s32 $0x13800, s24;
	s11 =	sadd.s32 $0x2CE600, s9  }
0xe: {  	s14 =	smax.u32 s0, $0x1;
	s24 =	simm.s32 $0xDC00;
	[dreg:$0x2] =	wrdreg s10  }
0xf: {  	s0 =	simm.s32 $0x0;
	[dreg:$0x3] =	wrdreg s25;
	s12 =	sadd.s32 s7, s26  }
0x10: {  	s13 =	sadd.s32 s8, s26;
	s25 =	simm.s32 $0xFC00;
	s26 =	simm.s32 $0x9C00  }
.LBB2_1:
0x11: {  	s1 =	rddreg [dreg:$0x2]  }
0x12: {  	[tilespmem:s2], [sflag:$0x5] =	stream.linear.gather [hbm4b:s1+s2], $0x13C0, $0x38;
	[tilespmem:$0x13C00] =	vst v63  }
0x13: {  	_ =	swait.ge [sflag:s15], $0x13C0  }
0x14: {  	[sflag:s15] =	ssyncset.done $0x0  }
0x15: {  	s9 =	simm.s32 $0x1400;
	s16 =	rddreg [dreg:$0x3];
	[sflag:s15] =	ssyncadd.s32 $0xFFFFEC40  }
0x16: {  	[tilespmem:s9], [sflag:$0x5] =	stream.linear.gather [hbm4b:s16+s2], $0x13C0, $0x38;
	[tilespmem:$0x13C00] =	vst v63  }
0x17: {  	_ =	swait.ge [sflag:s15], $0x13C0  }
0x18: {  	[sflag:s15] =	ssyncset.done $0x0  }
0x19: {  	s17 =	simm.s32 $0x2800;
	[sflag:s15] =	ssyncadd.s32 $0xFFFFEC40  }
0x1a: {  	[tilespmem:s17], [sflag:$0x5] =	stream.linear.gather [hbm4b:s11+s2], $0x13C0, $0x38;
	[tilespmem:$0x13C00] =	vst v63  }
0x1b: {  	_ =	swait.ge [sflag:s15], $0x13C0  }
0x1c: {  	[sflag:s15] =	ssyncset.done $0x0  }
0x1d: {  	[sflag:s15] =	ssyncadd.s32 $0xFFFFEC40  }
0x1e: {  	[tilespmem:s19], [sflag:$0x1] =	stream.indirect.gather [hbm4b:s3+s18], $0x80, s2, s18, $0xb8;
	[tilespmem:$0x13C00] =	vst v63  }
0x1f: {  	_ = 	snop  }
0x20: {  	[tilespmem:s20], [sflag:$0x1] =	stream.indirect.gather [hbm4b:s4+s18], $0x80, s9, s18, $0xb8;
	[tilespmem:$0x13C00] =	vst v63  }
0x21: {  	s1 =	simm.s32 $0x0  }
0x22: {  	[tilespmem:s21], [sflag:$0x1] =	stream.indirect.gather [hbm4b:s5+s18], $0x80, s17, s18, $0xb8;
	[tilespmem:$0x13C00] =	vst v63  }
.LBB2_2:
0x23: {  	p0 =	seq.s32 s1, $0x0  }
0x24: {  	s10 =	simm.s32 @!p0 $0x4  }
0x25: {  	_ =	swait.ge @!p0 [sflag:s10], $0x2000  }
0x26: {  	[sflag:s10] =	ssyncset.done @!p0 $0x0  }
0x27: {  	[sflag:s10] =	ssyncadd.s32 @!p0 $0xFFFFE000  }
0x28: {  	s9 =	sshllo.u32 @!p0 s1, $0x1;
	_ =	swait.ge @!p0 [sflag:s10], $0x2000  }
0x29: {  	s9 =	simm.s32 @p0 $0x1;
	[sflag:s10] =	ssyncset.done @!p0 $0x0  }
0x2a: {  	s17 =	sshll.u32 s9, $0x6;
	[sflag:s10] =	ssyncadd.s32 @!p0 $0xFFFFE000  }
0x2b: {  	[tilespmem:s23], [sflag:$0x2] =	stream.indirect.gather [hbm4b:s3+s18], $0x80, s17, s18, $0xb8;
	[tilespmem:$0x13C00] =	vst v63  }
0x2c: {  	s16 =	sadd.s32 $0x1400, s17  }
0x2d: {  	[tilespmem:s24], [sflag:$0x2] =	stream.indirect.gather [hbm4b:s4+s18], $0x80, s16, s18, $0xb8;
	[tilespmem:$0x13C00] =	vst v63  }
0x2e: {  	s10 =	sadd.s32 $0x2800, s17  }
0x2f: {  	[tilespmem:s25], [sflag:$0x2] =	stream.indirect.gather [hbm4b:s5+s18], $0x80, s10, s18, $0xb8;
	[tilespmem:$0x13C00] =	vst v63  }
0x30: {  	_ =	swait.ge [sflag:s22], $0x2000  }
0x31: {  	[sflag:s22] =	ssyncset.done $0x0  }
0x32: {  	[sflag:s22] =	ssyncadd.s32 $0xFFFFE000  }
0x33: {  	_ =	swait.ge [sflag:s22], $0x2000  }
0x34: {  	[sflag:s22] =	ssyncset.done $0x0  }
0x35: {  	[sflag:s22] =	ssyncadd.s32 $0xFFFFE000  }
0x36: {  	_ =	swait.ge [sflag:s22], $0x2000  }
0x37: {  	[sflag:s22] =	ssyncset.done $0x0  }
0x38: {  	s16 =	simm.s32 $0x0;
	[sflag:s22] =	ssyncadd.s32 $0xFFFFE000  }
0x39: {  	v0 =	vld [tilespmem:s16+$0x3C70]  }
0x3a: {  	v1 =	vld [tilespmem:s16+$0x5C70]  }
0x3b: {  	v2 =	vld [tilespmem:s16+$0x3C00]  }
0x3c: {  	v3 =	vld [tilespmem:s16+$0x5C00]  }
0x3d: {  	v4 =	vld [tilespmem:s16+$0x3C10]  }
0x3e: {  	v5 =	vld [tilespmem:s16+$0x5C10]  }
0x3f: {  	v6 =	vld [tilespmem:s16+$0x3C20]  }
0x40: {  	v7 =	vld [tilespmem:s16+$0x3C30]  }
0x41: {  	v0 =	vadd.f32 v1, v0;
	v1 =	vld [tilespmem:s16+$0x5C20]  }
0x42: {  	v8 =	vld [tilespmem:s16+$0x5C30]  }
0x43: {  	v9 =	vld [tilespmem:s16+$0x5C40];
	v2 =	vadd.f32 v3, v2  }
0x44: {  	[tilespmem:s16+$0x9C70] =	vst v0;
	v0 =	vadd.f32 v5, v4;
	v5 =	vld [tilespmem:s16+$0x3C40]  }
0x45: {  	v3 =	vld [tilespmem:s16+$0x5C50];
	[tilespmem:s16+$0x9C00] =	vst v2  }
0x46: {  	v2 =	vld [tilespmem:s16+$0x3C50];
	[tilespmem:s16+$0x9C10] =	vst v0;
	v0 =	vadd.f32 v1, v6  }
0x47: {  	v4 =	vld [tilespmem:s16+$0x5C60];
	v6 =	vadd.f32 v8, v7  }
0x48: {  	s17 =	simm.s32 $0x80;
	[tilespmem:s16+$0x9C20] =	vst v0;
	v0 =	vld [tilespmem:s16+$0x3C60]  }
0x49: {  	s10 =	simm.s32 $0x400;
	v5 =	vadd.f32 v9, v5;
	v1 =	vld [tilespmem:s17+$0x3C70];
	[tilespmem:s16+$0x9C30] =	vst v6  }
.LBB2_3:
0x4a: {  	p0 =	sne.s32 s10, $0x7E00;
	v6 =	vld [tilespmem:s17+$0x5C70]  }
0x4b: {  	v7 =	vld [tilespmem:s17+$0x3C00];
	[tilespmem:s16+$0x9C40] =	vst v5;
	v2 =	vadd.f32 v3, v2  }
0x4c: {  	v3 =	vld [tilespmem:s17+$0x5C00]  }
0x4d: {  	v5 =	vld [tilespmem:s17+$0x3C10];
	[tilespmem:s16+$0x9C50] =	vst v2;
	v0 =	vadd.f32 v4, v0  }
0x4e: {  	v2 =	vld [tilespmem:s17+$0x5C10]  }
0x4f: {  	v4 =	vld [tilespmem:s17+$0x3C20];
	v1 =	vadd.f32 v6, v1;
	[tilespmem:s16+$0x9C60] =	vst v0;
	s16 =	smov.u32 s17  }
0x50: {  	v0 =	vld [tilespmem:s16+$0x5C20]  }
0x51: {  	v3 =	vadd.f32 v3, v7;
	v6 =	vld [tilespmem:s16+$0x3C30];
	[tilespmem:s16+$0x9C70] =	vst v1  }
0x52: {  	v1 =	vld [tilespmem:s16+$0x5C30]  }
0x53: {  	[tilespmem:s16+$0x9C00] =	vst v3;
	v2 =	vadd.f32 v2, v5;
	v5 =	vld [tilespmem:s16+$0x3C40]  }
0x54: {  	v7 =	vld [tilespmem:s16+$0x5C40]  }
.Ltmp0:
0x55: {  	[tilespmem:s16+$0x9C10] =	vst v2;
	v0 =	vadd.f32 v0, v4;
	v2 =	vld [tilespmem:s16+$0x3C50];
	(pc) =	sbr.rel @p0 .LBB2_3-.Ltmp0, $4  }
0x56: {  	v3 =	vld [tilespmem:s16+$0x5C50]  }
0x57: {  	[tilespmem:s16+$0x9C20] =	vst v0;
	v6 =	vadd.f32 v1, v6;
	v0 =	vld [tilespmem:s16+$0x3C60]  }
0x58: {  	s17 =	sshra.s32 s10, $0x2;
	v4 =	vld [tilespmem:s16+$0x5C60]  }
0x59: {  	s10 =	sadd.s32 $0x200, s10;
	v1 =	vld [tilespmem:s17+$0x3C70];
	[tilespmem:s16+$0x9C30] =	vst v6;
	v5 =	vadd.f32 v7, v5  }
0x5a: {  	v6 =	vld [tilespmem:s17+$0x5C70]  }
0x5b: {  	v7 =	vld [tilespmem:s17+$0x3C00];
	[tilespmem:s16+$0x9C40] =	vst v5;
	v2 =	vadd.f32 v3, v2  }
0x5c: {  	v3 =	vld [tilespmem:s17+$0x5C00]  }
0x5d: {  	v5 =	vld [tilespmem:s17+$0x3C10];
	[tilespmem:s16+$0x9C50] =	vst v2;
	v0 =	vadd.f32 v4, v0  }
0x5e: {  	v2 =	vld [tilespmem:s17+$0x5C10]  }
0x5f: {  	v4 =	vld [tilespmem:s17+$0x3C20];
	[tilespmem:s16+$0x9C60] =	vst v0  }
0x60: {  	v0 =	vadd.f32 v6, v1;
	v1 =	vld [tilespmem:s17+$0x5C20]  }
0x61: {  	v6 =	vld [tilespmem:s17+$0x3C30]  }
0x62: {  	v3 =	vadd.f32 v3, v7;
	[tilespmem:s17+$0x9C70] =	vst v0;
	v0 =	vld [tilespmem:s17+$0x5C30]  }
0x63: {  	v7 =	vld [tilespmem:s17+$0x5C60]  }
0x64: {  	[tilespmem:s17+$0x9C00] =	vst v3;
	v2 =	vadd.f32 v2, v5;
	v3 =	vld [tilespmem:s17+$0x3C40]  }
0x65: {  	v5 =	vld [tilespmem:s17+$0x5C40]  }
0x66: {  	[tilespmem:s17+$0x9C10] =	vst v2;
	v1 =	vadd.f32 v1, v4;
	v2 =	vld [tilespmem:s17+$0x3C50]  }
0x67: {  	v4 =	vld [tilespmem:s17+$0x5C50]  }
0x68: {  	[tilespmem:s17+$0x9C20] =	vst v1;
	v1 =	vld [tilespmem:s17+$0x3C60];
	_ =	sdelay $0x1  }
0x69: {  	v0 =	vadd.f32 v0, v6  }
0x6a: {  	v3 =	vadd.f32 v5, v3  }
0x6b: {  	s10 =	sshll.u32 s1, $0xE;
	[tilespmem:s17+$0x9C30] =	vst v0;
	v0 =	vadd.f32 v4, v2  }
0x6c: {  	s10 =	sadd.s32 s6, s10;
	[tilespmem:s17+$0x9C40] =	vst v3;
	v1 =	vadd.f32 v7, v1  }
0x6d: {  	s10 =	sshrl.u32 s10, $0x3;
	[tilespmem:s17+$0x9C50] =	vst v0  }
0x6e: {  	s16 =	sadd.s32 s7, s10;
	[tilespmem:s17+$0x9C60] =	vst v1;
	s17 =	simm.s32 $0x0  }
0x6f: {  	[hbm4b:s16+s17] =	stream.linear.scatter [tilespmem:s26], [sflag:$0x3], $0x2000, $0x38;
	[tilespmem:$0x13C00] =	vst v63  }
0x70: {  	s10 =	sadd.s32 s8, s10  }
0x71: {  	[hbm4b:s10+s17] =	stream.linear.scatter [tilespmem:s21], [sflag:$0x3], $0x2000, $0x38;
	[tilespmem:$0x13C00] =	vst v63  }
0x72: {  	_ =	swait.ge [sflag:s28], $0x2000  }
0x73: {  	[sflag:s28] =	ssyncset.done $0x0  }
0x74: {  	[sflag:s28] =	ssyncadd.s32 $0xFFFFE000  }
0x75: {  	_ =	swait.ge [sflag:s28], $0x2000  }
0x76: {  	s10 =	sshll.u32 s1, $0x7;
	[sflag:s28] =	ssyncset.done $0x0  }
0x77: {  	s17 =	sadd.s32 $0x80, s10;
	[sflag:s28] =	ssyncadd.s32 $0xFFFFE000  }
0x78: {  	[tilespmem:s19], [sflag:$0x1] =	stream.indirect.gather [hbm4b:s3+s18], $0x80, s17, s18, $0xb8;
	[tilespmem:$0x13C00] =	vst v63  }
0x79: {  	s17 =	sadd.s32 $0x1480, s10  }
0x7a: {  	[tilespmem:s20], [sflag:$0x1] =	stream.indirect.gather [hbm4b:s4+s18], $0x80, s17, s18, $0xb8;
	[tilespmem:$0x13C00] =	vst v63  }
0x7b: {  	s10 =	sadd.s32 $0x2880, s10  }
0x7c: {  	[tilespmem:s21], [sflag:$0x1] =	stream.indirect.gather [hbm4b:s5+s18], $0x80, s10, s18, $0xb8;
	[tilespmem:$0x13C00] =	vst v63  }
0x7d: {  	_ =	swait.ge [sflag:s29], $0x2000  }
0x7e: {  	[sflag:s29] =	ssyncset.done $0x0  }
0x7f: {  	[sflag:s29] =	ssyncadd.s32 $0xFFFFE000  }
0x80: {  	_ =	swait.ge [sflag:s29], $0x2000  }
0x81: {  	[sflag:s29] =	ssyncset.done $0x0  }
0x82: {  	[sflag:s29] =	ssyncadd.s32 $0xFFFFE000  }
0x83: {  	_ =	swait.ge [sflag:s29], $0x2000  }
0x84: {  	[sflag:s29] =	ssyncset.done $0x0  }
0x85: {  	s16 =	simm.s32 $0x0;
	[sflag:s29] =	ssyncadd.s32 $0xFFFFE000  }
0x86: {  	v0 =	vld [tilespmem:s16+$0xBC70]  }
0x87: {  	v1 =	vld [tilespmem:s16+$0xDC70]  }
0x88: {  	v2 =	vld [tilespmem:s16+$0xBC00]  }
0x89: {  	v3 =	vld [tilespmem:s16+$0xDC00]  }
0x8a: {  	v4 =	vld [tilespmem:s16+$0xBC10]  }
0x8b: {  	v5 =	vld [tilespmem:s16+$0xDC10]  }
0x8c: {  	v6 =	vld [tilespmem:s16+$0xBC20]  }
0x8d: {  	v7 =	vld [tilespmem:s16+$0xBC30]  }
0x8e: {  	v0 =	vadd.f32 v1, v0;
	v1 =	vld [tilespmem:s16+$0xDC20]  }
0x8f: {  	v8 =	vld [tilespmem:s16+$0xDC30]  }
0x90: {  	v9 =	vld [tilespmem:s16+$0xDC40];
	v2 =	vadd.f32 v3, v2  }
0x91: {  	[tilespmem:s16+$0x11C70] =	vst v0;
	v0 =	vadd.f32 v5, v4;
	v5 =	vld [tilespmem:s16+$0xBC40]  }
0x92: {  	v3 =	vld [tilespmem:s16+$0xDC50];
	[tilespmem:s16+$0x11C00] =	vst v2  }
0x93: {  	v2 =	vld [tilespmem:s16+$0xBC50];
	[tilespmem:s16+$0x11C10] =	vst v0;
	v0 =	vadd.f32 v1, v6  }
0x94: {  	v4 =	vld [tilespmem:s16+$0xDC60];
	v6 =	vadd.f32 v8, v7  }
0x95: {  	s17 =	simm.s32 $0x80;
	[tilespmem:s16+$0x11C20] =	vst v0;
	v0 =	vld [tilespmem:s16+$0xBC60]  }
0x96: {  	s10 =	simm.s32 $0x400;
	v5 =	vadd.f32 v9, v5;
	v1 =	vld [tilespmem:s17+$0xBC70];
	[tilespmem:s16+$0x11C30] =	vst v6  }
.LBB2_5:
0x97: {  	p0 =	sne.s32 s10, $0x7E00;
	v6 =	vld [tilespmem:s17+$0xDC70]  }
0x98: {  	v7 =	vld [tilespmem:s17+$0xBC00];
	[tilespmem:s16+$0x11C40] =	vst v5;
	v2 =	vadd.f32 v3, v2  }
0x99: {  	v3 =	vld [tilespmem:s17+$0xDC00]  }
0x9a: {  	v5 =	vld [tilespmem:s17+$0xBC10];
	[tilespmem:s16+$0x11C50] =	vst v2;
	v0 =	vadd.f32 v4, v0  }
0x9b: {  	v2 =	vld [tilespmem:s17+$0xDC10]  }
0x9c: {  	v4 =	vld [tilespmem:s17+$0xBC20];
	v1 =	vadd.f32 v6, v1;
	[tilespmem:s16+$0x11C60] =	vst v0;
	s16 =	smov.u32 s17  }
0x9d: {  	v0 =	vld [tilespmem:s16+$0xDC20]  }
0x9e: {  	v3 =	vadd.f32 v3, v7;
	v6 =	vld [tilespmem:s16+$0xBC30];
	[tilespmem:s16+$0x11C70] =	vst v1  }
0x9f: {  	v1 =	vld [tilespmem:s16+$0xDC30]  }
0xa0: {  	[tilespmem:s16+$0x11C00] =	vst v3;
	v2 =	vadd.f32 v2, v5;
	v5 =	vld [tilespmem:s16+$0xBC40]  }
0xa1: {  	v7 =	vld [tilespmem:s16+$0xDC40]  }
.Ltmp1:
0xa2: {  	[tilespmem:s16+$0x11C10] =	vst v2;
	v0 =	vadd.f32 v0, v4;
	v2 =	vld [tilespmem:s16+$0xBC50];
	(pc) =	sbr.rel @p0 .LBB2_5-.Ltmp1, $4  }
0xa3: {  	v3 =	vld [tilespmem:s16+$0xDC50]  }
0xa4: {  	[tilespmem:s16+$0x11C20] =	vst v0;
	v6 =	vadd.f32 v1, v6;
	v0 =	vld [tilespmem:s16+$0xBC60]  }
0xa5: {  	s17 =	sshra.s32 s10, $0x2;
	v4 =	vld [tilespmem:s16+$0xDC60]  }
0xa6: {  	s10 =	sadd.s32 $0x200, s10;
	v1 =	vld [tilespmem:s17+$0xBC70];
	[tilespmem:s16+$0x11C30] =	vst v6;
	v5 =	vadd.f32 v7, v5  }
0xa7: {  	v6 =	vld [tilespmem:s17+$0xDC70]  }
0xa8: {  	v7 =	vld [tilespmem:s17+$0xBC00];
	[tilespmem:s16+$0x11C40] =	vst v5;
	v2 =	vadd.f32 v3, v2  }
0xa9: {  	v51 =	vld [tilespmem:s17+$0xDC00]  }
0xaa: {  	v5 =	vld [tilespmem:s17+$0xBC10];
	[tilespmem:s16+$0x11C50] =	vst v2;
	v0 =	vadd.f32 v4, v0  }
0xab: {  	v2 =	vld [tilespmem:s17+$0xDC10]  }
0xac: {  	v52 =	vld [tilespmem:s17+$0xBC20];
	[tilespmem:s16+$0x11C60] =	vst v0  }
0xad: {  	v54 =	vld [tilespmem:s17+$0xDC20]  }
0xae: {  	v55 =	vld [tilespmem:s17+$0xBC30]  }
0xaf: {  	v56 =	vld [tilespmem:s17+$0xDC30]  }
0xb0: {  	v57 =	vld [tilespmem:s17+$0xBC40]  }
0xb1: {  	v58 =	vld [tilespmem:s17+$0xDC40]  }
0xb2: {  	v59 =	vld [tilespmem:s17+$0xBC50]  }
0xb3: {  	v53 =	vadd.f32 v6, v1;
	v60 =	vld [tilespmem:s17+$0xDC50]  }
0xb4: {  	v61 =	vld [tilespmem:s17+$0xBC60];
	v3 =	vadd.f32 v51, v7  }
0xb5: {  	v62 =	vld [tilespmem:s17+$0xDC60];
	[tilespmem:s17+$0x11C70] =	vst v53;
	v2 =	vadd.f32 v2, v5  }
0xb6: {  	[tilespmem:s17+$0x11C00] =	vst v3;
	v1 =	vadd.f32 v54, v52  }
0xb7: {  	[tilespmem:s17+$0x11C10] =	vst v2;
	v0 =	vadd.f32 v56, v55  }
0xb8: {  	v3 =	vadd.f32 v58, v57;
	[tilespmem:s17+$0x11C20] =	vst v1  }
0xb9: {  	s9 =	sshll.u32 s9, $0xD;
	s1 =	sadd.s32 $0x1, s1;
	v63 =	vadd.f32 v60, v59;
	[tilespmem:s17+$0x11C30] =	vst v0  }
0xba: {  	s9 =	sadd.s32 s6, s9;
	p0 =	sne.s32 s1, $0x27;
	[tilespmem:s17+$0x11C40] =	vst v3;
	v1 =	vadd.f32 v62, v61  }
.Ltmp2:
0xbb: {  	s9 =	sshrl.u32 s9, $0x3;
	[tilespmem:s17+$0x11C50] =	vst v63;
	(pc) =	sbr.rel @p0 .LBB2_2-.Ltmp2, $4  }
0xbc: {  	s10 =	sadd.s32 s7, s9;
	[tilespmem:s17+$0x11C60] =	vst v1  }
0xbd: {  	[hbm4b:s10+s2] =	stream.linear.scatter [tilespmem:s30], [sflag:$0x4], $0x2000, $0x38;
	[tilespmem:$0x13C00] =	vst v63  }
0xbe: {  	s9 =	sadd.s32 s8, s9  }
0xbf: {  	[hbm4b:s9+s2] =	stream.linear.scatter [tilespmem:s25], [sflag:$0x4], $0x2000, $0x38;
	[tilespmem:$0x13C00] =	vst v63  }
0xc0: {  	_ =	swait.ge [sflag:s31], $0x2000  }
0xc1: {  	[sflag:s31] =	ssyncset.done $0x0  }
0xc2: {  	[sflag:s31] =	ssyncadd.s32 $0xFFFFE000  }
0xc3: {  	_ =	swait.ge [sflag:s31], $0x2000  }
0xc4: {  	[sflag:s31] =	ssyncset.done $0x0  }
0xc5: {  	[sflag:s31] =	ssyncadd.s32 $0xFFFFE000  }
0xc6: {  	_ =	swait.ge [sflag:s22], $0x2000  }
0xc7: {  	[sflag:s22] =	ssyncset.done $0x0  }
0xc8: {  	[sflag:s22] =	ssyncadd.s32 $0xFFFFE000  }
0xc9: {  	_ =	swait.ge [sflag:s22], $0x2000  }
0xca: {  	[sflag:s22] =	ssyncset.done $0x0  }
0xcb: {  	[sflag:s22] =	ssyncadd.s32 $0xFFFFE000  }
0xcc: {  	_ =	swait.ge [sflag:s22], $0x2000  }
0xcd: {  	[sflag:s22] =	ssyncset.done $0x0  }
0xce: {  	s1 =	simm.s32 $0x0;
	[sflag:s22] =	ssyncadd.s32 $0xFFFFE000  }
0xcf: {  	v0 =	vld [tilespmem:s1+$0x3C70]  }
0xd0: {  	v1 =	vld [tilespmem:s1+$0x5C70]  }
0xd1: {  	v2 =	vld [tilespmem:s1+$0x3C00]  }
0xd2: {  	v3 =	vld [tilespmem:s1+$0x5C00]  }
0xd3: {  	v4 =	vld [tilespmem:s1+$0x3C10]  }
0xd4: {  	v5 =	vld [tilespmem:s1+$0x5C10]  }
0xd5: {  	v6 =	vld [tilespmem:s1+$0x3C20]  }
0xd6: {  	v7 =	vld [tilespmem:s1+$0x3C30]  }
0xd7: {  	v0 =	vadd.f32 v1, v0;
	v1 =	vld [tilespmem:s1+$0x5C20]  }
0xd8: {  	v8 =	vld [tilespmem:s1+$0x5C30]  }
0xd9: {  	v9 =	vld [tilespmem:s1+$0x5C40];
	v2 =	vadd.f32 v3, v2  }
0xda: {  	[tilespmem:s1+$0x9C70] =	vst v0;
	v0 =	vadd.f32 v5, v4;
	v5 =	vld [tilespmem:s1+$0x3C40]  }
0xdb: {  	v3 =	vld [tilespmem:s1+$0x5C50];
	[tilespmem:s1+$0x9C00] =	vst v2  }
0xdc: {  	v2 =	vld [tilespmem:s1+$0x3C50];
	[tilespmem:s1+$0x9C10] =	vst v0;
	v0 =	vadd.f32 v1, v6  }
0xdd: {  	v4 =	vld [tilespmem:s1+$0x5C60];
	v6 =	vadd.f32 v8, v7  }
0xde: {  	s9 =	simm.s32 $0x80;
	[tilespmem:s1+$0x9C20] =	vst v0;
	v0 =	vld [tilespmem:s1+$0x3C60]  }
0xdf: {  	s10 =	simm.s32 $0x400;
	v5 =	vadd.f32 v9, v5;
	v1 =	vld [tilespmem:s9+$0x3C70];
	[tilespmem:s1+$0x9C30] =	vst v6  }
.LBB2_8:
0xe0: {  	p0 =	sne.s32 s10, $0x7E00;
	v6 =	vld [tilespmem:s9+$0x5C70]  }
0xe1: {  	v7 =	vld [tilespmem:s9+$0x3C00];
	[tilespmem:s1+$0x9C40] =	vst v5;
	v2 =	vadd.f32 v3, v2  }
0xe2: {  	v3 =	vld [tilespmem:s9+$0x5C00]  }
0xe3: {  	v5 =	vld [tilespmem:s9+$0x3C10];
	[tilespmem:s1+$0x9C50] =	vst v2;
	v0 =	vadd.f32 v4, v0  }
0xe4: {  	v2 =	vld [tilespmem:s9+$0x5C10]  }
0xe5: {  	v4 =	vld [tilespmem:s9+$0x3C20];
	v1 =	vadd.f32 v6, v1;
	[tilespmem:s1+$0x9C60] =	vst v0;
	s1 =	smov.u32 s9  }
0xe6: {  	v0 =	vld [tilespmem:s1+$0x5C20]  }
0xe7: {  	v3 =	vadd.f32 v3, v7;
	v6 =	vld [tilespmem:s1+$0x3C30];
	[tilespmem:s1+$0x9C70] =	vst v1  }
0xe8: {  	v1 =	vld [tilespmem:s1+$0x5C30]  }
0xe9: {  	[tilespmem:s1+$0x9C00] =	vst v3;
	v2 =	vadd.f32 v2, v5;
	v5 =	vld [tilespmem:s1+$0x3C40]  }
0xea: {  	v7 =	vld [tilespmem:s1+$0x5C40]  }
.Ltmp3:
0xeb: {  	[tilespmem:s1+$0x9C10] =	vst v2;
	v0 =	vadd.f32 v0, v4;
	v2 =	vld [tilespmem:s1+$0x3C50];
	(pc) =	sbr.rel @p0 .LBB2_8-.Ltmp3, $4  }
0xec: {  	v3 =	vld [tilespmem:s1+$0x5C50]  }
0xed: {  	[tilespmem:s1+$0x9C20] =	vst v0;
	v6 =	vadd.f32 v1, v6;
	v0 =	vld [tilespmem:s1+$0x3C60]  }
0xee: {  	s9 =	sshra.s32 s10, $0x2;
	v4 =	vld [tilespmem:s1+$0x5C60]  }
0xef: {  	s10 =	sadd.s32 $0x200, s10;
	v1 =	vld [tilespmem:s9+$0x3C70];
	[tilespmem:s1+$0x9C30] =	vst v6;
	v5 =	vadd.f32 v7, v5  }
0xf0: {  	v6 =	vld [tilespmem:s9+$0x5C70]  }
0xf1: {  	v7 =	vld [tilespmem:s9+$0x3C00];
	[tilespmem:s1+$0x9C40] =	vst v5;
	v2 =	vadd.f32 v3, v2  }
0xf2: {  	v51 =	vld [tilespmem:s9+$0x5C00]  }
0xf3: {  	v5 =	vld [tilespmem:s9+$0x3C10];
	[tilespmem:s1+$0x9C50] =	vst v2;
	v0 =	vadd.f32 v4, v0  }
0xf4: {  	v2 =	vld [tilespmem:s9+$0x5C10]  }
0xf5: {  	v52 =	vld [tilespmem:s9+$0x3C20];
	[tilespmem:s1+$0x9C60] =	vst v0  }
0xf6: {  	v54 =	vld [tilespmem:s9+$0x5C20]  }
0xf7: {  	v55 =	vld [tilespmem:s9+$0x3C30]  }
0xf8: {  	v56 =	vld [tilespmem:s9+$0x5C30]  }
0xf9: {  	v57 =	vld [tilespmem:s9+$0x3C40]  }
0xfa: {  	v58 =	vld [tilespmem:s9+$0x5C40]  }
0xfb: {  	v59 =	vld [tilespmem:s9+$0x3C50]  }
0xfc: {  	v53 =	vadd.f32 v6, v1;
	v60 =	vld [tilespmem:s9+$0x5C50]  }
0xfd: {  	v61 =	vld [tilespmem:s9+$0x3C60];
	v3 =	vadd.f32 v51, v7  }
0xfe: {  	v62 =	vld [tilespmem:s9+$0x5C60];
	[tilespmem:s9+$0x9C70] =	vst v53;
	v2 =	vadd.f32 v2, v5  }
0xff: {  	[tilespmem:s9+$0x9C00] =	vst v3;
	v1 =	vadd.f32 v54, v52  }
0x100: {  	[tilespmem:s9+$0x9C10] =	vst v2;
	v0 =	vadd.f32 v56, v55  }
0x101: {  	v3 =	vadd.f32 v58, v57;
	[tilespmem:s9+$0x9C20] =	vst v1  }
0x102: {  	v63 =	vadd.f32 v60, v59;
	[tilespmem:s9+$0x9C30] =	vst v0  }
0x103: {  	[tilespmem:s9+$0x9C40] =	vst v3;
	v1 =	vadd.f32 v62, v61  }
0x104: {  	[tilespmem:s9+$0x9C50] =	vst v63  }
0x105: {  	[tilespmem:s9+$0x9C60] =	vst v1  }
0x106: {  	[hbm4b:s12+s2] =	stream.linear.scatter [tilespmem:s26], [sflag:$0x3], $0x2000, $0x38;
	[tilespmem:$0x13C00] =	vst v63  }
0x107: {  	s0 =	sadd.s32 $0x1, s0  }
0x108: {  	[hbm4b:s13+s2] =	stream.linear.scatter [tilespmem:s21], [sflag:$0x3], $0x2000, $0x38;
	[tilespmem:$0x13C00] =	vst v63  }
0x109: {  	p0 =	sne.s32 s0, s14;
	_ =	swait.ge [sflag:s28], $0x2000  }
.Ltmp4:
0x10a: {  	[sflag:s28] =	ssyncset.done $0x0;
	(pc) =	sbr.rel @p0 .LBB2_1-.Ltmp4, $4  }
0x10b: {  	[sflag:s28] =	ssyncadd.s32 $0xFFFFE000  }
0x10c: {  	_ =	swait.ge [sflag:s28], $0x2000  }
0x10d: {  	[sflag:s28] =	ssyncset.done $0x0  }
0x10e: {  	[sflag:s28] =	ssyncadd.s32 $0xFFFFE000  }
0x10f: {  	_ =	sfence.sel $0x180000  }
0x110: {  	[bflag:$0x0] =	sbarrier.arrive $0xFFFF  }
0x111: {  	_ =	strace $0x9000004A  }
0x112: {  	s0 =	stileid.u32;
	[bflag:$0x2] =	sbarrier.arrive $0xFFFF  }
0x113: {  	p0 =	sne.s32 s0, $0x0;
	s0 =	rddreg [dreg:$0x1]  }
0x114: {  	s0 =	sadd.s32 @!p0 $0x100000, s0  }
0x115: {  	[sflag:s0] =	ssyncadd.tile.s32 @!p0 $0x1;
	_ =	shalt  }
.Lfunc_end2:
_tile_overlayer_lowered:
.L_overlay_start_2:
0x116: {  	(tag) =	ssettag $0x2  }
0x117: {  	s0 =	rddreg [dreg:$0x0];
	s2 =	stileid.u32  }
0x118: {  	s1 =	rddreg [dreg:$0x1];
	p0 =	sne.s32 s2, $0x0  }
0x119: {  	s3 =	rddreg [dreg:$0x2];
	[bflag:$0x3] =	sbarrier.arrive $0xFFFF;
	s2 =	simm.s32 @!p0 $0x1C05  }
0x11a: {  	[timem:s3], [sflag:s2] =	dma.local @!p0 [hbm:s0], s1  }
0x11b: {  	s0 =	simm.s32 @!p0 $0x5  }
0x11c: {  	_ =	swait.ge @!p0 [sflag:s0], s1  }
0x11d: {  	s1 =	ssub.s32 @!p0 $0x0, s1;
	[sflag:s0] =	ssyncset.done @!p0 $0x0  }
0x11e: {  	[sflag:s0] =	ssyncadd.s32 @!p0 s1  }
0x11f: {  	[bflag:$0x3] =	sbarrier.arrive $0xFFFF  }
0x120: {  	_ =	shalt  }

// kernel: kernel.14.cloned.1.call-start
scs
__scs_entry_jumppad:
0x0: {  	(pc) =	sbr.rel $0x88, $3  }
0x1: {  	(tag) =	ssettag $0x0;
	lr =	simm.s32 $0x1  }
0x2: {  	[smem:$0x3F92] =	sst lr;
	_ =	strace $0xD0000000  }
0x3: {  	_ = 	snop  }
0x4: {  	_ = 	snop  }
0x5: {  	_ = 	snop  }
0x6: {  	_ = 	snop  }
0x7: {  	_ = 	snop  }
__scs_overlays_trampoline_lowered:
0x8: {  	[smem:$0x3FA1] =	sst s0  }
0x9: {  	[smem:$0x3FA2] =	sst s1  }
0xa: {  	[smem:$0x3FA3] =	sst s2  }
0xb: {  	[smem:$0x3FA4] =	sst s3  }
0xc: {  	[smem:$0x3FA5] =	sst s4  }
0xd: {  	[smem:$0x3FA6] =	sst s5  }
0xe: {  	[smem:$0x3FA7] =	sst s6  }
0xf: {  	[smem:$0x3FA8] =	sst s7  }
0x10: {  	[smem:$0x3FA9] =	sst s8  }
0x11: {  	[smem:$0x3FAA] =	sst s9;
	s0 =	simm.s32 @!p0 $0x0  }
0x12: {  	s1 =	sld [smem:$0x3F90];
	s0 =	simm.s32 @p0 $0x1  }
0x13: {  	[smem:$0x3FAB] =	sst s0;
	s0 =	simm.s32 @!p1 $0x0  }
0x14: {  	s2 =	sld [smem:$0x3F8F];
	s0 =	simm.s32 @p1 $0x1  }
0x15: {  	[smem:$0x3FAC] =	sst s0;
	s0 =	simm.s32 @!p2 $0x0  }
0x16: {  	s3 =	sld [smem:$0x3FDB];
	s0 =	simm.s32 @p2 $0x1  }
0x17: {  	s4 =	simm.s32 $0x1BF5;
	[smem:$0x3FAE] =	sst s0  }
0x18: {  	s0 =	sld [smem:$0x3F91];
	_ =	swait.ge [sflag:s4], $0x0  }
0x19: {  	s7 =	sld [smem:$0x3F92]  }
0x1a: {  	s8 =	sadd.s32 $0xFFFFE003, lr  }
0x1b: {  	s9 =	sadd.s32 $0xFFFFFEF7, lr;
	s5 =	simm.s32 $0xFFFFFFFF;
	p2 =	slt.u32 s8, $0xFFFFF086  }
0x1c: {  	p1 =	slt.u32 s9, $0xF7A;
	s5 =	simm.s32 @!p2 $0x0  }
0x1d: {  	s5 =	simm.s32 @p1 $0x1;
	p0 =	seq.s32 s7, s2  }
0x1e: {  	s7 =	smul.u32 @!p0 $0xF7A, s2;
	p2 =	seq.s32 @!p0 s5, $0x0  }
0x1f: {  	s9 =	smul.u32 $0xF7A, s1;
	s8 =	simm.s32 @!p0 $0x1BF5;
	p2 =	por !p2, p0  }
0x20: {  	[sflag:s8] =	ssyncset.s32 @!p0 $0xFFFFF086;
	s6 =	sadd.s32 @!p0 s3, s7;
	s7 =	simm.s32 @!p0 $0x108  }
0x21: {  	s3 =	sadd.s32 s3, s9;
	s6 =	sadd.s32 @!p0 $0x88, s6;
	s7 =	simm.s32 @p2 $0x1082  }
0x22: {  	[simem:s7], [sflag:s8] =	dma.local @!p0 [hbm:s6], $0xF7A  }
0x23: {  	s9 =	sor.u32 $0xD0000000, s2;
	s6 =	simm.s32 $0x108;
	_ =	swait.ge @!p0 [sflag:s8], $0x0  }
0x24: {  	s3 =	sadd.s32 $0x88, s3;
	s6 =	simm.s32 @!p1 $0x1082;
	[sflag:s4] =	ssyncset.s32 $0xFFFFF086  }
0x25: {  	[simem:s6], [sflag:s4] =	dma.local [hbm:s3], $0xF7A  }
0x26: {  	[smem:$0x3F92] =	sst s1;
	(tag) =	ssettag s2;
	_ =	strace s9  }
0x27: {  	s1 =	sld [smem:$0x3FA2]  }
0x28: {  	s2 =	sld [smem:$0x3FA3]  }
0x29: {  	s4 =	sld [smem:$0x3FA5]  }
0x2a: {  	p0 =	seq.s32 s5, $0x0;
	s5 =	sld [smem:$0x3FA6]  }
0x2b: {  	s6 =	sld [smem:$0x3FA7]  }
0x2c: {  	s7 =	sld [smem:$0x3FA8]  }
0x2d: {  	s3 =	simm.s32 $0x108;
	s8 =	sld [smem:$0x3FA9]  }
0x2e: {  	s3 =	simm.s32 @!p0 $0x1082;
	s9 =	sld [smem:$0x3FAA]  }
0x2f: {  	lr =	sadd.s32 s0, s3;
	s0 =	sld [smem:$0x3FA1]  }
0x30: {  	s3 =	sld [smem:$0x3FA4]  }
0x31: {  	[smem:$0x3FAD] =	sst s10  }
0x32: {  	s10 =	sld [smem:$0x3FAB];
	_ =	sdelay $0x3  }
0x33: {  	p0 =	seq.s32 s10, $0x1;
	s10 =	sld [smem:$0x3FAD];
	_ =	sdelay $0x3  }
0x34: {  	[smem:$0x3FAD] =	sst s10  }
0x35: {  	s10 =	sld [smem:$0x3FAC];
	_ =	sdelay $0x3  }
0x36: {  	p1 =	seq.s32 s10, $0x1;
	s10 =	sld [smem:$0x3FAD];
	_ =	sdelay $0x3  }
0x37: {  	[smem:$0x3FAD] =	sst s10  }
0x38: {  	s10 =	sld [smem:$0x3FAE]  }
0x39: {  	_ = 	snop;
	(pc) =	sbr.ind lr, $3  }
0x3a: {  	_ = 	snop  }
0x3b: {  	_ = 	snop  }
0x3c: {  	p2 =	seq.s32 s10, $0x1;
	s10 =	sld [smem:$0x3FAD]  }
0x3d: {  	_ =	shalt  }
0x3e: {  	_ =	shalt  }
0x3f: {  	_ =	shalt  }
0x40: {  	_ =	shalt  }
0x41: {  	_ =	shalt  }
0x42: {  	_ =	shalt  }
0x43: {  	_ =	shalt  }
0x44: {  	_ =	shalt  }
0x45: {  	_ =	shalt  }
0x46: {  	_ =	shalt  }
0x47: {  	_ =	shalt  }
0x48: {  	_ =	shalt  }
0x49: {  	_ =	shalt  }
0x4a: {  	_ =	shalt  }
0x4b: {  	_ =	shalt  }
0x4c: {  	_ =	shalt  }
0x4d: {  	_ =	shalt  }
0x4e: {  	_ =	shalt  }
0x4f: {  	_ =	shalt  }
0x50: {  	_ =	shalt  }
0x51: {  	_ =	shalt  }
0x52: {  	_ =	shalt  }
0x53: {  	_ =	shalt  }
0x54: {  	_ =	shalt  }
0x55: {  	_ =	shalt  }
0x56: {  	_ =	shalt  }
0x57: {  	_ =	shalt  }
0x58: {  	_ =	shalt  }
0x59: {  	_ =	shalt  }
0x5a: {  	_ =	shalt  }
0x5b: {  	_ =	shalt  }
0x5c: {  	_ =	shalt  }
0x5d: {  	_ =	shalt  }
0x5e: {  	_ =	shalt  }
0x5f: {  	_ =	shalt  }
0x60: {  	_ =	shalt  }
0x61: {  	_ =	shalt  }
0x62: {  	_ =	shalt  }
0x63: {  	_ =	shalt  }
0x64: {  	_ =	shalt  }
0x65: {  	_ =	shalt  }
0x66: {  	_ =	shalt  }
0x67: {  	_ =	shalt  }
0x68: {  	_ =	shalt  }
0x69: {  	_ =	shalt  }
0x6a: {  	_ =	shalt  }
0x6b: {  	_ =	shalt  }
0x6c: {  	_ =	shalt  }
0x6d: {  	_ =	shalt  }
0x6e: {  	_ =	shalt  }
0x6f: {  	_ =	shalt  }
0x70: {  	_ =	shalt  }
0x71: {  	_ =	shalt  }
0x72: {  	_ =	shalt  }
0x73: {  	_ =	shalt  }
0x74: {  	_ =	shalt  }
0x75: {  	_ =	shalt  }
0x76: {  	_ =	shalt  }
0x77: {  	_ =	shalt  }
0x78: {  	_ =	shalt  }
0x79: {  	_ =	shalt  }
0x7a: {  	_ =	shalt  }
0x7b: {  	_ =	shalt  }
0x7c: {  	_ =	shalt  }
0x7d: {  	_ =	shalt  }
0x7e: {  	_ =	shalt  }
0x7f: {  	_ =	shalt  }
0x80: {  	_ =	shalt  }
0x81: {  	_ =	shalt  }
0x82: {  	_ =	shalt  }
0x83: {  	_ =	shalt  }
0x84: {  	_ =	shalt  }
0x85: {  	_ =	shalt  }
0x86: {  	_ =	shalt  }
0x87: {  	_ =	shalt  }
.Lfunc_end0:
.L_simem_size_0:
called_computation.1_lowered:
.L_overlay_start_0:
0x88: {  	s2 =	sld [smem:$0x3FD9]  }
0x89: {  	s3 =	sld [smem:$0x3FFE];
	_ =	sdelay $0x1  }
0x8a: {  	s1 =	srdreg.scid  }
0x8b: {  	s0 =	sand.u32 $0x1, s1  }
0x8c: {  	s16 =	sshll.u32 s0, $0xA;
	s2 =	sadd.s32 s3, s2  }
0x8d: {  	s2 =	sadd.s32 s2, s16  }
0x8e: {  	[smem:$0x3FB9] =	sst s2  }
0x8f: {  	_ = 	snop  }
0x90: {  	(tm) =	ssettm $0x1  }
0x91: {  	s17 =	sld [smem:$0x3FFB];
	_ =	sdelay $0x3  }
0x92: {  	_ =	strace s17  }
0x93: {  	s2 =	sld [smem:$0x3FFC];
	_ =	sdelay $0x3  }
0x94: {  	_ =	strace s2  }
0x95: {  	s2 =	sld [smem:$0x3FFD];
	_ =	sdelay $0x3  }
0x96: {  	_ =	strace s2  }
0x97: {  	_ =	strace $0x8FFFFFFF  }
0x98: {  	s18 =	sld [smem:$0x3FDB];
	_ =	sdelay $0x1  }
0x99: {  	s19 =	simm.s32 $_scs_section_size  }
0x9a: {  	s4 =	simm.s32 $_size__tile_overlayer_lowered;
	s5 =	simm.s32 $_tile_overlayer_lowered  }
0x9b: {  	s22 =	simm.s32 $0x1BFF;
	s21 =	sshll.u32 s5, $0x1;
	s2 =	sadd.s32 s19, s18  }
0x9c: {  	s6 =	simm.s32 $0x0;
	s20 =	sshll.u32 s4, $0x1;
	s4 =	sadd.s32 s21, s2  }
0x9d: {  	[timem:s6], [sflag:s22] =	dma.local [hbm:s4], s20  }
0x9e: {  	_ =	swait.ge [sflag:s22], s20  }
0x9f: {  	s3 =	ssub.s32 $0x0, s20;
	[sflag:s22] =	ssyncset.done $0x0  }
0xa0: {  	[sflag:s22] =	ssyncadd.s32 s3;
	_ =	sdelay $0x1  }
0xa1: {  	s23 =	simm.s32 $0x1B8B  }
0xa2: {  	_ =	swait.ge [sflag:s23], $0x1  }
0xa3: {  	[sflag:s23] =	ssyncset.done $0x0  }
0xa4: {  	s25 =	simm.s32 $0x1B8E;
	s24 =	sld [smem:$0x3FFE];
	[sflag:s23] =	ssyncadd.s32 $0xFFFFFFFF  }
0xa5: {  	s26 =	simm.s32 $execute0_lowered;
	[smem:$0x3FD2] =	sst s25  }
0xa6: {  	s4 =	sshll.u32 s26, $0x1;
	_ =	strace $0x80000046;
	[dreg:$0x1] =	wrdreg $0xFFFFFFFF  }
0xa7: {  	s28 =	simm.s32 $_size_execute0_lowered;
	s2 =	sadd.s32 s2, s4;
	[dreg:$0x0] =	wrdreg $0x0  }
0xa8: {  	s4 =	sshll.u32 s28, $0x1;
	[dreg:$0x2] =	wrdreg s2  }
0xa9: {  	[dreg:$0x3] =	wrdreg s4  }
0xaa: {  	[dreg:$0x4] =	wrdreg $0xC0  }
0xab: {  	_ =	task [dreg:s6], $0x5FFFF  }
0xac: {  	[dreg:$0x1] =	wrdreg $0xFFFFFFFF  }
0xad: {  	[dreg:$0x0] =	wrdreg $0x60  }
0xae: {  	[dreg:$0x2] =	wrdreg s24  }
0xaf: {  	[dreg:$0x3] =	wrdreg $0xA  }
0xb0: {  	_ =	task.clear_ibuf [dreg:s6], $0x4FFFF;
	_ =	strace $0x90000046  }
0xb1: {  	s29 =	simm.s32 $0xA;
	_ =	strace $0x80000048  }
0xb2: {  	_ =	swait.ge [sflag:s29], $0x1  }
0xb3: {  	[sflag:s29] =	ssyncadd.s32 $0xFFFFFFFF  }
0xb4: {  	_ =	strace $0x90000048  }
0xb5: {  	_ =	sfence  }
0xb6: {  	s30 =	sld [smem:$0x0];
	_ =	sdelay $0x2  }
0xb7: {  	s31 =	sshll.u32 s1, $0xD;
	s1 =	sshrl.u32 s1, $0x2  }
0xb8: {  	s3 =	sand.u32 $0x4000, s31;
	s1 =	sadd.s32 s1, s30  }
0xb9: {  	s0 =	sor.u32 s3, s0;
	s1 =	sshll.u32 s1, $0x11  }
0xba: {  	s0 =	sor.u32 s1, s0  }
0xbb: {  	s0 =	sadd.s32 $0x8F2B, s0  }
0xbc: {  	[sflag:s0] =	ssyncadd.remote.s32 $0x1  }
0xbd: {  	_ =	sfence.sel $0xFFFF  }
0xbe: {  	[dreg:$0x0] =	wrdreg $0xFFFFFFFF;
	(pc) =	sbr.abs _section_cstart, $3  }
0xbf: {  	[dreg:$0x1] =	wrdreg $0xFFFFFFFF  }
0xc0: {  	_ =	task.clear_ibuf [dreg:s6], $0x2FFFF;
	_ =	strace $0x9FFFFFFF  }
0xc1: {  	(tm) =	ssettm $0x7FFFFFFF  }
tec
execute0_lowered:
.L_overlay_start_1:
0x0: {  	(tag) =	ssettag $0x1  }
0x1: {  	s0 =	rddreg [dreg:$0x0]  }
0x2: {  	s2 =	simm.s32 $0x0;
	s1 =	srdreg.scid;
	s3 =	stileid.u32  }
0x3: {  	s15 =	simm.s32 $0x5;
	s18 =	simm.s32 $0x40;
	s19 =	simm.s32 $0x3C00  }
0x4: {  	s20 =	simm.s32 $0x5C00;
	s21 =	simm.s32 $0x7C00;
	s22 =	simm.s32 $0x1  }
0x5: {  	s28 =	simm.s32 $0x3;
	s29 =	simm.s32 $0x2;
	s30 =	simm.s32 $0x11C00  }
0x6: {  	s31 =	simm.s32 $0x4;
	[smem:$0x7FF] =	sst s2;
	s1 =	sand.u32 $0x1, s1  }
0x7: {  	s3 =	sshll.u32 s3, $0x1;
	s4 =	sadd.s32 $0x29D000, s0;
	s5 =	sadd.s32 $0x2E2200, s0  }
0x8: {  	s6 =	sadd.s32 $0x553200, s0;
	s7 =	sor.u32 s1, s3;
	s1 =	ssub.s32 $0x2, s1  }
0x9: {  	_ =	strace $0x80000047;
	s8 =	smul.u32 $0x13C0, s7;
	s23 =	sshrl.u32 s1, $0x1  }
0xa: {  	s3 =	sadd.s32 $0x275800, s0;
	s7 =	smul.u32 $0x9E000, s7;
	s1 =	ssub.s32 s1, s23  }
0xb: {  	s23 =	simm.s32 $0xBC00;
	s9 =	sshrl.u32 s8, $0x3;
	s8 =	sadd.s32 $0x7CB200, s0  }
0xc: {  	s24 =	sshrl.u32 s7, $0x3;
	s14 =	smax.u32 s1, $0x1;
	s0 =	sadd.s32 s0, s9  }
0xd: {  	s26 =	sadd.s32 $0x13800, s24;
	s24 =	simm.s32 $0xDC00;
	s10 =	sadd.s32 $0x2C9700, s0  }
0xe: {  	s25 =	sadd.s32 $0x2DD300, s0;
	s11 =	sadd.s32 $0x2D3500, s0;
	s12 =	sadd.s32 s6, s26  }
0xf: {  	s13 =	sadd.s32 s8, s26;
	s26 =	simm.s32 $0x9C00;
	[dreg:$0x2] =	wrdreg s10  }
0x10: {  	s0 =	simm.s32 $0x0;
	[dreg:$0x3] =	wrdreg s25;
	s25 =	simm.s32 $0xFC00  }
.LBB2_1:
0x11: {  	s1 =	rddreg [dreg:$0x2]  }
0x12: {  	[tilespmem:s2], [sflag:$0x5] =	stream.linear.gather [hbm4b:s1+s2], $0x13C0, $0x38;
	[tilespmem:$0x13C00] =	vst v63  }
0x13: {  	_ =	swait.ge [sflag:s15], $0x13C0  }
0x14: {  	[sflag:s15] =	ssyncset.done $0x0  }
0x15: {  	s9 =	simm.s32 $0x1400;
	s16 =	rddreg [dreg:$0x3];
	[sflag:s15] =	ssyncadd.s32 $0xFFFFEC40  }
0x16: {  	[tilespmem:s9], [sflag:$0x5] =	stream.linear.gather [hbm4b:s16+s2], $0x13C0, $0x38;
	[tilespmem:$0x13C00] =	vst v63  }
0x17: {  	_ =	swait.ge [sflag:s15], $0x13C0  }
0x18: {  	[sflag:s15] =	ssyncset.done $0x0  }
0x19: {  	s17 =	simm.s32 $0x2800;
	[sflag:s15] =	ssyncadd.s32 $0xFFFFEC40  }
0x1a: {  	[tilespmem:s17], [sflag:$0x5] =	stream.linear.gather [hbm4b:s11+s2], $0x13C0, $0x38;
	[tilespmem:$0x13C00] =	vst v63  }
0x1b: {  	_ =	swait.ge [sflag:s15], $0x13C0  }
0x1c: {  	[sflag:s15] =	ssyncset.done $0x0  }
0x1d: {  	[sflag:s15] =	ssyncadd.s32 $0xFFFFEC40  }
0x1e: {  	[tilespmem:s19], [sflag:$0x1] =	stream.indirect.gather [hbm4b:s3+s18], $0x80, s2, s18, $0xb8;
	[tilespmem:$0x13C00] =	vst v63  }
0x1f: {  	_ = 	snop  }
0x20: {  	[tilespmem:s20], [sflag:$0x1] =	stream.indirect.gather [hbm4b:s4+s18], $0x80, s9, s18, $0xb8;
	[tilespmem:$0x13C00] =	vst v63  }
0x21: {  	s1 =	simm.s32 $0x0  }
0x22: {  	[tilespmem:s21], [sflag:$0x1] =	stream.indirect.gather [hbm4b:s5+s18], $0x80, s17, s18, $0xb8;
	[tilespmem:$0x13C00] =	vst v63  }
.LBB2_2:
0x23: {  	p0 =	seq.s32 s1, $0x0  }
0x24: {  	s10 =	simm.s32 @!p0 $0x4  }
0x25: {  	_ =	swait.ge @!p0 [sflag:s10], $0x2000  }
0x26: {  	[sflag:s10] =	ssyncset.done @!p0 $0x0  }
0x27: {  	[sflag:s10] =	ssyncadd.s32 @!p0 $0xFFFFE000  }
0x28: {  	s9 =	sshllo.u32 @!p0 s1, $0x1;
	_ =	swait.ge @!p0 [sflag:s10], $0x2000  }
0x29: {  	s9 =	simm.s32 @p0 $0x1;
	[sflag:s10] =	ssyncset.done @!p0 $0x0  }
0x2a: {  	s17 =	sshll.u32 s9, $0x6;
	[sflag:s10] =	ssyncadd.s32 @!p0 $0xFFFFE000  }
0x2b: {  	[tilespmem:s23], [sflag:$0x2] =	stream.indirect.gather [hbm4b:s3+s18], $0x80, s17, s18, $0xb8;
	[tilespmem:$0x13C00] =	vst v63  }
0x2c: {  	s16 =	sadd.s32 $0x1400, s17  }
0x2d: {  	[tilespmem:s24], [sflag:$0x2] =	stream.indirect.gather [hbm4b:s4+s18], $0x80, s16, s18, $0xb8;
	[tilespmem:$0x13C00] =	vst v63  }
0x2e: {  	s10 =	sadd.s32 $0x2800, s17  }
0x2f: {  	[tilespmem:s25], [sflag:$0x2] =	stream.indirect.gather [hbm4b:s5+s18], $0x80, s10, s18, $0xb8;
	[tilespmem:$0x13C00] =	vst v63  }
0x30: {  	_ =	swait.ge [sflag:s22], $0x2000  }
0x31: {  	[sflag:s22] =	ssyncset.done $0x0  }
0x32: {  	[sflag:s22] =	ssyncadd.s32 $0xFFFFE000  }
0x33: {  	_ =	swait.ge [sflag:s22], $0x2000  }
0x34: {  	[sflag:s22] =	ssyncset.done $0x0  }
0x35: {  	[sflag:s22] =	ssyncadd.s32 $0xFFFFE000  }
0x36: {  	_ =	swait.ge [sflag:s22], $0x2000  }
0x37: {  	[sflag:s22] =	ssyncset.done $0x0  }
0x38: {  	s16 =	simm.s32 $0x0;
	[sflag:s22] =	ssyncadd.s32 $0xFFFFE000  }
0x39: {  	v0 =	vld [tilespmem:s16+$0x3C70]  }
0x3a: {  	v1 =	vld [tilespmem:s16+$0x5C70]  }
0x3b: {  	v2 =	vld [tilespmem:s16+$0x3C00]  }
0x3c: {  	v3 =	vld [tilespmem:s16+$0x5C00]  }
0x3d: {  	v4 =	vld [tilespmem:s16+$0x3C10]  }
0x3e: {  	v5 =	vld [tilespmem:s16+$0x5C10]  }
0x3f: {  	v6 =	vld [tilespmem:s16+$0x3C20]  }
0x40: {  	v7 =	vld [tilespmem:s16+$0x3C30]  }
0x41: {  	v0 =	vadd.f32 v1, v0;
	v1 =	vld [tilespmem:s16+$0x5C20]  }
0x42: {  	v8 =	vld [tilespmem:s16+$0x5C30]  }
0x43: {  	v9 =	vld [tilespmem:s16+$0x5C40];
	v2 =	vadd.f32 v3, v2  }
0x44: {  	[tilespmem:s16+$0x9C70] =	vst v0;
	v0 =	vadd.f32 v5, v4;
	v5 =	vld [tilespmem:s16+$0x3C40]  }
0x45: {  	v3 =	vld [tilespmem:s16+$0x5C50];
	[tilespmem:s16+$0x9C00] =	vst v2  }
0x46: {  	v2 =	vld [tilespmem:s16+$0x3C50];
	[tilespmem:s16+$0x9C10] =	vst v0;
	v0 =	vadd.f32 v1, v6  }
0x47: {  	v4 =	vld [tilespmem:s16+$0x5C60];
	v6 =	vadd.f32 v8, v7  }
0x48: {  	s17 =	simm.s32 $0x80;
	[tilespmem:s16+$0x9C20] =	vst v0;
	v0 =	vld [tilespmem:s16+$0x3C60]  }
0x49: {  	s10 =	simm.s32 $0x400;
	v5 =	vadd.f32 v9, v5;
	v1 =	vld [tilespmem:s17+$0x3C70];
	[tilespmem:s16+$0x9C30] =	vst v6  }
.LBB2_3:
0x4a: {  	p0 =	sne.s32 s10, $0x7E00;
	v6 =	vld [tilespmem:s17+$0x5C70]  }
0x4b: {  	v7 =	vld [tilespmem:s17+$0x3C00];
	[tilespmem:s16+$0x9C40] =	vst v5;
	v2 =	vadd.f32 v3, v2  }
0x4c: {  	v3 =	vld [tilespmem:s17+$0x5C00]  }
0x4d: {  	v5 =	vld [tilespmem:s17+$0x3C10];
	[tilespmem:s16+$0x9C50] =	vst v2;
	v0 =	vadd.f32 v4, v0  }
0x4e: {  	v2 =	vld [tilespmem:s17+$0x5C10]  }
0x4f: {  	v4 =	vld [tilespmem:s17+$0x3C20];
	v1 =	vadd.f32 v6, v1;
	[tilespmem:s16+$0x9C60] =	vst v0;
	s16 =	smov.u32 s17  }
0x50: {  	v0 =	vld [tilespmem:s16+$0x5C20]  }
0x51: {  	v3 =	vadd.f32 v3, v7;
	v6 =	vld [tilespmem:s16+$0x3C30];
	[tilespmem:s16+$0x9C70] =	vst v1  }
0x52: {  	v1 =	vld [tilespmem:s16+$0x5C30]  }
0x53: {  	[tilespmem:s16+$0x9C00] =	vst v3;
	v2 =	vadd.f32 v2, v5;
	v5 =	vld [tilespmem:s16+$0x3C40]  }
0x54: {  	v7 =	vld [tilespmem:s16+$0x5C40]  }
.Ltmp0:
0x55: {  	[tilespmem:s16+$0x9C10] =	vst v2;
	v0 =	vadd.f32 v0, v4;
	v2 =	vld [tilespmem:s16+$0x3C50];
	(pc) =	sbr.rel @p0 .LBB2_3-.Ltmp0, $4  }
0x56: {  	v3 =	vld [tilespmem:s16+$0x5C50]  }
0x57: {  	[tilespmem:s16+$0x9C20] =	vst v0;
	v6 =	vadd.f32 v1, v6;
	v0 =	vld [tilespmem:s16+$0x3C60]  }
0x58: {  	s17 =	sshra.s32 s10, $0x2;
	v4 =	vld [tilespmem:s16+$0x5C60]  }
0x59: {  	s10 =	sadd.s32 $0x200, s10;
	v1 =	vld [tilespmem:s17+$0x3C70];
	[tilespmem:s16+$0x9C30] =	vst v6;
	v5 =	vadd.f32 v7, v5  }
0x5a: {  	v6 =	vld [tilespmem:s17+$0x5C70]  }
0x5b: {  	v7 =	vld [tilespmem:s17+$0x3C00];
	[tilespmem:s16+$0x9C40] =	vst v5;
	v2 =	vadd.f32 v3, v2  }
0x5c: {  	v3 =	vld [tilespmem:s17+$0x5C00]  }
0x5d: {  	v5 =	vld [tilespmem:s17+$0x3C10];
	[tilespmem:s16+$0x9C50] =	vst v2;
	v0 =	vadd.f32 v4, v0  }
0x5e: {  	v2 =	vld [tilespmem:s17+$0x5C10]  }
0x5f: {  	v4 =	vld [tilespmem:s17+$0x3C20];
	[tilespmem:s16+$0x9C60] =	vst v0  }
0x60: {  	v0 =	vadd.f32 v6, v1;
	v1 =	vld [tilespmem:s17+$0x5C20]  }
0x61: {  	v6 =	vld [tilespmem:s17+$0x3C30]  }
0x62: {  	v3 =	vadd.f32 v3, v7;
	[tilespmem:s17+$0x9C70] =	vst v0;
	v0 =	vld [tilespmem:s17+$0x5C30]  }
0x63: {  	v7 =	vld [tilespmem:s17+$0x5C60]  }
0x64: {  	[tilespmem:s17+$0x9C00] =	vst v3;
	v2 =	vadd.f32 v2, v5;
	v3 =	vld [tilespmem:s17+$0x3C40]  }
0x65: {  	v5 =	vld [tilespmem:s17+$0x5C40]  }
0x66: {  	[tilespmem:s17+$0x9C10] =	vst v2;
	v1 =	vadd.f32 v1, v4;
	v2 =	vld [tilespmem:s17+$0x3C50]  }
0x67: {  	v4 =	vld [tilespmem:s17+$0x5C50]  }
0x68: {  	[tilespmem:s17+$0x9C20] =	vst v1;
	v1 =	vld [tilespmem:s17+$0x3C60];
	_ =	sdelay $0x1  }
0x69: {  	v0 =	vadd.f32 v0, v6  }
0x6a: {  	v3 =	vadd.f32 v5, v3  }
0x6b: {  	s10 =	sshll.u32 s1, $0xE;
	[tilespmem:s17+$0x9C30] =	vst v0;
	v0 =	vadd.f32 v4, v2  }
0x6c: {  	s10 =	sadd.s32 s7, s10;
	[tilespmem:s17+$0x9C40] =	vst v3;
	v1 =	vadd.f32 v7, v1  }
0x6d: {  	s10 =	sshrl.u32 s10, $0x3;
	[tilespmem:s17+$0x9C50] =	vst v0  }
0x6e: {  	s16 =	sadd.s32 s6, s10;
	[tilespmem:s17+$0x9C60] =	vst v1;
	s17 =	simm.s32 $0x0  }
0x6f: {  	[hbm4b:s16+s17] =	stream.linear.scatter [tilespmem:s26], [sflag:$0x3], $0x2000, $0x38;
	[tilespmem:$0x13C00] =	vst v63  }
0x70: {  	s10 =	sadd.s32 s8, s10  }
0x71: {  	[hbm4b:s10+s17] =	stream.linear.scatter [tilespmem:s21], [sflag:$0x3], $0x2000, $0x38;
	[tilespmem:$0x13C00] =	vst v63  }
0x72: {  	_ =	swait.ge [sflag:s28], $0x2000  }
0x73: {  	[sflag:s28] =	ssyncset.done $0x0  }
0x74: {  	[sflag:s28] =	ssyncadd.s32 $0xFFFFE000  }
0x75: {  	_ =	swait.ge [sflag:s28], $0x2000  }
0x76: {  	s10 =	sshll.u32 s1, $0x7;
	[sflag:s28] =	ssyncset.done $0x0  }
0x77: {  	s17 =	sadd.s32 $0x80, s10;
	[sflag:s28] =	ssyncadd.s32 $0xFFFFE000  }
0x78: {  	[tilespmem:s19], [sflag:$0x1] =	stream.indirect.gather [hbm4b:s3+s18], $0x80, s17, s18, $0xb8;
	[tilespmem:$0x13C00] =	vst v63  }
0x79: {  	s17 =	sadd.s32 $0x1480, s10  }
0x7a: {  	[tilespmem:s20], [sflag:$0x1] =	stream.indirect.gather [hbm4b:s4+s18], $0x80, s17, s18, $0xb8;
	[tilespmem:$0x13C00] =	vst v63  }
0x7b: {  	s10 =	sadd.s32 $0x2880, s10  }
0x7c: {  	[tilespmem:s21], [sflag:$0x1] =	stream.indirect.gather [hbm4b:s5+s18], $0x80, s10, s18, $0xb8;
	[tilespmem:$0x13C00] =	vst v63  }
0x7d: {  	_ =	swait.ge [sflag:s29], $0x2000  }
0x7e: {  	[sflag:s29] =	ssyncset.done $0x0  }
0x7f: {  	[sflag:s29] =	ssyncadd.s32 $0xFFFFE000  }
0x80: {  	_ =	swait.ge [sflag:s29], $0x2000  }
0x81: {  	[sflag:s29] =	ssyncset.done $0x0  }
0x82: {  	[sflag:s29] =	ssyncadd.s32 $0xFFFFE000  }
0x83: {  	_ =	swait.ge [sflag:s29], $0x2000  }
0x84: {  	[sflag:s29] =	ssyncset.done $0x0  }
0x85: {  	s16 =	simm.s32 $0x0;
	[sflag:s29] =	ssyncadd.s32 $0xFFFFE000  }
0x86: {  	v0 =	vld [tilespmem:s16+$0xBC70]  }
0x87: {  	v1 =	vld [tilespmem:s16+$0xDC70]  }
0x88: {  	v2 =	vld [tilespmem:s16+$0xBC00]  }
0x89: {  	v3 =	vld [tilespmem:s16+$0xDC00]  }
0x8a: {  	v4 =	vld [tilespmem:s16+$0xBC10]  }
0x8b: {  	v5 =	vld [tilespmem:s16+$0xDC10]  }
0x8c: {  	v6 =	vld [tilespmem:s16+$0xBC20]  }
0x8d: {  	v7 =	vld [tilespmem:s16+$0xBC30]  }
0x8e: {  	v0 =	vadd.f32 v1, v0;
	v1 =	vld [tilespmem:s16+$0xDC20]  }
0x8f: {  	v8 =	vld [tilespmem:s16+$0xDC30]  }
0x90: {  	v9 =	vld [tilespmem:s16+$0xDC40];
	v2 =	vadd.f32 v3, v2  }
0x91: {  	[tilespmem:s16+$0x11C70] =	vst v0;
	v0 =	vadd.f32 v5, v4;
	v5 =	vld [tilespmem:s16+$0xBC40]  }
0x92: {  	v3 =	vld [tilespmem:s16+$0xDC50];
	[tilespmem:s16+$0x11C00] =	vst v2  }
0x93: {  	v2 =	vld [tilespmem:s16+$0xBC50];
	[tilespmem:s16+$0x11C10] =	vst v0;
	v0 =	vadd.f32 v1, v6  }
0x94: {  	v4 =	vld [tilespmem:s16+$0xDC60];
	v6 =	vadd.f32 v8, v7  }
0x95: {  	s17 =	simm.s32 $0x80;
	[tilespmem:s16+$0x11C20] =	vst v0;
	v0 =	vld [tilespmem:s16+$0xBC60]  }
0x96: {  	s10 =	simm.s32 $0x400;
	v5 =	vadd.f32 v9, v5;
	v1 =	vld [tilespmem:s17+$0xBC70];
	[tilespmem:s16+$0x11C30] =	vst v6  }
.LBB2_5:
0x97: {  	p0 =	sne.s32 s10, $0x7E00;
	v6 =	vld [tilespmem:s17+$0xDC70]  }
0x98: {  	v7 =	vld [tilespmem:s17+$0xBC00];
	[tilespmem:s16+$0x11C40] =	vst v5;
	v2 =	vadd.f32 v3, v2  }
0x99: {  	v3 =	vld [tilespmem:s17+$0xDC00]  }
0x9a: {  	v5 =	vld [tilespmem:s17+$0xBC10];
	[tilespmem:s16+$0x11C50] =	vst v2;
	v0 =	vadd.f32 v4, v0  }
0x9b: {  	v2 =	vld [tilespmem:s17+$0xDC10]  }
0x9c: {  	v4 =	vld [tilespmem:s17+$0xBC20];
	v1 =	vadd.f32 v6, v1;
	[tilespmem:s16+$0x11C60] =	vst v0;
	s16 =	smov.u32 s17  }
0x9d: {  	v0 =	vld [tilespmem:s16+$0xDC20]  }
0x9e: {  	v3 =	vadd.f32 v3, v7;
	v6 =	vld [tilespmem:s16+$0xBC30];
	[tilespmem:s16+$0x11C70] =	vst v1  }
0x9f: {  	v1 =	vld [tilespmem:s16+$0xDC30]  }
0xa0: {  	[tilespmem:s16+$0x11C00] =	vst v3;
	v2 =	vadd.f32 v2, v5;
	v5 =	vld [tilespmem:s16+$0xBC40]  }
0xa1: {  	v7 =	vld [tilespmem:s16+$0xDC40]  }
.Ltmp1:
0xa2: {  	[tilespmem:s16+$0x11C10] =	vst v2;
	v0 =	vadd.f32 v0, v4;
	v2 =	vld [tilespmem:s16+$0xBC50];
	(pc) =	sbr.rel @p0 .LBB2_5-.Ltmp1, $4  }
0xa3: {  	v3 =	vld [tilespmem:s16+$0xDC50]  }
0xa4: {  	[tilespmem:s16+$0x11C20] =	vst v0;
	v6 =	vadd.f32 v1, v6;
	v0 =	vld [tilespmem:s16+$0xBC60]  }
0xa5: {  	s17 =	sshra.s32 s10, $0x2;
	v4 =	vld [tilespmem:s16+$0xDC60]  }
0xa6: {  	s10 =	sadd.s32 $0x200, s10;
	v1 =	vld [tilespmem:s17+$0xBC70];
	[tilespmem:s16+$0x11C30] =	vst v6;
	v5 =	vadd.f32 v7, v5  }
0xa7: {  	v6 =	vld [tilespmem:s17+$0xDC70]  }
0xa8: {  	v7 =	vld [tilespmem:s17+$0xBC00];
	[tilespmem:s16+$0x11C40] =	vst v5;
	v2 =	vadd.f32 v3, v2  }
0xa9: {  	v51 =	vld [tilespmem:s17+$0xDC00]  }
0xaa: {  	v5 =	vld [tilespmem:s17+$0xBC10];
	[tilespmem:s16+$0x11C50] =	vst v2;
	v0 =	vadd.f32 v4, v0  }
0xab: {  	v2 =	vld [tilespmem:s17+$0xDC10]  }
0xac: {  	v52 =	vld [tilespmem:s17+$0xBC20];
	[tilespmem:s16+$0x11C60] =	vst v0  }
0xad: {  	v54 =	vld [tilespmem:s17+$0xDC20]  }
0xae: {  	v55 =	vld [tilespmem:s17+$0xBC30]  }
0xaf: {  	v56 =	vld [tilespmem:s17+$0xDC30]  }
0xb0: {  	v57 =	vld [tilespmem:s17+$0xBC40]  }
0xb1: {  	v58 =	vld [tilespmem:s17+$0xDC40]  }
0xb2: {  	v59 =	vld [tilespmem:s17+$0xBC50]  }
0xb3: {  	v53 =	vadd.f32 v6, v1;
	v60 =	vld [tilespmem:s17+$0xDC50]  }
0xb4: {  	v61 =	vld [tilespmem:s17+$0xBC60];
	v3 =	vadd.f32 v51, v7  }
0xb5: {  	v62 =	vld [tilespmem:s17+$0xDC60];
	[tilespmem:s17+$0x11C70] =	vst v53;
	v2 =	vadd.f32 v2, v5  }
0xb6: {  	[tilespmem:s17+$0x11C00] =	vst v3;
	v1 =	vadd.f32 v54, v52  }
0xb7: {  	[tilespmem:s17+$0x11C10] =	vst v2;
	v0 =	vadd.f32 v56, v55  }
0xb8: {  	v3 =	vadd.f32 v58, v57;
	[tilespmem:s17+$0x11C20] =	vst v1  }
0xb9: {  	s9 =	sshll.u32 s9, $0xD;
	s1 =	sadd.s32 $0x1, s1;
	v63 =	vadd.f32 v60, v59;
	[tilespmem:s17+$0x11C30] =	vst v0  }
0xba: {  	s9 =	sadd.s32 s7, s9;
	p0 =	sne.s32 s1, $0x27;
	[tilespmem:s17+$0x11C40] =	vst v3;
	v1 =	vadd.f32 v62, v61  }
.Ltmp2:
0xbb: {  	s9 =	sshrl.u32 s9, $0x3;
	[tilespmem:s17+$0x11C50] =	vst v63;
	(pc) =	sbr.rel @p0 .LBB2_2-.Ltmp2, $4  }
0xbc: {  	s10 =	sadd.s32 s6, s9;
	[tilespmem:s17+$0x11C60] =	vst v1  }
0xbd: {  	[hbm4b:s10+s2] =	stream.linear.scatter [tilespmem:s30], [sflag:$0x4], $0x2000, $0x38;
	[tilespmem:$0x13C00] =	vst v63  }
0xbe: {  	s9 =	sadd.s32 s8, s9  }
0xbf: {  	[hbm4b:s9+s2] =	stream.linear.scatter [tilespmem:s25], [sflag:$0x4], $0x2000, $0x38;
	[tilespmem:$0x13C00] =	vst v63  }
0xc0: {  	_ =	swait.ge [sflag:s31], $0x2000  }
0xc1: {  	[sflag:s31] =	ssyncset.done $0x0  }
0xc2: {  	[sflag:s31] =	ssyncadd.s32 $0xFFFFE000  }
0xc3: {  	_ =	swait.ge [sflag:s31], $0x2000  }
0xc4: {  	[sflag:s31] =	ssyncset.done $0x0  }
0xc5: {  	[sflag:s31] =	ssyncadd.s32 $0xFFFFE000  }
0xc6: {  	_ =	swait.ge [sflag:s22], $0x2000  }
0xc7: {  	[sflag:s22] =	ssyncset.done $0x0  }
0xc8: {  	[sflag:s22] =	ssyncadd.s32 $0xFFFFE000  }
0xc9: {  	_ =	swait.ge [sflag:s22], $0x2000  }
0xca: {  	[sflag:s22] =	ssyncset.done $0x0  }
0xcb: {  	[sflag:s22] =	ssyncadd.s32 $0xFFFFE000  }
0xcc: {  	_ =	swait.ge [sflag:s22], $0x2000  }
0xcd: {  	[sflag:s22] =	ssyncset.done $0x0  }
0xce: {  	s1 =	simm.s32 $0x0;
	[sflag:s22] =	ssyncadd.s32 $0xFFFFE000  }
0xcf: {  	v0 =	vld [tilespmem:s1+$0x3C70]  }
0xd0: {  	v1 =	vld [tilespmem:s1+$0x5C70]  }
0xd1: {  	v2 =	vld [tilespmem:s1+$0x3C00]  }
0xd2: {  	v3 =	vld [tilespmem:s1+$0x5C00]  }
0xd3: {  	v4 =	vld [tilespmem:s1+$0x3C10]  }
0xd4: {  	v5 =	vld [tilespmem:s1+$0x5C10]  }
0xd5: {  	v6 =	vld [tilespmem:s1+$0x3C20]  }
0xd6: {  	v7 =	vld [tilespmem:s1+$0x3C30]  }
0xd7: {  	v0 =	vadd.f32 v1, v0;
	v1 =	vld [tilespmem:s1+$0x5C20]  }
0xd8: {  	v8 =	vld [tilespmem:s1+$0x5C30]  }
0xd9: {  	v9 =	vld [tilespmem:s1+$0x5C40];
	v2 =	vadd.f32 v3, v2  }
0xda: {  	[tilespmem:s1+$0x9C70] =	vst v0;
	v0 =	vadd.f32 v5, v4;
	v5 =	vld [tilespmem:s1+$0x3C40]  }
0xdb: {  	v3 =	vld [tilespmem:s1+$0x5C50];
	[tilespmem:s1+$0x9C00] =	vst v2  }
0xdc: {  	v2 =	vld [tilespmem:s1+$0x3C50];
	[tilespmem:s1+$0x9C10] =	vst v0;
	v0 =	vadd.f32 v1, v6  }
0xdd: {  	v4 =	vld [tilespmem:s1+$0x5C60];
	v6 =	vadd.f32 v8, v7  }
0xde: {  	s9 =	simm.s32 $0x80;
	[tilespmem:s1+$0x9C20] =	vst v0;
	v0 =	vld [tilespmem:s1+$0x3C60]  }
0xdf: {  	s10 =	simm.s32 $0x400;
	v5 =	vadd.f32 v9, v5;
	v1 =	vld [tilespmem:s9+$0x3C70];
	[tilespmem:s1+$0x9C30] =	vst v6  }
.LBB2_8:
0xe0: {  	p0 =	sne.s32 s10, $0x7E00;
	v6 =	vld [tilespmem:s9+$0x5C70]  }
0xe1: {  	v7 =	vld [tilespmem:s9+$0x3C00];
	[tilespmem:s1+$0x9C40] =	vst v5;
	v2 =	vadd.f32 v3, v2  }
0xe2: {  	v3 =	vld [tilespmem:s9+$0x5C00]  }
0xe3: {  	v5 =	vld [tilespmem:s9+$0x3C10];
	[tilespmem:s1+$0x9C50] =	vst v2;
	v0 =	vadd.f32 v4, v0  }
0xe4: {  	v2 =	vld [tilespmem:s9+$0x5C10]  }
0xe5: {  	v4 =	vld [tilespmem:s9+$0x3C20];
	v1 =	vadd.f32 v6, v1;
	[tilespmem:s1+$0x9C60] =	vst v0;
	s1 =	smov.u32 s9  }
0xe6: {  	v0 =	vld [tilespmem:s1+$0x5C20]  }
0xe7: {  	v3 =	vadd.f32 v3, v7;
	v6 =	vld [tilespmem:s1+$0x3C30];
	[tilespmem:s1+$0x9C70] =	vst v1  }
0xe8: {  	v1 =	vld [tilespmem:s1+$0x5C30]  }
0xe9: {  	[tilespmem:s1+$0x9C00] =	vst v3;
	v2 =	vadd.f32 v2, v5;
	v5 =	vld [tilespmem:s1+$0x3C40]  }
0xea: {  	v7 =	vld [tilespmem:s1+$0x5C40]  }
.Ltmp3:
0xeb: {  	[tilespmem:s1+$0x9C10] =	vst v2;
	v0 =	vadd.f32 v0, v4;
	v2 =	vld [tilespmem:s1+$0x3C50];
	(pc) =	sbr.rel @p0 .LBB2_8-.Ltmp3, $4  }
0xec: {  	v3 =	vld [tilespmem:s1+$0x5C50]  }
0xed: {  	[tilespmem:s1+$0x9C20] =	vst v0;
	v6 =	vadd.f32 v1, v6;
	v0 =	vld [tilespmem:s1+$0x3C60]  }
0xee: {  	s9 =	sshra.s32 s10, $0x2;
	v4 =	vld [tilespmem:s1+$0x5C60]  }
0xef: {  	s10 =	sadd.s32 $0x200, s10;
	v1 =	vld [tilespmem:s9+$0x3C70];
	[tilespmem:s1+$0x9C30] =	vst v6;
	v5 =	vadd.f32 v7, v5  }
0xf0: {  	v6 =	vld [tilespmem:s9+$0x5C70]  }
0xf1: {  	v7 =	vld [tilespmem:s9+$0x3C00];
	[tilespmem:s1+$0x9C40] =	vst v5;
	v2 =	vadd.f32 v3, v2  }
0xf2: {  	v51 =	vld [tilespmem:s9+$0x5C00]  }
0xf3: {  	v5 =	vld [tilespmem:s9+$0x3C10];
	[tilespmem:s1+$0x9C50] =	vst v2;
	v0 =	vadd.f32 v4, v0  }
0xf4: {  	v2 =	vld [tilespmem:s9+$0x5C10]  }
0xf5: {  	v52 =	vld [tilespmem:s9+$0x3C20];
	[tilespmem:s1+$0x9C60] =	vst v0  }
0xf6: {  	v54 =	vld [tilespmem:s9+$0x5C20]  }
0xf7: {  	v55 =	vld [tilespmem:s9+$0x3C30]  }
0xf8: {  	v56 =	vld [tilespmem:s9+$0x5C30]  }
0xf9: {  	v57 =	vld [tilespmem:s9+$0x3C40]  }
0xfa: {  	v58 =	vld [tilespmem:s9+$0x5C40]  }
0xfb: {  	v59 =	vld [tilespmem:s9+$0x3C50]  }
0xfc: {  	v53 =	vadd.f32 v6, v1;
	v60 =	vld [tilespmem:s9+$0x5C50]  }
0xfd: {  	v61 =	vld [tilespmem:s9+$0x3C60];
	v3 =	vadd.f32 v51, v7  }
0xfe: {  	v62 =	vld [tilespmem:s9+$0x5C60];
	[tilespmem:s9+$0x9C70] =	vst v53;
	v2 =	vadd.f32 v2, v5  }
0xff: {  	[tilespmem:s9+$0x9C00] =	vst v3;
	v1 =	vadd.f32 v54, v52  }
0x100: {  	[tilespmem:s9+$0x9C10] =	vst v2;
	v0 =	vadd.f32 v56, v55  }
0x101: {  	v3 =	vadd.f32 v58, v57;
	[tilespmem:s9+$0x9C20] =	vst v1  }
0x102: {  	v63 =	vadd.f32 v60, v59;
	[tilespmem:s9+$0x9C30] =	vst v0  }
0x103: {  	[tilespmem:s9+$0x9C40] =	vst v3;
	v1 =	vadd.f32 v62, v61  }
0x104: {  	[tilespmem:s9+$0x9C50] =	vst v63  }
0x105: {  	[tilespmem:s9+$0x9C60] =	vst v1  }
0x106: {  	[hbm4b:s12+s2] =	stream.linear.scatter [tilespmem:s26], [sflag:$0x3], $0x2000, $0x38;
	[tilespmem:$0x13C00] =	vst v63  }
0x107: {  	s0 =	sadd.s32 $0x1, s0  }
0x108: {  	[hbm4b:s13+s2] =	stream.linear.scatter [tilespmem:s21], [sflag:$0x3], $0x2000, $0x38;
	[tilespmem:$0x13C00] =	vst v63  }
0x109: {  	p0 =	sne.s32 s0, s14;
	_ =	swait.ge [sflag:s28], $0x2000  }
.Ltmp4:
0x10a: {  	[sflag:s28] =	ssyncset.done $0x0;
	(pc) =	sbr.rel @p0 .LBB2_1-.Ltmp4, $4  }
0x10b: {  	[sflag:s28] =	ssyncadd.s32 $0xFFFFE000  }
0x10c: {  	_ =	swait.ge [sflag:s28], $0x2000  }
0x10d: {  	[sflag:s28] =	ssyncset.done $0x0  }
0x10e: {  	[sflag:s28] =	ssyncadd.s32 $0xFFFFE000  }
0x10f: {  	_ =	sfence.sel $0x180000  }
0x110: {  	[bflag:$0x0] =	sbarrier.arrive $0xFFFF  }
0x111: {  	_ =	strace $0x90000047  }
0x112: {  	s0 =	stileid.u32;
	[bflag:$0x2] =	sbarrier.arrive $0xFFFF  }
0x113: {  	p0 =	sne.s32 s0, $0x0;
	s0 =	rddreg [dreg:$0x1]  }
0x114: {  	s0 =	sadd.s32 @!p0 $0x100000, s0  }
0x115: {  	[sflag:s0] =	ssyncadd.tile.s32 @!p0 $0x1;
	_ =	shalt  }
.Lfunc_end2:
_tile_overlayer_lowered:
.L_overlay_start_2:
0x116: {  	(tag) =	ssettag $0x2  }
0x117: {  	s0 =	rddreg [dreg:$0x0];
	s2 =	stileid.u32  }
0x118: {  	s1 =	rddreg [dreg:$0x1];
	p0 =	sne.s32 s2, $0x0  }
0x119: {  	s3 =	rddreg [dreg:$0x2];
	[bflag:$0x3] =	sbarrier.arrive $0xFFFF;
	s2 =	simm.s32 @!p0 $0x1C05  }
0x11a: {  	[timem:s3], [sflag:s2] =	dma.local @!p0 [hbm:s0], s1  }
0x11b: {  	s0 =	simm.s32 @!p0 $0x5  }
0x11c: {  	_ =	swait.ge @!p0 [sflag:s0], s1  }
0x11d: {  	s1 =	ssub.s32 @!p0 $0x0, s1;
	[sflag:s0] =	ssyncset.done @!p0 $0x0  }
0x11e: {  	[sflag:s0] =	ssyncadd.s32 @!p0 s1  }
0x11f: {  	[bflag:$0x3] =	sbarrier.arrive $0xFFFF  }
0x120: {  	_ =	shalt  }

// kernel: kernel.17.cloned.1.call-start
scs
__scs_entry_jumppad:
0x0: {  	(pc) =	sbr.rel $0x88, $3  }
0x1: {  	(tag) =	ssettag $0x0;
	lr =	simm.s32 $0x1  }
0x2: {  	[smem:$0x3F92] =	sst lr;
	_ =	strace $0xD0000000  }
0x3: {  	_ = 	snop  }
0x4: {  	_ = 	snop  }
0x5: {  	_ = 	snop  }
0x6: {  	_ = 	snop  }
0x7: {  	_ = 	snop  }
__scs_overlays_trampoline_lowered:
0x8: {  	[smem:$0x3FA1] =	sst s0  }
0x9: {  	[smem:$0x3FA2] =	sst s1  }
0xa: {  	[smem:$0x3FA3] =	sst s2  }
0xb: {  	[smem:$0x3FA4] =	sst s3  }
0xc: {  	[smem:$0x3FA5] =	sst s4  }
0xd: {  	[smem:$0x3FA6] =	sst s5  }
0xe: {  	[smem:$0x3FA7] =	sst s6  }
0xf: {  	[smem:$0x3FA8] =	sst s7  }
0x10: {  	[smem:$0x3FA9] =	sst s8  }
0x11: {  	[smem:$0x3FAA] =	sst s9;
	s0 =	simm.s32 @!p0 $0x0  }
0x12: {  	s1 =	sld [smem:$0x3F90];
	s0 =	simm.s32 @p0 $0x1  }
0x13: {  	[smem:$0x3FAB] =	sst s0;
	s0 =	simm.s32 @!p1 $0x0  }
0x14: {  	s2 =	sld [smem:$0x3F8F];
	s0 =	simm.s32 @p1 $0x1  }
0x15: {  	[smem:$0x3FAC] =	sst s0;
	s0 =	simm.s32 @!p2 $0x0  }
0x16: {  	s3 =	sld [smem:$0x3FDB];
	s0 =	simm.s32 @p2 $0x1  }
0x17: {  	s4 =	simm.s32 $0x1BF5;
	[smem:$0x3FAE] =	sst s0  }
0x18: {  	s0 =	sld [smem:$0x3F91];
	_ =	swait.ge [sflag:s4], $0x0  }
0x19: {  	s7 =	sld [smem:$0x3F92]  }
0x1a: {  	s8 =	sadd.s32 $0xFFFFE003, lr  }
0x1b: {  	s9 =	sadd.s32 $0xFFFFFEF7, lr;
	s5 =	simm.s32 $0xFFFFFFFF;
	p2 =	slt.u32 s8, $0xFFFFF086  }
0x1c: {  	p1 =	slt.u32 s9, $0xF7A;
	s5 =	simm.s32 @!p2 $0x0  }
0x1d: {  	s5 =	simm.s32 @p1 $0x1;
	p0 =	seq.s32 s7, s2  }
0x1e: {  	s7 =	smul.u32 @!p0 $0xF7A, s2;
	p2 =	seq.s32 @!p0 s5, $0x0  }
0x1f: {  	s9 =	smul.u32 $0xF7A, s1;
	s8 =	simm.s32 @!p0 $0x1BF5;
	p2 =	por !p2, p0  }
0x20: {  	[sflag:s8] =	ssyncset.s32 @!p0 $0xFFFFF086;
	s6 =	sadd.s32 @!p0 s3, s7;
	s7 =	simm.s32 @!p0 $0x108  }
0x21: {  	s3 =	sadd.s32 s3, s9;
	s6 =	sadd.s32 @!p0 $0x88, s6;
	s7 =	simm.s32 @p2 $0x1082  }
0x22: {  	[simem:s7], [sflag:s8] =	dma.local @!p0 [hbm:s6], $0xF7A  }
0x23: {  	s9 =	sor.u32 $0xD0000000, s2;
	s6 =	simm.s32 $0x108;
	_ =	swait.ge @!p0 [sflag:s8], $0x0  }
0x24: {  	s3 =	sadd.s32 $0x88, s3;
	s6 =	simm.s32 @!p1 $0x1082;
	[sflag:s4] =	ssyncset.s32 $0xFFFFF086  }
0x25: {  	[simem:s6], [sflag:s4] =	dma.local [hbm:s3], $0xF7A  }
0x26: {  	[smem:$0x3F92] =	sst s1;
	(tag) =	ssettag s2;
	_ =	strace s9  }
0x27: {  	s1 =	sld [smem:$0x3FA2]  }
0x28: {  	s2 =	sld [smem:$0x3FA3]  }
0x29: {  	s4 =	sld [smem:$0x3FA5]  }
0x2a: {  	p0 =	seq.s32 s5, $0x0;
	s5 =	sld [smem:$0x3FA6]  }
0x2b: {  	s6 =	sld [smem:$0x3FA7]  }
0x2c: {  	s7 =	sld [smem:$0x3FA8]  }
0x2d: {  	s3 =	simm.s32 $0x108;
	s8 =	sld [smem:$0x3FA9]  }
0x2e: {  	s3 =	simm.s32 @!p0 $0x1082;
	s9 =	sld [smem:$0x3FAA]  }
0x2f: {  	lr =	sadd.s32 s0, s3;
	s0 =	sld [smem:$0x3FA1]  }
0x30: {  	s3 =	sld [smem:$0x3FA4]  }
0x31: {  	[smem:$0x3FAD] =	sst s10  }
0x32: {  	s10 =	sld [smem:$0x3FAB];
	_ =	sdelay $0x3  }
0x33: {  	p0 =	seq.s32 s10, $0x1;
	s10 =	sld [smem:$0x3FAD];
	_ =	sdelay $0x3  }
0x34: {  	[smem:$0x3FAD] =	sst s10  }
0x35: {  	s10 =	sld [smem:$0x3FAC];
	_ =	sdelay $0x3  }
0x36: {  	p1 =	seq.s32 s10, $0x1;
	s10 =	sld [smem:$0x3FAD];
	_ =	sdelay $0x3  }
0x37: {  	[smem:$0x3FAD] =	sst s10  }
0x38: {  	s10 =	sld [smem:$0x3FAE]  }
0x39: {  	_ = 	snop;
	(pc) =	sbr.ind lr, $3  }
0x3a: {  	_ = 	snop  }
0x3b: {  	_ = 	snop  }
0x3c: {  	p2 =	seq.s32 s10, $0x1;
	s10 =	sld [smem:$0x3FAD]  }
0x3d: {  	_ =	shalt  }
0x3e: {  	_ =	shalt  }
0x3f: {  	_ =	shalt  }
0x40: {  	_ =	shalt  }
0x41: {  	_ =	shalt  }
0x42: {  	_ =	shalt  }
0x43: {  	_ =	shalt  }
0x44: {  	_ =	shalt  }
0x45: {  	_ =	shalt  }
0x46: {  	_ =	shalt  }
0x47: {  	_ =	shalt  }
0x48: {  	_ =	shalt  }
0x49: {  	_ =	shalt  }
0x4a: {  	_ =	shalt  }
0x4b: {  	_ =	shalt  }
0x4c: {  	_ =	shalt  }
0x4d: {  	_ =	shalt  }
0x4e: {  	_ =	shalt  }
0x4f: {  	_ =	shalt  }
0x50: {  	_ =	shalt  }
0x51: {  	_ =	shalt  }
0x52: {  	_ =	shalt  }
0x53: {  	_ =	shalt  }
0x54: {  	_ =	shalt  }
0x55: {  	_ =	shalt  }
0x56: {  	_ =	shalt  }
0x57: {  	_ =	shalt  }
0x58: {  	_ =	shalt  }
0x59: {  	_ =	shalt  }
0x5a: {  	_ =	shalt  }
0x5b: {  	_ =	shalt  }
0x5c: {  	_ =	shalt  }
0x5d: {  	_ =	shalt  }
0x5e: {  	_ =	shalt  }
0x5f: {  	_ =	shalt  }
0x60: {  	_ =	shalt  }
0x61: {  	_ =	shalt  }
0x62: {  	_ =	shalt  }
0x63: {  	_ =	shalt  }
0x64: {  	_ =	shalt  }
0x65: {  	_ =	shalt  }
0x66: {  	_ =	shalt  }
0x67: {  	_ =	shalt  }
0x68: {  	_ =	shalt  }
0x69: {  	_ =	shalt  }
0x6a: {  	_ =	shalt  }
0x6b: {  	_ =	shalt  }
0x6c: {  	_ =	shalt  }
0x6d: {  	_ =	shalt  }
0x6e: {  	_ =	shalt  }
0x6f: {  	_ =	shalt  }
0x70: {  	_ =	shalt  }
0x71: {  	_ =	shalt  }
0x72: {  	_ =	shalt  }
0x73: {  	_ =	shalt  }
0x74: {  	_ =	shalt  }
0x75: {  	_ =	shalt  }
0x76: {  	_ =	shalt  }
0x77: {  	_ =	shalt  }
0x78: {  	_ =	shalt  }
0x79: {  	_ =	shalt  }
0x7a: {  	_ =	shalt  }
0x7b: {  	_ =	shalt  }
0x7c: {  	_ =	shalt  }
0x7d: {  	_ =	shalt  }
0x7e: {  	_ =	shalt  }
0x7f: {  	_ =	shalt  }
0x80: {  	_ =	shalt  }
0x81: {  	_ =	shalt  }
0x82: {  	_ =	shalt  }
0x83: {  	_ =	shalt  }
0x84: {  	_ =	shalt  }
0x85: {  	_ =	shalt  }
0x86: {  	_ =	shalt  }
0x87: {  	_ =	shalt  }
.Lfunc_end0:
.L_simem_size_0:
called_computation.2_lowered:
.L_overlay_start_0:
0x88: {  	s2 =	sld [smem:$0x3FD9]  }
0x89: {  	s3 =	sld [smem:$0x3FFE];
	_ =	sdelay $0x1  }
0x8a: {  	s1 =	srdreg.scid  }
0x8b: {  	s0 =	sand.u32 $0x1, s1  }
0x8c: {  	s17 =	sshll.u32 s0, $0xA;
	s2 =	sadd.s32 s3, s2  }
0x8d: {  	s2 =	sadd.s32 s2, s17  }
0x8e: {  	[smem:$0x3FB9] =	sst s2  }
0x8f: {  	_ = 	snop  }
0x90: {  	s18 =	sld [smem:$0x3FD0];
	(tm) =	ssettm $0x1  }
0x91: {  	s19 =	sld [smem:$0x3FFB];
	_ =	sdelay $0x3  }
0x92: {  	_ =	strace s19  }
0x93: {  	s2 =	sld [smem:$0x3FFC];
	_ =	sdelay $0x3  }
0x94: {  	_ =	strace s2  }
0x95: {  	s2 =	sld [smem:$0x3FFD];
	_ =	sdelay $0x3  }
0x96: {  	_ =	strace s2  }
0x97: {  	_ =	strace $0x8FFFFFFF  }
0x98: {  	s20 =	sld [smem:$0x3FDB];
	_ =	sdelay $0x1  }
0x99: {  	s4 =	simm.s32 $_scs_section_size  }
0x9a: {  	s5 =	simm.s32 $_size__tile_overlayer_lowered;
	s6 =	simm.s32 $_tile_overlayer_lowered  }
0x9b: {  	s7 =	simm.s32 $0x1BFF;
	s21 =	sshll.u32 s6, $0x1;
	s4 =	sadd.s32 s4, s20  }
0x9c: {  	s22 =	simm.s32 $0x0;
	s5 =	sshll.u32 s5, $0x1;
	s6 =	sadd.s32 s21, s4  }
0x9d: {  	[timem:s22], [sflag:s7] =	dma.local [hbm:s6], s5  }
0x9e: {  	_ =	swait.ge [sflag:s7], s5  }
0x9f: {  	s5 =	ssub.s32 $0x0, s5;
	[sflag:s7] =	ssyncset.done $0x0  }
0xa0: {  	[sflag:s7] =	ssyncadd.s32 s5;
	_ =	sdelay $0x1  }
0xa1: {  	s23 =	simm.s32 $0x1B8B  }
0xa2: {  	_ =	swait.ge [sflag:s23], $0x1  }
0xa3: {  	[sflag:s23] =	ssyncset.done $0x0  }
0xa4: {  	[sflag:s23] =	ssyncadd.s32 $0xFFFFFFFF  }
0xa5: {  	s5 =	sld [smem:$0x0]  }
0xa6: {  	s6 =	sand.u32 $0xFFFFFFFE, s1  }
0xa7: {  	p0 =	sne.s32 s1, s6  }
0xa8: {  	s6 =	sshll.u32 @p0 s6, $0xE  }
0xa9: {  	s6 =	sadd.s32 @p0 $0x11B8D, s6;
	s7 =	sshll.u32 @p0 s5, $0x11  }
0xaa: {  	s6 =	sor.u32 @p0 s7, s6  }
0xab: {  	[sflag:s6] =	ssyncadd.remote.s32 @p0 $0x1;
	_ =	sdelay $0x1  }
0xac: {  	s6 =	simm.s32 @p0 $0x1B8D  }
0xad: {  	_ =	swait.eq @p0 [sflag:s6], $0x1  }
0xae: {  	[sflag:s6] =	ssyncadd.s32 @p0 $0xFFFFFFFF  }
0xaf: {  	s7 =	sshll.u32 @!p0 s1, $0xE  }
0xb0: {  	s7 =	sor.u32 @!p0 $0x4000, s7;
	s6 =	simm.s32 @!p0 $0x1B8D  }
0xb1: {  	s5 =	sshll.u32 @!p0 s5, $0x11;
	s7 =	sadd.s32 @!p0 $0x11B8D, s7;
	_ =	swait.eq @!p0 [sflag:s6], $0x1  }
0xb2: {  	s5 =	sor.u32 @!p0 s5, s7;
	[sflag:s6] =	ssyncadd.s32 @!p0 $0xFFFFFFFF  }
0xb3: {  	s25 =	simm.s32 $0x1B8E;
	s24 =	sld [smem:$0x3FFE];
	[sflag:s5] =	ssyncadd.remote.s32 @!p0 $0x1  }
0xb4: {  	s26 =	simm.s32 $execute0_lowered;
	[smem:$0x3FD2] =	sst s25  }
0xb5: {  	s6 =	sshll.u32 s26, $0x1;
	_ =	strace $0x8000004F;
	[dreg:$0x1] =	wrdreg $0xFFFFFFFF  }
0xb6: {  	s28 =	simm.s32 $_size_execute0_lowered;
	s4 =	sadd.s32 s4, s6;
	[dreg:$0x0] =	wrdreg $0x0  }
0xb7: {  	s6 =	sshll.u32 s28, $0x1;
	[dreg:$0x2] =	wrdreg s4  }
0xb8: {  	[dreg:$0x3] =	wrdreg s6  }
0xb9: {  	[dreg:$0x4] =	wrdreg $0xC0  }
0xba: {  	_ =	task [dreg:s22], $0x5FFFF  }
0xbb: {  	[dreg:$0x1] =	wrdreg $0xFFFFFFFF  }
0xbc: {  	[dreg:$0x0] =	wrdreg $0x60  }
0xbd: {  	[dreg:$0x2] =	wrdreg s24  }
0xbe: {  	[dreg:$0x3] =	wrdreg s18  }
0xbf: {  	[dreg:$0x4] =	wrdreg $0x41000  }
0xc0: {  	[dreg:$0x5] =	wrdreg $0x9  }
0xc1: {  	_ =	task.clear_ibuf [dreg:s22], $0x6FFFF;
	_ =	strace $0x9000004F  }
0xc2: {  	s29 =	simm.s32 $0x9;
	_ =	strace $0x80000051  }
0xc3: {  	_ =	swait.ge [sflag:s29], $0x1  }
0xc4: {  	[sflag:s29] =	ssyncadd.s32 $0xFFFFFFFF  }
0xc5: {  	_ =	strace $0x90000051  }
0xc6: {  	_ =	sfence  }
0xc7: {  	s30 =	sld [smem:$0x0];
	_ =	sdelay $0x2  }
0xc8: {  	s31 =	sshll.u32 s1, $0xD;
	s1 =	sshrl.u32 s1, $0x2  }
0xc9: {  	s4 =	sand.u32 $0x4000, s31;
	s1 =	sadd.s32 s1, s30  }
0xca: {  	s0 =	sor.u32 s4, s0;
	s1 =	sshll.u32 s1, $0x11  }
0xcb: {  	s0 =	sor.u32 s1, s0  }
0xcc: {  	s0 =	sadd.s32 $0x8F2B, s0  }
0xcd: {  	[sflag:s0] =	ssyncadd.remote.s32 $0x1  }
0xce: {  	_ =	sfence.sel $0xFFFF  }
0xcf: {  	[dreg:$0x0] =	wrdreg $0xFFFFFFFF;
	(pc) =	sbr.abs _section_cstart, $3  }
0xd0: {  	[dreg:$0x1] =	wrdreg $0xFFFFFFFF  }
0xd1: {  	_ =	task.clear_ibuf [dreg:s22], $0x2FFFF;
	_ =	strace $0x9FFFFFFF  }
0xd2: {  	(tm) =	ssettm $0x7FFFFFFF  }
0xd3: {  	_ =	shalt  }
tec
execute0_lowered:
.L_overlay_start_1:
0x0: {  	(tag) =	ssettag $0x1  }
0x1: {  	s0 =	rddreg [dreg:$0x0]  }
0x2: {  	s16 =	rddreg [dreg:$0x1]  }
0x3: {  	s2 =	rddreg [dreg:$0x2];
	s1 =	stileid.u32  }
0x4: {  	s4 =	srdreg.scid;
	s3 =	simm.s32 $0x0;
	s5 =	smul.u32 $0x13C00, s1  }
0x5: {  	s28 =	simm.s32 $0x4;
	s29 =	simm.s32 $0x5;
	s7 =	smul.u32 $0x4F000, s1  }
0x6: {  	s30 =	simm.s32 $0x0;
	s13 =	sand.u32 $0x1, s4;
	s18 =	smul.u32 $0x27800, s1  }
0x7: {  	[smem:$0x7FF] =	sst s3;
	s14 =	sadd.s32 $0x7B000, s0;
	s19 =	smul.u32 $0x2780, s1  }
0x8: {  	s22 =	sshll.u32 s1, $0x1;
	s26 =	sshll.u32 s1, $0x6;
	s4 =	smul.u32 $0x13C000, s13  }
0x9: {  	_ =	strace $0x80000050;
	s23 =	ssub.s32 $0x2, s13;
	s20 =	smul.u32 $0x13C0, s13  }
0xa: {  	s6 =	sshrl.u32 s5, $0x3;
	s8 =	sshrl.u32 s23, $0x1;
	s7 =	sshrl.u32 s7, $0x2  }
0xb: {  	s6 =	sadd.s32 s6, s0;
	s4 =	sadd.s32 s5, s4;
	s5 =	sor.u32 s13, s22  }
0xc: {  	s10 =	ssub.s32 s23, s8;
	s17 =	sadd.s32 s7, s2;
	s22 =	smul.u32 $0x13C00, s13  }
0xd: {  	s23 =	sadd.s32 s18, s14;
	s4 =	sshrl.u32 s4, $0x3;
	s9 =	smul.u32 $0x13C0, s5  }
0xe: {  	s24 =	smul.u32 $0x13C00, s5;
	s25 =	sadd.s32 $0x4800, s6;
	s5 =	sor.u32 $0x1C07, s26  }
0xf: {  	s17 =	sshrl.u32 s17, $0x3;
	s0 =	sadd.s32 s4, s0;
	[dreg:$0x4] =	wrdreg s25  }
0x10: {  	s31 =	sshrl.u32 s9, $0x3;
	s7 =	sadd.s32 s14, s24;
	s15 =	sadd.s32 $0x80, s9  }
0x11: {  	s8 =	sadd.s32 $0x2F3000, s0;
	s4 =	sadd.s32 $0x40, s9;
	s9 =	smax.u32 s10, $0x1  }
0x12: {  	s24 =	sadd.s32 s20, s19;
	s19 =	simm.s32 $0x100;
	s20 =	simm.s32 $0x2100  }
0x13: {  	s6 =	sadd.s32 s16, s31;
	s11 =	sshll.u32 s4, $0x4;
	s0 =	sshrl.u32 s4, $0x3  }
0x14: {  	s12 =	sshll.u32 s15, $0x4;
	s21 =	sshrl.u32 s15, $0x3;
	s25 =	sadd.s32 $0x100, s24  }
0x15: {  	s26 =	sadd.s32 $0xC0, s24;
	s24 =	simm.s32 $0x3;
	s10 =	sadd.s32 s14, s11  }
0x16: {  	s11 =	sadd.s32 s16, s0;
	s12 =	sadd.s32 s14, s12;
	s13 =	sadd.s32 s16, s21  }
0x17: {  	s0 =	sadd.s32 s22, s23;
	s31 =	sshrl.u32 s25, $0x3;
	s18 =	sshrl.u32 s26, $0x3  }
0x18: {  	s21 =	simm.s32 $0x80;
	s22 =	simm.s32 $0x1;
	s23 =	simm.s32 $0x40  }
0x19: {  	s25 =	simm.s32 $0x2;
	s26 =	simm.s32 $0x6;
	s14 =	sadd.s32 $0x1000, s0  }
0x1a: {  	s15 =	sadd.s32 s31, s16;
	s16 =	sadd.s32 s18, s16;
	s18 =	simm.s32 $0x7  }
.LBB2_1:
0x1b: {  	s0 =	rddreg [dreg:$0x4]  }
0x1c: {  	[spmem:s17], [sflag:s5] =	dma.local [hbm:s0], $0x2780  }
0x1d: {  	_ =	swait.ge [sflag:s18], $0x2780  }
0x1e: {  	[sflag:s18] =	ssyncset.done $0x0  }
0x1f: {  	[sflag:s18] =	ssyncadd.s32 $0xFFFFD880  }
0x20: {  	[bflag:$0x0] =	sbarrier.arrive $0xFFFF  }
0x21: {  	[tilespmem:s3], [sflag:$0x7] =	stream.linear.gather [hbm4b:s6+s3], $0x40, $0x38;
	[tilespmem:$0x17D00] =	vst v63  }
0x22: {  	_ =	swait.ge [sflag:s18], $0x40  }
0x23: {  	[sflag:s18] =	ssyncset.done $0x0  }
0x24: {  	[sflag:s18] =	ssyncadd.s32 $0xFFFFFFC0  }
0x25: {  	[tilespmem:s19], [sflag:$0x1] =	stream.linear.gather [hbm4b:s7+s3], $0x2000, $0x38;
	[tilespmem:$0x17D00] =	vst v63  }
0x26: {  	_ = 	snop  }
0x27: {  	[tilespmem:s20], [sflag:$0x2] =	stream.linear.gather [hbm4b:s10+s3], $0x2000, $0x38;
	[tilespmem:$0x17D00] =	vst v63  }
0x28: {  	_ = 	snop  }
0x29: {  	[tilespmem:s21], [sflag:$0x6] =	stream.linear.gather [hbm4b:s11+s3], $0x40, $0x38;
	[tilespmem:$0x17D00] =	vst v63  }
0x2a: {  	_ =	swait.ge [sflag:s22], $0x2000  }
0x2b: {  	[sflag:s22] =	ssyncset.done $0x0  }
0x2c: {  	[sflag:s22] =	ssyncadd.s32 $0xFFFFE000  }
0x2d: {  	[spmem:s2] =	stream.indirect.scatter.add.f32 [tilespmem:s19], [sflag:$0x3], $0x80, s3, s23, $0xb8;
	[tilespmem:$0x17D00] =	vst v63  }
0x2e: {  	_ =	swait.ge [sflag:s24], $0x2000  }
0x2f: {  	[sflag:s24] =	ssyncset.done $0x0  }
0x30: {  	[sflag:s24] =	ssyncadd.s32 $0xFFFFE000  }
0x31: {  	[tilespmem:s19], [sflag:$0x1] =	stream.linear.gather [hbm4b:s12+s3], $0x2000, $0x38;
	[tilespmem:$0x17D00] =	vst v63  }
0x32: {  	_ = 	snop  }
0x33: {  	[tilespmem:s3], [sflag:$0x5] =	stream.linear.gather [hbm4b:s13+s3], $0x40, $0x38;
	[tilespmem:$0x17D00] =	vst v63  }
0x34: {  	_ =	swait.ge [sflag:s25], $0x2000  }
0x35: {  	[sflag:s25] =	ssyncset.done $0x0  }
0x36: {  	[sflag:s25] =	ssyncadd.s32 $0xFFFFE000  }
0x37: {  	_ =	swait.ge [sflag:s26], $0x40  }
0x38: {  	[sflag:s26] =	ssyncset.done $0x0  }
0x39: {  	[sflag:s26] =	ssyncadd.s32 $0xFFFFFFC0  }
0x3a: {  	[spmem:s2] =	stream.indirect.scatter.add.f32 [tilespmem:s20], [sflag:$0x4], $0x80, s21, s23, $0xb8;
	[tilespmem:$0x17D00] =	vst v63  }
0x3b: {  	_ =	swait.ge [sflag:s28], $0x2000  }
0x3c: {  	[sflag:s28] =	ssyncset.done $0x0  }
0x3d: {  	s4 =	sadd.s32 $0xFFFFFC00, s14;
	[sflag:s28] =	ssyncadd.s32 $0xFFFFE000  }
0x3e: {  	[tilespmem:s20], [sflag:$0x2] =	stream.linear.gather [hbm4b:s4+s3], $0x2000, $0x38;
	[tilespmem:$0x17D00] =	vst v63  }
0x3f: {  	s1 =	sadd.s32 $0x0, s16  }
0x40: {  	[tilespmem:s21], [sflag:$0x6] =	stream.linear.gather [hbm4b:s1+s3], $0x40, $0x38;
	[tilespmem:$0x17D00] =	vst v63  }
0x41: {  	_ =	swait.ge [sflag:s22], $0x2000  }
0x42: {  	[sflag:s22] =	ssyncset.done $0x0  }
0x43: {  	[sflag:s22] =	ssyncadd.s32 $0xFFFFE000  }
0x44: {  	_ =	swait.ge [sflag:s29], $0x40  }
0x45: {  	[sflag:s29] =	ssyncset.done $0x0  }
0x46: {  	[sflag:s29] =	ssyncadd.s32 $0xFFFFFFC0  }
0x47: {  	[spmem:s2] =	stream.indirect.scatter.add.f32 [tilespmem:s19], [sflag:$0x3], $0x80, s3, s23, $0xb8;
	[tilespmem:$0x17D00] =	vst v63  }
0x48: {  	_ =	swait.ge [sflag:s24], $0x2000  }
0x49: {  	[sflag:s24] =	ssyncset.done $0x0  }
0x4a: {  	[sflag:s24] =	ssyncadd.s32 $0xFFFFE000  }
0x4b: {  	[tilespmem:s19], [sflag:$0x1] =	stream.linear.gather [hbm4b:s14+s3], $0x2000, $0x38;
	[tilespmem:$0x17D00] =	vst v63  }
0x4c: {  	s4 =	sadd.s32 $0x0, s15  }
0x4d: {  	[tilespmem:s3], [sflag:$0x5] =	stream.linear.gather [hbm4b:s4+s3], $0x40, $0x38;
	[tilespmem:$0x17D00] =	vst v63  }
0x4e: {  	_ =	swait.ge [sflag:s25], $0x2000  }
0x4f: {  	[sflag:s25] =	ssyncset.done $0x0  }
0x50: {  	[sflag:s25] =	ssyncadd.s32 $0xFFFFE000  }
0x51: {  	_ =	swait.ge [sflag:s26], $0x40  }
0x52: {  	[sflag:s26] =	ssyncset.done $0x0  }
0x53: {  	s31 =	simm.s32 $0x10;
	s0 =	sadd.s32 $0x800, s14;
	[sflag:s26] =	ssyncadd.s32 $0xFFFFFFC0  }
.LBB2_2:
0x54: {  	[spmem:s2] =	stream.indirect.scatter.add.f32 [tilespmem:s20], [sflag:$0x4], $0x80, s21, s23, $0xb8;
	[tilespmem:$0x17D00] =	vst v63  }
0x55: {  	s1 =	smov.u32 s31  }
0x56: {  	p0 =	sne.s32 s31, $0x250;
	s31 =	sadd.s32 $0x10, s31;
	_ =	swait.ge [sflag:s28], $0x2000  }
0x57: {  	[sflag:s28] =	ssyncset.done $0x0  }
0x58: {  	s4 =	sadd.s32 $0xFFFFFC00, s0;
	[sflag:s28] =	ssyncadd.s32 $0xFFFFE000  }
0x59: {  	[tilespmem:s20], [sflag:$0x2] =	stream.linear.gather [hbm4b:s4+s3], $0x2000, $0x38;
	[tilespmem:$0x17D00] =	vst v63  }
0x5a: {  	s4 =	sadd.s32 s1, s16  }
0x5b: {  	[tilespmem:s21], [sflag:$0x6] =	stream.linear.gather [hbm4b:s4+s3], $0x40, $0x38;
	[tilespmem:$0x17D00] =	vst v63  }
0x5c: {  	_ =	swait.ge [sflag:s22], $0x2000  }
0x5d: {  	[sflag:s22] =	ssyncset.done $0x0  }
0x5e: {  	[sflag:s22] =	ssyncadd.s32 $0xFFFFE000  }
0x5f: {  	_ =	swait.ge [sflag:s29], $0x40  }
0x60: {  	[sflag:s29] =	ssyncset.done $0x0  }
0x61: {  	[sflag:s29] =	ssyncadd.s32 $0xFFFFFFC0  }
0x62: {  	[spmem:s2] =	stream.indirect.scatter.add.f32 [tilespmem:s19], [sflag:$0x3], $0x80, s3, s23, $0xb8;
	[tilespmem:$0x17D00] =	vst v63  }
0x63: {  	_ =	swait.ge [sflag:s24], $0x2000  }
0x64: {  	[sflag:s24] =	ssyncset.done $0x0  }
0x65: {  	[sflag:s24] =	ssyncadd.s32 $0xFFFFE000  }
0x66: {  	[tilespmem:s19], [sflag:$0x1] =	stream.linear.gather [hbm4b:s0+s3], $0x2000, $0x38;
	[tilespmem:$0x17D00] =	vst v63  }
0x67: {  	s1 =	sadd.s32 s1, s15  }
0x68: {  	[tilespmem:s3], [sflag:$0x5] =	stream.linear.gather [hbm4b:s1+s3], $0x40, $0x38;
	[tilespmem:$0x17D00] =	vst v63  }
0x69: {  	_ =	swait.ge [sflag:s25], $0x2000  }
.Ltmp0:
0x6a: {  	[sflag:s25] =	ssyncset.done $0x0;
	(pc) =	sbr.rel @p0 .LBB2_2-.Ltmp0, $4  }
0x6b: {  	[sflag:s25] =	ssyncadd.s32 $0xFFFFE000  }
0x6c: {  	_ =	swait.ge [sflag:s26], $0x40  }
0x6d: {  	[sflag:s26] =	ssyncset.done $0x0  }
0x6e: {  	s0 =	sadd.s32 $0x800, s0;
	[sflag:s26] =	ssyncadd.s32 $0xFFFFFFC0  }
0x6f: {  	[spmem:s2] =	stream.indirect.scatter.add.f32 [tilespmem:s20], [sflag:$0x4], $0x80, s21, s23, $0xb8;
	[tilespmem:$0x17D00] =	vst v63  }
0x70: {  	_ =	swait.ge [sflag:s28], $0x2000  }
0x71: {  	[sflag:s28] =	ssyncset.done $0x0  }
0x72: {  	[sflag:s28] =	ssyncadd.s32 $0xFFFFE000  }
0x73: {  	_ =	swait.ge [sflag:s22], $0x2000  }
0x74: {  	[sflag:s22] =	ssyncset.done $0x0  }
0x75: {  	[sflag:s22] =	ssyncadd.s32 $0xFFFFE000  }
0x76: {  	_ =	swait.ge [sflag:s29], $0x40  }
0x77: {  	[sflag:s29] =	ssyncset.done $0x0  }
0x78: {  	[sflag:s29] =	ssyncadd.s32 $0xFFFFFFC0  }
0x79: {  	[spmem:s2] =	stream.indirect.scatter.add.f32 [tilespmem:s19], [sflag:$0x3], $0x80, s3, s23, $0xb8;
	[tilespmem:$0x17D00] =	vst v63  }
0x7a: {  	_ =	swait.ge [sflag:s24], $0x2000  }
0x7b: {  	s30 =	sadd.s32 $0x1, s30;
	[sflag:s24] =	ssyncset.done $0x0  }
0x7c: {  	p0 =	sne.s32 s30, s9;
	[sflag:s24] =	ssyncadd.s32 $0xFFFFE000  }
.Ltmp1:
0x7d: {  	[bflag:$0x0] =	sbarrier.arrive $0xFFFF;
	(pc) =	sbr.rel @p0 .LBB2_1-.Ltmp1, $4  }
0x7e: {  	[hbm:s8], [sflag:s5] =	dma.local [spmem:s17], $0x2780  }
0x7f: {  	_ =	swait.ge [sflag:s18], $0x2780  }
0x80: {  	[sflag:s18] =	ssyncset.done $0x0  }
0x81: {  	[sflag:s18] =	ssyncadd.s32 $0xFFFFD880  }
0x82: {  	_ =	sfence.sel $0x180000  }
0x83: {  	[bflag:$0x0] =	sbarrier.arrive $0xFFFF  }
0x84: {  	_ =	strace $0x90000050  }
0x85: {  	s0 =	stileid.u32;
	[bflag:$0x2] =	sbarrier.arrive $0xFFFF  }
0x86: {  	p0 =	sne.s32 s0, $0x0;
	s0 =	rddreg [dreg:$0x3]  }
0x87: {  	s0 =	sadd.s32 @!p0 $0x100000, s0  }
0x88: {  	[sflag:s0] =	ssyncadd.tile.s32 @!p0 $0x1;
	_ =	shalt  }
.Lfunc_end2:
_tile_overlayer_lowered:
.L_overlay_start_2:
0x89: {  	(tag) =	ssettag $0x2  }
0x8a: {  	s0 =	rddreg [dreg:$0x0];
	s2 =	stileid.u32  }
0x8b: {  	s1 =	rddreg [dreg:$0x1];
	p0 =	sne.s32 s2, $0x0  }
0x8c: {  	s3 =	rddreg [dreg:$0x2];
	[bflag:$0x3] =	sbarrier.arrive $0xFFFF;
	s2 =	simm.s32 @!p0 $0x1C07  }
0x8d: {  	[timem:s3], [sflag:s2] =	dma.local @!p0 [hbm:s0], s1  }
0x8e: {  	s0 =	simm.s32 @!p0 $0x7  }
0x8f: {  	_ =	swait.ge @!p0 [sflag:s0], s1  }
0x90: {  	s1 =	ssub.s32 @!p0 $0x0, s1;
	[sflag:s0] =	ssyncset.done @!p0 $0x0  }
0x91: {  	[sflag:s0] =	ssyncadd.s32 @!p0 s1  }
0x92: {  	[bflag:$0x3] =	sbarrier.arrive $0xFFFF  }
0x93: {  	_ =	shalt  }

// kernel: kernel.20.cloned.1.call-start
scs
__scs_entry_jumppad:
0x0: {  	(pc) =	sbr.rel $0x88, $3  }
0x1: {  	(tag) =	ssettag $0x0;
	lr =	simm.s32 $0x1  }
0x2: {  	[smem:$0x3F92] =	sst lr;
	_ =	strace $0xD0000000  }
0x3: {  	_ = 	snop  }
0x4: {  	_ = 	snop  }
0x5: {  	_ = 	snop  }
0x6: {  	_ = 	snop  }
0x7: {  	_ = 	snop  }
__scs_overlays_trampoline_lowered:
0x8: {  	[smem:$0x3FA1] =	sst s0  }
0x9: {  	[smem:$0x3FA2] =	sst s1  }
0xa: {  	[smem:$0x3FA3] =	sst s2  }
0xb: {  	[smem:$0x3FA4] =	sst s3  }
0xc: {  	[smem:$0x3FA5] =	sst s4  }
0xd: {  	[smem:$0x3FA6] =	sst s5  }
0xe: {  	[smem:$0x3FA7] =	sst s6  }
0xf: {  	[smem:$0x3FA8] =	sst s7  }
0x10: {  	[smem:$0x3FA9] =	sst s8  }
0x11: {  	[smem:$0x3FAA] =	sst s9;
	s0 =	simm.s32 @!p0 $0x0  }
0x12: {  	s1 =	sld [smem:$0x3F90];
	s0 =	simm.s32 @p0 $0x1  }
0x13: {  	[smem:$0x3FAB] =	sst s0;
	s0 =	simm.s32 @!p1 $0x0  }
0x14: {  	s2 =	sld [smem:$0x3F8F];
	s0 =	simm.s32 @p1 $0x1  }
0x15: {  	[smem:$0x3FAC] =	sst s0;
	s0 =	simm.s32 @!p2 $0x0  }
0x16: {  	s3 =	sld [smem:$0x3FDB];
	s0 =	simm.s32 @p2 $0x1  }
0x17: {  	s4 =	simm.s32 $0x1BF5;
	[smem:$0x3FAE] =	sst s0  }
0x18: {  	s0 =	sld [smem:$0x3F91];
	_ =	swait.ge [sflag:s4], $0x0  }
0x19: {  	s7 =	sld [smem:$0x3F92]  }
0x1a: {  	s8 =	sadd.s32 $0xFFFFE003, lr  }
0x1b: {  	s9 =	sadd.s32 $0xFFFFFEF7, lr;
	s5 =	simm.s32 $0xFFFFFFFF;
	p2 =	slt.u32 s8, $0xFFFFF086  }
0x1c: {  	p1 =	slt.u32 s9, $0xF7A;
	s5 =	simm.s32 @!p2 $0x0  }
0x1d: {  	s5 =	simm.s32 @p1 $0x1;
	p0 =	seq.s32 s7, s2  }
0x1e: {  	s7 =	smul.u32 @!p0 $0xF7A, s2;
	p2 =	seq.s32 @!p0 s5, $0x0  }
0x1f: {  	s9 =	smul.u32 $0xF7A, s1;
	s8 =	simm.s32 @!p0 $0x1BF5;
	p2 =	por !p2, p0  }
0x20: {  	[sflag:s8] =	ssyncset.s32 @!p0 $0xFFFFF086;
	s6 =	sadd.s32 @!p0 s3, s7;
	s7 =	simm.s32 @!p0 $0x108  }
0x21: {  	s3 =	sadd.s32 s3, s9;
	s6 =	sadd.s32 @!p0 $0x88, s6;
	s7 =	simm.s32 @p2 $0x1082  }
0x22: {  	[simem:s7], [sflag:s8] =	dma.local @!p0 [hbm:s6], $0xF7A  }
0x23: {  	s9 =	sor.u32 $0xD0000000, s2;
	s6 =	simm.s32 $0x108;
	_ =	swait.ge @!p0 [sflag:s8], $0x0  }
0x24: {  	s3 =	sadd.s32 $0x88, s3;
	s6 =	simm.s32 @!p1 $0x1082;
	[sflag:s4] =	ssyncset.s32 $0xFFFFF086  }
0x25: {  	[simem:s6], [sflag:s4] =	dma.local [hbm:s3], $0xF7A  }
0x26: {  	[smem:$0x3F92] =	sst s1;
	(tag) =	ssettag s2;
	_ =	strace s9  }
0x27: {  	s1 =	sld [smem:$0x3FA2]  }
0x28: {  	s2 =	sld [smem:$0x3FA3]  }
0x29: {  	s4 =	sld [smem:$0x3FA5]  }
0x2a: {  	p0 =	seq.s32 s5, $0x0;
	s5 =	sld [smem:$0x3FA6]  }
0x2b: {  	s6 =	sld [smem:$0x3FA7]  }
0x2c: {  	s7 =	sld [smem:$0x3FA8]  }
0x2d: {  	s3 =	simm.s32 $0x108;
	s8 =	sld [smem:$0x3FA9]  }
0x2e: {  	s3 =	simm.s32 @!p0 $0x1082;
	s9 =	sld [smem:$0x3FAA]  }
0x2f: {  	lr =	sadd.s32 s0, s3;
	s0 =	sld [smem:$0x3FA1]  }
0x30: {  	s3 =	sld [smem:$0x3FA4]  }
0x31: {  	[smem:$0x3FAD] =	sst s10  }
0x32: {  	s10 =	sld [smem:$0x3FAB];
	_ =	sdelay $0x3  }
0x33: {  	p0 =	seq.s32 s10, $0x1;
	s10 =	sld [smem:$0x3FAD];
	_ =	sdelay $0x3  }
0x34: {  	[smem:$0x3FAD] =	sst s10  }
0x35: {  	s10 =	sld [smem:$0x3FAC];
	_ =	sdelay $0x3  }
0x36: {  	p1 =	seq.s32 s10, $0x1;
	s10 =	sld [smem:$0x3FAD];
	_ =	sdelay $0x3  }
0x37: {  	[smem:$0x3FAD] =	sst s10  }
0x38: {  	s10 =	sld [smem:$0x3FAE]  }
0x39: {  	_ = 	snop;
	(pc) =	sbr.ind lr, $3  }
0x3a: {  	_ = 	snop  }
0x3b: {  	_ = 	snop  }
0x3c: {  	p2 =	seq.s32 s10, $0x1;
	s10 =	sld [smem:$0x3FAD]  }
0x3d: {  	_ =	shalt  }
0x3e: {  	_ =	shalt  }
0x3f: {  	_ =	shalt  }
0x40: {  	_ =	shalt  }
0x41: {  	_ =	shalt  }
0x42: {  	_ =	shalt  }
0x43: {  	_ =	shalt  }
0x44: {  	_ =	shalt  }
0x45: {  	_ =	shalt  }
0x46: {  	_ =	shalt  }
0x47: {  	_ =	shalt  }
0x48: {  	_ =	shalt  }
0x49: {  	_ =	shalt  }
0x4a: {  	_ =	shalt  }
0x4b: {  	_ =	shalt  }
0x4c: {  	_ =	shalt  }
0x4d: {  	_ =	shalt  }
0x4e: {  	_ =	shalt  }
0x4f: {  	_ =	shalt  }
0x50: {  	_ =	shalt  }
0x51: {  	_ =	shalt  }
0x52: {  	_ =	shalt  }
0x53: {  	_ =	shalt  }
0x54: {  	_ =	shalt  }
0x55: {  	_ =	shalt  }
0x56: {  	_ =	shalt  }
0x57: {  	_ =	shalt  }
0x58: {  	_ =	shalt  }
0x59: {  	_ =	shalt  }
0x5a: {  	_ =	shalt  }
0x5b: {  	_ =	shalt  }
0x5c: {  	_ =	shalt  }
0x5d: {  	_ =	shalt  }
0x5e: {  	_ =	shalt  }
0x5f: {  	_ =	shalt  }
0x60: {  	_ =	shalt  }
0x61: {  	_ =	shalt  }
0x62: {  	_ =	shalt  }
0x63: {  	_ =	shalt  }
0x64: {  	_ =	shalt  }
0x65: {  	_ =	shalt  }
0x66: {  	_ =	shalt  }
0x67: {  	_ =	shalt  }
0x68: {  	_ =	shalt  }
0x69: {  	_ =	shalt  }
0x6a: {  	_ =	shalt  }
0x6b: {  	_ =	shalt  }
0x6c: {  	_ =	shalt  }
0x6d: {  	_ =	shalt  }
0x6e: {  	_ =	shalt  }
0x6f: {  	_ =	shalt  }
0x70: {  	_ =	shalt  }
0x71: {  	_ =	shalt  }
0x72: {  	_ =	shalt  }
0x73: {  	_ =	shalt  }
0x74: {  	_ =	shalt  }
0x75: {  	_ =	shalt  }
0x76: {  	_ =	shalt  }
0x77: {  	_ =	shalt  }
0x78: {  	_ =	shalt  }
0x79: {  	_ =	shalt  }
0x7a: {  	_ =	shalt  }
0x7b: {  	_ =	shalt  }
0x7c: {  	_ =	shalt  }
0x7d: {  	_ =	shalt  }
0x7e: {  	_ =	shalt  }
0x7f: {  	_ =	shalt  }
0x80: {  	_ =	shalt  }
0x81: {  	_ =	shalt  }
0x82: {  	_ =	shalt  }
0x83: {  	_ =	shalt  }
0x84: {  	_ =	shalt  }
0x85: {  	_ =	shalt  }
0x86: {  	_ =	shalt  }
0x87: {  	_ =	shalt  }
.Lfunc_end0:
.L_simem_size_0:
called_computation.3_lowered:
.L_overlay_start_0:
0x88: {  	s2 =	sld [smem:$0x3FD9]  }
0x89: {  	s3 =	sld [smem:$0x3FFE];
	_ =	sdelay $0x1  }
0x8a: {  	s1 =	srdreg.scid  }
0x8b: {  	s0 =	sand.u32 $0x1, s1  }
0x8c: {  	s17 =	sshll.u32 s0, $0xA;
	s2 =	sadd.s32 s3, s2  }
0x8d: {  	s2 =	sadd.s32 s2, s17  }
0x8e: {  	[smem:$0x3FB9] =	sst s2  }
0x8f: {  	_ = 	snop  }
0x90: {  	s18 =	sld [smem:$0x3FD0];
	(tm) =	ssettm $0x1  }
0x91: {  	s19 =	sld [smem:$0x3FFB];
	_ =	sdelay $0x3  }
0x92: {  	_ =	strace s19  }
0x93: {  	s2 =	sld [smem:$0x3FFC];
	_ =	sdelay $0x3  }
0x94: {  	_ =	strace s2  }
0x95: {  	s2 =	sld [smem:$0x3FFD];
	_ =	sdelay $0x3  }
0x96: {  	_ =	strace s2  }
0x97: {  	_ =	strace $0x8FFFFFFF  }
0x98: {  	s20 =	sld [smem:$0x3FDB];
	_ =	sdelay $0x1  }
0x99: {  	s4 =	simm.s32 $_scs_section_size  }
0x9a: {  	s5 =	simm.s32 $_size__tile_overlayer_lowered;
	s6 =	simm.s32 $_tile_overlayer_lowered  }
0x9b: {  	s7 =	simm.s32 $0x1BFF;
	s21 =	sshll.u32 s6, $0x1;
	s4 =	sadd.s32 s4, s20  }
0x9c: {  	s22 =	simm.s32 $0x0;
	s5 =	sshll.u32 s5, $0x1;
	s6 =	sadd.s32 s21, s4  }
0x9d: {  	[timem:s22], [sflag:s7] =	dma.local [hbm:s6], s5  }
0x9e: {  	_ =	swait.ge [sflag:s7], s5  }
0x9f: {  	s5 =	ssub.s32 $0x0, s5;
	[sflag:s7] =	ssyncset.done $0x0  }
0xa0: {  	[sflag:s7] =	ssyncadd.s32 s5;
	_ =	sdelay $0x1  }
0xa1: {  	s23 =	simm.s32 $0x1B8B  }
0xa2: {  	_ =	swait.ge [sflag:s23], $0x1  }
0xa3: {  	[sflag:s23] =	ssyncset.done $0x0  }
0xa4: {  	[sflag:s23] =	ssyncadd.s32 $0xFFFFFFFF  }
0xa5: {  	s5 =	sld [smem:$0x0]  }
0xa6: {  	s6 =	sand.u32 $0xFFFFFFFE, s1  }
0xa7: {  	p0 =	sne.s32 s1, s6  }
0xa8: {  	s6 =	sshll.u32 @p0 s6, $0xE  }
0xa9: {  	s6 =	sadd.s32 @p0 $0x11B8D, s6;
	s7 =	sshll.u32 @p0 s5, $0x11  }
0xaa: {  	s6 =	sor.u32 @p0 s7, s6  }
0xab: {  	[sflag:s6] =	ssyncadd.remote.s32 @p0 $0x1;
	_ =	sdelay $0x1  }
0xac: {  	s6 =	simm.s32 @p0 $0x1B8D  }
0xad: {  	_ =	swait.eq @p0 [sflag:s6], $0x1  }
0xae: {  	[sflag:s6] =	ssyncadd.s32 @p0 $0xFFFFFFFF  }
0xaf: {  	s7 =	sshll.u32 @!p0 s1, $0xE  }
0xb0: {  	s7 =	sor.u32 @!p0 $0x4000, s7;
	s6 =	simm.s32 @!p0 $0x1B8D  }
0xb1: {  	s5 =	sshll.u32 @!p0 s5, $0x11;
	s7 =	sadd.s32 @!p0 $0x11B8D, s7;
	_ =	swait.eq @!p0 [sflag:s6], $0x1  }
0xb2: {  	s5 =	sor.u32 @!p0 s5, s7;
	[sflag:s6] =	ssyncadd.s32 @!p0 $0xFFFFFFFF  }
0xb3: {  	s25 =	simm.s32 $0x1B8E;
	s24 =	sld [smem:$0x3FFE];
	[sflag:s5] =	ssyncadd.remote.s32 @!p0 $0x1  }
0xb4: {  	s26 =	simm.s32 $execute0_lowered;
	[smem:$0x3FD2] =	sst s25  }
0xb5: {  	s6 =	sshll.u32 s26, $0x1;
	_ =	strace $0x8000004C;
	[dreg:$0x1] =	wrdreg $0xFFFFFFFF  }
0xb6: {  	s28 =	simm.s32 $_size_execute0_lowered;
	s4 =	sadd.s32 s4, s6;
	[dreg:$0x0] =	wrdreg $0x0  }
0xb7: {  	s6 =	sshll.u32 s28, $0x1;
	[dreg:$0x2] =	wrdreg s4  }
0xb8: {  	[dreg:$0x3] =	wrdreg s6  }
0xb9: {  	[dreg:$0x4] =	wrdreg $0xC0  }
0xba: {  	_ =	task [dreg:s22], $0x5FFFF  }
0xbb: {  	[dreg:$0x1] =	wrdreg $0xFFFFFFFF  }
0xbc: {  	[dreg:$0x0] =	wrdreg $0x60  }
0xbd: {  	[dreg:$0x2] =	wrdreg s24  }
0xbe: {  	[dreg:$0x3] =	wrdreg s18  }
0xbf: {  	[dreg:$0x4] =	wrdreg $0x41000  }
0xc0: {  	[dreg:$0x5] =	wrdreg $0xA  }
0xc1: {  	_ =	task.clear_ibuf [dreg:s22], $0x6FFFF;
	_ =	strace $0x9000004C  }
0xc2: {  	s29 =	simm.s32 $0xA;
	_ =	strace $0x8000004E  }
0xc3: {  	_ =	swait.ge [sflag:s29], $0x1  }
0xc4: {  	[sflag:s29] =	ssyncadd.s32 $0xFFFFFFFF  }
0xc5: {  	_ =	strace $0x9000004E  }
0xc6: {  	_ =	sfence  }
0xc7: {  	s30 =	sld [smem:$0x0];
	_ =	sdelay $0x2  }
0xc8: {  	s31 =	sshll.u32 s1, $0xD;
	s1 =	sshrl.u32 s1, $0x2  }
0xc9: {  	s4 =	sand.u32 $0x4000, s31;
	s1 =	sadd.s32 s1, s30  }
0xca: {  	s0 =	sor.u32 s4, s0;
	s1 =	sshll.u32 s1, $0x11  }
0xcb: {  	s0 =	sor.u32 s1, s0  }
0xcc: {  	s0 =	sadd.s32 $0x8F2B, s0  }
0xcd: {  	[sflag:s0] =	ssyncadd.remote.s32 $0x1  }
0xce: {  	_ =	sfence.sel $0xFFFF  }
0xcf: {  	[dreg:$0x0] =	wrdreg $0xFFFFFFFF;
	(pc) =	sbr.abs _section_cstart, $3  }
0xd0: {  	[dreg:$0x1] =	wrdreg $0xFFFFFFFF  }
0xd1: {  	_ =	task.clear_ibuf [dreg:s22], $0x2FFFF;
	_ =	strace $0x9FFFFFFF  }
0xd2: {  	(tm) =	ssettm $0x7FFFFFFF  }
0xd3: {  	_ =	shalt  }
tec
execute0_lowered:
.L_overlay_start_1:
0x0: {  	(tag) =	ssettag $0x1  }
0x1: {  	s0 =	rddreg [dreg:$0x0]  }
0x2: {  	s16 =	rddreg [dreg:$0x1]  }
0x3: {  	s2 =	rddreg [dreg:$0x2]  }
0x4: {  	s1 =	stileid.u32;
	s4 =	srdreg.scid  }
0x5: {  	s3 =	simm.s32 $0x0;
	s28 =	simm.s32 $0x4;
	s5 =	smul.u32 $0x13C00, s1  }
0x6: {  	s29 =	simm.s32 $0x5;
	s30 =	simm.s32 $0x0;
	s8 =	smul.u32 $0x4F000, s1  }
0x7: {  	s14 =	sand.u32 $0x1, s4;
	[smem:$0x7FF] =	sst s3;
	s18 =	smul.u32 $0x2780, s1  }
0x8: {  	s15 =	sadd.s32 $0xF33200, s0;
	s19 =	sshll.u32 s1, $0x1;
	s26 =	smul.u32 $0x27800, s1  }
0x9: {  	s23 =	sshll.u32 s1, $0x6;
	s4 =	smul.u32 $0x13C000, s14;
	_ =	strace $0x8000004D  }
0xa: {  	s7 =	ssub.s32 $0x2, s14;
	s25 =	smul.u32 $0x13C0, s14;
	s6 =	sshrl.u32 s5, $0x3  }
0xb: {  	s9 =	sshrl.u32 s7, $0x1;
	s20 =	sshrl.u32 s8, $0x2;
	s4 =	sadd.s32 s5, s4  }
0xc: {  	s5 =	sor.u32 s14, s19;
	s17 =	sadd.s32 s20, s2;
	s20 =	smul.u32 $0x13C00, s14  }
0xd: {  	s6 =	sadd.s32 s6, s0;
	s9 =	ssub.s32 s7, s9;
	s10 =	smul.u32 $0x13C0, s5  }
0xe: {  	s4 =	sshrl.u32 s4, $0x3;
	s21 =	sadd.s32 $0x4800, s6;
	s24 =	smul.u32 $0x13C00, s5  }
0xf: {  	s5 =	sor.u32 $0x1C07, s23;
	s9 =	smax.u32 s9, $0x1;
	s17 =	sshrl.u32 s17, $0x3  }
0x10: {  	s23 =	simm.s32 $0x40;
	s0 =	sadd.s32 s4, s0;
	[dreg:$0x4] =	wrdreg s21  }
0x11: {  	s21 =	simm.s32 $0x80;
	s22 =	sshrl.u32 s10, $0x3;
	s7 =	sadd.s32 s15, s24  }
0x12: {  	s8 =	sadd.s32 $0x2C000, s0;
	s0 =	sadd.s32 s25, s18;
	s15 =	sadd.s32 s26, s15  }
0x13: {  	s18 =	simm.s32 $0x7;
	s24 =	simm.s32 $0x3;
	s25 =	simm.s32 $0x2  }
0x14: {  	s26 =	simm.s32 $0x6;
	s13 =	sadd.s32 s16, s22;
	s10 =	sadd.s32 $0x400, s7  }
0x15: {  	s12 =	sadd.s32 $0x800, s7;
	s19 =	sadd.s32 $0x27900, s0;
	s0 =	sadd.s32 $0x278C0, s0  }
0x16: {  	s15 =	sadd.s32 s20, s15;
	s20 =	simm.s32 $0x2100;
	s22 =	simm.s32 $0x1  }
0x17: {  	s6 =	sadd.s32 $0x4F00, s13;
	s11 =	sadd.s32 $0x4F08, s13;
	s13 =	sadd.s32 $0x4F10, s13  }
0x18: {  	s31 =	sshrl.u32 s19, $0x3;
	s0 =	sshrl.u32 s0, $0x3;
	s15 =	sadd.s32 $0x1000, s15  }
0x19: {  	s19 =	simm.s32 $0x100;
	s14 =	sadd.s32 s31, s16;
	s16 =	sadd.s32 s0, s16  }
.LBB2_1:
0x1a: {  	s0 =	rddreg [dreg:$0x4]  }
0x1b: {  	[spmem:s17], [sflag:s5] =	dma.local [hbm:s0], $0x2780  }
0x1c: {  	_ =	swait.ge [sflag:s18], $0x2780  }
0x1d: {  	[sflag:s18] =	ssyncset.done $0x0  }
0x1e: {  	[sflag:s18] =	ssyncadd.s32 $0xFFFFD880  }
0x1f: {  	[bflag:$0x0] =	sbarrier.arrive $0xFFFF  }
0x20: {  	[tilespmem:s3], [sflag:$0x7] =	stream.linear.gather [hbm4b:s6+s3], $0x40, $0x38;
	[tilespmem:$0x17D00] =	vst v63  }
0x21: {  	_ =	swait.ge [sflag:s18], $0x40  }
0x22: {  	[sflag:s18] =	ssyncset.done $0x0  }
0x23: {  	[sflag:s18] =	ssyncadd.s32 $0xFFFFFFC0  }
0x24: {  	[tilespmem:s19], [sflag:$0x1] =	stream.linear.gather [hbm4b:s7+s3], $0x2000, $0x38;
	[tilespmem:$0x17D00] =	vst v63  }
0x25: {  	_ = 	snop  }
0x26: {  	[tilespmem:s20], [sflag:$0x2] =	stream.linear.gather [hbm4b:s10+s3], $0x2000, $0x38;
	[tilespmem:$0x17D00] =	vst v63  }
0x27: {  	_ = 	snop  }
0x28: {  	[tilespmem:s21], [sflag:$0x6] =	stream.linear.gather [hbm4b:s11+s3], $0x40, $0x38;
	[tilespmem:$0x17D00] =	vst v63  }
0x29: {  	_ =	swait.ge [sflag:s22], $0x2000  }
0x2a: {  	[sflag:s22] =	ssyncset.done $0x0  }
0x2b: {  	[sflag:s22] =	ssyncadd.s32 $0xFFFFE000  }
0x2c: {  	[spmem:s2] =	stream.indirect.scatter.add.f32 [tilespmem:s19], [sflag:$0x3], $0x80, s3, s23, $0xb8;
	[tilespmem:$0x17D00] =	vst v63  }
0x2d: {  	_ =	swait.ge [sflag:s24], $0x2000  }
0x2e: {  	[sflag:s24] =	ssyncset.done $0x0  }
0x2f: {  	[sflag:s24] =	ssyncadd.s32 $0xFFFFE000  }
0x30: {  	[tilespmem:s19], [sflag:$0x1] =	stream.linear.gather [hbm4b:s12+s3], $0x2000, $0x38;
	[tilespmem:$0x17D00] =	vst v63  }
0x31: {  	_ = 	snop  }
0x32: {  	[tilespmem:s3], [sflag:$0x5] =	stream.linear.gather [hbm4b:s13+s3], $0x40, $0x38;
	[tilespmem:$0x17D00] =	vst v63  }
0x33: {  	_ =	swait.ge [sflag:s25], $0x2000  }
0x34: {  	[sflag:s25] =	ssyncset.done $0x0  }
0x35: {  	[sflag:s25] =	ssyncadd.s32 $0xFFFFE000  }
0x36: {  	_ =	swait.ge [sflag:s26], $0x40  }
0x37: {  	[sflag:s26] =	ssyncset.done $0x0  }
0x38: {  	[sflag:s26] =	ssyncadd.s32 $0xFFFFFFC0  }
0x39: {  	[spmem:s2] =	stream.indirect.scatter.add.f32 [tilespmem:s20], [sflag:$0x4], $0x80, s21, s23, $0xb8;
	[tilespmem:$0x17D00] =	vst v63  }
0x3a: {  	_ =	swait.ge [sflag:s28], $0x2000  }
0x3b: {  	[sflag:s28] =	ssyncset.done $0x0  }
0x3c: {  	s4 =	sadd.s32 $0xFFFFFC00, s15;
	[sflag:s28] =	ssyncadd.s32 $0xFFFFE000  }
0x3d: {  	[tilespmem:s20], [sflag:$0x2] =	stream.linear.gather [hbm4b:s4+s3], $0x2000, $0x38;
	[tilespmem:$0x17D00] =	vst v63  }
0x3e: {  	s1 =	sadd.s32 $0x0, s16  }
0x3f: {  	[tilespmem:s21], [sflag:$0x6] =	stream.linear.gather [hbm4b:s1+s3], $0x40, $0x38;
	[tilespmem:$0x17D00] =	vst v63  }
0x40: {  	_ =	swait.ge [sflag:s22], $0x2000  }
0x41: {  	[sflag:s22] =	ssyncset.done $0x0  }
0x42: {  	[sflag:s22] =	ssyncadd.s32 $0xFFFFE000  }
0x43: {  	_ =	swait.ge [sflag:s29], $0x40  }
0x44: {  	[sflag:s29] =	ssyncset.done $0x0  }
0x45: {  	[sflag:s29] =	ssyncadd.s32 $0xFFFFFFC0  }
0x46: {  	[spmem:s2] =	stream.indirect.scatter.add.f32 [tilespmem:s19], [sflag:$0x3], $0x80, s3, s23, $0xb8;
	[tilespmem:$0x17D00] =	vst v63  }
0x47: {  	_ =	swait.ge [sflag:s24], $0x2000  }
0x48: {  	[sflag:s24] =	ssyncset.done $0x0  }
0x49: {  	[sflag:s24] =	ssyncadd.s32 $0xFFFFE000  }
0x4a: {  	[tilespmem:s19], [sflag:$0x1] =	stream.linear.gather [hbm4b:s15+s3], $0x2000, $0x38;
	[tilespmem:$0x17D00] =	vst v63  }
0x4b: {  	s4 =	sadd.s32 $0x0, s14  }
0x4c: {  	[tilespmem:s3], [sflag:$0x5] =	stream.linear.gather [hbm4b:s4+s3], $0x40, $0x38;
	[tilespmem:$0x17D00] =	vst v63  }
0x4d: {  	_ =	swait.ge [sflag:s25], $0x2000  }
0x4e: {  	[sflag:s25] =	ssyncset.done $0x0  }
0x4f: {  	[sflag:s25] =	ssyncadd.s32 $0xFFFFE000  }
0x50: {  	_ =	swait.ge [sflag:s26], $0x40  }
0x51: {  	[sflag:s26] =	ssyncset.done $0x0  }
0x52: {  	s31 =	simm.s32 $0x10;
	s0 =	sadd.s32 $0x800, s15;
	[sflag:s26] =	ssyncadd.s32 $0xFFFFFFC0  }
.LBB2_2:
0x53: {  	[spmem:s2] =	stream.indirect.scatter.add.f32 [tilespmem:s20], [sflag:$0x4], $0x80, s21, s23, $0xb8;
	[tilespmem:$0x17D00] =	vst v63  }
0x54: {  	s1 =	smov.u32 s31  }
0x55: {  	p0 =	sne.s32 s31, $0x250;
	s31 =	sadd.s32 $0x10, s31;
	_ =	swait.ge [sflag:s28], $0x2000  }
0x56: {  	[sflag:s28] =	ssyncset.done $0x0  }
0x57: {  	s4 =	sadd.s32 $0xFFFFFC00, s0;
	[sflag:s28] =	ssyncadd.s32 $0xFFFFE000  }
0x58: {  	[tilespmem:s20], [sflag:$0x2] =	stream.linear.gather [hbm4b:s4+s3], $0x2000, $0x38;
	[tilespmem:$0x17D00] =	vst v63  }
0x59: {  	s4 =	sadd.s32 s1, s16  }
0x5a: {  	[tilespmem:s21], [sflag:$0x6] =	stream.linear.gather [hbm4b:s4+s3], $0x40, $0x38;
	[tilespmem:$0x17D00] =	vst v63  }
0x5b: {  	_ =	swait.ge [sflag:s22], $0x2000  }
0x5c: {  	[sflag:s22] =	ssyncset.done $0x0  }
0x5d: {  	[sflag:s22] =	ssyncadd.s32 $0xFFFFE000  }
0x5e: {  	_ =	swait.ge [sflag:s29], $0x40  }
0x5f: {  	[sflag:s29] =	ssyncset.done $0x0  }
0x60: {  	[sflag:s29] =	ssyncadd.s32 $0xFFFFFFC0  }
0x61: {  	[spmem:s2] =	stream.indirect.scatter.add.f32 [tilespmem:s19], [sflag:$0x3], $0x80, s3, s23, $0xb8;
	[tilespmem:$0x17D00] =	vst v63  }
0x62: {  	_ =	swait.ge [sflag:s24], $0x2000  }
0x63: {  	[sflag:s24] =	ssyncset.done $0x0  }
0x64: {  	[sflag:s24] =	ssyncadd.s32 $0xFFFFE000  }
0x65: {  	[tilespmem:s19], [sflag:$0x1] =	stream.linear.gather [hbm4b:s0+s3], $0x2000, $0x38;
	[tilespmem:$0x17D00] =	vst v63  }
0x66: {  	s1 =	sadd.s32 s1, s14  }
0x67: {  	[tilespmem:s3], [sflag:$0x5] =	stream.linear.gather [hbm4b:s1+s3], $0x40, $0x38;
	[tilespmem:$0x17D00] =	vst v63  }
0x68: {  	_ =	swait.ge [sflag:s25], $0x2000  }
.Ltmp0:
0x69: {  	[sflag:s25] =	ssyncset.done $0x0;
	(pc) =	sbr.rel @p0 .LBB2_2-.Ltmp0, $4  }
0x6a: {  	[sflag:s25] =	ssyncadd.s32 $0xFFFFE000  }
0x6b: {  	_ =	swait.ge [sflag:s26], $0x40  }
0x6c: {  	[sflag:s26] =	ssyncset.done $0x0  }
0x6d: {  	s0 =	sadd.s32 $0x800, s0;
	[sflag:s26] =	ssyncadd.s32 $0xFFFFFFC0  }
0x6e: {  	[spmem:s2] =	stream.indirect.scatter.add.f32 [tilespmem:s20], [sflag:$0x4], $0x80, s21, s23, $0xb8;
	[tilespmem:$0x17D00] =	vst v63  }
0x6f: {  	_ =	swait.ge [sflag:s28], $0x2000  }
0x70: {  	[sflag:s28] =	ssyncset.done $0x0  }
0x71: {  	[sflag:s28] =	ssyncadd.s32 $0xFFFFE000  }
0x72: {  	_ =	swait.ge [sflag:s22], $0x2000  }
0x73: {  	[sflag:s22] =	ssyncset.done $0x0  }
0x74: {  	[sflag:s22] =	ssyncadd.s32 $0xFFFFE000  }
0x75: {  	_ =	swait.ge [sflag:s29], $0x40  }
0x76: {  	[sflag:s29] =	ssyncset.done $0x0  }
0x77: {  	[sflag:s29] =	ssyncadd.s32 $0xFFFFFFC0  }
0x78: {  	[spmem:s2] =	stream.indirect.scatter.add.f32 [tilespmem:s19], [sflag:$0x3], $0x80, s3, s23, $0xb8;
	[tilespmem:$0x17D00] =	vst v63  }
0x79: {  	_ =	swait.ge [sflag:s24], $0x2000  }
0x7a: {  	s30 =	sadd.s32 $0x1, s30;
	[sflag:s24] =	ssyncset.done $0x0  }
0x7b: {  	p0 =	sne.s32 s30, s9;
	[sflag:s24] =	ssyncadd.s32 $0xFFFFE000  }
.Ltmp1:
0x7c: {  	[bflag:$0x0] =	sbarrier.arrive $0xFFFF;
	(pc) =	sbr.rel @p0 .LBB2_1-.Ltmp1, $4  }
0x7d: {  	[hbm:s8], [sflag:s5] =	dma.local [spmem:s17], $0x2780  }
0x7e: {  	_ =	swait.ge [sflag:s18], $0x2780  }
0x7f: {  	[sflag:s18] =	ssyncset.done $0x0  }
0x80: {  	[sflag:s18] =	ssyncadd.s32 $0xFFFFD880  }
0x81: {  	_ =	sfence.sel $0x180000  }
0x82: {  	[bflag:$0x0] =	sbarrier.arrive $0xFFFF  }
0x83: {  	_ =	strace $0x9000004D  }
0x84: {  	s0 =	stileid.u32;
	[bflag:$0x2] =	sbarrier.arrive $0xFFFF  }
0x85: {  	p0 =	sne.s32 s0, $0x0;
	s0 =	rddreg [dreg:$0x3]  }
0x86: {  	s0 =	sadd.s32 @!p0 $0x100000, s0  }
0x87: {  	[sflag:s0] =	ssyncadd.tile.s32 @!p0 $0x1;
	_ =	shalt  }
.Lfunc_end2:
_tile_overlayer_lowered:
.L_overlay_start_2:
0x88: {  	(tag) =	ssettag $0x2  }
0x89: {  	s0 =	rddreg [dreg:$0x0];
	s2 =	stileid.u32  }
0x8a: {  	s1 =	rddreg [dreg:$0x1];
	p0 =	sne.s32 s2, $0x0  }
0x8b: {  	s3 =	rddreg [dreg:$0x2];
	[bflag:$0x3] =	sbarrier.arrive $0xFFFF;
	s2 =	simm.s32 @!p0 $0x1C07  }
0x8c: {  	[timem:s3], [sflag:s2] =	dma.local @!p0 [hbm:s0], s1  }
0x8d: {  	s0 =	simm.s32 @!p0 $0x7  }
0x8e: {  	_ =	swait.ge @!p0 [sflag:s0], s1  }
0x8f: {  	s1 =	ssub.s32 @!p0 $0x0, s1;
	[sflag:s0] =	ssyncset.done @!p0 $0x0  }
0x90: {  	[sflag:s0] =	ssyncadd.s32 @!p0 s1  }
0x91: {  	[bflag:$0x3] =	sbarrier.arrive $0xFFFF  }
0x92: {  	_ =	shalt  }

</sc_bundles>
